<compile_context>
chip_gen: v7x
topology: tpu7x:2x2x1
jax: 0.10.2.dev20260603
libtpu: 0.0.44.dev20260713+nightly
codegen_flags: <defaults>
</compile_context>

<pallas_src>
import functools

import jax
import jax.numpy as jnp
from jax import lax
from jax.experimental import pallas as pl
from jax.experimental.pallas import tpu as pltpu
from jax.experimental.pallas import tpu_sc as plsc

_NUM_CORES = 2
_NUM_SUBCORES = 16


def kernel(tokens, pe):
    B, L = tokens.shape
    _, D = pe.shape

    rows_per_pair = B // _NUM_SUBCORES
    r_lo = 121
    r_hi = rows_per_pair - r_lo

    mesh = plsc.VectorSubcoreMesh(core_axis_name="c", subcore_axis_name="s")

    @functools.partial(
        pl.kernel,
        out_type=jax.ShapeDtypeStruct((B * L, D), jnp.float32),
        mesh=mesh,
        scratch_types=[
            pltpu.VMEM((L, D), jnp.float32),
            pltpu.SemaphoreType.DMA,
        ],
    )
    def pe_broadcast(pe_hbm, out_hbm, rep_v, sem):
        cid = lax.axis_index("c")
        sid = lax.axis_index("s")
        base = (sid * rows_per_pair + cid * r_lo) * L
        pltpu.sync_copy(pe_hbm.at[pl.ds(0, L)], rep_v)
        for i in range(r_lo):
            pltpu.make_async_copy(
                rep_v, out_hbm.at[pl.ds(base + i * L, L)], sem
            ).start()

        @pl.when(cid == 1)
        def _():
            for i in range(r_lo, r_hi):
                pltpu.make_async_copy(
                    rep_v, out_hbm.at[pl.ds(base + i * L, L)], sem
                ).start()

        for i in range(r_lo):
            pltpu.make_async_copy(
                rep_v, out_hbm.at[pl.ds(base + i * L, L)], sem
            ).wait()

        @pl.when(cid == 1)
        def _():
            for i in range(r_lo, r_hi):
                pltpu.make_async_copy(
                    rep_v, out_hbm.at[pl.ds(base + i * L, L)], sem
                ).wait()

    out = pe_broadcast(pe)
    return out.reshape(B, L, D)

# --- scband reference (transcript-rebuilt; emitter-appended) ---
"""Pipeline reference for scband-positional-embedding-83837761618056 (READ-ONLY COPY).

The authoritative reference and input builder live on the scoring server;
editing this copy changes nothing except your own understanding.
"""

import jax, jax.numpy as jnp
import numpy as np

D_MODEL = 128
NUM_POS = 256
BATCH = 4096
SEQ = 200

def setup_inputs(seed: int = 0) -> dict:
    key = jax.random.key(seed)
    k1, k2 = jax.random.split(key)
    tokens = jax.random.randint(k1, (BATCH, SEQ), 0, 256, dtype=jnp.int64 if jax.config.jax_enable_x64 else jnp.int32)
    pe = jax.random.normal(k2, (NUM_POS, D_MODEL), dtype=jnp.float32)
    return {"tokens": tokens, "pe": pe}

def reference(tokens, pe):
    B = tokens.shape[0]
    L = tokens.shape[1]
    pos = jnp.arange(L, dtype=jnp.int32)
    pos_batch = jnp.broadcast_to(pos[None, :], (B, L))
    return jnp.take(pe, pos_batch, axis=0)

if __name__ == "__main__":
    import jax
    _d = setup_inputs()
    print(jax.jit(kernel)(*tuple(_d.values())))

</pallas_src>

<mosaic_0001>
#map = affine_map<(d0, d1) -> (0, 0)>
module attributes {stable_mosaic.version = 14 : i64} {
  func.func @pe_broadcast(%arg0: i32, %arg1: i32, %arg2: memref<256x128xf32, #tpu.memory_space<hbm>>, %arg3: memref<819200x128xf32, #tpu.memory_space<hbm>>, %arg4: memref<200x128xf32, #tpu.memory_space<vmem>>, %arg5: memref<!tpu.dma_semaphore, #tpu.memory_space<semaphore_mem>>) attributes {dimension_semantics = [#tpu.dimension_semantics<core_parallel>, #tpu.dimension_semantics<subcore_parallel>], iteration_bounds = array<i64: 2, 16>, scalar_prefetch = 0 : i64, scratch_operands = 2 : i64, tpu.core_type = #tpu.core_type<sc_vector_subcore>, window_params = [{transform_indices = #map}, {transform_indices = #map}]} {
    %mul3A = arith.constant 256 : i32
    %mul3A_0 = arith.muli %arg1, %mul3A : i32
    %mul3A_1 = arith.constant 121 : i32
    %mul3A_2 = arith.muli %arg0, %mul3A_1 : i32
    %add3A = arith.addi %mul3A_0, %mul3A_2 : i32
    %mul3A_3 = arith.constant 200 : i32
    %mul3A_4 = arith.muli %add3A, %mul3A_3 : i32
    "tpu.region"() ({
      %run_scoped3A = tpu.sem_alloc : memref<!tpu.dma_semaphore, #tpu.memory_space<semaphore_mem>>
      %dma_start3A_1462 = arith.constant 0 : i32
      %dma_start3A_1463 = arith.constant 0 : i32
      %dma_start3A_1464 = tpu.memref_slice %arg2[%dma_start3A_1462, %dma_start3A_1463] : memref<256x128xf32, #tpu.memory_space<hbm>> -> memref<200x128xf32, #tpu.memory_space<hbm>>
      %dma_start3A_1465 = arith.constant 0 : i32
      %dma_start3A_1466 = arith.constant 0 : i32
      %dma_start3A_1467 = tpu.memref_slice %arg2[%dma_start3A_1465, %dma_start3A_1466] : memref<256x128xf32, #tpu.memory_space<hbm>> -> memref<200x128xf32, #tpu.memory_space<hbm>>
      tpu.enqueue_dma source(%dma_start3A_1467 : memref<200x128xf32, #tpu.memory_space<hbm>>) target(%arg4 : memref<200x128xf32, #tpu.memory_space<vmem>>) target_semaphore(%run_scoped3A : memref<!tpu.dma_semaphore, #tpu.memory_space<semaphore_mem>>)
      %dma_wait3A_1468 = arith.constant 0 : i32
      %dma_wait3A_1469 = arith.constant 0 : i32
      %dma_wait3A_1470 = tpu.memref_slice %arg2[%dma_wait3A_1468, %dma_wait3A_1469] : memref<256x128xf32, #tpu.memory_space<hbm>> -> memref<200x128xf32, #tpu.memory_space<hbm>>
      %dma_wait3A_1471 = arith.constant 0 : i32
      %dma_wait3A_1472 = arith.constant 0 : i32
      %dma_wait3A_1473 = tpu.memref_slice %arg2[%dma_wait3A_1471, %dma_wait3A_1472] : memref<256x128xf32, #tpu.memory_space<hbm>> -> memref<200x128xf32, #tpu.memory_space<hbm>>
      tpu.wait_dma2 semaphore(%run_scoped3A : memref<!tpu.dma_semaphore, #tpu.memory_space<semaphore_mem>>) src(%dma_wait3A_1473 : memref<200x128xf32, #tpu.memory_space<hbm>>) dst(%arg4 : memref<200x128xf32, #tpu.memory_space<vmem>>)
      tpu.yield
    }) : () -> ()
    %add3A_5 = arith.constant 0 : i32
    %add3A_6 = arith.addi %mul3A_4, %add3A_5 : i32
    %dma_start3A = arith.constant 0 : i32
    %dma_start3A_7 = tpu.memref_slice %arg3[%add3A_6, %dma_start3A] : memref<819200x128xf32, #tpu.memory_space<hbm>> -> memref<200x128xf32, #tpu.memory_space<hbm>>
    %dma_start3A_8 = arith.constant 0 : i32
    %dma_start3A_9 = tpu.memref_slice %arg3[%add3A_6, %dma_start3A_8] : memref<819200x128xf32, #tpu.memory_space<hbm>> -> memref<200x128xf32, #tpu.memory_space<hbm>>
    tpu.enqueue_dma source(%arg4 : memref<200x128xf32, #tpu.memory_space<vmem>>) target(%dma_start3A_9 : memref<200x128xf32, #tpu.memory_space<hbm>>) target_semaphore(%arg5 : memref<!tpu.dma_semaphore, #tpu.memory_space<semaphore_mem>>)
    %add3A_10 = arith.constant 200 : i32
    %add3A_11 = arith.addi %mul3A_4, %add3A_10 : i32
    %dma_start3A_12 = arith.constant 0 : i32
    %dma_start3A_13 = tpu.memref_slice %arg3[%add3A_11, %dma_start3A_12] : memref<819200x128xf32, #tpu.memory_space<hbm>> -> memref<200x128xf32, #tpu.memory_space<hbm>>
    %dma_start3A_14 = arith.constant 0 : i32
    %dma_start3A_15 = tpu.memref_slice %arg3[%add3A_11, %dma_start3A_14] : memref<819200x128xf32, #tpu.memory_space<hbm>> -> memref<200x128xf32, #tpu.memory_space<hbm>>
    tpu.enqueue_dma source(%arg4 : memref<200x128xf32, #tpu.memory_space<vmem>>) target(%dma_start3A_15 : memref<200x128xf32, #tpu.memory_space<hbm>>) target_semaphore(%arg5 : memref<!tpu.dma_semaphore, #tpu.memory_space<semaphore_mem>>)
    %add3A_16 = arith.constant 400 : i32
    %add3A_17 = arith.addi %mul3A_4, %add3A_16 : i32
    %dma_start3A_18 = arith.constant 0 : i32
    %dma_start3A_19 = tpu.memref_slice %arg3[%add3A_17, %dma_start3A_18] : memref<819200x128xf32, #tpu.memory_space<hbm>> -> memref<200x128xf32, #tpu.memory_space<hbm>>
    %dma_start3A_20 = arith.constant 0 : i32
    %dma_start3A_21 = tpu.memref_slice %arg3[%add3A_17, %dma_start3A_20] : memref<819200x128xf32, #tpu.memory_space<hbm>> -> memref<200x128xf32, #tpu.memory_space<hbm>>
    tpu.enqueue_dma source(%arg4 : memref<200x128xf32, #tpu.memory_space<vmem>>) target(%dma_start3A_21 : memref<200x128xf32, #tpu.memory_space<hbm>>) target_semaphore(%arg5 : memref<!tpu.dma_semaphore, #tpu.memory_space<semaphore_mem>>)
    %add3A_22 = arith.constant 600 : i32
    %add3A_23 = arith.addi %mul3A_4, %add3A_22 : i32
    %dma_start3A_24 = arith.constant 0 : i32
    %dma_start3A_25 = tpu.memref_slice %arg3[%add3A_23, %dma_start3A_24] : memref<819200x128xf32, #tpu.memory_space<hbm>> -> memref<200x128xf32, #tpu.memory_space<hbm>>
    %dma_start3A_26 = arith.constant 0 : i32
    %dma_start3A_27 = tpu.memref_slice %arg3[%add3A_23, %dma_start3A_26] : memref<819200x128xf32, #tpu.memory_space<hbm>> -> memref<200x128xf32, #tpu.memory_space<hbm>>
    tpu.enqueue_dma source(%arg4 : memref<200x128xf32, #tpu.memory_space<vmem>>) target(%dma_start3A_27 : memref<200x128xf32, #tpu.memory_space<hbm>>) target_semaphore(%arg5 : memref<!tpu.dma_semaphore, #tpu.memory_space<semaphore_mem>>)
    %add3A_28 = arith.constant 800 : i32
    %add3A_29 = arith.addi %mul3A_4, %add3A_28 : i32
    %dma_start3A_30 = arith.constant 0 : i32
    %dma_start3A_31 = tpu.memref_slice %arg3[%add3A_29, %dma_start3A_30] : memref<819200x128xf32, #tpu.memory_space<hbm>> -> memref<200x128xf32, #tpu.memory_space<hbm>>
    %dma_start3A_32 = arith.constant 0 : i32
    %dma_start3A_33 = tpu.memref_slice %arg3[%add3A_29, %dma_start3A_32] : memref<819200x128xf32, #tpu.memory_space<hbm>> -> memref<200x128xf32, #tpu.memory_space<hbm>>
    tpu.enqueue_dma source(%arg4 : memref<200x128xf32, #tpu.memory_space<vmem>>) target(%dma_start3A_33 : memref<200x128xf32, #tpu.memory_space<hbm>>) target_semaphore(%arg5 : memref<!tpu.dma_semaphore, #tpu.memory_space<semaphore_mem>>)
    %add3A_34 = arith.constant 1000 : i32
    %add3A_35 = arith.addi %mul3A_4, %add3A_34 : i32
    %dma_start3A_36 = arith.constant 0 : i32
    %dma_start3A_37 = tpu.memref_slice %arg3[%add3A_35, %dma_start3A_36] : memref<819200x128xf32, #tpu.memory_space<hbm>> -> memref<200x128xf32, #tpu.memory_space<hbm>>
    %dma_start3A_38 = arith.constant 0 : i32
    %dma_start3A_39 = tpu.memref_slice %arg3[%add3A_35, %dma_start3A_38] : memref<819200x128xf32, #tpu.memory_space<hbm>> -> memref<200x128xf32, #tpu.memory_space<hbm>>
    tpu.enqueue_dma source(%arg4 : memref<200x128xf32, #tpu.memory_space<vmem>>) target(%dma_start3A_39 : memref<200x128xf32, #tpu.memory_space<hbm>>) target_semaphore(%arg5 : memref<!tpu.dma_semaphore, #tpu.memory_space<semaphore_mem>>)
    %add3A_40 = arith.constant 1200 : i32
    %add3A_41 = arith.addi %mul3A_4, %add3A_40 : i32
    %dma_start3A_42 = arith.constant 0 : i32
    %dma_start3A_43 = tpu.memref_slice %arg3[%add3A_41, %dma_start3A_42] : memref<819200x128xf32, #tpu.memory_space<hbm>> -> memref<200x128xf32, #tpu.memory_space<hbm>>
    %dma_start3A_44 = arith.constant 0 : i32
    %dma_start3A_45 = tpu.memref_slice %arg3[%add3A_41, %dma_start3A_44] : memref<819200x128xf32, #tpu.memory_space<hbm>> -> memref<200x128xf32, #tpu.memory_space<hbm>>
    tpu.enqueue_dma source(%arg4 : memref<200x128xf32, #tpu.memory_space<vmem>>) target(%dma_start3A_45 : memref<200x128xf32, #tpu.memory_space<hbm>>) target_semaphore(%arg5 : memref<!tpu.dma_semaphore, #tpu.memory_space<semaphore_mem>>)
    %add3A_46 = arith.constant 1400 : i32
    %add3A_47 = arith.addi %mul3A_4, %add3A_46 : i32
    %dma_start3A_48 = arith.constant 0 : i32
    %dma_start3A_49 = tpu.memref_slice %arg3[%add3A_47, %dma_start3A_48] : memref<819200x128xf32, #tpu.memory_space<hbm>> -> memref<200x128xf32, #tpu.memory_space<hbm>>
    %dma_start3A_50 = arith.constant 0 : i32
    %dma_start3A_51 = tpu.memref_slice %arg3[%add3A_47, %dma_start3A_50] : memref<819200x128xf32, #tpu.memory_space<hbm>> -> memref<200x128xf32, #tpu.memory_space<hbm>>
    tpu.enqueue_dma source(%arg4 : memref<200x128xf32, #tpu.memory_space<vmem>>) target(%dma_start3A_51 : memref<200x128xf32, #tpu.memory_space<hbm>>) target_semaphore(%arg5 : memref<!tpu.dma_semaphore, #tpu.memory_space<semaphore_mem>>)
    %add3A_52 = arith.constant 1600 : i32
    %add3A_53 = arith.addi %mul3A_4, %add3A_52 : i32
    %dma_start3A_54 = arith.constant 0 : i32
    %dma_start3A_55 = tpu.memref_slice %arg3[%add3A_53, %dma_start3A_54] : memref<819200x128xf32, #tpu.memory_space<hbm>> -> memref<200x128xf32, #tpu.memory_space<hbm>>
    %dma_start3A_56 = arith.constant 0 : i32
    %dma_start3A_57 = tpu.memref_slice %arg3[%add3A_53, %dma_start3A_56] : memref<819200x128xf32, #tpu.memory_space<hbm>> -> memref<200x128xf32, #tpu.memory_space<hbm>>
    tpu.enqueue_dma source(%arg4 : memref<200x128xf32, #tpu.memory_space<vmem>>) target(%dma_start3A_57 : memref<200x128xf32, #tpu.memory_space<hbm>>) target_semaphore(%arg5 : memref<!tpu.dma_semaphore, #tpu.memory_space<semaphore_mem>>)
    %add3A_58 = arith.constant 1800 : i32
    %add3A_59 = arith.addi %mul3A_4, %add3A_58 : i32
    %dma_start3A_60 = arith.constant 0 : i32
    %dma_start3A_61 = tpu.memref_slice %arg3[%add3A_59, %dma_start3A_60] : memref<819200x128xf32, #tpu.memory_space<hbm>> -> memref<200x128xf32, #tpu.memory_space<hbm>>
    %dma_start3A_62 = arith.constant 0 : i32
    %dma_start3A_63 = tpu.memref_slice %arg3[%add3A_59, %dma_start3A_62] : memref<819200x128xf32, #tpu.memory_space<hbm>> -> memref<200x128xf32, #tpu.memory_space<hbm>>
    tpu.enqueue_dma source(%arg4 : memref<200x128xf32, #tpu.memory_space<vmem>>) target(%dma_start3A_63 : memref<200x128xf32, #tpu.memory_space<hbm>>) target_semaphore(%arg5 : memref<!tpu.dma_semaphore, #tpu.memory_space<semaphore_mem>>)
    %add3A_64 = arith.constant 2000 : i32
    %add3A_65 = arith.addi %mul3A_4, %add3A_64 : i32
    %dma_start3A_66 = arith.constant 0 : i32
    %dma_start3A_67 = tpu.memref_slice %arg3[%add3A_65, %dma_start3A_66] : memref<819200x128xf32, #tpu.memory_space<hbm>> -> memref<200x128xf32, #tpu.memory_space<hbm>>
    %dma_start3A_68 = arith.constant 0 : i32
    %dma_start3A_69 = tpu.memref_slice %arg3[%add3A_65, %dma_start3A_68] : memref<819200x128xf32, #tpu.memory_space<hbm>> -> memref<200x128xf32, #tpu.memory_space<hbm>>
    tpu.enqueue_dma source(%arg4 : memref<200x128xf32, #tpu.memory_space<vmem>>) target(%dma_start3A_69 : memref<200x128xf32, #tpu.memory_space<hbm>>) target_semaphore(%arg5 : memref<!tpu.dma_semaphore, #tpu.memory_space<semaphore_mem>>)
    %add3A_70 = arith.constant 2200 : i32
    %add3A_71 = arith.addi %mul3A_4, %add3A_70 : i32
    %dma_start3A_72 = arith.constant 0 : i32
    %dma_start3A_73 = tpu.memref_slice %arg3[%add3A_71, %dma_start3A_72] : memref<819200x128xf32, #tpu.memory_space<hbm>> -> memref<200x128xf32, #tpu.memory_space<hbm>>
    %dma_start3A_74 = arith.constant 0 : i32
    %dma_start3A_75 = tpu.memref_slice %arg3[%add3A_71, %dma_start3A_74] : memref<819200x128xf32, #tpu.memory_space<hbm>> -> memref<200x128xf32, #tpu.memory_space<hbm>>
    tpu.enqueue_dma source(%arg4 : memref<200x128xf32, #tpu.memory_space<vmem>>) target(%dma_start3A_75 : memref<200x128xf32, #tpu.memory_space<hbm>>) target_semaphore(%arg5 : memref<!tpu.dma_semaphore, #tpu.memory_space<semaphore_mem>>)
    %add3A_76 = arith.constant 2400 : i32
    %add3A_77 = arith.addi %mul3A_4, %add3A_76 : i32
    %dma_start3A_78 = arith.constant 0 : i32
    %dma_start3A_79 = tpu.memref_slice %arg3[%add3A_77, %dma_start3A_78] : memref<819200x128xf32, #tpu.memory_space<hbm>> -> memref<200x128xf32, #tpu.memory_space<hbm>>
    %dma_start3A_80 = arith.constant 0 : i32
    %dma_start3A_81 = tpu.memref_slice %arg3[%add3A_77, %dma_start3A_80] : memref<819200x128xf32, #tpu.memory_space<hbm>> -> memref<200x128xf32, #tpu.memory_space<hbm>>
    tpu.enqueue_dma source(%arg4 : memref<200x128xf32, #tpu.memory_space<vmem>>) target(%dma_start3A_81 : memref<200x128xf32, #tpu.memory_space<hbm>>) target_semaphore(%arg5 : memref<!tpu.dma_semaphore, #tpu.memory_space<semaphore_mem>>)
    %add3A_82 = arith.constant 2600 : i32
    %add3A_83 = arith.addi %mul3A_4, %add3A_82 : i32
    %dma_start3A_84 = arith.constant 0 : i32
    %dma_start3A_85 = tpu.memref_slice %arg3[%add3A_83, %dma_start3A_84] : memref<819200x128xf32, #tpu.memory_space<hbm>> -> memref<200x128xf32, #tpu.memory_space<hbm>>
    %dma_start3A_86 = arith.constant 0 : i32
    %dma_start3A_87 = tpu.memref_slice %arg3[%add3A_83, %dma_start3A_86] : memref<819200x128xf32, #tpu.memory_space<hbm>> -> memref<200x128xf32, #tpu.memory_space<hbm>>
    tpu.enqueue_dma source(%arg4 : memref<200x128xf32, #tpu.memory_space<vmem>>) target(%dma_start3A_87 : memref<200x128xf32, #tpu.memory_space<hbm>>) target_semaphore(%arg5 : memref<!tpu.dma_semaphore, #tpu.memory_space<semaphore_mem>>)
    %add3A_88 = arith.constant 2800 : i32
    %add3A_89 = arith.addi %mul3A_4, %add3A_88 : i32
    %dma_start3A_90 = arith.constant 0 : i32
    %dma_start3A_91 = tpu.memref_slice %arg3[%add3A_89, %dma_start3A_90] : memref<819200x128xf32, #tpu.memory_space<hbm>> -> memref<200x128xf32, #tpu.memory_space<hbm>>
    %dma_start3A_92 = arith.constant 0 : i32
    %dma_start3A_93 = tpu.memref_slice %arg3[%add3A_89, %dma_start3A_92] : memref<819200x128xf32, #tpu.memory_space<hbm>> -> memref<200x128xf32, #tpu.memory_space<hbm>>
    tpu.enqueue_dma source(%arg4 : memref<200x128xf32, #tpu.memory_space<vmem>>) target(%dma_start3A_93 : memref<200x128xf32, #tpu.memory_space<hbm>>) target_semaphore(%arg5 : memref<!tpu.dma_semaphore, #tpu.memory_space<semaphore_mem>>)
    %add3A_94 = arith.constant 3000 : i32
    %add3A_95 = arith.addi %mul3A_4, %add3A_94 : i32
    %dma_start3A_96 = arith.constant 0 : i32
    %dma_start3A_97 = tpu.memref_slice %arg3[%add3A_95, %dma_start3A_96] : memref<819200x128xf32, #tpu.memory_space<hbm>> -> memref<200x128xf32, #tpu.memory_space<hbm>>
    %dma_start3A_98 = arith.constant 0 : i32
    %dma_start3A_99 = tpu.memref_slice %arg3[%add3A_95, %dma_start3A_98] : memref<819200x128xf32, #tpu.memory_space<hbm>> -> memref<200x128xf32, #tpu.memory_space<hbm>>
    tpu.enqueue_dma source(%arg4 : memref<200x128xf32, #tpu.memory_space<vmem>>) target(%dma_start3A_99 : memref<200x128xf32, #tpu.memory_space<hbm>>) target_semaphore(%arg5 : memref<!tpu.dma_semaphore, #tpu.memory_space<semaphore_mem>>)
    %add3A_100 = arith.constant 3200 : i32
    %add3A_101 = arith.addi %mul3A_4, %add3A_100 : i32
    %dma_start3A_102 = arith.constant 0 : i32
    %dma_start3A_103 = tpu.memref_slice %arg3[%add3A_101, %dma_start3A_102] : memref<819200x128xf32, #tpu.memory_space<hbm>> -> memref<200x128xf32, #tpu.memory_space<hbm>>
    %dma_start3A_104 = arith.constant 0 : i32
    %dma_start3A_105 = tpu.memref_slice %arg3[%add3A_101, %dma_start3A_104] : memref<819200x128xf32, #tpu.memory_space<hbm>> -> memref<200x128xf32, #tpu.memory_space<hbm>>
    tpu.enqueue_dma source(%arg4 : memref<200x128xf32, #tpu.memory_space<vmem>>) target(%dma_start3A_105 : memref<200x128xf32, #tpu.memory_space<hbm>>) target_semaphore(%arg5 : memref<!tpu.dma_semaphore, #tpu.memory_space<semaphore_mem>>)
    %add3A_106 = arith.constant 3400 : i32
    %add3A_107 = arith.addi %mul3A_4, %add3A_106 : i32
    %dma_start3A_108 = arith.constant 0 : i32
    %dma_start3A_109 = tpu.memref_slice %arg3[%add3A_107, %dma_start3A_108] : memref<819200x128xf32, #tpu.memory_space<hbm>> -> memref<200x128xf32, #tpu.memory_space<hbm>>
    %dma_start3A_110 = arith.constant 0 : i32
    %dma_start3A_111 = tpu.memref_slice %arg3[%add3A_107, %dma_start3A_110] : memref<819200x128xf32, #tpu.memory_space<hbm>> -> memref<200x128xf32, #tpu.memory_space<hbm>>
    tpu.enqueue_dma source(%arg4 : memref<200x128xf32, #tpu.memory_space<vmem>>) target(%dma_start3A_111 : memref<200x128xf32, #tpu.memory_space<hbm>>) target_semaphore(%arg5 : memref<!tpu.dma_semaphore, #tpu.memory_space<semaphore_mem>>)
    %add3A_112 = arith.constant 3600 : i32
    %add3A_113 = arith.addi %mul3A_4, %add3A_112 : i32
    %dma_start3A_114 = arith.constant 0 : i32
    %dma_start3A_115 = tpu.memref_slice %arg3[%add3A_113, %dma_start3A_114] : memref<819200x128xf32, #tpu.memory_space<hbm>> -> memref<200x128xf32, #tpu.memory_space<hbm>>
    %dma_start3A_116 = arith.constant 0 : i32
    %dma_start3A_117 = tpu.memref_slice %arg3[%add3A_113, %dma_start3A_116] : memref<819200x128xf32, #tpu.memory_space<hbm>> -> memref<200x128xf32, #tpu.memory_space<hbm>>
    tpu.enqueue_dma source(%arg4 : memref<200x128xf32, #tpu.memory_space<vmem>>) target(%dma_start3A_117 : memref<200x128xf32, #tpu.memory_space<hbm>>) target_semaphore(%arg5 : memref<!tpu.dma_semaphore, #tpu.memory_space<semaphore_mem>>)
    %add3A_118 = arith.constant 3800 : i32
    %add3A_119 = arith.addi %mul3A_4, %add3A_118 : i32
    %dma_start3A_120 = arith.constant 0 : i32
    %dma_start3A_121 = tpu.memref_slice %arg3[%add3A_119, %dma_start3A_120] : memref<819200x128xf32, #tpu.memory_space<hbm>> -> memref<200x128xf32, #tpu.memory_space<hbm>>
    %dma_start3A_122 = arith.constant 0 : i32
    %dma_start3A_123 = tpu.memref_slice %arg3[%add3A_119, %dma_start3A_122] : memref<819200x128xf32, #tpu.memory_space<hbm>> -> memref<200x128xf32, #tpu.memory_space<hbm>>
    tpu.enqueue_dma source(%arg4 : memref<200x128xf32, #tpu.memory_space<vmem>>) target(%dma_start3A_123 : memref<200x128xf32, #tpu.memory_space<hbm>>) target_semaphore(%arg5 : memref<!tpu.dma_semaphore, #tpu.memory_space<semaphore_mem>>)
    %add3A_124 = arith.constant 4000 : i32
    %add3A_125 = arith.addi %mul3A_4, %add3A_124 : i32
    %dma_start3A_126 = arith.constant 0 : i32
    %dma_start3A_127 = tpu.memref_slice %arg3[%add3A_125, %dma_start3A_126] : memref<819200x128xf32, #tpu.memory_space<hbm>> -> memref<200x128xf32, #tpu.memory_space<hbm>>
    %dma_start3A_128 = arith.constant 0 : i32
    %dma_start3A_129 = tpu.memref_slice %arg3[%add3A_125, %dma_start3A_128] : memref<819200x128xf32, #tpu.memory_space<hbm>> -> memref<200x128xf32, #tpu.memory_space<hbm>>
    tpu.enqueue_dma source(%arg4 : memref<200x128xf32, #tpu.memory_space<vmem>>) target(%dma_start3A_129 : memref<200x128xf32, #tpu.memory_space<hbm>>) target_semaphore(%arg5 : memref<!tpu.dma_semaphore, #tpu.memory_space<semaphore_mem>>)
    %add3A_130 = arith.constant 4200 : i32
    %add3A_131 = arith.addi %mul3A_4, %add3A_130 : i32
    %dma_start3A_132 = arith.constant 0 : i32
    %dma_start3A_133 = tpu.memref_slice %arg3[%add3A_131, %dma_start3A_132] : memref<819200x128xf32, #tpu.memory_space<hbm>> -> memref<200x128xf32, #tpu.memory_space<hbm>>
    %dma_start3A_134 = arith.constant 0 : i32
    %dma_start3A_135 = tpu.memref_slice %arg3[%add3A_131, %dma_start3A_134] : memref<819200x128xf32, #tpu.memory_space<hbm>> -> memref<200x128xf32, #tpu.memory_space<hbm>>
    tpu.enqueue_dma source(%arg4 : memref<200x128xf32, #tpu.memory_space<vmem>>) target(%dma_start3A_135 : memref<200x128xf32, #tpu.memory_space<hbm>>) target_semaphore(%arg5 : memref<!tpu.dma_semaphore, #tpu.memory_space<semaphore_mem>>)
    %add3A_136 = arith.constant 4400 : i32
    %add3A_137 = arith.addi %mul3A_4, %add3A_136 : i32
    %dma_start3A_138 = arith.constant 0 : i32
    %dma_start3A_139 = tpu.memref_slice %arg3[%add3A_137, %dma_start3A_138] : memref<819200x128xf32, #tpu.memory_space<hbm>> -> memref<200x128xf32, #tpu.memory_space<hbm>>
    %dma_start3A_140 = arith.constant 0 : i32
    %dma_start3A_141 = tpu.memref_slice %arg3[%add3A_137, %dma_start3A_140] : memref<819200x128xf32, #tpu.memory_space<hbm>> -> memref<200x128xf32, #tpu.memory_space<hbm>>
    tpu.enqueue_dma source(%arg4 : memref<200x128xf32, #tpu.memory_space<vmem>>) target(%dma_start3A_141 : memref<200x128xf32, #tpu.memory_space<hbm>>) target_semaphore(%arg5 : memref<!tpu.dma_semaphore, #tpu.memory_space<semaphore_mem>>)
    %add3A_142 = arith.constant 4600 : i32
    %add3A_143 = arith.addi %mul3A_4, %add3A_142 : i32
    %dma_start3A_144 = arith.constant 0 : i32
    %dma_start3A_145 = tpu.memref_slice %arg3[%add3A_143, %dma_start3A_144] : memref<819200x128xf32, #tpu.memory_space<hbm>> -> memref<200x128xf32, #tpu.memory_space<hbm>>
    %dma_start3A_146 = arith.constant 0 : i32
    %dma_start3A_147 = tpu.memref_slice %arg3[%add3A_143, %dma_start3A_146] : memref<819200x128xf32, #tpu.memory_space<hbm>> -> memref<200x128xf32, #tpu.memory_space<hbm>>
    tpu.enqueue_dma source(%arg4 : memref<200x128xf32, #tpu.memory_space<vmem>>) target(%dma_start3A_147 : memref<200x128xf32, #tpu.memory_space<hbm>>) target_semaphore(%arg5 : memref<!tpu.dma_semaphore, #tpu.memory_space<semaphore_mem>>)
    %add3A_148 = arith.constant 4800 : i32
    %add3A_149 = arith.addi %mul3A_4, %add3A_148 : i32
    %dma_start3A_150 = arith.constant 0 : i32
    %dma_start3A_151 = tpu.memref_slice %arg3[%add3A_149, %dma_start3A_150] : memref<819200x128xf32, #tpu.memory_space<hbm>> -> memref<200x128xf32, #tpu.memory_space<hbm>>
    %dma_start3A_152 = arith.constant 0 : i32
    %dma_start3A_153 = tpu.memref_slice %arg3[%add3A_149, %dma_start3A_152] : memref<819200x128xf32, #tpu.memory_space<hbm>> -> memref<200x128xf32, #tpu.memory_space<hbm>>
    tpu.enqueue_dma source(%arg4 : memref<200x128xf32, #tpu.memory_space<vmem>>) target(%dma_start3A_153 : memref<200x128xf32, #tpu.memory_space<hbm>>) target_semaphore(%arg5 : memref<!tpu.dma_semaphore, #tpu.memory_space<semaphore_mem>>)
    %add3A_154 = arith.constant 5000 : i32
    %add3A_155 = arith.addi %mul3A_4, %add3A_154 : i32
    %dma_start3A_156 = arith.constant 0 : i32
    %dma_start3A_157 = tpu.memref_slice %arg3[%add3A_155, %dma_start3A_156] : memref<819200x128xf32, #tpu.memory_space<hbm>> -> memref<200x128xf32, #tpu.memory_space<hbm>>
    %dma_start3A_158 = arith.constant 0 : i32
    %dma_start3A_159 = tpu.memref_slice %arg3[%add3A_155, %dma_start3A_158] : memref<819200x128xf32, #tpu.memory_space<hbm>> -> memref<200x128xf32, #tpu.memory_space<hbm>>
    tpu.enqueue_dma source(%arg4 : memref<200x128xf32, #tpu.memory_space<vmem>>) target(%dma_start3A_159 : memref<200x128xf32, #tpu.memory_space<hbm>>) target_semaphore(%arg5 : memref<!tpu.dma_semaphore, #tpu.memory_space<semaphore_mem>>)
    %add3A_160 = arith.constant 5200 : i32
    %add3A_161 = arith.addi %mul3A_4, %add3A_160 : i32
    %dma_start3A_162 = arith.constant 0 : i32
    %dma_start3A_163 = tpu.memref_slice %arg3[%add3A_161, %dma_start3A_162] : memref<819200x128xf32, #tpu.memory_space<hbm>> -> memref<200x128xf32, #tpu.memory_space<hbm>>
    %dma_start3A_164 = arith.constant 0 : i32
    %dma_start3A_165 = tpu.memref_slice %arg3[%add3A_161, %dma_start3A_164] : memref<819200x128xf32, #tpu.memory_space<hbm>> -> memref<200x128xf32, #tpu.memory_space<hbm>>
    tpu.enqueue_dma source(%arg4 : memref<200x128xf32, #tpu.memory_space<vmem>>) target(%dma_start3A_165 : memref<200x128xf32, #tpu.memory_space<hbm>>) target_semaphore(%arg5 : memref<!tpu.dma_semaphore, #tpu.memory_space<semaphore_mem>>)
    %add3A_166 = arith.constant 5400 : i32
    %add3A_167 = arith.addi %mul3A_4, %add3A_166 : i32
    %dma_start3A_168 = arith.constant 0 : i32
    %dma_start3A_169 = tpu.memref_slice %arg3[%add3A_167, %dma_start3A_168] : memref<819200x128xf32, #tpu.memory_space<hbm>> -> memref<200x128xf32, #tpu.memory_space<hbm>>
    %dma_start3A_170 = arith.constant 0 : i32
    %dma_start3A_171 = tpu.memref_slice %arg3[%add3A_167, %dma_start3A_170] : memref<819200x128xf32, #tpu.memory_space<hbm>> -> memref<200x128xf32, #tpu.memory_space<hbm>>
    tpu.enqueue_dma source(%arg4 : memref<200x128xf32, #tpu.memory_space<vmem>>) target(%dma_start3A_171 : memref<200x128xf32, #tpu.memory_space<hbm>>) target_semaphore(%arg5 : memref<!tpu.dma_semaphore, #tpu.memory_space<semaphore_mem>>)
    %add3A_172 = arith.constant 5600 : i32
    %add3A_173 = arith.addi %mul3A_4, %add3A_172 : i32
    %dma_start3A_174 = arith.constant 0 : i32
    %dma_start3A_175 = tpu.memref_slice %arg3[%add3A_173, %dma_start3A_174] : memref<819200x128xf32, #tpu.memory_space<hbm>> -> memref<200x128xf32, #tpu.memory_space<hbm>>
    %dma_start3A_176 = arith.constant 0 : i32
    %dma_start3A_177 = tpu.memref_slice %arg3[%add3A_173, %dma_start3A_176] : memref<819200x128xf32, #tpu.memory_space<hbm>> -> memref<200x128xf32, #tpu.memory_space<hbm>>
    tpu.enqueue_dma source(%arg4 : memref<200x128xf32, #tpu.memory_space<vmem>>) target(%dma_start3A_177 : memref<200x128xf32, #tpu.memory_space<hbm>>) target_semaphore(%arg5 : memref<!tpu.dma_semaphore, #tpu.memory_space<semaphore_mem>>)
    %add3A_178 = arith.constant 5800 : i32
    %add3A_179 = arith.addi %mul3A_4, %add3A_178 : i32
    %dma_start3A_180 = arith.constant 0 : i32
    %dma_start3A_181 = tpu.memref_slice %arg3[%add3A_179, %dma_start3A_180] : memref<819200x128xf32, #tpu.memory_space<hbm>> -> memref<200x128xf32, #tpu.memory_space<hbm>>
    %dma_start3A_182 = arith.constant 0 : i32
    %dma_start3A_183 = tpu.memref_slice %arg3[%add3A_179, %dma_start3A_182] : memref<819200x128xf32, #tpu.memory_space<hbm>> -> memref<200x128xf32, #tpu.memory_space<hbm>>
    tpu.enqueue_dma source(%arg4 : memref<200x128xf32, #tpu.memory_space<vmem>>) target(%dma_start3A_183 : memref<200x128xf32, #tpu.memory_space<hbm>>) target_semaphore(%arg5 : memref<!tpu.dma_semaphore, #tpu.memory_space<semaphore_mem>>)
    %add3A_184 = arith.constant 6000 : i32
    %add3A_185 = arith.addi %mul3A_4, %add3A_184 : i32
    %dma_start3A_186 = arith.constant 0 : i32
    %dma_start3A_187 = tpu.memref_slice %arg3[%add3A_185, %dma_start3A_186] : memref<819200x128xf32, #tpu.memory_space<hbm>> -> memref<200x128xf32, #tpu.memory_space<hbm>>
    %dma_start3A_188 = arith.constant 0 : i32
    %dma_start3A_189 = tpu.memref_slice %arg3[%add3A_185, %dma_start3A_188] : memref<819200x128xf32, #tpu.memory_space<hbm>> -> memref<200x128xf32, #tpu.memory_space<hbm>>
    tpu.enqueue_dma source(%arg4 : memref<200x128xf32, #tpu.memory_space<vmem>>) target(%dma_start3A_189 : memref<200x128xf32, #tpu.memory_space<hbm>>) target_semaphore(%arg5 : memref<!tpu.dma_semaphore, #tpu.memory_space<semaphore_mem>>)
    %add3A_190 = arith.constant 6200 : i32
    %add3A_191 = arith.addi %mul3A_4, %add3A_190 : i32
    %dma_start3A_192 = arith.constant 0 : i32
    %dma_start3A_193 = tpu.memref_slice %arg3[%add3A_191, %dma_start3A_192] : memref<819200x128xf32, #tpu.memory_space<hbm>> -> memref<200x128xf32, #tpu.memory_space<hbm>>
    %dma_start3A_194 = arith.constant 0 : i32
    %dma_start3A_195 = tpu.memref_slice %arg3[%add3A_191, %dma_start3A_194] : memref<819200x128xf32, #tpu.memory_space<hbm>> -> memref<200x128xf32, #tpu.memory_space<hbm>>
    tpu.enqueue_dma source(%arg4 : memref<200x128xf32, #tpu.memory_space<vmem>>) target(%dma_start3A_195 : memref<200x128xf32, #tpu.memory_space<hbm>>) target_semaphore(%arg5 : memref<!tpu.dma_semaphore, #tpu.memory_space<semaphore_mem>>)
    %add3A_196 = arith.constant 6400 : i32
    %add3A_197 = arith.addi %mul3A_4, %add3A_196 : i32
    %dma_start3A_198 = arith.constant 0 : i32
    %dma_start3A_199 = tpu.memref_slice %arg3[%add3A_197, %dma_start3A_198] : memref<819200x128xf32, #tpu.memory_space<hbm>> -> memref<200x128xf32, #tpu.memory_space<hbm>>
    %dma_start3A_200 = arith.constant 0 : i32
    %dma_start3A_201 = tpu.memref_slice %arg3[%add3A_197, %dma_start3A_200] : memref<819200x128xf32, #tpu.memory_space<hbm>> -> memref<200x128xf32, #tpu.memory_space<hbm>>
    tpu.enqueue_dma source(%arg4 : memref<200x128xf32, #tpu.memory_space<vmem>>) target(%dma_start3A_201 : memref<200x128xf32, #tpu.memory_space<hbm>>) target_semaphore(%arg5 : memref<!tpu.dma_semaphore, #tpu.memory_space<semaphore_mem>>)
    %add3A_202 = arith.constant 6600 : i32
    %add3A_203 = arith.addi %mul3A_4, %add3A_202 : i32
    %dma_start3A_204 = arith.constant 0 : i32
    %dma_start3A_205 = tpu.memref_slice %arg3[%add3A_203, %dma_start3A_204] : memref<819200x128xf32, #tpu.memory_space<hbm>> -> memref<200x128xf32, #tpu.memory_space<hbm>>
    %dma_start3A_206 = arith.constant 0 : i32
    %dma_start3A_207 = tpu.memref_slice %arg3[%add3A_203, %dma_start3A_206] : memref<819200x128xf32, #tpu.memory_space<hbm>> -> memref<200x128xf32, #tpu.memory_space<hbm>>
    tpu.enqueue_dma source(%arg4 : memref<200x128xf32, #tpu.memory_space<vmem>>) target(%dma_start3A_207 : memref<200x128xf32, #tpu.memory_space<hbm>>) target_semaphore(%arg5 : memref<!tpu.dma_semaphore, #tpu.memory_space<semaphore_mem>>)
    %add3A_208 = arith.constant 6800 : i32
    %add3A_209 = arith.addi %mul3A_4, %add3A_208 : i32
    %dma_start3A_210 = arith.constant 0 : i32
    %dma_start3A_211 = tpu.memref_slice %arg3[%add3A_209, %dma_start3A_210] : memref<819200x128xf32, #tpu.memory_space<hbm>> -> memref<200x128xf32, #tpu.memory_space<hbm>>
    %dma_start3A_212 = arith.constant 0 : i32
    %dma_start3A_213 = tpu.memref_slice %arg3[%add3A_209, %dma_start3A_212] : memref<819200x128xf32, #tpu.memory_space<hbm>> -> memref<200x128xf32, #tpu.memory_space<hbm>>
    tpu.enqueue_dma source(%arg4 : memref<200x128xf32, #tpu.memory_space<vmem>>) target(%dma_start3A_213 : memref<200x128xf32, #tpu.memory_space<hbm>>) target_semaphore(%arg5 : memref<!tpu.dma_semaphore, #tpu.memory_space<semaphore_mem>>)
    %add3A_214 = arith.constant 7000 : i32
    %add3A_215 = arith.addi %mul3A_4, %add3A_214 : i32
    %dma_start3A_216 = arith.constant 0 : i32
    %dma_start3A_217 = tpu.memref_slice %arg3[%add3A_215, %dma_start3A_216] : memref<819200x128xf32, #tpu.memory_space<hbm>> -> memref<200x128xf32, #tpu.memory_space<hbm>>
    %dma_start3A_218 = arith.constant 0 : i32
    %dma_start3A_219 = tpu.memref_slice %arg3[%add3A_215, %dma_start3A_218] : memref<819200x128xf32, #tpu.memory_space<hbm>> -> memref<200x128xf32, #tpu.memory_space<hbm>>
    tpu.enqueue_dma source(%arg4 : memref<200x128xf32, #tpu.memory_space<vmem>>) target(%dma_start3A_219 : memref<200x128xf32, #tpu.memory_space<hbm>>) target_semaphore(%arg5 : memref<!tpu.dma_semaphore, #tpu.memory_space<semaphore_mem>>)
    %add3A_220 = arith.constant 7200 : i32
    %add3A_221 = arith.addi %mul3A_4, %add3A_220 : i32
    %dma_start3A_222 = arith.constant 0 : i32
    %dma_start3A_223 = tpu.memref_slice %arg3[%add3A_221, %dma_start3A_222] : memref<819200x128xf32, #tpu.memory_space<hbm>> -> memref<200x128xf32, #tpu.memory_space<hbm>>
    %dma_start3A_224 = arith.constant 0 : i32
    %dma_start3A_225 = tpu.memref_slice %arg3[%add3A_221, %dma_start3A_224] : memref<819200x128xf32, #tpu.memory_space<hbm>> -> memref<200x128xf32, #tpu.memory_space<hbm>>
    tpu.enqueue_dma source(%arg4 : memref<200x128xf32, #tpu.memory_space<vmem>>) target(%dma_start3A_225 : memref<200x128xf32, #tpu.memory_space<hbm>>) target_semaphore(%arg5 : memref<!tpu.dma_semaphore, #tpu.memory_space<semaphore_mem>>)
    %add3A_226 = arith.constant 7400 : i32
    %add3A_227 = arith.addi %mul3A_4, %add3A_226 : i32
    %dma_start3A_228 = arith.constant 0 : i32
    %dma_start3A_229 = tpu.memref_slice %arg3[%add3A_227, %dma_start3A_228] : memref<819200x128xf32, #tpu.memory_space<hbm>> -> memref<200x128xf32, #tpu.memory_space<hbm>>
    %dma_start3A_230 = arith.constant 0 : i32
    %dma_start3A_231 = tpu.memref_slice %arg3[%add3A_227, %dma_start3A_230] : memref<819200x128xf32, #tpu.memory_space<hbm>> -> memref<200x128xf32, #tpu.memory_space<hbm>>
    tpu.enqueue_dma source(%arg4 : memref<200x128xf32, #tpu.memory_space<vmem>>) target(%dma_start3A_231 : memref<200x128xf32, #tpu.memory_space<hbm>>) target_semaphore(%arg5 : memref<!tpu.dma_semaphore, #tpu.memory_space<semaphore_mem>>)
    %add3A_232 = arith.constant 7600 : i32
    %add3A_233 = arith.addi %mul3A_4, %add3A_232 : i32
    %dma_start3A_234 = arith.constant 0 : i32
    %dma_start3A_235 = tpu.memref_slice %arg3[%add3A_233, %dma_start3A_234] : memref<819200x128xf32, #tpu.memory_space<hbm>> -> memref<200x128xf32, #tpu.memory_space<hbm>>
    %dma_start3A_236 = arith.constant 0 : i32
    %dma_start3A_237 = tpu.memref_slice %arg3[%add3A_233, %dma_start3A_236] : memref<819200x128xf32, #tpu.memory_space<hbm>> -> memref<200x128xf32, #tpu.memory_space<hbm>>
    tpu.enqueue_dma source(%arg4 : memref<200x128xf32, #tpu.memory_space<vmem>>) target(%dma_start3A_237 : memref<200x128xf32, #tpu.memory_space<hbm>>) target_semaphore(%arg5 : memref<!tpu.dma_semaphore, #tpu.memory_space<semaphore_mem>>)
    %add3A_238 = arith.constant 7800 : i32
    %add3A_239 = arith.addi %mul3A_4, %add3A_238 : i32
    %dma_start3A_240 = arith.constant 0 : i32
    %dma_start3A_241 = tpu.memref_slice %arg3[%add3A_239, %dma_start3A_240] : memref<819200x128xf32, #tpu.memory_space<hbm>> -> memref<200x128xf32, #tpu.memory_space<hbm>>
    %dma_start3A_242 = arith.constant 0 : i32
    %dma_start3A_243 = tpu.memref_slice %arg3[%add3A_239, %dma_start3A_242] : memref<819200x128xf32, #tpu.memory_space<hbm>> -> memref<200x128xf32, #tpu.memory_space<hbm>>
    tpu.enqueue_dma source(%arg4 : memref<200x128xf32, #tpu.memory_space<vmem>>) target(%dma_start3A_243 : memref<200x128xf32, #tpu.memory_space<hbm>>) target_semaphore(%arg5 : memref<!tpu.dma_semaphore, #tpu.memory_space<semaphore_mem>>)
    %add3A_244 = arith.constant 8000 : i32
    %add3A_245 = arith.addi %mul3A_4, %add3A_244 : i32
    %dma_start3A_246 = arith.constant 0 : i32
    %dma_start3A_247 = tpu.memref_slice %arg3[%add3A_245, %dma_start3A_246] : memref<819200x128xf32, #tpu.memory_space<hbm>> -> memref<200x128xf32, #tpu.memory_space<hbm>>
    %dma_start3A_248 = arith.constant 0 : i32
    %dma_start3A_249 = tpu.memref_slice %arg3[%add3A_245, %dma_start3A_248] : memref<819200x128xf32, #tpu.memory_space<hbm>> -> memref<200x128xf32, #tpu.memory_space<hbm>>
    tpu.enqueue_dma source(%arg4 : memref<200x128xf32, #tpu.memory_space<vmem>>) target(%dma_start3A_249 : memref<200x128xf32, #tpu.memory_space<hbm>>) target_semaphore(%arg5 : memref<!tpu.dma_semaphore, #tpu.memory_space<semaphore_mem>>)
    %add3A_250 = arith.constant 8200 : i32
    %add3A_251 = arith.addi %mul3A_4, %add3A_250 : i32
    %dma_start3A_252 = arith.constant 0 : i32
    %dma_start3A_253 = tpu.memref_slice %arg3[%add3A_251, %dma_start3A_252] : memref<819200x128xf32, #tpu.memory_space<hbm>> -> memref<200x128xf32, #tpu.memory_space<hbm>>
    %dma_start3A_254 = arith.constant 0 : i32
    %dma_start3A_255 = tpu.memref_slice %arg3[%add3A_251, %dma_start3A_254] : memref<819200x128xf32, #tpu.memory_space<hbm>> -> memref<200x128xf32, #tpu.memory_space<hbm>>
    tpu.enqueue_dma source(%arg4 : memref<200x128xf32, #tpu.memory_space<vmem>>) target(%dma_start3A_255 : memref<200x128xf32, #tpu.memory_space<hbm>>) target_semaphore(%arg5 : memref<!tpu.dma_semaphore, #tpu.memory_space<semaphore_mem>>)
    %add3A_256 = arith.constant 8400 : i32
    %add3A_257 = arith.addi %mul3A_4, %add3A_256 : i32
    %dma_start3A_258 = arith.constant 0 : i32
    %dma_start3A_259 = tpu.memref_slice %arg3[%add3A_257, %dma_start3A_258] : memref<819200x128xf32, #tpu.memory_space<hbm>> -> memref<200x128xf32, #tpu.memory_space<hbm>>
    %dma_start3A_260 = arith.constant 0 : i32
    %dma_start3A_261 = tpu.memref_slice %arg3[%add3A_257, %dma_start3A_260] : memref<819200x128xf32, #tpu.memory_space<hbm>> -> memref<200x128xf32, #tpu.memory_space<hbm>>
    tpu.enqueue_dma source(%arg4 : memref<200x128xf32, #tpu.memory_space<vmem>>) target(%dma_start3A_261 : memref<200x128xf32, #tpu.memory_space<hbm>>) target_semaphore(%arg5 : memref<!tpu.dma_semaphore, #tpu.memory_space<semaphore_mem>>)
    %add3A_262 = arith.constant 8600 : i32
    %add3A_263 = arith.addi %mul3A_4, %add3A_262 : i32
    %dma_start3A_264 = arith.constant 0 : i32
    %dma_start3A_265 = tpu.memref_slice %arg3[%add3A_263, %dma_start3A_264] : memref<819200x128xf32, #tpu.memory_space<hbm>> -> memref<200x128xf32, #tpu.memory_space<hbm>>
    %dma_start3A_266 = arith.constant 0 : i32
    %dma_start3A_267 = tpu.memref_slice %arg3[%add3A_263, %dma_start3A_266] : memref<819200x128xf32, #tpu.memory_space<hbm>> -> memref<200x128xf32, #tpu.memory_space<hbm>>
    tpu.enqueue_dma source(%arg4 : memref<200x128xf32, #tpu.memory_space<vmem>>) target(%dma_start3A_267 : memref<200x128xf32, #tpu.memory_space<hbm>>) target_semaphore(%arg5 : memref<!tpu.dma_semaphore, #tpu.memory_space<semaphore_mem>>)
    %add3A_268 = arith.constant 8800 : i32
    %add3A_269 = arith.addi %mul3A_4, %add3A_268 : i32
    %dma_start3A_270 = arith.constant 0 : i32
    %dma_start3A_271 = tpu.memref_slice %arg3[%add3A_269, %dma_start3A_270] : memref<819200x128xf32, #tpu.memory_space<hbm>> -> memref<200x128xf32, #tpu.memory_space<hbm>>
    %dma_start3A_272 = arith.constant 0 : i32
    %dma_start3A_273 = tpu.memref_slice %arg3[%add3A_269, %dma_start3A_272] : memref<819200x128xf32, #tpu.memory_space<hbm>> -> memref<200x128xf32, #tpu.memory_space<hbm>>
    tpu.enqueue_dma source(%arg4 : memref<200x128xf32, #tpu.memory_space<vmem>>) target(%dma_start3A_273 : memref<200x128xf32, #tpu.memory_space<hbm>>) target_semaphore(%arg5 : memref<!tpu.dma_semaphore, #tpu.memory_space<semaphore_mem>>)
    %add3A_274 = arith.constant 9000 : i32
    %add3A_275 = arith.addi %mul3A_4, %add3A_274 : i32
    %dma_start3A_276 = arith.constant 0 : i32
    %dma_start3A_277 = tpu.memref_slice %arg3[%add3A_275, %dma_start3A_276] : memref<819200x128xf32, #tpu.memory_space<hbm>> -> memref<200x128xf32, #tpu.memory_space<hbm>>
    %dma_start3A_278 = arith.constant 0 : i32
    %dma_start3A_279 = tpu.memref_slice %arg3[%add3A_275, %dma_start3A_278] : memref<819200x128xf32, #tpu.memory_space<hbm>> -> memref<200x128xf32, #tpu.memory_space<hbm>>
    tpu.enqueue_dma source(%arg4 : memref<200x128xf32, #tpu.memory_space<vmem>>) target(%dma_start3A_279 : memref<200x128xf32, #tpu.memory_space<hbm>>) target_semaphore(%arg5 : memref<!tpu.dma_semaphore, #tpu.memory_space<semaphore_mem>>)
    %add3A_280 = arith.constant 9200 : i32
    %add3A_281 = arith.addi %mul3A_4, %add3A_280 : i32
    %dma_start3A_282 = arith.constant 0 : i32
    %dma_start3A_283 = tpu.memref_slice %arg3[%add3A_281, %dma_start3A_282] : memref<819200x128xf32, #tpu.memory_space<hbm>> -> memref<200x128xf32, #tpu.memory_space<hbm>>
    %dma_start3A_284 = arith.constant 0 : i32
    %dma_start3A_285 = tpu.memref_slice %arg3[%add3A_281, %dma_start3A_284] : memref<819200x128xf32, #tpu.memory_space<hbm>> -> memref<200x128xf32, #tpu.memory_space<hbm>>
    tpu.enqueue_dma source(%arg4 : memref<200x128xf32, #tpu.memory_space<vmem>>) target(%dma_start3A_285 : memref<200x128xf32, #tpu.memory_space<hbm>>) target_semaphore(%arg5 : memref<!tpu.dma_semaphore, #tpu.memory_space<semaphore_mem>>)
    %add3A_286 = arith.constant 9400 : i32
    %add3A_287 = arith.addi %mul3A_4, %add3A_286 : i32
    %dma_start3A_288 = arith.constant 0 : i32
    %dma_start3A_289 = tpu.memref_slice %arg3[%add3A_287, %dma_start3A_288] : memref<819200x128xf32, #tpu.memory_space<hbm>> -> memref<200x128xf32, #tpu.memory_space<hbm>>
    %dma_start3A_290 = arith.constant 0 : i32
    %dma_start3A_291 = tpu.memref_slice %arg3[%add3A_287, %dma_start3A_290] : memref<819200x128xf32, #tpu.memory_space<hbm>> -> memref<200x128xf32, #tpu.memory_space<hbm>>
    tpu.enqueue_dma source(%arg4 : memref<200x128xf32, #tpu.memory_space<vmem>>) target(%dma_start3A_291 : memref<200x128xf32, #tpu.memory_space<hbm>>) target_semaphore(%arg5 : memref<!tpu.dma_semaphore, #tpu.memory_space<semaphore_mem>>)
    %add3A_292 = arith.constant 9600 : i32
    %add3A_293 = arith.addi %mul3A_4, %add3A_292 : i32
    %dma_start3A_294 = arith.constant 0 : i32
    %dma_start3A_295 = tpu.memref_slice %arg3[%add3A_293, %dma_start3A_294] : memref<819200x128xf32, #tpu.memory_space<hbm>> -> memref<200x128xf32, #tpu.memory_space<hbm>>
    %dma_start3A_296 = arith.constant 0 : i32
    %dma_start3A_297 = tpu.memref_slice %arg3[%add3A_293, %dma_start3A_296] : memref<819200x128xf32, #tpu.memory_space<hbm>> -> memref<200x128xf32, #tpu.memory_space<hbm>>
    tpu.enqueue_dma source(%arg4 : memref<200x128xf32, #tpu.memory_space<vmem>>) target(%dma_start3A_297 : memref<200x128xf32, #tpu.memory_space<hbm>>) target_semaphore(%arg5 : memref<!tpu.dma_semaphore, #tpu.memory_space<semaphore_mem>>)
    %add3A_298 = arith.constant 9800 : i32
    %add3A_299 = arith.addi %mul3A_4, %add3A_298 : i32
    %dma_start3A_300 = arith.constant 0 : i32
    %dma_start3A_301 = tpu.memref_slice %arg3[%add3A_299, %dma_start3A_300] : memref<819200x128xf32, #tpu.memory_space<hbm>> -> memref<200x128xf32, #tpu.memory_space<hbm>>
    %dma_start3A_302 = arith.constant 0 : i32
    %dma_start3A_303 = tpu.memref_slice %arg3[%add3A_299, %dma_start3A_302] : memref<819200x128xf32, #tpu.memory_space<hbm>> -> memref<200x128xf32, #tpu.memory_space<hbm>>
    tpu.enqueue_dma source(%arg4 : memref<200x128xf32, #tpu.memory_space<vmem>>) target(%dma_start3A_303 : memref<200x128xf32, #tpu.memory_space<hbm>>) target_semaphore(%arg5 : memref<!tpu.dma_semaphore, #tpu.memory_space<semaphore_mem>>)
    %add3A_304 = arith.constant 10000 : i32
    %add3A_305 = arith.addi %mul3A_4, %add3A_304 : i32
    %dma_start3A_306 = arith.constant 0 : i32
    %dma_start3A_307 = tpu.memref_slice %arg3[%add3A_305, %dma_start3A_306] : memref<819200x128xf32, #tpu.memory_space<hbm>> -> memref<200x128xf32, #tpu.memory_space<hbm>>
    %dma_start3A_308 = arith.constant 0 : i32
    %dma_start3A_309 = tpu.memref_slice %arg3[%add3A_305, %dma_start3A_308] : memref<819200x128xf32, #tpu.memory_space<hbm>> -> memref<200x128xf32, #tpu.memory_space<hbm>>
    tpu.enqueue_dma source(%arg4 : memref<200x128xf32, #tpu.memory_space<vmem>>) target(%dma_start3A_309 : memref<200x128xf32, #tpu.memory_space<hbm>>) target_semaphore(%arg5 : memref<!tpu.dma_semaphore, #tpu.memory_space<semaphore_mem>>)
    %add3A_310 = arith.constant 10200 : i32
    %add3A_311 = arith.addi %mul3A_4, %add3A_310 : i32
    %dma_start3A_312 = arith.constant 0 : i32
    %dma_start3A_313 = tpu.memref_slice %arg3[%add3A_311, %dma_start3A_312] : memref<819200x128xf32, #tpu.memory_space<hbm>> -> memref<200x128xf32, #tpu.memory_space<hbm>>
    %dma_start3A_314 = arith.constant 0 : i32
    %dma_start3A_315 = tpu.memref_slice %arg3[%add3A_311, %dma_start3A_314] : memref<819200x128xf32, #tpu.memory_space<hbm>> -> memref<200x128xf32, #tpu.memory_space<hbm>>
    tpu.enqueue_dma source(%arg4 : memref<200x128xf32, #tpu.memory_space<vmem>>) target(%dma_start3A_315 : memref<200x128xf32, #tpu.memory_space<hbm>>) target_semaphore(%arg5 : memref<!tpu.dma_semaphore, #tpu.memory_space<semaphore_mem>>)
    %add3A_316 = arith.constant 10400 : i32
    %add3A_317 = arith.addi %mul3A_4, %add3A_316 : i32
    %dma_start3A_318 = arith.constant 0 : i32
    %dma_start3A_319 = tpu.memref_slice %arg3[%add3A_317, %dma_start3A_318] : memref<819200x128xf32, #tpu.memory_space<hbm>> -> memref<200x128xf32, #tpu.memory_space<hbm>>
    %dma_start3A_320 = arith.constant 0 : i32
    %dma_start3A_321 = tpu.memref_slice %arg3[%add3A_317, %dma_start3A_320] : memref<819200x128xf32, #tpu.memory_space<hbm>> -> memref<200x128xf32, #tpu.memory_space<hbm>>
    tpu.enqueue_dma source(%arg4 : memref<200x128xf32, #tpu.memory_space<vmem>>) target(%dma_start3A_321 : memref<200x128xf32, #tpu.memory_space<hbm>>) target_semaphore(%arg5 : memref<!tpu.dma_semaphore, #tpu.memory_space<semaphore_mem>>)
    %add3A_322 = arith.constant 10600 : i32
    %add3A_323 = arith.addi %mul3A_4, %add3A_322 : i32
    %dma_start3A_324 = arith.constant 0 : i32
    %dma_start3A_325 = tpu.memref_slice %arg3[%add3A_323, %dma_start3A_324] : memref<819200x128xf32, #tpu.memory_space<hbm>> -> memref<200x128xf32, #tpu.memory_space<hbm>>
    %dma_start3A_326 = arith.constant 0 : i32
    %dma_start3A_327 = tpu.memref_slice %arg3[%add3A_323, %dma_start3A_326] : memref<819200x128xf32, #tpu.memory_space<hbm>> -> memref<200x128xf32, #tpu.memory_space<hbm>>
    tpu.enqueue_dma source(%arg4 : memref<200x128xf32, #tpu.memory_space<vmem>>) target(%dma_start3A_327 : memref<200x128xf32, #tpu.memory_space<hbm>>) target_semaphore(%arg5 : memref<!tpu.dma_semaphore, #tpu.memory_space<semaphore_mem>>)
    %add3A_328 = arith.constant 10800 : i32
    %add3A_329 = arith.addi %mul3A_4, %add3A_328 : i32
    %dma_start3A_330 = arith.constant 0 : i32
    %dma_start3A_331 = tpu.memref_slice %arg3[%add3A_329, %dma_start3A_330] : memref<819200x128xf32, #tpu.memory_space<hbm>> -> memref<200x128xf32, #tpu.memory_space<hbm>>
    %dma_start3A_332 = arith.constant 0 : i32
    %dma_start3A_333 = tpu.memref_slice %arg3[%add3A_329, %dma_start3A_332] : memref<819200x128xf32, #tpu.memory_space<hbm>> -> memref<200x128xf32, #tpu.memory_space<hbm>>
    tpu.enqueue_dma source(%arg4 : memref<200x128xf32, #tpu.memory_space<vmem>>) target(%dma_start3A_333 : memref<200x128xf32, #tpu.memory_space<hbm>>) target_semaphore(%arg5 : memref<!tpu.dma_semaphore, #tpu.memory_space<semaphore_mem>>)
    %add3A_334 = arith.constant 11000 : i32
    %add3A_335 = arith.addi %mul3A_4, %add3A_334 : i32
    %dma_start3A_336 = arith.constant 0 : i32
    %dma_start3A_337 = tpu.memref_slice %arg3[%add3A_335, %dma_start3A_336] : memref<819200x128xf32, #tpu.memory_space<hbm>> -> memref<200x128xf32, #tpu.memory_space<hbm>>
    %dma_start3A_338 = arith.constant 0 : i32
    %dma_start3A_339 = tpu.memref_slice %arg3[%add3A_335, %dma_start3A_338] : memref<819200x128xf32, #tpu.memory_space<hbm>> -> memref<200x128xf32, #tpu.memory_space<hbm>>
    tpu.enqueue_dma source(%arg4 : memref<200x128xf32, #tpu.memory_space<vmem>>) target(%dma_start3A_339 : memref<200x128xf32, #tpu.memory_space<hbm>>) target_semaphore(%arg5 : memref<!tpu.dma_semaphore, #tpu.memory_space<semaphore_mem>>)
    %add3A_340 = arith.constant 11200 : i32
    %add3A_341 = arith.addi %mul3A_4, %add3A_340 : i32
    %dma_start3A_342 = arith.constant 0 : i32
    %dma_start3A_343 = tpu.memref_slice %arg3[%add3A_341, %dma_start3A_342] : memref<819200x128xf32, #tpu.memory_space<hbm>> -> memref<200x128xf32, #tpu.memory_space<hbm>>
    %dma_start3A_344 = arith.constant 0 : i32
    %dma_start3A_345 = tpu.memref_slice %arg3[%add3A_341, %dma_start3A_344] : memref<819200x128xf32, #tpu.memory_space<hbm>> -> memref<200x128xf32, #tpu.memory_space<hbm>>
    tpu.enqueue_dma source(%arg4 : memref<200x128xf32, #tpu.memory_space<vmem>>) target(%dma_start3A_345 : memref<200x128xf32, #tpu.memory_space<hbm>>) target_semaphore(%arg5 : memref<!tpu.dma_semaphore, #tpu.memory_space<semaphore_mem>>)
    %add3A_346 = arith.constant 11400 : i32
    %add3A_347 = arith.addi %mul3A_4, %add3A_346 : i32
    %dma_start3A_348 = arith.constant 0 : i32
    %dma_start3A_349 = tpu.memref_slice %arg3[%add3A_347, %dma_start3A_348] : memref<819200x128xf32, #tpu.memory_space<hbm>> -> memref<200x128xf32, #tpu.memory_space<hbm>>
    %dma_start3A_350 = arith.constant 0 : i32
    %dma_start3A_351 = tpu.memref_slice %arg3[%add3A_347, %dma_start3A_350] : memref<819200x128xf32, #tpu.memory_space<hbm>> -> memref<200x128xf32, #tpu.memory_space<hbm>>
    tpu.enqueue_dma source(%arg4 : memref<200x128xf32, #tpu.memory_space<vmem>>) target(%dma_start3A_351 : memref<200x128xf32, #tpu.memory_space<hbm>>) target_semaphore(%arg5 : memref<!tpu.dma_semaphore, #tpu.memory_space<semaphore_mem>>)
    %add3A_352 = arith.constant 11600 : i32
    %add3A_353 = arith.addi %mul3A_4, %add3A_352 : i32
    %dma_start3A_354 = arith.constant 0 : i32
    %dma_start3A_355 = tpu.memref_slice %arg3[%add3A_353, %dma_start3A_354] : memref<819200x128xf32, #tpu.memory_space<hbm>> -> memref<200x128xf32, #tpu.memory_space<hbm>>
    %dma_start3A_356 = arith.constant 0 : i32
    %dma_start3A_357 = tpu.memref_slice %arg3[%add3A_353, %dma_start3A_356] : memref<819200x128xf32, #tpu.memory_space<hbm>> -> memref<200x128xf32, #tpu.memory_space<hbm>>
    tpu.enqueue_dma source(%arg4 : memref<200x128xf32, #tpu.memory_space<vmem>>) target(%dma_start3A_357 : memref<200x128xf32, #tpu.memory_space<hbm>>) target_semaphore(%arg5 : memref<!tpu.dma_semaphore, #tpu.memory_space<semaphore_mem>>)
    %add3A_358 = arith.constant 11800 : i32
    %add3A_359 = arith.addi %mul3A_4, %add3A_358 : i32
    %dma_start3A_360 = arith.constant 0 : i32
    %dma_start3A_361 = tpu.memref_slice %arg3[%add3A_359, %dma_start3A_360] : memref<819200x128xf32, #tpu.memory_space<hbm>> -> memref<200x128xf32, #tpu.memory_space<hbm>>
    %dma_start3A_362 = arith.constant 0 : i32
    %dma_start3A_363 = tpu.memref_slice %arg3[%add3A_359, %dma_start3A_362] : memref<819200x128xf32, #tpu.memory_space<hbm>> -> memref<200x128xf32, #tpu.memory_space<hbm>>
    tpu.enqueue_dma source(%arg4 : memref<200x128xf32, #tpu.memory_space<vmem>>) target(%dma_start3A_363 : memref<200x128xf32, #tpu.memory_space<hbm>>) target_semaphore(%arg5 : memref<!tpu.dma_semaphore, #tpu.memory_space<semaphore_mem>>)
    %add3A_364 = arith.constant 12000 : i32
    %add3A_365 = arith.addi %mul3A_4, %add3A_364 : i32
    %dma_start3A_366 = arith.constant 0 : i32
    %dma_start3A_367 = tpu.memref_slice %arg3[%add3A_365, %dma_start3A_366] : memref<819200x128xf32, #tpu.memory_space<hbm>> -> memref<200x128xf32, #tpu.memory_space<hbm>>
    %dma_start3A_368 = arith.constant 0 : i32
    %dma_start3A_369 = tpu.memref_slice %arg3[%add3A_365, %dma_start3A_368] : memref<819200x128xf32, #tpu.memory_space<hbm>> -> memref<200x128xf32, #tpu.memory_space<hbm>>
    tpu.enqueue_dma source(%arg4 : memref<200x128xf32, #tpu.memory_space<vmem>>) target(%dma_start3A_369 : memref<200x128xf32, #tpu.memory_space<hbm>>) target_semaphore(%arg5 : memref<!tpu.dma_semaphore, #tpu.memory_space<semaphore_mem>>)
    %add3A_370 = arith.constant 12200 : i32
    %add3A_371 = arith.addi %mul3A_4, %add3A_370 : i32
    %dma_start3A_372 = arith.constant 0 : i32
    %dma_start3A_373 = tpu.memref_slice %arg3[%add3A_371, %dma_start3A_372] : memref<819200x128xf32, #tpu.memory_space<hbm>> -> memref<200x128xf32, #tpu.memory_space<hbm>>
    %dma_start3A_374 = arith.constant 0 : i32
    %dma_start3A_375 = tpu.memref_slice %arg3[%add3A_371, %dma_start3A_374] : memref<819200x128xf32, #tpu.memory_space<hbm>> -> memref<200x128xf32, #tpu.memory_space<hbm>>
    tpu.enqueue_dma source(%arg4 : memref<200x128xf32, #tpu.memory_space<vmem>>) target(%dma_start3A_375 : memref<200x128xf32, #tpu.memory_space<hbm>>) target_semaphore(%arg5 : memref<!tpu.dma_semaphore, #tpu.memory_space<semaphore_mem>>)
    %add3A_376 = arith.constant 12400 : i32
    %add3A_377 = arith.addi %mul3A_4, %add3A_376 : i32
    %dma_start3A_378 = arith.constant 0 : i32
    %dma_start3A_379 = tpu.memref_slice %arg3[%add3A_377, %dma_start3A_378] : memref<819200x128xf32, #tpu.memory_space<hbm>> -> memref<200x128xf32, #tpu.memory_space<hbm>>
    %dma_start3A_380 = arith.constant 0 : i32
    %dma_start3A_381 = tpu.memref_slice %arg3[%add3A_377, %dma_start3A_380] : memref<819200x128xf32, #tpu.memory_space<hbm>> -> memref<200x128xf32, #tpu.memory_space<hbm>>
    tpu.enqueue_dma source(%arg4 : memref<200x128xf32, #tpu.memory_space<vmem>>) target(%dma_start3A_381 : memref<200x128xf32, #tpu.memory_space<hbm>>) target_semaphore(%arg5 : memref<!tpu.dma_semaphore, #tpu.memory_space<semaphore_mem>>)
    %add3A_382 = arith.constant 12600 : i32
    %add3A_383 = arith.addi %mul3A_4, %add3A_382 : i32
    %dma_start3A_384 = arith.constant 0 : i32
    %dma_start3A_385 = tpu.memref_slice %arg3[%add3A_383, %dma_start3A_384] : memref<819200x128xf32, #tpu.memory_space<hbm>> -> memref<200x128xf32, #tpu.memory_space<hbm>>
    %dma_start3A_386 = arith.constant 0 : i32
    %dma_start3A_387 = tpu.memref_slice %arg3[%add3A_383, %dma_start3A_386] : memref<819200x128xf32, #tpu.memory_space<hbm>> -> memref<200x128xf32, #tpu.memory_space<hbm>>
    tpu.enqueue_dma source(%arg4 : memref<200x128xf32, #tpu.memory_space<vmem>>) target(%dma_start3A_387 : memref<200x128xf32, #tpu.memory_space<hbm>>) target_semaphore(%arg5 : memref<!tpu.dma_semaphore, #tpu.memory_space<semaphore_mem>>)
    %add3A_388 = arith.constant 12800 : i32
    %add3A_389 = arith.addi %mul3A_4, %add3A_388 : i32
    %dma_start3A_390 = arith.constant 0 : i32
    %dma_start3A_391 = tpu.memref_slice %arg3[%add3A_389, %dma_start3A_390] : memref<819200x128xf32, #tpu.memory_space<hbm>> -> memref<200x128xf32, #tpu.memory_space<hbm>>
    %dma_start3A_392 = arith.constant 0 : i32
    %dma_start3A_393 = tpu.memref_slice %arg3[%add3A_389, %dma_start3A_392] : memref<819200x128xf32, #tpu.memory_space<hbm>> -> memref<200x128xf32, #tpu.memory_space<hbm>>
    tpu.enqueue_dma source(%arg4 : memref<200x128xf32, #tpu.memory_space<vmem>>) target(%dma_start3A_393 : memref<200x128xf32, #tpu.memory_space<hbm>>) target_semaphore(%arg5 : memref<!tpu.dma_semaphore, #tpu.memory_space<semaphore_mem>>)
    %add3A_394 = arith.constant 13000 : i32
    %add3A_395 = arith.addi %mul3A_4, %add3A_394 : i32
    %dma_start3A_396 = arith.constant 0 : i32
    %dma_start3A_397 = tpu.memref_slice %arg3[%add3A_395, %dma_start3A_396] : memref<819200x128xf32, #tpu.memory_space<hbm>> -> memref<200x128xf32, #tpu.memory_space<hbm>>
    %dma_start3A_398 = arith.constant 0 : i32
    %dma_start3A_399 = tpu.memref_slice %arg3[%add3A_395, %dma_start3A_398] : memref<819200x128xf32, #tpu.memory_space<hbm>> -> memref<200x128xf32, #tpu.memory_space<hbm>>
    tpu.enqueue_dma source(%arg4 : memref<200x128xf32, #tpu.memory_space<vmem>>) target(%dma_start3A_399 : memref<200x128xf32, #tpu.memory_space<hbm>>) target_semaphore(%arg5 : memref<!tpu.dma_semaphore, #tpu.memory_space<semaphore_mem>>)
    %add3A_400 = arith.constant 13200 : i32
    %add3A_401 = arith.addi %mul3A_4, %add3A_400 : i32
    %dma_start3A_402 = arith.constant 0 : i32
    %dma_start3A_403 = tpu.memref_slice %arg3[%add3A_401, %dma_start3A_402] : memref<819200x128xf32, #tpu.memory_space<hbm>> -> memref<200x128xf32, #tpu.memory_space<hbm>>
    %dma_start3A_404 = arith.constant 0 : i32
    %dma_start3A_405 = tpu.memref_slice %arg3[%add3A_401, %dma_start3A_404] : memref<819200x128xf32, #tpu.memory_space<hbm>> -> memref<200x128xf32, #tpu.memory_space<hbm>>
    tpu.enqueue_dma source(%arg4 : memref<200x128xf32, #tpu.memory_space<vmem>>) target(%dma_start3A_405 : memref<200x128xf32, #tpu.memory_space<hbm>>) target_semaphore(%arg5 : memref<!tpu.dma_semaphore, #tpu.memory_space<semaphore_mem>>)
    %add3A_406 = arith.constant 13400 : i32
    %add3A_407 = arith.addi %mul3A_4, %add3A_406 : i32
    %dma_start3A_408 = arith.constant 0 : i32
    %dma_start3A_409 = tpu.memref_slice %arg3[%add3A_407, %dma_start3A_408] : memref<819200x128xf32, #tpu.memory_space<hbm>> -> memref<200x128xf32, #tpu.memory_space<hbm>>
    %dma_start3A_410 = arith.constant 0 : i32
    %dma_start3A_411 = tpu.memref_slice %arg3[%add3A_407, %dma_start3A_410] : memref<819200x128xf32, #tpu.memory_space<hbm>> -> memref<200x128xf32, #tpu.memory_space<hbm>>
    tpu.enqueue_dma source(%arg4 : memref<200x128xf32, #tpu.memory_space<vmem>>) target(%dma_start3A_411 : memref<200x128xf32, #tpu.memory_space<hbm>>) target_semaphore(%arg5 : memref<!tpu.dma_semaphore, #tpu.memory_space<semaphore_mem>>)
    %add3A_412 = arith.constant 13600 : i32
    %add3A_413 = arith.addi %mul3A_4, %add3A_412 : i32
    %dma_start3A_414 = arith.constant 0 : i32
    %dma_start3A_415 = tpu.memref_slice %arg3[%add3A_413, %dma_start3A_414] : memref<819200x128xf32, #tpu.memory_space<hbm>> -> memref<200x128xf32, #tpu.memory_space<hbm>>
    %dma_start3A_416 = arith.constant 0 : i32
    %dma_start3A_417 = tpu.memref_slice %arg3[%add3A_413, %dma_start3A_416] : memref<819200x128xf32, #tpu.memory_space<hbm>> -> memref<200x128xf32, #tpu.memory_space<hbm>>
    tpu.enqueue_dma source(%arg4 : memref<200x128xf32, #tpu.memory_space<vmem>>) target(%dma_start3A_417 : memref<200x128xf32, #tpu.memory_space<hbm>>) target_semaphore(%arg5 : memref<!tpu.dma_semaphore, #tpu.memory_space<semaphore_mem>>)
    %add3A_418 = arith.constant 13800 : i32
    %add3A_419 = arith.addi %mul3A_4, %add3A_418 : i32
    %dma_start3A_420 = arith.constant 0 : i32
    %dma_start3A_421 = tpu.memref_slice %arg3[%add3A_419, %dma_start3A_420] : memref<819200x128xf32, #tpu.memory_space<hbm>> -> memref<200x128xf32, #tpu.memory_space<hbm>>
    %dma_start3A_422 = arith.constant 0 : i32
    %dma_start3A_423 = tpu.memref_slice %arg3[%add3A_419, %dma_start3A_422] : memref<819200x128xf32, #tpu.memory_space<hbm>> -> memref<200x128xf32, #tpu.memory_space<hbm>>
    tpu.enqueue_dma source(%arg4 : memref<200x128xf32, #tpu.memory_space<vmem>>) target(%dma_start3A_423 : memref<200x128xf32, #tpu.memory_space<hbm>>) target_semaphore(%arg5 : memref<!tpu.dma_semaphore, #tpu.memory_space<semaphore_mem>>)
    %add3A_424 = arith.constant 14000 : i32
    %add3A_425 = arith.addi %mul3A_4, %add3A_424 : i32
    %dma_start3A_426 = arith.constant 0 : i32
    %dma_start3A_427 = tpu.memref_slice %arg3[%add3A_425, %dma_start3A_426] : memref<819200x128xf32, #tpu.memory_space<hbm>> -> memref<200x128xf32, #tpu.memory_space<hbm>>
    %dma_start3A_428 = arith.constant 0 : i32
    %dma_start3A_429 = tpu.memref_slice %arg3[%add3A_425, %dma_start3A_428] : memref<819200x128xf32, #tpu.memory_space<hbm>> -> memref<200x128xf32, #tpu.memory_space<hbm>>
    tpu.enqueue_dma source(%arg4 : memref<200x128xf32, #tpu.memory_space<vmem>>) target(%dma_start3A_429 : memref<200x128xf32, #tpu.memory_space<hbm>>) target_semaphore(%arg5 : memref<!tpu.dma_semaphore, #tpu.memory_space<semaphore_mem>>)
    %add3A_430 = arith.constant 14200 : i32
    %add3A_431 = arith.addi %mul3A_4, %add3A_430 : i32
    %dma_start3A_432 = arith.constant 0 : i32
    %dma_start3A_433 = tpu.memref_slice %arg3[%add3A_431, %dma_start3A_432] : memref<819200x128xf32, #tpu.memory_space<hbm>> -> memref<200x128xf32, #tpu.memory_space<hbm>>
    %dma_start3A_434 = arith.constant 0 : i32
    %dma_start3A_435 = tpu.memref_slice %arg3[%add3A_431, %dma_start3A_434] : memref<819200x128xf32, #tpu.memory_space<hbm>> -> memref<200x128xf32, #tpu.memory_space<hbm>>
    tpu.enqueue_dma source(%arg4 : memref<200x128xf32, #tpu.memory_space<vmem>>) target(%dma_start3A_435 : memref<200x128xf32, #tpu.memory_space<hbm>>) target_semaphore(%arg5 : memref<!tpu.dma_semaphore, #tpu.memory_space<semaphore_mem>>)
    %add3A_436 = arith.constant 14400 : i32
    %add3A_437 = arith.addi %mul3A_4, %add3A_436 : i32
    %dma_start3A_438 = arith.constant 0 : i32
    %dma_start3A_439 = tpu.memref_slice %arg3[%add3A_437, %dma_start3A_438] : memref<819200x128xf32, #tpu.memory_space<hbm>> -> memref<200x128xf32, #tpu.memory_space<hbm>>
    %dma_start3A_440 = arith.constant 0 : i32
    %dma_start3A_441 = tpu.memref_slice %arg3[%add3A_437, %dma_start3A_440] : memref<819200x128xf32, #tpu.memory_space<hbm>> -> memref<200x128xf32, #tpu.memory_space<hbm>>
    tpu.enqueue_dma source(%arg4 : memref<200x128xf32, #tpu.memory_space<vmem>>) target(%dma_start3A_441 : memref<200x128xf32, #tpu.memory_space<hbm>>) target_semaphore(%arg5 : memref<!tpu.dma_semaphore, #tpu.memory_space<semaphore_mem>>)
    %add3A_442 = arith.constant 14600 : i32
    %add3A_443 = arith.addi %mul3A_4, %add3A_442 : i32
    %dma_start3A_444 = arith.constant 0 : i32
    %dma_start3A_445 = tpu.memref_slice %arg3[%add3A_443, %dma_start3A_444] : memref<819200x128xf32, #tpu.memory_space<hbm>> -> memref<200x128xf32, #tpu.memory_space<hbm>>
    %dma_start3A_446 = arith.constant 0 : i32
    %dma_start3A_447 = tpu.memref_slice %arg3[%add3A_443, %dma_start3A_446] : memref<819200x128xf32, #tpu.memory_space<hbm>> -> memref<200x128xf32, #tpu.memory_space<hbm>>
    tpu.enqueue_dma source(%arg4 : memref<200x128xf32, #tpu.memory_space<vmem>>) target(%dma_start3A_447 : memref<200x128xf32, #tpu.memory_space<hbm>>) target_semaphore(%arg5 : memref<!tpu.dma_semaphore, #tpu.memory_space<semaphore_mem>>)
    %add3A_448 = arith.constant 14800 : i32
    %add3A_449 = arith.addi %mul3A_4, %add3A_448 : i32
    %dma_start3A_450 = arith.constant 0 : i32
    %dma_start3A_451 = tpu.memref_slice %arg3[%add3A_449, %dma_start3A_450] : memref<819200x128xf32, #tpu.memory_space<hbm>> -> memref<200x128xf32, #tpu.memory_space<hbm>>
    %dma_start3A_452 = arith.constant 0 : i32
    %dma_start3A_453 = tpu.memref_slice %arg3[%add3A_449, %dma_start3A_452] : memref<819200x128xf32, #tpu.memory_space<hbm>> -> memref<200x128xf32, #tpu.memory_space<hbm>>
    tpu.enqueue_dma source(%arg4 : memref<200x128xf32, #tpu.memory_space<vmem>>) target(%dma_start3A_453 : memref<200x128xf32, #tpu.memory_space<hbm>>) target_semaphore(%arg5 : memref<!tpu.dma_semaphore, #tpu.memory_space<semaphore_mem>>)
    %add3A_454 = arith.constant 15000 : i32
    %add3A_455 = arith.addi %mul3A_4, %add3A_454 : i32
    %dma_start3A_456 = arith.constant 0 : i32
    %dma_start3A_457 = tpu.memref_slice %arg3[%add3A_455, %dma_start3A_456] : memref<819200x128xf32, #tpu.memory_space<hbm>> -> memref<200x128xf32, #tpu.memory_space<hbm>>
    %dma_start3A_458 = arith.constant 0 : i32
    %dma_start3A_459 = tpu.memref_slice %arg3[%add3A_455, %dma_start3A_458] : memref<819200x128xf32, #tpu.memory_space<hbm>> -> memref<200x128xf32, #tpu.memory_space<hbm>>
    tpu.enqueue_dma source(%arg4 : memref<200x128xf32, #tpu.memory_space<vmem>>) target(%dma_start3A_459 : memref<200x128xf32, #tpu.memory_space<hbm>>) target_semaphore(%arg5 : memref<!tpu.dma_semaphore, #tpu.memory_space<semaphore_mem>>)
    %add3A_460 = arith.constant 15200 : i32
    %add3A_461 = arith.addi %mul3A_4, %add3A_460 : i32
    %dma_start3A_462 = arith.constant 0 : i32
    %dma_start3A_463 = tpu.memref_slice %arg3[%add3A_461, %dma_start3A_462] : memref<819200x128xf32, #tpu.memory_space<hbm>> -> memref<200x128xf32, #tpu.memory_space<hbm>>
    %dma_start3A_464 = arith.constant 0 : i32
    %dma_start3A_465 = tpu.memref_slice %arg3[%add3A_461, %dma_start3A_464] : memref<819200x128xf32, #tpu.memory_space<hbm>> -> memref<200x128xf32, #tpu.memory_space<hbm>>
    tpu.enqueue_dma source(%arg4 : memref<200x128xf32, #tpu.memory_space<vmem>>) target(%dma_start3A_465 : memref<200x128xf32, #tpu.memory_space<hbm>>) target_semaphore(%arg5 : memref<!tpu.dma_semaphore, #tpu.memory_space<semaphore_mem>>)
    %add3A_466 = arith.constant 15400 : i32
    %add3A_467 = arith.addi %mul3A_4, %add3A_466 : i32
    %dma_start3A_468 = arith.constant 0 : i32
    %dma_start3A_469 = tpu.memref_slice %arg3[%add3A_467, %dma_start3A_468] : memref<819200x128xf32, #tpu.memory_space<hbm>> -> memref<200x128xf32, #tpu.memory_space<hbm>>
    %dma_start3A_470 = arith.constant 0 : i32
    %dma_start3A_471 = tpu.memref_slice %arg3[%add3A_467, %dma_start3A_470] : memref<819200x128xf32, #tpu.memory_space<hbm>> -> memref<200x128xf32, #tpu.memory_space<hbm>>
    tpu.enqueue_dma source(%arg4 : memref<200x128xf32, #tpu.memory_space<vmem>>) target(%dma_start3A_471 : memref<200x128xf32, #tpu.memory_space<hbm>>) target_semaphore(%arg5 : memref<!tpu.dma_semaphore, #tpu.memory_space<semaphore_mem>>)
    %add3A_472 = arith.constant 15600 : i32
    %add3A_473 = arith.addi %mul3A_4, %add3A_472 : i32
    %dma_start3A_474 = arith.constant 0 : i32
    %dma_start3A_475 = tpu.memref_slice %arg3[%add3A_473, %dma_start3A_474] : memref<819200x128xf32, #tpu.memory_space<hbm>> -> memref<200x128xf32, #tpu.memory_space<hbm>>
    %dma_start3A_476 = arith.constant 0 : i32
    %dma_start3A_477 = tpu.memref_slice %arg3[%add3A_473, %dma_start3A_476] : memref<819200x128xf32, #tpu.memory_space<hbm>> -> memref<200x128xf32, #tpu.memory_space<hbm>>
    tpu.enqueue_dma source(%arg4 : memref<200x128xf32, #tpu.memory_space<vmem>>) target(%dma_start3A_477 : memref<200x128xf32, #tpu.memory_space<hbm>>) target_semaphore(%arg5 : memref<!tpu.dma_semaphore, #tpu.memory_space<semaphore_mem>>)
    %add3A_478 = arith.constant 15800 : i32
    %add3A_479 = arith.addi %mul3A_4, %add3A_478 : i32
    %dma_start3A_480 = arith.constant 0 : i32
    %dma_start3A_481 = tpu.memref_slice %arg3[%add3A_479, %dma_start3A_480] : memref<819200x128xf32, #tpu.memory_space<hbm>> -> memref<200x128xf32, #tpu.memory_space<hbm>>
    %dma_start3A_482 = arith.constant 0 : i32
    %dma_start3A_483 = tpu.memref_slice %arg3[%add3A_479, %dma_start3A_482] : memref<819200x128xf32, #tpu.memory_space<hbm>> -> memref<200x128xf32, #tpu.memory_space<hbm>>
    tpu.enqueue_dma source(%arg4 : memref<200x128xf32, #tpu.memory_space<vmem>>) target(%dma_start3A_483 : memref<200x128xf32, #tpu.memory_space<hbm>>) target_semaphore(%arg5 : memref<!tpu.dma_semaphore, #tpu.memory_space<semaphore_mem>>)
    %add3A_484 = arith.constant 16000 : i32
    %add3A_485 = arith.addi %mul3A_4, %add3A_484 : i32
    %dma_start3A_486 = arith.constant 0 : i32
    %dma_start3A_487 = tpu.memref_slice %arg3[%add3A_485, %dma_start3A_486] : memref<819200x128xf32, #tpu.memory_space<hbm>> -> memref<200x128xf32, #tpu.memory_space<hbm>>
    %dma_start3A_488 = arith.constant 0 : i32
    %dma_start3A_489 = tpu.memref_slice %arg3[%add3A_485, %dma_start3A_488] : memref<819200x128xf32, #tpu.memory_space<hbm>> -> memref<200x128xf32, #tpu.memory_space<hbm>>
    tpu.enqueue_dma source(%arg4 : memref<200x128xf32, #tpu.memory_space<vmem>>) target(%dma_start3A_489 : memref<200x128xf32, #tpu.memory_space<hbm>>) target_semaphore(%arg5 : memref<!tpu.dma_semaphore, #tpu.memory_space<semaphore_mem>>)
    %add3A_490 = arith.constant 16200 : i32
    %add3A_491 = arith.addi %mul3A_4, %add3A_490 : i32
    %dma_start3A_492 = arith.constant 0 : i32
    %dma_start3A_493 = tpu.memref_slice %arg3[%add3A_491, %dma_start3A_492] : memref<819200x128xf32, #tpu.memory_space<hbm>> -> memref<200x128xf32, #tpu.memory_space<hbm>>
    %dma_start3A_494 = arith.constant 0 : i32
    %dma_start3A_495 = tpu.memref_slice %arg3[%add3A_491, %dma_start3A_494] : memref<819200x128xf32, #tpu.memory_space<hbm>> -> memref<200x128xf32, #tpu.memory_space<hbm>>
    tpu.enqueue_dma source(%arg4 : memref<200x128xf32, #tpu.memory_space<vmem>>) target(%dma_start3A_495 : memref<200x128xf32, #tpu.memory_space<hbm>>) target_semaphore(%arg5 : memref<!tpu.dma_semaphore, #tpu.memory_space<semaphore_mem>>)
    %add3A_496 = arith.constant 16400 : i32
    %add3A_497 = arith.addi %mul3A_4, %add3A_496 : i32
    %dma_start3A_498 = arith.constant 0 : i32
    %dma_start3A_499 = tpu.memref_slice %arg3[%add3A_497, %dma_start3A_498] : memref<819200x128xf32, #tpu.memory_space<hbm>> -> memref<200x128xf32, #tpu.memory_space<hbm>>
    %dma_start3A_500 = arith.constant 0 : i32
    %dma_start3A_501 = tpu.memref_slice %arg3[%add3A_497, %dma_start3A_500] : memref<819200x128xf32, #tpu.memory_space<hbm>> -> memref<200x128xf32, #tpu.memory_space<hbm>>
    tpu.enqueue_dma source(%arg4 : memref<200x128xf32, #tpu.memory_space<vmem>>) target(%dma_start3A_501 : memref<200x128xf32, #tpu.memory_space<hbm>>) target_semaphore(%arg5 : memref<!tpu.dma_semaphore, #tpu.memory_space<semaphore_mem>>)
    %add3A_502 = arith.constant 16600 : i32
    %add3A_503 = arith.addi %mul3A_4, %add3A_502 : i32
    %dma_start3A_504 = arith.constant 0 : i32
    %dma_start3A_505 = tpu.memref_slice %arg3[%add3A_503, %dma_start3A_504] : memref<819200x128xf32, #tpu.memory_space<hbm>> -> memref<200x128xf32, #tpu.memory_space<hbm>>
    %dma_start3A_506 = arith.constant 0 : i32
    %dma_start3A_507 = tpu.memref_slice %arg3[%add3A_503, %dma_start3A_506] : memref<819200x128xf32, #tpu.memory_space<hbm>> -> memref<200x128xf32, #tpu.memory_space<hbm>>
    tpu.enqueue_dma source(%arg4 : memref<200x128xf32, #tpu.memory_space<vmem>>) target(%dma_start3A_507 : memref<200x128xf32, #tpu.memory_space<hbm>>) target_semaphore(%arg5 : memref<!tpu.dma_semaphore, #tpu.memory_space<semaphore_mem>>)
    %add3A_508 = arith.constant 16800 : i32
    %add3A_509 = arith.addi %mul3A_4, %add3A_508 : i32
    %dma_start3A_510 = arith.constant 0 : i32
    %dma_start3A_511 = tpu.memref_slice %arg3[%add3A_509, %dma_start3A_510] : memref<819200x128xf32, #tpu.memory_space<hbm>> -> memref<200x128xf32, #tpu.memory_space<hbm>>
    %dma_start3A_512 = arith.constant 0 : i32
    %dma_start3A_513 = tpu.memref_slice %arg3[%add3A_509, %dma_start3A_512] : memref<819200x128xf32, #tpu.memory_space<hbm>> -> memref<200x128xf32, #tpu.memory_space<hbm>>
    tpu.enqueue_dma source(%arg4 : memref<200x128xf32, #tpu.memory_space<vmem>>) target(%dma_start3A_513 : memref<200x128xf32, #tpu.memory_space<hbm>>) target_semaphore(%arg5 : memref<!tpu.dma_semaphore, #tpu.memory_space<semaphore_mem>>)
    %add3A_514 = arith.constant 17000 : i32
    %add3A_515 = arith.addi %mul3A_4, %add3A_514 : i32
    %dma_start3A_516 = arith.constant 0 : i32
    %dma_start3A_517 = tpu.memref_slice %arg3[%add3A_515, %dma_start3A_516] : memref<819200x128xf32, #tpu.memory_space<hbm>> -> memref<200x128xf32, #tpu.memory_space<hbm>>
    %dma_start3A_518 = arith.constant 0 : i32
    %dma_start3A_519 = tpu.memref_slice %arg3[%add3A_515, %dma_start3A_518] : memref<819200x128xf32, #tpu.memory_space<hbm>> -> memref<200x128xf32, #tpu.memory_space<hbm>>
    tpu.enqueue_dma source(%arg4 : memref<200x128xf32, #tpu.memory_space<vmem>>) target(%dma_start3A_519 : memref<200x128xf32, #tpu.memory_space<hbm>>) target_semaphore(%arg5 : memref<!tpu.dma_semaphore, #tpu.memory_space<semaphore_mem>>)
    %add3A_520 = arith.constant 17200 : i32
    %add3A_521 = arith.addi %mul3A_4, %add3A_520 : i32
    %dma_start3A_522 = arith.constant 0 : i32
    %dma_start3A_523 = tpu.memref_slice %arg3[%add3A_521, %dma_start3A_522] : memref<819200x128xf32, #tpu.memory_space<hbm>> -> memref<200x128xf32, #tpu.memory_space<hbm>>
    %dma_start3A_524 = arith.constant 0 : i32
    %dma_start3A_525 = tpu.memref_slice %arg3[%add3A_521, %dma_start3A_524] : memref<819200x128xf32, #tpu.memory_space<hbm>> -> memref<200x128xf32, #tpu.memory_space<hbm>>
    tpu.enqueue_dma source(%arg4 : memref<200x128xf32, #tpu.memory_space<vmem>>) target(%dma_start3A_525 : memref<200x128xf32, #tpu.memory_space<hbm>>) target_semaphore(%arg5 : memref<!tpu.dma_semaphore, #tpu.memory_space<semaphore_mem>>)
    %add3A_526 = arith.constant 17400 : i32
    %add3A_527 = arith.addi %mul3A_4, %add3A_526 : i32
    %dma_start3A_528 = arith.constant 0 : i32
    %dma_start3A_529 = tpu.memref_slice %arg3[%add3A_527, %dma_start3A_528] : memref<819200x128xf32, #tpu.memory_space<hbm>> -> memref<200x128xf32, #tpu.memory_space<hbm>>
    %dma_start3A_530 = arith.constant 0 : i32
    %dma_start3A_531 = tpu.memref_slice %arg3[%add3A_527, %dma_start3A_530] : memref<819200x128xf32, #tpu.memory_space<hbm>> -> memref<200x128xf32, #tpu.memory_space<hbm>>
    tpu.enqueue_dma source(%arg4 : memref<200x128xf32, #tpu.memory_space<vmem>>) target(%dma_start3A_531 : memref<200x128xf32, #tpu.memory_space<hbm>>) target_semaphore(%arg5 : memref<!tpu.dma_semaphore, #tpu.memory_space<semaphore_mem>>)
    %add3A_532 = arith.constant 17600 : i32
    %add3A_533 = arith.addi %mul3A_4, %add3A_532 : i32
    %dma_start3A_534 = arith.constant 0 : i32
    %dma_start3A_535 = tpu.memref_slice %arg3[%add3A_533, %dma_start3A_534] : memref<819200x128xf32, #tpu.memory_space<hbm>> -> memref<200x128xf32, #tpu.memory_space<hbm>>
    %dma_start3A_536 = arith.constant 0 : i32
    %dma_start3A_537 = tpu.memref_slice %arg3[%add3A_533, %dma_start3A_536] : memref<819200x128xf32, #tpu.memory_space<hbm>> -> memref<200x128xf32, #tpu.memory_space<hbm>>
    tpu.enqueue_dma source(%arg4 : memref<200x128xf32, #tpu.memory_space<vmem>>) target(%dma_start3A_537 : memref<200x128xf32, #tpu.memory_space<hbm>>) target_semaphore(%arg5 : memref<!tpu.dma_semaphore, #tpu.memory_space<semaphore_mem>>)
    %add3A_538 = arith.constant 17800 : i32
    %add3A_539 = arith.addi %mul3A_4, %add3A_538 : i32
    %dma_start3A_540 = arith.constant 0 : i32
    %dma_start3A_541 = tpu.memref_slice %arg3[%add3A_539, %dma_start3A_540] : memref<819200x128xf32, #tpu.memory_space<hbm>> -> memref<200x128xf32, #tpu.memory_space<hbm>>
    %dma_start3A_542 = arith.constant 0 : i32
    %dma_start3A_543 = tpu.memref_slice %arg3[%add3A_539, %dma_start3A_542] : memref<819200x128xf32, #tpu.memory_space<hbm>> -> memref<200x128xf32, #tpu.memory_space<hbm>>
    tpu.enqueue_dma source(%arg4 : memref<200x128xf32, #tpu.memory_space<vmem>>) target(%dma_start3A_543 : memref<200x128xf32, #tpu.memory_space<hbm>>) target_semaphore(%arg5 : memref<!tpu.dma_semaphore, #tpu.memory_space<semaphore_mem>>)
    %add3A_544 = arith.constant 18000 : i32
    %add3A_545 = arith.addi %mul3A_4, %add3A_544 : i32
    %dma_start3A_546 = arith.constant 0 : i32
    %dma_start3A_547 = tpu.memref_slice %arg3[%add3A_545, %dma_start3A_546] : memref<819200x128xf32, #tpu.memory_space<hbm>> -> memref<200x128xf32, #tpu.memory_space<hbm>>
    %dma_start3A_548 = arith.constant 0 : i32
    %dma_start3A_549 = tpu.memref_slice %arg3[%add3A_545, %dma_start3A_548] : memref<819200x128xf32, #tpu.memory_space<hbm>> -> memref<200x128xf32, #tpu.memory_space<hbm>>
    tpu.enqueue_dma source(%arg4 : memref<200x128xf32, #tpu.memory_space<vmem>>) target(%dma_start3A_549 : memref<200x128xf32, #tpu.memory_space<hbm>>) target_semaphore(%arg5 : memref<!tpu.dma_semaphore, #tpu.memory_space<semaphore_mem>>)
    %add3A_550 = arith.constant 18200 : i32
    %add3A_551 = arith.addi %mul3A_4, %add3A_550 : i32
    %dma_start3A_552 = arith.constant 0 : i32
    %dma_start3A_553 = tpu.memref_slice %arg3[%add3A_551, %dma_start3A_552] : memref<819200x128xf32, #tpu.memory_space<hbm>> -> memref<200x128xf32, #tpu.memory_space<hbm>>
    %dma_start3A_554 = arith.constant 0 : i32
    %dma_start3A_555 = tpu.memref_slice %arg3[%add3A_551, %dma_start3A_554] : memref<819200x128xf32, #tpu.memory_space<hbm>> -> memref<200x128xf32, #tpu.memory_space<hbm>>
    tpu.enqueue_dma source(%arg4 : memref<200x128xf32, #tpu.memory_space<vmem>>) target(%dma_start3A_555 : memref<200x128xf32, #tpu.memory_space<hbm>>) target_semaphore(%arg5 : memref<!tpu.dma_semaphore, #tpu.memory_space<semaphore_mem>>)
    %add3A_556 = arith.constant 18400 : i32
    %add3A_557 = arith.addi %mul3A_4, %add3A_556 : i32
    %dma_start3A_558 = arith.constant 0 : i32
    %dma_start3A_559 = tpu.memref_slice %arg3[%add3A_557, %dma_start3A_558] : memref<819200x128xf32, #tpu.memory_space<hbm>> -> memref<200x128xf32, #tpu.memory_space<hbm>>
    %dma_start3A_560 = arith.constant 0 : i32
    %dma_start3A_561 = tpu.memref_slice %arg3[%add3A_557, %dma_start3A_560] : memref<819200x128xf32, #tpu.memory_space<hbm>> -> memref<200x128xf32, #tpu.memory_space<hbm>>
    tpu.enqueue_dma source(%arg4 : memref<200x128xf32, #tpu.memory_space<vmem>>) target(%dma_start3A_561 : memref<200x128xf32, #tpu.memory_space<hbm>>) target_semaphore(%arg5 : memref<!tpu.dma_semaphore, #tpu.memory_space<semaphore_mem>>)
    %add3A_562 = arith.constant 18600 : i32
    %add3A_563 = arith.addi %mul3A_4, %add3A_562 : i32
    %dma_start3A_564 = arith.constant 0 : i32
    %dma_start3A_565 = tpu.memref_slice %arg3[%add3A_563, %dma_start3A_564] : memref<819200x128xf32, #tpu.memory_space<hbm>> -> memref<200x128xf32, #tpu.memory_space<hbm>>
    %dma_start3A_566 = arith.constant 0 : i32
    %dma_start3A_567 = tpu.memref_slice %arg3[%add3A_563, %dma_start3A_566] : memref<819200x128xf32, #tpu.memory_space<hbm>> -> memref<200x128xf32, #tpu.memory_space<hbm>>
    tpu.enqueue_dma source(%arg4 : memref<200x128xf32, #tpu.memory_space<vmem>>) target(%dma_start3A_567 : memref<200x128xf32, #tpu.memory_space<hbm>>) target_semaphore(%arg5 : memref<!tpu.dma_semaphore, #tpu.memory_space<semaphore_mem>>)
    %add3A_568 = arith.constant 18800 : i32
    %add3A_569 = arith.addi %mul3A_4, %add3A_568 : i32
    %dma_start3A_570 = arith.constant 0 : i32
    %dma_start3A_571 = tpu.memref_slice %arg3[%add3A_569, %dma_start3A_570] : memref<819200x128xf32, #tpu.memory_space<hbm>> -> memref<200x128xf32, #tpu.memory_space<hbm>>
    %dma_start3A_572 = arith.constant 0 : i32
    %dma_start3A_573 = tpu.memref_slice %arg3[%add3A_569, %dma_start3A_572] : memref<819200x128xf32, #tpu.memory_space<hbm>> -> memref<200x128xf32, #tpu.memory_space<hbm>>
    tpu.enqueue_dma source(%arg4 : memref<200x128xf32, #tpu.memory_space<vmem>>) target(%dma_start3A_573 : memref<200x128xf32, #tpu.memory_space<hbm>>) target_semaphore(%arg5 : memref<!tpu.dma_semaphore, #tpu.memory_space<semaphore_mem>>)
    %add3A_574 = arith.constant 19000 : i32
    %add3A_575 = arith.addi %mul3A_4, %add3A_574 : i32
    %dma_start3A_576 = arith.constant 0 : i32
    %dma_start3A_577 = tpu.memref_slice %arg3[%add3A_575, %dma_start3A_576] : memref<819200x128xf32, #tpu.memory_space<hbm>> -> memref<200x128xf32, #tpu.memory_space<hbm>>
    %dma_start3A_578 = arith.constant 0 : i32
    %dma_start3A_579 = tpu.memref_slice %arg3[%add3A_575, %dma_start3A_578] : memref<819200x128xf32, #tpu.memory_space<hbm>> -> memref<200x128xf32, #tpu.memory_space<hbm>>
    tpu.enqueue_dma source(%arg4 : memref<200x128xf32, #tpu.memory_space<vmem>>) target(%dma_start3A_579 : memref<200x128xf32, #tpu.memory_space<hbm>>) target_semaphore(%arg5 : memref<!tpu.dma_semaphore, #tpu.memory_space<semaphore_mem>>)
    %add3A_580 = arith.constant 19200 : i32
    %add3A_581 = arith.addi %mul3A_4, %add3A_580 : i32
    %dma_start3A_582 = arith.constant 0 : i32
    %dma_start3A_583 = tpu.memref_slice %arg3[%add3A_581, %dma_start3A_582] : memref<819200x128xf32, #tpu.memory_space<hbm>> -> memref<200x128xf32, #tpu.memory_space<hbm>>
    %dma_start3A_584 = arith.constant 0 : i32
    %dma_start3A_585 = tpu.memref_slice %arg3[%add3A_581, %dma_start3A_584] : memref<819200x128xf32, #tpu.memory_space<hbm>> -> memref<200x128xf32, #tpu.memory_space<hbm>>
    tpu.enqueue_dma source(%arg4 : memref<200x128xf32, #tpu.memory_space<vmem>>) target(%dma_start3A_585 : memref<200x128xf32, #tpu.memory_space<hbm>>) target_semaphore(%arg5 : memref<!tpu.dma_semaphore, #tpu.memory_space<semaphore_mem>>)
    %add3A_586 = arith.constant 19400 : i32
    %add3A_587 = arith.addi %mul3A_4, %add3A_586 : i32
    %dma_start3A_588 = arith.constant 0 : i32
    %dma_start3A_589 = tpu.memref_slice %arg3[%add3A_587, %dma_start3A_588] : memref<819200x128xf32, #tpu.memory_space<hbm>> -> memref<200x128xf32, #tpu.memory_space<hbm>>
    %dma_start3A_590 = arith.constant 0 : i32
    %dma_start3A_591 = tpu.memref_slice %arg3[%add3A_587, %dma_start3A_590] : memref<819200x128xf32, #tpu.memory_space<hbm>> -> memref<200x128xf32, #tpu.memory_space<hbm>>
    tpu.enqueue_dma source(%arg4 : memref<200x128xf32, #tpu.memory_space<vmem>>) target(%dma_start3A_591 : memref<200x128xf32, #tpu.memory_space<hbm>>) target_semaphore(%arg5 : memref<!tpu.dma_semaphore, #tpu.memory_space<semaphore_mem>>)
    %add3A_592 = arith.constant 19600 : i32
    %add3A_593 = arith.addi %mul3A_4, %add3A_592 : i32
    %dma_start3A_594 = arith.constant 0 : i32
    %dma_start3A_595 = tpu.memref_slice %arg3[%add3A_593, %dma_start3A_594] : memref<819200x128xf32, #tpu.memory_space<hbm>> -> memref<200x128xf32, #tpu.memory_space<hbm>>
    %dma_start3A_596 = arith.constant 0 : i32
    %dma_start3A_597 = tpu.memref_slice %arg3[%add3A_593, %dma_start3A_596] : memref<819200x128xf32, #tpu.memory_space<hbm>> -> memref<200x128xf32, #tpu.memory_space<hbm>>
    tpu.enqueue_dma source(%arg4 : memref<200x128xf32, #tpu.memory_space<vmem>>) target(%dma_start3A_597 : memref<200x128xf32, #tpu.memory_space<hbm>>) target_semaphore(%arg5 : memref<!tpu.dma_semaphore, #tpu.memory_space<semaphore_mem>>)
    %add3A_598 = arith.constant 19800 : i32
    %add3A_599 = arith.addi %mul3A_4, %add3A_598 : i32
    %dma_start3A_600 = arith.constant 0 : i32
    %dma_start3A_601 = tpu.memref_slice %arg3[%add3A_599, %dma_start3A_600] : memref<819200x128xf32, #tpu.memory_space<hbm>> -> memref<200x128xf32, #tpu.memory_space<hbm>>
    %dma_start3A_602 = arith.constant 0 : i32
    %dma_start3A_603 = tpu.memref_slice %arg3[%add3A_599, %dma_start3A_602] : memref<819200x128xf32, #tpu.memory_space<hbm>> -> memref<200x128xf32, #tpu.memory_space<hbm>>
    tpu.enqueue_dma source(%arg4 : memref<200x128xf32, #tpu.memory_space<vmem>>) target(%dma_start3A_603 : memref<200x128xf32, #tpu.memory_space<hbm>>) target_semaphore(%arg5 : memref<!tpu.dma_semaphore, #tpu.memory_space<semaphore_mem>>)
    %add3A_604 = arith.constant 20000 : i32
    %add3A_605 = arith.addi %mul3A_4, %add3A_604 : i32
    %dma_start3A_606 = arith.constant 0 : i32
    %dma_start3A_607 = tpu.memref_slice %arg3[%add3A_605, %dma_start3A_606] : memref<819200x128xf32, #tpu.memory_space<hbm>> -> memref<200x128xf32, #tpu.memory_space<hbm>>
    %dma_start3A_608 = arith.constant 0 : i32
    %dma_start3A_609 = tpu.memref_slice %arg3[%add3A_605, %dma_start3A_608] : memref<819200x128xf32, #tpu.memory_space<hbm>> -> memref<200x128xf32, #tpu.memory_space<hbm>>
    tpu.enqueue_dma source(%arg4 : memref<200x128xf32, #tpu.memory_space<vmem>>) target(%dma_start3A_609 : memref<200x128xf32, #tpu.memory_space<hbm>>) target_semaphore(%arg5 : memref<!tpu.dma_semaphore, #tpu.memory_space<semaphore_mem>>)
    %add3A_610 = arith.constant 20200 : i32
    %add3A_611 = arith.addi %mul3A_4, %add3A_610 : i32
    %dma_start3A_612 = arith.constant 0 : i32
    %dma_start3A_613 = tpu.memref_slice %arg3[%add3A_611, %dma_start3A_612] : memref<819200x128xf32, #tpu.memory_space<hbm>> -> memref<200x128xf32, #tpu.memory_space<hbm>>
    %dma_start3A_614 = arith.constant 0 : i32
    %dma_start3A_615 = tpu.memref_slice %arg3[%add3A_611, %dma_start3A_614] : memref<819200x128xf32, #tpu.memory_space<hbm>> -> memref<200x128xf32, #tpu.memory_space<hbm>>
    tpu.enqueue_dma source(%arg4 : memref<200x128xf32, #tpu.memory_space<vmem>>) target(%dma_start3A_615 : memref<200x128xf32, #tpu.memory_space<hbm>>) target_semaphore(%arg5 : memref<!tpu.dma_semaphore, #tpu.memory_space<semaphore_mem>>)
    %add3A_616 = arith.constant 20400 : i32
    %add3A_617 = arith.addi %mul3A_4, %add3A_616 : i32
    %dma_start3A_618 = arith.constant 0 : i32
    %dma_start3A_619 = tpu.memref_slice %arg3[%add3A_617, %dma_start3A_618] : memref<819200x128xf32, #tpu.memory_space<hbm>> -> memref<200x128xf32, #tpu.memory_space<hbm>>
    %dma_start3A_620 = arith.constant 0 : i32
    %dma_start3A_621 = tpu.memref_slice %arg3[%add3A_617, %dma_start3A_620] : memref<819200x128xf32, #tpu.memory_space<hbm>> -> memref<200x128xf32, #tpu.memory_space<hbm>>
    tpu.enqueue_dma source(%arg4 : memref<200x128xf32, #tpu.memory_space<vmem>>) target(%dma_start3A_621 : memref<200x128xf32, #tpu.memory_space<hbm>>) target_semaphore(%arg5 : memref<!tpu.dma_semaphore, #tpu.memory_space<semaphore_mem>>)
    %add3A_622 = arith.constant 20600 : i32
    %add3A_623 = arith.addi %mul3A_4, %add3A_622 : i32
    %dma_start3A_624 = arith.constant 0 : i32
    %dma_start3A_625 = tpu.memref_slice %arg3[%add3A_623, %dma_start3A_624] : memref<819200x128xf32, #tpu.memory_space<hbm>> -> memref<200x128xf32, #tpu.memory_space<hbm>>
    %dma_start3A_626 = arith.constant 0 : i32
    %dma_start3A_627 = tpu.memref_slice %arg3[%add3A_623, %dma_start3A_626] : memref<819200x128xf32, #tpu.memory_space<hbm>> -> memref<200x128xf32, #tpu.memory_space<hbm>>
    tpu.enqueue_dma source(%arg4 : memref<200x128xf32, #tpu.memory_space<vmem>>) target(%dma_start3A_627 : memref<200x128xf32, #tpu.memory_space<hbm>>) target_semaphore(%arg5 : memref<!tpu.dma_semaphore, #tpu.memory_space<semaphore_mem>>)
    %add3A_628 = arith.constant 20800 : i32
    %add3A_629 = arith.addi %mul3A_4, %add3A_628 : i32
    %dma_start3A_630 = arith.constant 0 : i32
    %dma_start3A_631 = tpu.memref_slice %arg3[%add3A_629, %dma_start3A_630] : memref<819200x128xf32, #tpu.memory_space<hbm>> -> memref<200x128xf32, #tpu.memory_space<hbm>>
    %dma_start3A_632 = arith.constant 0 : i32
    %dma_start3A_633 = tpu.memref_slice %arg3[%add3A_629, %dma_start3A_632] : memref<819200x128xf32, #tpu.memory_space<hbm>> -> memref<200x128xf32, #tpu.memory_space<hbm>>
    tpu.enqueue_dma source(%arg4 : memref<200x128xf32, #tpu.memory_space<vmem>>) target(%dma_start3A_633 : memref<200x128xf32, #tpu.memory_space<hbm>>) target_semaphore(%arg5 : memref<!tpu.dma_semaphore, #tpu.memory_space<semaphore_mem>>)
    %add3A_634 = arith.constant 21000 : i32
    %add3A_635 = arith.addi %mul3A_4, %add3A_634 : i32
    %dma_start3A_636 = arith.constant 0 : i32
    %dma_start3A_637 = tpu.memref_slice %arg3[%add3A_635, %dma_start3A_636] : memref<819200x128xf32, #tpu.memory_space<hbm>> -> memref<200x128xf32, #tpu.memory_space<hbm>>
    %dma_start3A_638 = arith.constant 0 : i32
    %dma_start3A_639 = tpu.memref_slice %arg3[%add3A_635, %dma_start3A_638] : memref<819200x128xf32, #tpu.memory_space<hbm>> -> memref<200x128xf32, #tpu.memory_space<hbm>>
    tpu.enqueue_dma source(%arg4 : memref<200x128xf32, #tpu.memory_space<vmem>>) target(%dma_start3A_639 : memref<200x128xf32, #tpu.memory_space<hbm>>) target_semaphore(%arg5 : memref<!tpu.dma_semaphore, #tpu.memory_space<semaphore_mem>>)
    %add3A_640 = arith.constant 21200 : i32
    %add3A_641 = arith.addi %mul3A_4, %add3A_640 : i32
    %dma_start3A_642 = arith.constant 0 : i32
    %dma_start3A_643 = tpu.memref_slice %arg3[%add3A_641, %dma_start3A_642] : memref<819200x128xf32, #tpu.memory_space<hbm>> -> memref<200x128xf32, #tpu.memory_space<hbm>>
    %dma_start3A_644 = arith.constant 0 : i32
    %dma_start3A_645 = tpu.memref_slice %arg3[%add3A_641, %dma_start3A_644] : memref<819200x128xf32, #tpu.memory_space<hbm>> -> memref<200x128xf32, #tpu.memory_space<hbm>>
    tpu.enqueue_dma source(%arg4 : memref<200x128xf32, #tpu.memory_space<vmem>>) target(%dma_start3A_645 : memref<200x128xf32, #tpu.memory_space<hbm>>) target_semaphore(%arg5 : memref<!tpu.dma_semaphore, #tpu.memory_space<semaphore_mem>>)
    %add3A_646 = arith.constant 21400 : i32
    %add3A_647 = arith.addi %mul3A_4, %add3A_646 : i32
    %dma_start3A_648 = arith.constant 0 : i32
    %dma_start3A_649 = tpu.memref_slice %arg3[%add3A_647, %dma_start3A_648] : memref<819200x128xf32, #tpu.memory_space<hbm>> -> memref<200x128xf32, #tpu.memory_space<hbm>>
    %dma_start3A_650 = arith.constant 0 : i32
    %dma_start3A_651 = tpu.memref_slice %arg3[%add3A_647, %dma_start3A_650] : memref<819200x128xf32, #tpu.memory_space<hbm>> -> memref<200x128xf32, #tpu.memory_space<hbm>>
    tpu.enqueue_dma source(%arg4 : memref<200x128xf32, #tpu.memory_space<vmem>>) target(%dma_start3A_651 : memref<200x128xf32, #tpu.memory_space<hbm>>) target_semaphore(%arg5 : memref<!tpu.dma_semaphore, #tpu.memory_space<semaphore_mem>>)
    %add3A_652 = arith.constant 21600 : i32
    %add3A_653 = arith.addi %mul3A_4, %add3A_652 : i32
    %dma_start3A_654 = arith.constant 0 : i32
    %dma_start3A_655 = tpu.memref_slice %arg3[%add3A_653, %dma_start3A_654] : memref<819200x128xf32, #tpu.memory_space<hbm>> -> memref<200x128xf32, #tpu.memory_space<hbm>>
    %dma_start3A_656 = arith.constant 0 : i32
    %dma_start3A_657 = tpu.memref_slice %arg3[%add3A_653, %dma_start3A_656] : memref<819200x128xf32, #tpu.memory_space<hbm>> -> memref<200x128xf32, #tpu.memory_space<hbm>>
    tpu.enqueue_dma source(%arg4 : memref<200x128xf32, #tpu.memory_space<vmem>>) target(%dma_start3A_657 : memref<200x128xf32, #tpu.memory_space<hbm>>) target_semaphore(%arg5 : memref<!tpu.dma_semaphore, #tpu.memory_space<semaphore_mem>>)
    %add3A_658 = arith.constant 21800 : i32
    %add3A_659 = arith.addi %mul3A_4, %add3A_658 : i32
    %dma_start3A_660 = arith.constant 0 : i32
    %dma_start3A_661 = tpu.memref_slice %arg3[%add3A_659, %dma_start3A_660] : memref<819200x128xf32, #tpu.memory_space<hbm>> -> memref<200x128xf32, #tpu.memory_space<hbm>>
    %dma_start3A_662 = arith.constant 0 : i32
    %dma_start3A_663 = tpu.memref_slice %arg3[%add3A_659, %dma_start3A_662] : memref<819200x128xf32, #tpu.memory_space<hbm>> -> memref<200x128xf32, #tpu.memory_space<hbm>>
    tpu.enqueue_dma source(%arg4 : memref<200x128xf32, #tpu.memory_space<vmem>>) target(%dma_start3A_663 : memref<200x128xf32, #tpu.memory_space<hbm>>) target_semaphore(%arg5 : memref<!tpu.dma_semaphore, #tpu.memory_space<semaphore_mem>>)
    %add3A_664 = arith.constant 22000 : i32
    %add3A_665 = arith.addi %mul3A_4, %add3A_664 : i32
    %dma_start3A_666 = arith.constant 0 : i32
    %dma_start3A_667 = tpu.memref_slice %arg3[%add3A_665, %dma_start3A_666] : memref<819200x128xf32, #tpu.memory_space<hbm>> -> memref<200x128xf32, #tpu.memory_space<hbm>>
    %dma_start3A_668 = arith.constant 0 : i32
    %dma_start3A_669 = tpu.memref_slice %arg3[%add3A_665, %dma_start3A_668] : memref<819200x128xf32, #tpu.memory_space<hbm>> -> memref<200x128xf32, #tpu.memory_space<hbm>>
    tpu.enqueue_dma source(%arg4 : memref<200x128xf32, #tpu.memory_space<vmem>>) target(%dma_start3A_669 : memref<200x128xf32, #tpu.memory_space<hbm>>) target_semaphore(%arg5 : memref<!tpu.dma_semaphore, #tpu.memory_space<semaphore_mem>>)
    %add3A_670 = arith.constant 22200 : i32
    %add3A_671 = arith.addi %mul3A_4, %add3A_670 : i32
    %dma_start3A_672 = arith.constant 0 : i32
    %dma_start3A_673 = tpu.memref_slice %arg3[%add3A_671, %dma_start3A_672] : memref<819200x128xf32, #tpu.memory_space<hbm>> -> memref<200x128xf32, #tpu.memory_space<hbm>>
    %dma_start3A_674 = arith.constant 0 : i32
    %dma_start3A_675 = tpu.memref_slice %arg3[%add3A_671, %dma_start3A_674] : memref<819200x128xf32, #tpu.memory_space<hbm>> -> memref<200x128xf32, #tpu.memory_space<hbm>>
    tpu.enqueue_dma source(%arg4 : memref<200x128xf32, #tpu.memory_space<vmem>>) target(%dma_start3A_675 : memref<200x128xf32, #tpu.memory_space<hbm>>) target_semaphore(%arg5 : memref<!tpu.dma_semaphore, #tpu.memory_space<semaphore_mem>>)
    %add3A_676 = arith.constant 22400 : i32
    %add3A_677 = arith.addi %mul3A_4, %add3A_676 : i32
    %dma_start3A_678 = arith.constant 0 : i32
    %dma_start3A_679 = tpu.memref_slice %arg3[%add3A_677, %dma_start3A_678] : memref<819200x128xf32, #tpu.memory_space<hbm>> -> memref<200x128xf32, #tpu.memory_space<hbm>>
    %dma_start3A_680 = arith.constant 0 : i32
    %dma_start3A_681 = tpu.memref_slice %arg3[%add3A_677, %dma_start3A_680] : memref<819200x128xf32, #tpu.memory_space<hbm>> -> memref<200x128xf32, #tpu.memory_space<hbm>>
    tpu.enqueue_dma source(%arg4 : memref<200x128xf32, #tpu.memory_space<vmem>>) target(%dma_start3A_681 : memref<200x128xf32, #tpu.memory_space<hbm>>) target_semaphore(%arg5 : memref<!tpu.dma_semaphore, #tpu.memory_space<semaphore_mem>>)
    %add3A_682 = arith.constant 22600 : i32
    %add3A_683 = arith.addi %mul3A_4, %add3A_682 : i32
    %dma_start3A_684 = arith.constant 0 : i32
    %dma_start3A_685 = tpu.memref_slice %arg3[%add3A_683, %dma_start3A_684] : memref<819200x128xf32, #tpu.memory_space<hbm>> -> memref<200x128xf32, #tpu.memory_space<hbm>>
    %dma_start3A_686 = arith.constant 0 : i32
    %dma_start3A_687 = tpu.memref_slice %arg3[%add3A_683, %dma_start3A_686] : memref<819200x128xf32, #tpu.memory_space<hbm>> -> memref<200x128xf32, #tpu.memory_space<hbm>>
    tpu.enqueue_dma source(%arg4 : memref<200x128xf32, #tpu.memory_space<vmem>>) target(%dma_start3A_687 : memref<200x128xf32, #tpu.memory_space<hbm>>) target_semaphore(%arg5 : memref<!tpu.dma_semaphore, #tpu.memory_space<semaphore_mem>>)
    %add3A_688 = arith.constant 22800 : i32
    %add3A_689 = arith.addi %mul3A_4, %add3A_688 : i32
    %dma_start3A_690 = arith.constant 0 : i32
    %dma_start3A_691 = tpu.memref_slice %arg3[%add3A_689, %dma_start3A_690] : memref<819200x128xf32, #tpu.memory_space<hbm>> -> memref<200x128xf32, #tpu.memory_space<hbm>>
    %dma_start3A_692 = arith.constant 0 : i32
    %dma_start3A_693 = tpu.memref_slice %arg3[%add3A_689, %dma_start3A_692] : memref<819200x128xf32, #tpu.memory_space<hbm>> -> memref<200x128xf32, #tpu.memory_space<hbm>>
    tpu.enqueue_dma source(%arg4 : memref<200x128xf32, #tpu.memory_space<vmem>>) target(%dma_start3A_693 : memref<200x128xf32, #tpu.memory_space<hbm>>) target_semaphore(%arg5 : memref<!tpu.dma_semaphore, #tpu.memory_space<semaphore_mem>>)
    %add3A_694 = arith.constant 23000 : i32
    %add3A_695 = arith.addi %mul3A_4, %add3A_694 : i32
    %dma_start3A_696 = arith.constant 0 : i32
    %dma_start3A_697 = tpu.memref_slice %arg3[%add3A_695, %dma_start3A_696] : memref<819200x128xf32, #tpu.memory_space<hbm>> -> memref<200x128xf32, #tpu.memory_space<hbm>>
    %dma_start3A_698 = arith.constant 0 : i32
    %dma_start3A_699 = tpu.memref_slice %arg3[%add3A_695, %dma_start3A_698] : memref<819200x128xf32, #tpu.memory_space<hbm>> -> memref<200x128xf32, #tpu.memory_space<hbm>>
    tpu.enqueue_dma source(%arg4 : memref<200x128xf32, #tpu.memory_space<vmem>>) target(%dma_start3A_699 : memref<200x128xf32, #tpu.memory_space<hbm>>) target_semaphore(%arg5 : memref<!tpu.dma_semaphore, #tpu.memory_space<semaphore_mem>>)
    %add3A_700 = arith.constant 23200 : i32
    %add3A_701 = arith.addi %mul3A_4, %add3A_700 : i32
    %dma_start3A_702 = arith.constant 0 : i32
    %dma_start3A_703 = tpu.memref_slice %arg3[%add3A_701, %dma_start3A_702] : memref<819200x128xf32, #tpu.memory_space<hbm>> -> memref<200x128xf32, #tpu.memory_space<hbm>>
    %dma_start3A_704 = arith.constant 0 : i32
    %dma_start3A_705 = tpu.memref_slice %arg3[%add3A_701, %dma_start3A_704] : memref<819200x128xf32, #tpu.memory_space<hbm>> -> memref<200x128xf32, #tpu.memory_space<hbm>>
    tpu.enqueue_dma source(%arg4 : memref<200x128xf32, #tpu.memory_space<vmem>>) target(%dma_start3A_705 : memref<200x128xf32, #tpu.memory_space<hbm>>) target_semaphore(%arg5 : memref<!tpu.dma_semaphore, #tpu.memory_space<semaphore_mem>>)
    %add3A_706 = arith.constant 23400 : i32
    %add3A_707 = arith.addi %mul3A_4, %add3A_706 : i32
    %dma_start3A_708 = arith.constant 0 : i32
    %dma_start3A_709 = tpu.memref_slice %arg3[%add3A_707, %dma_start3A_708] : memref<819200x128xf32, #tpu.memory_space<hbm>> -> memref<200x128xf32, #tpu.memory_space<hbm>>
    %dma_start3A_710 = arith.constant 0 : i32
    %dma_start3A_711 = tpu.memref_slice %arg3[%add3A_707, %dma_start3A_710] : memref<819200x128xf32, #tpu.memory_space<hbm>> -> memref<200x128xf32, #tpu.memory_space<hbm>>
    tpu.enqueue_dma source(%arg4 : memref<200x128xf32, #tpu.memory_space<vmem>>) target(%dma_start3A_711 : memref<200x128xf32, #tpu.memory_space<hbm>>) target_semaphore(%arg5 : memref<!tpu.dma_semaphore, #tpu.memory_space<semaphore_mem>>)
    %add3A_712 = arith.constant 23600 : i32
    %add3A_713 = arith.addi %mul3A_4, %add3A_712 : i32
    %dma_start3A_714 = arith.constant 0 : i32
    %dma_start3A_715 = tpu.memref_slice %arg3[%add3A_713, %dma_start3A_714] : memref<819200x128xf32, #tpu.memory_space<hbm>> -> memref<200x128xf32, #tpu.memory_space<hbm>>
    %dma_start3A_716 = arith.constant 0 : i32
    %dma_start3A_717 = tpu.memref_slice %arg3[%add3A_713, %dma_start3A_716] : memref<819200x128xf32, #tpu.memory_space<hbm>> -> memref<200x128xf32, #tpu.memory_space<hbm>>
    tpu.enqueue_dma source(%arg4 : memref<200x128xf32, #tpu.memory_space<vmem>>) target(%dma_start3A_717 : memref<200x128xf32, #tpu.memory_space<hbm>>) target_semaphore(%arg5 : memref<!tpu.dma_semaphore, #tpu.memory_space<semaphore_mem>>)
    %add3A_718 = arith.constant 23800 : i32
    %add3A_719 = arith.addi %mul3A_4, %add3A_718 : i32
    %dma_start3A_720 = arith.constant 0 : i32
    %dma_start3A_721 = tpu.memref_slice %arg3[%add3A_719, %dma_start3A_720] : memref<819200x128xf32, #tpu.memory_space<hbm>> -> memref<200x128xf32, #tpu.memory_space<hbm>>
    %dma_start3A_722 = arith.constant 0 : i32
    %dma_start3A_723 = tpu.memref_slice %arg3[%add3A_719, %dma_start3A_722] : memref<819200x128xf32, #tpu.memory_space<hbm>> -> memref<200x128xf32, #tpu.memory_space<hbm>>
    tpu.enqueue_dma source(%arg4 : memref<200x128xf32, #tpu.memory_space<vmem>>) target(%dma_start3A_723 : memref<200x128xf32, #tpu.memory_space<hbm>>) target_semaphore(%arg5 : memref<!tpu.dma_semaphore, #tpu.memory_space<semaphore_mem>>)
    %add3A_724 = arith.constant 24000 : i32
    %add3A_725 = arith.addi %mul3A_4, %add3A_724 : i32
    %dma_start3A_726 = arith.constant 0 : i32
    %dma_start3A_727 = tpu.memref_slice %arg3[%add3A_725, %dma_start3A_726] : memref<819200x128xf32, #tpu.memory_space<hbm>> -> memref<200x128xf32, #tpu.memory_space<hbm>>
    %dma_start3A_728 = arith.constant 0 : i32
    %dma_start3A_729 = tpu.memref_slice %arg3[%add3A_725, %dma_start3A_728] : memref<819200x128xf32, #tpu.memory_space<hbm>> -> memref<200x128xf32, #tpu.memory_space<hbm>>
    tpu.enqueue_dma source(%arg4 : memref<200x128xf32, #tpu.memory_space<vmem>>) target(%dma_start3A_729 : memref<200x128xf32, #tpu.memory_space<hbm>>) target_semaphore(%arg5 : memref<!tpu.dma_semaphore, #tpu.memory_space<semaphore_mem>>)
    %eq3A = arith.constant 1 : i32
    %eq3A_730 = arith.cmpi eq, %arg0, %eq3A : i32
    %convert_element_type3A = arith.extui %eq3A_730 : i1 to i32
    %cond3A = arith.constant 0 : i32
    %cond3A_731 = arith.cmpi ne, %convert_element_type3A, %cond3A : i32
    scf.if %cond3A_731 {
      %add3A_1462 = arith.constant 24200 : i32
      %add3A_1463 = arith.addi %mul3A_4, %add3A_1462 : i32
      %dma_start3A_1464 = arith.constant 0 : i32
      %dma_start3A_1465 = tpu.memref_slice %arg3[%add3A_1463, %dma_start3A_1464] : memref<819200x128xf32, #tpu.memory_space<hbm>> -> memref<200x128xf32, #tpu.memory_space<hbm>>
      %dma_start3A_1466 = arith.constant 0 : i32
      %dma_start3A_1467 = tpu.memref_slice %arg3[%add3A_1463, %dma_start3A_1466] : memref<819200x128xf32, #tpu.memory_space<hbm>> -> memref<200x128xf32, #tpu.memory_space<hbm>>
      tpu.enqueue_dma source(%arg4 : memref<200x128xf32, #tpu.memory_space<vmem>>) target(%dma_start3A_1467 : memref<200x128xf32, #tpu.memory_space<hbm>>) target_semaphore(%arg5 : memref<!tpu.dma_semaphore, #tpu.memory_space<semaphore_mem>>)
      %add3A_1468 = arith.constant 24400 : i32
      %add3A_1469 = arith.addi %mul3A_4, %add3A_1468 : i32
      %dma_start3A_1470 = arith.constant 0 : i32
      %dma_start3A_1471 = tpu.memref_slice %arg3[%add3A_1469, %dma_start3A_1470] : memref<819200x128xf32, #tpu.memory_space<hbm>> -> memref<200x128xf32, #tpu.memory_space<hbm>>
      %dma_start3A_1472 = arith.constant 0 : i32
      %dma_start3A_1473 = tpu.memref_slice %arg3[%add3A_1469, %dma_start3A_1472] : memref<819200x128xf32, #tpu.memory_space<hbm>> -> memref<200x128xf32, #tpu.memory_space<hbm>>
      tpu.enqueue_dma source(%arg4 : memref<200x128xf32, #tpu.memory_space<vmem>>) target(%dma_start3A_1473 : memref<200x128xf32, #tpu.memory_space<hbm>>) target_semaphore(%arg5 : memref<!tpu.dma_semaphore, #tpu.memory_space<semaphore_mem>>)
      %add3A_1474 = arith.constant 24600 : i32
      %add3A_1475 = arith.addi %mul3A_4, %add3A_1474 : i32
      %dma_start3A_1476 = arith.constant 0 : i32
      %dma_start3A_1477 = tpu.memref_slice %arg3[%add3A_1475, %dma_start3A_1476] : memref<819200x128xf32, #tpu.memory_space<hbm>> -> memref<200x128xf32, #tpu.memory_space<hbm>>
      %dma_start3A_1478 = arith.constant 0 : i32
      %dma_start3A_1479 = tpu.memref_slice %arg3[%add3A_1475, %dma_start3A_1478] : memref<819200x128xf32, #tpu.memory_space<hbm>> -> memref<200x128xf32, #tpu.memory_space<hbm>>
      tpu.enqueue_dma source(%arg4 : memref<200x128xf32, #tpu.memory_space<vmem>>) target(%dma_start3A_1479 : memref<200x128xf32, #tpu.memory_space<hbm>>) target_semaphore(%arg5 : memref<!tpu.dma_semaphore, #tpu.memory_space<semaphore_mem>>)
      %add3A_1480 = arith.constant 24800 : i32
      %add3A_1481 = arith.addi %mul3A_4, %add3A_1480 : i32
      %dma_start3A_1482 = arith.constant 0 : i32
      %dma_start3A_1483 = tpu.memref_slice %arg3[%add3A_1481, %dma_start3A_1482] : memref<819200x128xf32, #tpu.memory_space<hbm>> -> memref<200x128xf32, #tpu.memory_space<hbm>>
      %dma_start3A_1484 = arith.constant 0 : i32
      %dma_start3A_1485 = tpu.memref_slice %arg3[%add3A_1481, %dma_start3A_1484] : memref<819200x128xf32, #tpu.memory_space<hbm>> -> memref<200x128xf32, #tpu.memory_space<hbm>>
      tpu.enqueue_dma source(%arg4 : memref<200x128xf32, #tpu.memory_space<vmem>>) target(%dma_start3A_1485 : memref<200x128xf32, #tpu.memory_space<hbm>>) target_semaphore(%arg5 : memref<!tpu.dma_semaphore, #tpu.memory_space<semaphore_mem>>)
      %add3A_1486 = arith.constant 25000 : i32
      %add3A_1487 = arith.addi %mul3A_4, %add3A_1486 : i32
      %dma_start3A_1488 = arith.constant 0 : i32
      %dma_start3A_1489 = tpu.memref_slice %arg3[%add3A_1487, %dma_start3A_1488] : memref<819200x128xf32, #tpu.memory_space<hbm>> -> memref<200x128xf32, #tpu.memory_space<hbm>>
      %dma_start3A_1490 = arith.constant 0 : i32
      %dma_start3A_1491 = tpu.memref_slice %arg3[%add3A_1487, %dma_start3A_1490] : memref<819200x128xf32, #tpu.memory_space<hbm>> -> memref<200x128xf32, #tpu.memory_space<hbm>>
      tpu.enqueue_dma source(%arg4 : memref<200x128xf32, #tpu.memory_space<vmem>>) target(%dma_start3A_1491 : memref<200x128xf32, #tpu.memory_space<hbm>>) target_semaphore(%arg5 : memref<!tpu.dma_semaphore, #tpu.memory_space<semaphore_mem>>)
      %add3A_1492 = arith.constant 25200 : i32
      %add3A_1493 = arith.addi %mul3A_4, %add3A_1492 : i32
      %dma_start3A_1494 = arith.constant 0 : i32
      %dma_start3A_1495 = tpu.memref_slice %arg3[%add3A_1493, %dma_start3A_1494] : memref<819200x128xf32, #tpu.memory_space<hbm>> -> memref<200x128xf32, #tpu.memory_space<hbm>>
      %dma_start3A_1496 = arith.constant 0 : i32
      %dma_start3A_1497 = tpu.memref_slice %arg3[%add3A_1493, %dma_start3A_1496] : memref<819200x128xf32, #tpu.memory_space<hbm>> -> memref<200x128xf32, #tpu.memory_space<hbm>>
      tpu.enqueue_dma source(%arg4 : memref<200x128xf32, #tpu.memory_space<vmem>>) target(%dma_start3A_1497 : memref<200x128xf32, #tpu.memory_space<hbm>>) target_semaphore(%arg5 : memref<!tpu.dma_semaphore, #tpu.memory_space<semaphore_mem>>)
      %add3A_1498 = arith.constant 25400 : i32
      %add3A_1499 = arith.addi %mul3A_4, %add3A_1498 : i32
      %dma_start3A_1500 = arith.constant 0 : i32
      %dma_start3A_1501 = tpu.memref_slice %arg3[%add3A_1499, %dma_start3A_1500] : memref<819200x128xf32, #tpu.memory_space<hbm>> -> memref<200x128xf32, #tpu.memory_space<hbm>>
      %dma_start3A_1502 = arith.constant 0 : i32
      %dma_start3A_1503 = tpu.memref_slice %arg3[%add3A_1499, %dma_start3A_1502] : memref<819200x128xf32, #tpu.memory_space<hbm>> -> memref<200x128xf32, #tpu.memory_space<hbm>>
      tpu.enqueue_dma source(%arg4 : memref<200x128xf32, #tpu.memory_space<vmem>>) target(%dma_start3A_1503 : memref<200x128xf32, #tpu.memory_space<hbm>>) target_semaphore(%arg5 : memref<!tpu.dma_semaphore, #tpu.memory_space<semaphore_mem>>)
      %add3A_1504 = arith.constant 25600 : i32
      %add3A_1505 = arith.addi %mul3A_4, %add3A_1504 : i32
      %dma_start3A_1506 = arith.constant 0 : i32
      %dma_start3A_1507 = tpu.memref_slice %arg3[%add3A_1505, %dma_start3A_1506] : memref<819200x128xf32, #tpu.memory_space<hbm>> -> memref<200x128xf32, #tpu.memory_space<hbm>>
      %dma_start3A_1508 = arith.constant 0 : i32
      %dma_start3A_1509 = tpu.memref_slice %arg3[%add3A_1505, %dma_start3A_1508] : memref<819200x128xf32, #tpu.memory_space<hbm>> -> memref<200x128xf32, #tpu.memory_space<hbm>>
      tpu.enqueue_dma source(%arg4 : memref<200x128xf32, #tpu.memory_space<vmem>>) target(%dma_start3A_1509 : memref<200x128xf32, #tpu.memory_space<hbm>>) target_semaphore(%arg5 : memref<!tpu.dma_semaphore, #tpu.memory_space<semaphore_mem>>)
      %add3A_1510 = arith.constant 25800 : i32
      %add3A_1511 = arith.addi %mul3A_4, %add3A_1510 : i32
      %dma_start3A_1512 = arith.constant 0 : i32
      %dma_start3A_1513 = tpu.memref_slice %arg3[%add3A_1511, %dma_start3A_1512] : memref<819200x128xf32, #tpu.memory_space<hbm>> -> memref<200x128xf32, #tpu.memory_space<hbm>>
      %dma_start3A_1514 = arith.constant 0 : i32
      %dma_start3A_1515 = tpu.memref_slice %arg3[%add3A_1511, %dma_start3A_1514] : memref<819200x128xf32, #tpu.memory_space<hbm>> -> memref<200x128xf32, #tpu.memory_space<hbm>>
      tpu.enqueue_dma source(%arg4 : memref<200x128xf32, #tpu.memory_space<vmem>>) target(%dma_start3A_1515 : memref<200x128xf32, #tpu.memory_space<hbm>>) target_semaphore(%arg5 : memref<!tpu.dma_semaphore, #tpu.memory_space<semaphore_mem>>)
      %add3A_1516 = arith.constant 26000 : i32
      %add3A_1517 = arith.addi %mul3A_4, %add3A_1516 : i32
      %dma_start3A_1518 = arith.constant 0 : i32
      %dma_start3A_1519 = tpu.memref_slice %arg3[%add3A_1517, %dma_start3A_1518] : memref<819200x128xf32, #tpu.memory_space<hbm>> -> memref<200x128xf32, #tpu.memory_space<hbm>>
      %dma_start3A_1520 = arith.constant 0 : i32
      %dma_start3A_1521 = tpu.memref_slice %arg3[%add3A_1517, %dma_start3A_1520] : memref<819200x128xf32, #tpu.memory_space<hbm>> -> memref<200x128xf32, #tpu.memory_space<hbm>>
      tpu.enqueue_dma source(%arg4 : memref<200x128xf32, #tpu.memory_space<vmem>>) target(%dma_start3A_1521 : memref<200x128xf32, #tpu.memory_space<hbm>>) target_semaphore(%arg5 : memref<!tpu.dma_semaphore, #tpu.memory_space<semaphore_mem>>)
      %add3A_1522 = arith.constant 26200 : i32
      %add3A_1523 = arith.addi %mul3A_4, %add3A_1522 : i32
      %dma_start3A_1524 = arith.constant 0 : i32
      %dma_start3A_1525 = tpu.memref_slice %arg3[%add3A_1523, %dma_start3A_1524] : memref<819200x128xf32, #tpu.memory_space<hbm>> -> memref<200x128xf32, #tpu.memory_space<hbm>>
      %dma_start3A_1526 = arith.constant 0 : i32
      %dma_start3A_1527 = tpu.memref_slice %arg3[%add3A_1523, %dma_start3A_1526] : memref<819200x128xf32, #tpu.memory_space<hbm>> -> memref<200x128xf32, #tpu.memory_space<hbm>>
      tpu.enqueue_dma source(%arg4 : memref<200x128xf32, #tpu.memory_space<vmem>>) target(%dma_start3A_1527 : memref<200x128xf32, #tpu.memory_space<hbm>>) target_semaphore(%arg5 : memref<!tpu.dma_semaphore, #tpu.memory_space<semaphore_mem>>)
      %add3A_1528 = arith.constant 26400 : i32
      %add3A_1529 = arith.addi %mul3A_4, %add3A_1528 : i32
      %dma_start3A_1530 = arith.constant 0 : i32
      %dma_start3A_1531 = tpu.memref_slice %arg3[%add3A_1529, %dma_start3A_1530] : memref<819200x128xf32, #tpu.memory_space<hbm>> -> memref<200x128xf32, #tpu.memory_space<hbm>>
      %dma_start3A_1532 = arith.constant 0 : i32
      %dma_start3A_1533 = tpu.memref_slice %arg3[%add3A_1529, %dma_start3A_1532] : memref<819200x128xf32, #tpu.memory_space<hbm>> -> memref<200x128xf32, #tpu.memory_space<hbm>>
      tpu.enqueue_dma source(%arg4 : memref<200x128xf32, #tpu.memory_space<vmem>>) target(%dma_start3A_1533 : memref<200x128xf32, #tpu.memory_space<hbm>>) target_semaphore(%arg5 : memref<!tpu.dma_semaphore, #tpu.memory_space<semaphore_mem>>)
      %add3A_1534 = arith.constant 26600 : i32
      %add3A_1535 = arith.addi %mul3A_4, %add3A_1534 : i32
      %dma_start3A_1536 = arith.constant 0 : i32
      %dma_start3A_1537 = tpu.memref_slice %arg3[%add3A_1535, %dma_start3A_1536] : memref<819200x128xf32, #tpu.memory_space<hbm>> -> memref<200x128xf32, #tpu.memory_space<hbm>>
      %dma_start3A_1538 = arith.constant 0 : i32
      %dma_start3A_1539 = tpu.memref_slice %arg3[%add3A_1535, %dma_start3A_1538] : memref<819200x128xf32, #tpu.memory_space<hbm>> -> memref<200x128xf32, #tpu.memory_space<hbm>>
      tpu.enqueue_dma source(%arg4 : memref<200x128xf32, #tpu.memory_space<vmem>>) target(%dma_start3A_1539 : memref<200x128xf32, #tpu.memory_space<hbm>>) target_semaphore(%arg5 : memref<!tpu.dma_semaphore, #tpu.memory_space<semaphore_mem>>)
      %add3A_1540 = arith.constant 26800 : i32
      %add3A_1541 = arith.addi %mul3A_4, %add3A_1540 : i32
      %dma_start3A_1542 = arith.constant 0 : i32
      %dma_start3A_1543 = tpu.memref_slice %arg3[%add3A_1541, %dma_start3A_1542] : memref<819200x128xf32, #tpu.memory_space<hbm>> -> memref<200x128xf32, #tpu.memory_space<hbm>>
      %dma_start3A_1544 = arith.constant 0 : i32
      %dma_start3A_1545 = tpu.memref_slice %arg3[%add3A_1541, %dma_start3A_1544] : memref<819200x128xf32, #tpu.memory_space<hbm>> -> memref<200x128xf32, #tpu.memory_space<hbm>>
      tpu.enqueue_dma source(%arg4 : memref<200x128xf32, #tpu.memory_space<vmem>>) target(%dma_start3A_1545 : memref<200x128xf32, #tpu.memory_space<hbm>>) target_semaphore(%arg5 : memref<!tpu.dma_semaphore, #tpu.memory_space<semaphore_mem>>)
    } else {
    }
    %add3A_732 = arith.constant 0 : i32
    %add3A_733 = arith.addi %mul3A_4, %add3A_732 : i32
    %dma_wait3A = arith.constant 0 : i32
    %dma_wait3A_734 = tpu.memref_slice %arg3[%add3A_733, %dma_wait3A] : memref<819200x128xf32, #tpu.memory_space<hbm>> -> memref<200x128xf32, #tpu.memory_space<hbm>>
    %dma_wait3A_735 = arith.constant 0 : i32
    %dma_wait3A_736 = tpu.memref_slice %arg3[%add3A_733, %dma_wait3A_735] : memref<819200x128xf32, #tpu.memory_space<hbm>> -> memref<200x128xf32, #tpu.memory_space<hbm>>
    tpu.wait_dma2 semaphore(%arg5 : memref<!tpu.dma_semaphore, #tpu.memory_space<semaphore_mem>>) src(%arg4 : memref<200x128xf32, #tpu.memory_space<vmem>>) dst(%dma_wait3A_736 : memref<200x128xf32, #tpu.memory_space<hbm>>)
    %add3A_737 = arith.constant 200 : i32
    %add3A_738 = arith.addi %mul3A_4, %add3A_737 : i32
    %dma_wait3A_739 = arith.constant 0 : i32
    %dma_wait3A_740 = tpu.memref_slice %arg3[%add3A_738, %dma_wait3A_739] : memref<819200x128xf32, #tpu.memory_space<hbm>> -> memref<200x128xf32, #tpu.memory_space<hbm>>
    %dma_wait3A_741 = arith.constant 0 : i32
    %dma_wait3A_742 = tpu.memref_slice %arg3[%add3A_738, %dma_wait3A_741] : memref<819200x128xf32, #tpu.memory_space<hbm>> -> memref<200x128xf32, #tpu.memory_space<hbm>>
    tpu.wait_dma2 semaphore(%arg5 : memref<!tpu.dma_semaphore, #tpu.memory_space<semaphore_mem>>) src(%arg4 : memref<200x128xf32, #tpu.memory_space<vmem>>) dst(%dma_wait3A_742 : memref<200x128xf32, #tpu.memory_space<hbm>>)
    %add3A_743 = arith.constant 400 : i32
    %add3A_744 = arith.addi %mul3A_4, %add3A_743 : i32
    %dma_wait3A_745 = arith.constant 0 : i32
    %dma_wait3A_746 = tpu.memref_slice %arg3[%add3A_744, %dma_wait3A_745] : memref<819200x128xf32, #tpu.memory_space<hbm>> -> memref<200x128xf32, #tpu.memory_space<hbm>>
    %dma_wait3A_747 = arith.constant 0 : i32
    %dma_wait3A_748 = tpu.memref_slice %arg3[%add3A_744, %dma_wait3A_747] : memref<819200x128xf32, #tpu.memory_space<hbm>> -> memref<200x128xf32, #tpu.memory_space<hbm>>
    tpu.wait_dma2 semaphore(%arg5 : memref<!tpu.dma_semaphore, #tpu.memory_space<semaphore_mem>>) src(%arg4 : memref<200x128xf32, #tpu.memory_space<vmem>>) dst(%dma_wait3A_748 : memref<200x128xf32, #tpu.memory_space<hbm>>)
    %add3A_749 = arith.constant 600 : i32
    %add3A_750 = arith.addi %mul3A_4, %add3A_749 : i32
    %dma_wait3A_751 = arith.constant 0 : i32
    %dma_wait3A_752 = tpu.memref_slice %arg3[%add3A_750, %dma_wait3A_751] : memref<819200x128xf32, #tpu.memory_space<hbm>> -> memref<200x128xf32, #tpu.memory_space<hbm>>
    %dma_wait3A_753 = arith.constant 0 : i32
    %dma_wait3A_754 = tpu.memref_slice %arg3[%add3A_750, %dma_wait3A_753] : memref<819200x128xf32, #tpu.memory_space<hbm>> -> memref<200x128xf32, #tpu.memory_space<hbm>>
    tpu.wait_dma2 semaphore(%arg5 : memref<!tpu.dma_semaphore, #tpu.memory_space<semaphore_mem>>) src(%arg4 : memref<200x128xf32, #tpu.memory_space<vmem>>) dst(%dma_wait3A_754 : memref<200x128xf32, #tpu.memory_space<hbm>>)
    %add3A_755 = arith.constant 800 : i32
    %add3A_756 = arith.addi %mul3A_4, %add3A_755 : i32
    %dma_wait3A_757 = arith.constant 0 : i32
    %dma_wait3A_758 = tpu.memref_slice %arg3[%add3A_756, %dma_wait3A_757] : memref<819200x128xf32, #tpu.memory_space<hbm>> -> memref<200x128xf32, #tpu.memory_space<hbm>>
    %dma_wait3A_759 = arith.constant 0 : i32
    %dma_wait3A_760 = tpu.memref_slice %arg3[%add3A_756, %dma_wait3A_759] : memref<819200x128xf32, #tpu.memory_space<hbm>> -> memref<200x128xf32, #tpu.memory_space<hbm>>
    tpu.wait_dma2 semaphore(%arg5 : memref<!tpu.dma_semaphore, #tpu.memory_space<semaphore_mem>>) src(%arg4 : memref<200x128xf32, #tpu.memory_space<vmem>>) dst(%dma_wait3A_760 : memref<200x128xf32, #tpu.memory_space<hbm>>)
    %add3A_761 = arith.constant 1000 : i32
    %add3A_762 = arith.addi %mul3A_4, %add3A_761 : i32
    %dma_wait3A_763 = arith.constant 0 : i32
    %dma_wait3A_764 = tpu.memref_slice %arg3[%add3A_762, %dma_wait3A_763] : memref<819200x128xf32, #tpu.memory_space<hbm>> -> memref<200x128xf32, #tpu.memory_space<hbm>>
    %dma_wait3A_765 = arith.constant 0 : i32
    %dma_wait3A_766 = tpu.memref_slice %arg3[%add3A_762, %dma_wait3A_765] : memref<819200x128xf32, #tpu.memory_space<hbm>> -> memref<200x128xf32, #tpu.memory_space<hbm>>
    tpu.wait_dma2 semaphore(%arg5 : memref<!tpu.dma_semaphore, #tpu.memory_space<semaphore_mem>>) src(%arg4 : memref<200x128xf32, #tpu.memory_space<vmem>>) dst(%dma_wait3A_766 : memref<200x128xf32, #tpu.memory_space<hbm>>)
    %add3A_767 = arith.constant 1200 : i32
    %add3A_768 = arith.addi %mul3A_4, %add3A_767 : i32
    %dma_wait3A_769 = arith.constant 0 : i32
    %dma_wait3A_770 = tpu.memref_slice %arg3[%add3A_768, %dma_wait3A_769] : memref<819200x128xf32, #tpu.memory_space<hbm>> -> memref<200x128xf32, #tpu.memory_space<hbm>>
    %dma_wait3A_771 = arith.constant 0 : i32
    %dma_wait3A_772 = tpu.memref_slice %arg3[%add3A_768, %dma_wait3A_771] : memref<819200x128xf32, #tpu.memory_space<hbm>> -> memref<200x128xf32, #tpu.memory_space<hbm>>
    tpu.wait_dma2 semaphore(%arg5 : memref<!tpu.dma_semaphore, #tpu.memory_space<semaphore_mem>>) src(%arg4 : memref<200x128xf32, #tpu.memory_space<vmem>>) dst(%dma_wait3A_772 : memref<200x128xf32, #tpu.memory_space<hbm>>)
    %add3A_773 = arith.constant 1400 : i32
    %add3A_774 = arith.addi %mul3A_4, %add3A_773 : i32
    %dma_wait3A_775 = arith.constant 0 : i32
    %dma_wait3A_776 = tpu.memref_slice %arg3[%add3A_774, %dma_wait3A_775] : memref<819200x128xf32, #tpu.memory_space<hbm>> -> memref<200x128xf32, #tpu.memory_space<hbm>>
    %dma_wait3A_777 = arith.constant 0 : i32
    %dma_wait3A_778 = tpu.memref_slice %arg3[%add3A_774, %dma_wait3A_777] : memref<819200x128xf32, #tpu.memory_space<hbm>> -> memref<200x128xf32, #tpu.memory_space<hbm>>
    tpu.wait_dma2 semaphore(%arg5 : memref<!tpu.dma_semaphore, #tpu.memory_space<semaphore_mem>>) src(%arg4 : memref<200x128xf32, #tpu.memory_space<vmem>>) dst(%dma_wait3A_778 : memref<200x128xf32, #tpu.memory_space<hbm>>)
    %add3A_779 = arith.constant 1600 : i32
    %add3A_780 = arith.addi %mul3A_4, %add3A_779 : i32
    %dma_wait3A_781 = arith.constant 0 : i32
    %dma_wait3A_782 = tpu.memref_slice %arg3[%add3A_780, %dma_wait3A_781] : memref<819200x128xf32, #tpu.memory_space<hbm>> -> memref<200x128xf32, #tpu.memory_space<hbm>>
    %dma_wait3A_783 = arith.constant 0 : i32
    %dma_wait3A_784 = tpu.memref_slice %arg3[%add3A_780, %dma_wait3A_783] : memref<819200x128xf32, #tpu.memory_space<hbm>> -> memref<200x128xf32, #tpu.memory_space<hbm>>
    tpu.wait_dma2 semaphore(%arg5 : memref<!tpu.dma_semaphore, #tpu.memory_space<semaphore_mem>>) src(%arg4 : memref<200x128xf32, #tpu.memory_space<vmem>>) dst(%dma_wait3A_784 : memref<200x128xf32, #tpu.memory_space<hbm>>)
    %add3A_785 = arith.constant 1800 : i32
    %add3A_786 = arith.addi %mul3A_4, %add3A_785 : i32
    %dma_wait3A_787 = arith.constant 0 : i32
    %dma_wait3A_788 = tpu.memref_slice %arg3[%add3A_786, %dma_wait3A_787] : memref<819200x128xf32, #tpu.memory_space<hbm>> -> memref<200x128xf32, #tpu.memory_space<hbm>>
    %dma_wait3A_789 = arith.constant 0 : i32
    %dma_wait3A_790 = tpu.memref_slice %arg3[%add3A_786, %dma_wait3A_789] : memref<819200x128xf32, #tpu.memory_space<hbm>> -> memref<200x128xf32, #tpu.memory_space<hbm>>
    tpu.wait_dma2 semaphore(%arg5 : memref<!tpu.dma_semaphore, #tpu.memory_space<semaphore_mem>>) src(%arg4 : memref<200x128xf32, #tpu.memory_space<vmem>>) dst(%dma_wait3A_790 : memref<200x128xf32, #tpu.memory_space<hbm>>)
    %add3A_791 = arith.constant 2000 : i32
    %add3A_792 = arith.addi %mul3A_4, %add3A_791 : i32
    %dma_wait3A_793 = arith.constant 0 : i32
    %dma_wait3A_794 = tpu.memref_slice %arg3[%add3A_792, %dma_wait3A_793] : memref<819200x128xf32, #tpu.memory_space<hbm>> -> memref<200x128xf32, #tpu.memory_space<hbm>>
    %dma_wait3A_795 = arith.constant 0 : i32
    %dma_wait3A_796 = tpu.memref_slice %arg3[%add3A_792, %dma_wait3A_795] : memref<819200x128xf32, #tpu.memory_space<hbm>> -> memref<200x128xf32, #tpu.memory_space<hbm>>
    tpu.wait_dma2 semaphore(%arg5 : memref<!tpu.dma_semaphore, #tpu.memory_space<semaphore_mem>>) src(%arg4 : memref<200x128xf32, #tpu.memory_space<vmem>>) dst(%dma_wait3A_796 : memref<200x128xf32, #tpu.memory_space<hbm>>)
    %add3A_797 = arith.constant 2200 : i32
    %add3A_798 = arith.addi %mul3A_4, %add3A_797 : i32
    %dma_wait3A_799 = arith.constant 0 : i32
    %dma_wait3A_800 = tpu.memref_slice %arg3[%add3A_798, %dma_wait3A_799] : memref<819200x128xf32, #tpu.memory_space<hbm>> -> memref<200x128xf32, #tpu.memory_space<hbm>>
    %dma_wait3A_801 = arith.constant 0 : i32
    %dma_wait3A_802 = tpu.memref_slice %arg3[%add3A_798, %dma_wait3A_801] : memref<819200x128xf32, #tpu.memory_space<hbm>> -> memref<200x128xf32, #tpu.memory_space<hbm>>
    tpu.wait_dma2 semaphore(%arg5 : memref<!tpu.dma_semaphore, #tpu.memory_space<semaphore_mem>>) src(%arg4 : memref<200x128xf32, #tpu.memory_space<vmem>>) dst(%dma_wait3A_802 : memref<200x128xf32, #tpu.memory_space<hbm>>)
    %add3A_803 = arith.constant 2400 : i32
    %add3A_804 = arith.addi %mul3A_4, %add3A_803 : i32
    %dma_wait3A_805 = arith.constant 0 : i32
    %dma_wait3A_806 = tpu.memref_slice %arg3[%add3A_804, %dma_wait3A_805] : memref<819200x128xf32, #tpu.memory_space<hbm>> -> memref<200x128xf32, #tpu.memory_space<hbm>>
    %dma_wait3A_807 = arith.constant 0 : i32
    %dma_wait3A_808 = tpu.memref_slice %arg3[%add3A_804, %dma_wait3A_807] : memref<819200x128xf32, #tpu.memory_space<hbm>> -> memref<200x128xf32, #tpu.memory_space<hbm>>
    tpu.wait_dma2 semaphore(%arg5 : memref<!tpu.dma_semaphore, #tpu.memory_space<semaphore_mem>>) src(%arg4 : memref<200x128xf32, #tpu.memory_space<vmem>>) dst(%dma_wait3A_808 : memref<200x128xf32, #tpu.memory_space<hbm>>)
    %add3A_809 = arith.constant 2600 : i32
    %add3A_810 = arith.addi %mul3A_4, %add3A_809 : i32
    %dma_wait3A_811 = arith.constant 0 : i32
    %dma_wait3A_812 = tpu.memref_slice %arg3[%add3A_810, %dma_wait3A_811] : memref<819200x128xf32, #tpu.memory_space<hbm>> -> memref<200x128xf32, #tpu.memory_space<hbm>>
    %dma_wait3A_813 = arith.constant 0 : i32
    %dma_wait3A_814 = tpu.memref_slice %arg3[%add3A_810, %dma_wait3A_813] : memref<819200x128xf32, #tpu.memory_space<hbm>> -> memref<200x128xf32, #tpu.memory_space<hbm>>
    tpu.wait_dma2 semaphore(%arg5 : memref<!tpu.dma_semaphore, #tpu.memory_space<semaphore_mem>>) src(%arg4 : memref<200x128xf32, #tpu.memory_space<vmem>>) dst(%dma_wait3A_814 : memref<200x128xf32, #tpu.memory_space<hbm>>)
    %add3A_815 = arith.constant 2800 : i32
    %add3A_816 = arith.addi %mul3A_4, %add3A_815 : i32
    %dma_wait3A_817 = arith.constant 0 : i32
    %dma_wait3A_818 = tpu.memref_slice %arg3[%add3A_816, %dma_wait3A_817] : memref<819200x128xf32, #tpu.memory_space<hbm>> -> memref<200x128xf32, #tpu.memory_space<hbm>>
    %dma_wait3A_819 = arith.constant 0 : i32
    %dma_wait3A_820 = tpu.memref_slice %arg3[%add3A_816, %dma_wait3A_819] : memref<819200x128xf32, #tpu.memory_space<hbm>> -> memref<200x128xf32, #tpu.memory_space<hbm>>
    tpu.wait_dma2 semaphore(%arg5 : memref<!tpu.dma_semaphore, #tpu.memory_space<semaphore_mem>>) src(%arg4 : memref<200x128xf32, #tpu.memory_space<vmem>>) dst(%dma_wait3A_820 : memref<200x128xf32, #tpu.memory_space<hbm>>)
    %add3A_821 = arith.constant 3000 : i32
    %add3A_822 = arith.addi %mul3A_4, %add3A_821 : i32
    %dma_wait3A_823 = arith.constant 0 : i32
    %dma_wait3A_824 = tpu.memref_slice %arg3[%add3A_822, %dma_wait3A_823] : memref<819200x128xf32, #tpu.memory_space<hbm>> -> memref<200x128xf32, #tpu.memory_space<hbm>>
    %dma_wait3A_825 = arith.constant 0 : i32
    %dma_wait3A_826 = tpu.memref_slice %arg3[%add3A_822, %dma_wait3A_825] : memref<819200x128xf32, #tpu.memory_space<hbm>> -> memref<200x128xf32, #tpu.memory_space<hbm>>
    tpu.wait_dma2 semaphore(%arg5 : memref<!tpu.dma_semaphore, #tpu.memory_space<semaphore_mem>>) src(%arg4 : memref<200x128xf32, #tpu.memory_space<vmem>>) dst(%dma_wait3A_826 : memref<200x128xf32, #tpu.memory_space<hbm>>)
    %add3A_827 = arith.constant 3200 : i32
    %add3A_828 = arith.addi %mul3A_4, %add3A_827 : i32
    %dma_wait3A_829 = arith.constant 0 : i32
    %dma_wait3A_830 = tpu.memref_slice %arg3[%add3A_828, %dma_wait3A_829] : memref<819200x128xf32, #tpu.memory_space<hbm>> -> memref<200x128xf32, #tpu.memory_space<hbm>>
    %dma_wait3A_831 = arith.constant 0 : i32
    %dma_wait3A_832 = tpu.memref_slice %arg3[%add3A_828, %dma_wait3A_831] : memref<819200x128xf32, #tpu.memory_space<hbm>> -> memref<200x128xf32, #tpu.memory_space<hbm>>
    tpu.wait_dma2 semaphore(%arg5 : memref<!tpu.dma_semaphore, #tpu.memory_space<semaphore_mem>>) src(%arg4 : memref<200x128xf32, #tpu.memory_space<vmem>>) dst(%dma_wait3A_832 : memref<200x128xf32, #tpu.memory_space<hbm>>)
    %add3A_833 = arith.constant 3400 : i32
    %add3A_834 = arith.addi %mul3A_4, %add3A_833 : i32
    %dma_wait3A_835 = arith.constant 0 : i32
    %dma_wait3A_836 = tpu.memref_slice %arg3[%add3A_834, %dma_wait3A_835] : memref<819200x128xf32, #tpu.memory_space<hbm>> -> memref<200x128xf32, #tpu.memory_space<hbm>>
    %dma_wait3A_837 = arith.constant 0 : i32
    %dma_wait3A_838 = tpu.memref_slice %arg3[%add3A_834, %dma_wait3A_837] : memref<819200x128xf32, #tpu.memory_space<hbm>> -> memref<200x128xf32, #tpu.memory_space<hbm>>
    tpu.wait_dma2 semaphore(%arg5 : memref<!tpu.dma_semaphore, #tpu.memory_space<semaphore_mem>>) src(%arg4 : memref<200x128xf32, #tpu.memory_space<vmem>>) dst(%dma_wait3A_838 : memref<200x128xf32, #tpu.memory_space<hbm>>)
    %add3A_839 = arith.constant 3600 : i32
    %add3A_840 = arith.addi %mul3A_4, %add3A_839 : i32
    %dma_wait3A_841 = arith.constant 0 : i32
    %dma_wait3A_842 = tpu.memref_slice %arg3[%add3A_840, %dma_wait3A_841] : memref<819200x128xf32, #tpu.memory_space<hbm>> -> memref<200x128xf32, #tpu.memory_space<hbm>>
    %dma_wait3A_843 = arith.constant 0 : i32
    %dma_wait3A_844 = tpu.memref_slice %arg3[%add3A_840, %dma_wait3A_843] : memref<819200x128xf32, #tpu.memory_space<hbm>> -> memref<200x128xf32, #tpu.memory_space<hbm>>
    tpu.wait_dma2 semaphore(%arg5 : memref<!tpu.dma_semaphore, #tpu.memory_space<semaphore_mem>>) src(%arg4 : memref<200x128xf32, #tpu.memory_space<vmem>>) dst(%dma_wait3A_844 : memref<200x128xf32, #tpu.memory_space<hbm>>)
    %add3A_845 = arith.constant 3800 : i32
    %add3A_846 = arith.addi %mul3A_4, %add3A_845 : i32
    %dma_wait3A_847 = arith.constant 0 : i32
    %dma_wait3A_848 = tpu.memref_slice %arg3[%add3A_846, %dma_wait3A_847] : memref<819200x128xf32, #tpu.memory_space<hbm>> -> memref<200x128xf32, #tpu.memory_space<hbm>>
    %dma_wait3A_849 = arith.constant 0 : i32
    %dma_wait3A_850 = tpu.memref_slice %arg3[%add3A_846, %dma_wait3A_849] : memref<819200x128xf32, #tpu.memory_space<hbm>> -> memref<200x128xf32, #tpu.memory_space<hbm>>
    tpu.wait_dma2 semaphore(%arg5 : memref<!tpu.dma_semaphore, #tpu.memory_space<semaphore_mem>>) src(%arg4 : memref<200x128xf32, #tpu.memory_space<vmem>>) dst(%dma_wait3A_850 : memref<200x128xf32, #tpu.memory_space<hbm>>)
    %add3A_851 = arith.constant 4000 : i32
    %add3A_852 = arith.addi %mul3A_4, %add3A_851 : i32
    %dma_wait3A_853 = arith.constant 0 : i32
    %dma_wait3A_854 = tpu.memref_slice %arg3[%add3A_852, %dma_wait3A_853] : memref<819200x128xf32, #tpu.memory_space<hbm>> -> memref<200x128xf32, #tpu.memory_space<hbm>>
    %dma_wait3A_855 = arith.constant 0 : i32
    %dma_wait3A_856 = tpu.memref_slice %arg3[%add3A_852, %dma_wait3A_855] : memref<819200x128xf32, #tpu.memory_space<hbm>> -> memref<200x128xf32, #tpu.memory_space<hbm>>
    tpu.wait_dma2 semaphore(%arg5 : memref<!tpu.dma_semaphore, #tpu.memory_space<semaphore_mem>>) src(%arg4 : memref<200x128xf32, #tpu.memory_space<vmem>>) dst(%dma_wait3A_856 : memref<200x128xf32, #tpu.memory_space<hbm>>)
    %add3A_857 = arith.constant 4200 : i32
    %add3A_858 = arith.addi %mul3A_4, %add3A_857 : i32
    %dma_wait3A_859 = arith.constant 0 : i32
    %dma_wait3A_860 = tpu.memref_slice %arg3[%add3A_858, %dma_wait3A_859] : memref<819200x128xf32, #tpu.memory_space<hbm>> -> memref<200x128xf32, #tpu.memory_space<hbm>>
    %dma_wait3A_861 = arith.constant 0 : i32
    %dma_wait3A_862 = tpu.memref_slice %arg3[%add3A_858, %dma_wait3A_861] : memref<819200x128xf32, #tpu.memory_space<hbm>> -> memref<200x128xf32, #tpu.memory_space<hbm>>
    tpu.wait_dma2 semaphore(%arg5 : memref<!tpu.dma_semaphore, #tpu.memory_space<semaphore_mem>>) src(%arg4 : memref<200x128xf32, #tpu.memory_space<vmem>>) dst(%dma_wait3A_862 : memref<200x128xf32, #tpu.memory_space<hbm>>)
    %add3A_863 = arith.constant 4400 : i32
    %add3A_864 = arith.addi %mul3A_4, %add3A_863 : i32
    %dma_wait3A_865 = arith.constant 0 : i32
    %dma_wait3A_866 = tpu.memref_slice %arg3[%add3A_864, %dma_wait3A_865] : memref<819200x128xf32, #tpu.memory_space<hbm>> -> memref<200x128xf32, #tpu.memory_space<hbm>>
    %dma_wait3A_867 = arith.constant 0 : i32
    %dma_wait3A_868 = tpu.memref_slice %arg3[%add3A_864, %dma_wait3A_867] : memref<819200x128xf32, #tpu.memory_space<hbm>> -> memref<200x128xf32, #tpu.memory_space<hbm>>
    tpu.wait_dma2 semaphore(%arg5 : memref<!tpu.dma_semaphore, #tpu.memory_space<semaphore_mem>>) src(%arg4 : memref<200x128xf32, #tpu.memory_space<vmem>>) dst(%dma_wait3A_868 : memref<200x128xf32, #tpu.memory_space<hbm>>)
    %add3A_869 = arith.constant 4600 : i32
    %add3A_870 = arith.addi %mul3A_4, %add3A_869 : i32
    %dma_wait3A_871 = arith.constant 0 : i32
    %dma_wait3A_872 = tpu.memref_slice %arg3[%add3A_870, %dma_wait3A_871] : memref<819200x128xf32, #tpu.memory_space<hbm>> -> memref<200x128xf32, #tpu.memory_space<hbm>>
    %dma_wait3A_873 = arith.constant 0 : i32
    %dma_wait3A_874 = tpu.memref_slice %arg3[%add3A_870, %dma_wait3A_873] : memref<819200x128xf32, #tpu.memory_space<hbm>> -> memref<200x128xf32, #tpu.memory_space<hbm>>
    tpu.wait_dma2 semaphore(%arg5 : memref<!tpu.dma_semaphore, #tpu.memory_space<semaphore_mem>>) src(%arg4 : memref<200x128xf32, #tpu.memory_space<vmem>>) dst(%dma_wait3A_874 : memref<200x128xf32, #tpu.memory_space<hbm>>)
    %add3A_875 = arith.constant 4800 : i32
    %add3A_876 = arith.addi %mul3A_4, %add3A_875 : i32
    %dma_wait3A_877 = arith.constant 0 : i32
    %dma_wait3A_878 = tpu.memref_slice %arg3[%add3A_876, %dma_wait3A_877] : memref<819200x128xf32, #tpu.memory_space<hbm>> -> memref<200x128xf32, #tpu.memory_space<hbm>>
    %dma_wait3A_879 = arith.constant 0 : i32
    %dma_wait3A_880 = tpu.memref_slice %arg3[%add3A_876, %dma_wait3A_879] : memref<819200x128xf32, #tpu.memory_space<hbm>> -> memref<200x128xf32, #tpu.memory_space<hbm>>
    tpu.wait_dma2 semaphore(%arg5 : memref<!tpu.dma_semaphore, #tpu.memory_space<semaphore_mem>>) src(%arg4 : memref<200x128xf32, #tpu.memory_space<vmem>>) dst(%dma_wait3A_880 : memref<200x128xf32, #tpu.memory_space<hbm>>)
    %add3A_881 = arith.constant 5000 : i32
    %add3A_882 = arith.addi %mul3A_4, %add3A_881 : i32
    %dma_wait3A_883 = arith.constant 0 : i32
    %dma_wait3A_884 = tpu.memref_slice %arg3[%add3A_882, %dma_wait3A_883] : memref<819200x128xf32, #tpu.memory_space<hbm>> -> memref<200x128xf32, #tpu.memory_space<hbm>>
    %dma_wait3A_885 = arith.constant 0 : i32
    %dma_wait3A_886 = tpu.memref_slice %arg3[%add3A_882, %dma_wait3A_885] : memref<819200x128xf32, #tpu.memory_space<hbm>> -> memref<200x128xf32, #tpu.memory_space<hbm>>
    tpu.wait_dma2 semaphore(%arg5 : memref<!tpu.dma_semaphore, #tpu.memory_space<semaphore_mem>>) src(%arg4 : memref<200x128xf32, #tpu.memory_space<vmem>>) dst(%dma_wait3A_886 : memref<200x128xf32, #tpu.memory_space<hbm>>)
    %add3A_887 = arith.constant 5200 : i32
    %add3A_888 = arith.addi %mul3A_4, %add3A_887 : i32
    %dma_wait3A_889 = arith.constant 0 : i32
    %dma_wait3A_890 = tpu.memref_slice %arg3[%add3A_888, %dma_wait3A_889] : memref<819200x128xf32, #tpu.memory_space<hbm>> -> memref<200x128xf32, #tpu.memory_space<hbm>>
    %dma_wait3A_891 = arith.constant 0 : i32
    %dma_wait3A_892 = tpu.memref_slice %arg3[%add3A_888, %dma_wait3A_891] : memref<819200x128xf32, #tpu.memory_space<hbm>> -> memref<200x128xf32, #tpu.memory_space<hbm>>
    tpu.wait_dma2 semaphore(%arg5 : memref<!tpu.dma_semaphore, #tpu.memory_space<semaphore_mem>>) src(%arg4 : memref<200x128xf32, #tpu.memory_space<vmem>>) dst(%dma_wait3A_892 : memref<200x128xf32, #tpu.memory_space<hbm>>)
    %add3A_893 = arith.constant 5400 : i32
    %add3A_894 = arith.addi %mul3A_4, %add3A_893 : i32
    %dma_wait3A_895 = arith.constant 0 : i32
    %dma_wait3A_896 = tpu.memref_slice %arg3[%add3A_894, %dma_wait3A_895] : memref<819200x128xf32, #tpu.memory_space<hbm>> -> memref<200x128xf32, #tpu.memory_space<hbm>>
    %dma_wait3A_897 = arith.constant 0 : i32
    %dma_wait3A_898 = tpu.memref_slice %arg3[%add3A_894, %dma_wait3A_897] : memref<819200x128xf32, #tpu.memory_space<hbm>> -> memref<200x128xf32, #tpu.memory_space<hbm>>
    tpu.wait_dma2 semaphore(%arg5 : memref<!tpu.dma_semaphore, #tpu.memory_space<semaphore_mem>>) src(%arg4 : memref<200x128xf32, #tpu.memory_space<vmem>>) dst(%dma_wait3A_898 : memref<200x128xf32, #tpu.memory_space<hbm>>)
    %add3A_899 = arith.constant 5600 : i32
    %add3A_900 = arith.addi %mul3A_4, %add3A_899 : i32
    %dma_wait3A_901 = arith.constant 0 : i32
    %dma_wait3A_902 = tpu.memref_slice %arg3[%add3A_900, %dma_wait3A_901] : memref<819200x128xf32, #tpu.memory_space<hbm>> -> memref<200x128xf32, #tpu.memory_space<hbm>>
    %dma_wait3A_903 = arith.constant 0 : i32
    %dma_wait3A_904 = tpu.memref_slice %arg3[%add3A_900, %dma_wait3A_903] : memref<819200x128xf32, #tpu.memory_space<hbm>> -> memref<200x128xf32, #tpu.memory_space<hbm>>
    tpu.wait_dma2 semaphore(%arg5 : memref<!tpu.dma_semaphore, #tpu.memory_space<semaphore_mem>>) src(%arg4 : memref<200x128xf32, #tpu.memory_space<vmem>>) dst(%dma_wait3A_904 : memref<200x128xf32, #tpu.memory_space<hbm>>)
    %add3A_905 = arith.constant 5800 : i32
    %add3A_906 = arith.addi %mul3A_4, %add3A_905 : i32
    %dma_wait3A_907 = arith.constant 0 : i32
    %dma_wait3A_908 = tpu.memref_slice %arg3[%add3A_906, %dma_wait3A_907] : memref<819200x128xf32, #tpu.memory_space<hbm>> -> memref<200x128xf32, #tpu.memory_space<hbm>>
    %dma_wait3A_909 = arith.constant 0 : i32
    %dma_wait3A_910 = tpu.memref_slice %arg3[%add3A_906, %dma_wait3A_909] : memref<819200x128xf32, #tpu.memory_space<hbm>> -> memref<200x128xf32, #tpu.memory_space<hbm>>
    tpu.wait_dma2 semaphore(%arg5 : memref<!tpu.dma_semaphore, #tpu.memory_space<semaphore_mem>>) src(%arg4 : memref<200x128xf32, #tpu.memory_space<vmem>>) dst(%dma_wait3A_910 : memref<200x128xf32, #tpu.memory_space<hbm>>)
    %add3A_911 = arith.constant 6000 : i32
    %add3A_912 = arith.addi %mul3A_4, %add3A_911 : i32
    %dma_wait3A_913 = arith.constant 0 : i32
    %dma_wait3A_914 = tpu.memref_slice %arg3[%add3A_912, %dma_wait3A_913] : memref<819200x128xf32, #tpu.memory_space<hbm>> -> memref<200x128xf32, #tpu.memory_space<hbm>>
    %dma_wait3A_915 = arith.constant 0 : i32
    %dma_wait3A_916 = tpu.memref_slice %arg3[%add3A_912, %dma_wait3A_915] : memref<819200x128xf32, #tpu.memory_space<hbm>> -> memref<200x128xf32, #tpu.memory_space<hbm>>
    tpu.wait_dma2 semaphore(%arg5 : memref<!tpu.dma_semaphore, #tpu.memory_space<semaphore_mem>>) src(%arg4 : memref<200x128xf32, #tpu.memory_space<vmem>>) dst(%dma_wait3A_916 : memref<200x128xf32, #tpu.memory_space<hbm>>)
    %add3A_917 = arith.constant 6200 : i32
    %add3A_918 = arith.addi %mul3A_4, %add3A_917 : i32
    %dma_wait3A_919 = arith.constant 0 : i32
    %dma_wait3A_920 = tpu.memref_slice %arg3[%add3A_918, %dma_wait3A_919] : memref<819200x128xf32, #tpu.memory_space<hbm>> -> memref<200x128xf32, #tpu.memory_space<hbm>>
    %dma_wait3A_921 = arith.constant 0 : i32
    %dma_wait3A_922 = tpu.memref_slice %arg3[%add3A_918, %dma_wait3A_921] : memref<819200x128xf32, #tpu.memory_space<hbm>> -> memref<200x128xf32, #tpu.memory_space<hbm>>
    tpu.wait_dma2 semaphore(%arg5 : memref<!tpu.dma_semaphore, #tpu.memory_space<semaphore_mem>>) src(%arg4 : memref<200x128xf32, #tpu.memory_space<vmem>>) dst(%dma_wait3A_922 : memref<200x128xf32, #tpu.memory_space<hbm>>)
    %add3A_923 = arith.constant 6400 : i32
    %add3A_924 = arith.addi %mul3A_4, %add3A_923 : i32
    %dma_wait3A_925 = arith.constant 0 : i32
    %dma_wait3A_926 = tpu.memref_slice %arg3[%add3A_924, %dma_wait3A_925] : memref<819200x128xf32, #tpu.memory_space<hbm>> -> memref<200x128xf32, #tpu.memory_space<hbm>>
    %dma_wait3A_927 = arith.constant 0 : i32
    %dma_wait3A_928 = tpu.memref_slice %arg3[%add3A_924, %dma_wait3A_927] : memref<819200x128xf32, #tpu.memory_space<hbm>> -> memref<200x128xf32, #tpu.memory_space<hbm>>
    tpu.wait_dma2 semaphore(%arg5 : memref<!tpu.dma_semaphore, #tpu.memory_space<semaphore_mem>>) src(%arg4 : memref<200x128xf32, #tpu.memory_space<vmem>>) dst(%dma_wait3A_928 : memref<200x128xf32, #tpu.memory_space<hbm>>)
    %add3A_929 = arith.constant 6600 : i32
    %add3A_930 = arith.addi %mul3A_4, %add3A_929 : i32
    %dma_wait3A_931 = arith.constant 0 : i32
    %dma_wait3A_932 = tpu.memref_slice %arg3[%add3A_930, %dma_wait3A_931] : memref<819200x128xf32, #tpu.memory_space<hbm>> -> memref<200x128xf32, #tpu.memory_space<hbm>>
    %dma_wait3A_933 = arith.constant 0 : i32
    %dma_wait3A_934 = tpu.memref_slice %arg3[%add3A_930, %dma_wait3A_933] : memref<819200x128xf32, #tpu.memory_space<hbm>> -> memref<200x128xf32, #tpu.memory_space<hbm>>
    tpu.wait_dma2 semaphore(%arg5 : memref<!tpu.dma_semaphore, #tpu.memory_space<semaphore_mem>>) src(%arg4 : memref<200x128xf32, #tpu.memory_space<vmem>>) dst(%dma_wait3A_934 : memref<200x128xf32, #tpu.memory_space<hbm>>)
    %add3A_935 = arith.constant 6800 : i32
    %add3A_936 = arith.addi %mul3A_4, %add3A_935 : i32
    %dma_wait3A_937 = arith.constant 0 : i32
    %dma_wait3A_938 = tpu.memref_slice %arg3[%add3A_936, %dma_wait3A_937] : memref<819200x128xf32, #tpu.memory_space<hbm>> -> memref<200x128xf32, #tpu.memory_space<hbm>>
    %dma_wait3A_939 = arith.constant 0 : i32
    %dma_wait3A_940 = tpu.memref_slice %arg3[%add3A_936, %dma_wait3A_939] : memref<819200x128xf32, #tpu.memory_space<hbm>> -> memref<200x128xf32, #tpu.memory_space<hbm>>
    tpu.wait_dma2 semaphore(%arg5 : memref<!tpu.dma_semaphore, #tpu.memory_space<semaphore_mem>>) src(%arg4 : memref<200x128xf32, #tpu.memory_space<vmem>>) dst(%dma_wait3A_940 : memref<200x128xf32, #tpu.memory_space<hbm>>)
    %add3A_941 = arith.constant 7000 : i32
    %add3A_942 = arith.addi %mul3A_4, %add3A_941 : i32
    %dma_wait3A_943 = arith.constant 0 : i32
    %dma_wait3A_944 = tpu.memref_slice %arg3[%add3A_942, %dma_wait3A_943] : memref<819200x128xf32, #tpu.memory_space<hbm>> -> memref<200x128xf32, #tpu.memory_space<hbm>>
    %dma_wait3A_945 = arith.constant 0 : i32
    %dma_wait3A_946 = tpu.memref_slice %arg3[%add3A_942, %dma_wait3A_945] : memref<819200x128xf32, #tpu.memory_space<hbm>> -> memref<200x128xf32, #tpu.memory_space<hbm>>
    tpu.wait_dma2 semaphore(%arg5 : memref<!tpu.dma_semaphore, #tpu.memory_space<semaphore_mem>>) src(%arg4 : memref<200x128xf32, #tpu.memory_space<vmem>>) dst(%dma_wait3A_946 : memref<200x128xf32, #tpu.memory_space<hbm>>)
    %add3A_947 = arith.constant 7200 : i32
    %add3A_948 = arith.addi %mul3A_4, %add3A_947 : i32
    %dma_wait3A_949 = arith.constant 0 : i32
    %dma_wait3A_950 = tpu.memref_slice %arg3[%add3A_948, %dma_wait3A_949] : memref<819200x128xf32, #tpu.memory_space<hbm>> -> memref<200x128xf32, #tpu.memory_space<hbm>>
    %dma_wait3A_951 = arith.constant 0 : i32
    %dma_wait3A_952 = tpu.memref_slice %arg3[%add3A_948, %dma_wait3A_951] : memref<819200x128xf32, #tpu.memory_space<hbm>> -> memref<200x128xf32, #tpu.memory_space<hbm>>
    tpu.wait_dma2 semaphore(%arg5 : memref<!tpu.dma_semaphore, #tpu.memory_space<semaphore_mem>>) src(%arg4 : memref<200x128xf32, #tpu.memory_space<vmem>>) dst(%dma_wait3A_952 : memref<200x128xf32, #tpu.memory_space<hbm>>)
    %add3A_953 = arith.constant 7400 : i32
    %add3A_954 = arith.addi %mul3A_4, %add3A_953 : i32
    %dma_wait3A_955 = arith.constant 0 : i32
    %dma_wait3A_956 = tpu.memref_slice %arg3[%add3A_954, %dma_wait3A_955] : memref<819200x128xf32, #tpu.memory_space<hbm>> -> memref<200x128xf32, #tpu.memory_space<hbm>>
    %dma_wait3A_957 = arith.constant 0 : i32
    %dma_wait3A_958 = tpu.memref_slice %arg3[%add3A_954, %dma_wait3A_957] : memref<819200x128xf32, #tpu.memory_space<hbm>> -> memref<200x128xf32, #tpu.memory_space<hbm>>
    tpu.wait_dma2 semaphore(%arg5 : memref<!tpu.dma_semaphore, #tpu.memory_space<semaphore_mem>>) src(%arg4 : memref<200x128xf32, #tpu.memory_space<vmem>>) dst(%dma_wait3A_958 : memref<200x128xf32, #tpu.memory_space<hbm>>)
    %add3A_959 = arith.constant 7600 : i32
    %add3A_960 = arith.addi %mul3A_4, %add3A_959 : i32
    %dma_wait3A_961 = arith.constant 0 : i32
    %dma_wait3A_962 = tpu.memref_slice %arg3[%add3A_960, %dma_wait3A_961] : memref<819200x128xf32, #tpu.memory_space<hbm>> -> memref<200x128xf32, #tpu.memory_space<hbm>>
    %dma_wait3A_963 = arith.constant 0 : i32
    %dma_wait3A_964 = tpu.memref_slice %arg3[%add3A_960, %dma_wait3A_963] : memref<819200x128xf32, #tpu.memory_space<hbm>> -> memref<200x128xf32, #tpu.memory_space<hbm>>
    tpu.wait_dma2 semaphore(%arg5 : memref<!tpu.dma_semaphore, #tpu.memory_space<semaphore_mem>>) src(%arg4 : memref<200x128xf32, #tpu.memory_space<vmem>>) dst(%dma_wait3A_964 : memref<200x128xf32, #tpu.memory_space<hbm>>)
    %add3A_965 = arith.constant 7800 : i32
    %add3A_966 = arith.addi %mul3A_4, %add3A_965 : i32
    %dma_wait3A_967 = arith.constant 0 : i32
    %dma_wait3A_968 = tpu.memref_slice %arg3[%add3A_966, %dma_wait3A_967] : memref<819200x128xf32, #tpu.memory_space<hbm>> -> memref<200x128xf32, #tpu.memory_space<hbm>>
    %dma_wait3A_969 = arith.constant 0 : i32
    %dma_wait3A_970 = tpu.memref_slice %arg3[%add3A_966, %dma_wait3A_969] : memref<819200x128xf32, #tpu.memory_space<hbm>> -> memref<200x128xf32, #tpu.memory_space<hbm>>
    tpu.wait_dma2 semaphore(%arg5 : memref<!tpu.dma_semaphore, #tpu.memory_space<semaphore_mem>>) src(%arg4 : memref<200x128xf32, #tpu.memory_space<vmem>>) dst(%dma_wait3A_970 : memref<200x128xf32, #tpu.memory_space<hbm>>)
    %add3A_971 = arith.constant 8000 : i32
    %add3A_972 = arith.addi %mul3A_4, %add3A_971 : i32
    %dma_wait3A_973 = arith.constant 0 : i32
    %dma_wait3A_974 = tpu.memref_slice %arg3[%add3A_972, %dma_wait3A_973] : memref<819200x128xf32, #tpu.memory_space<hbm>> -> memref<200x128xf32, #tpu.memory_space<hbm>>
    %dma_wait3A_975 = arith.constant 0 : i32
    %dma_wait3A_976 = tpu.memref_slice %arg3[%add3A_972, %dma_wait3A_975] : memref<819200x128xf32, #tpu.memory_space<hbm>> -> memref<200x128xf32, #tpu.memory_space<hbm>>
    tpu.wait_dma2 semaphore(%arg5 : memref<!tpu.dma_semaphore, #tpu.memory_space<semaphore_mem>>) src(%arg4 : memref<200x128xf32, #tpu.memory_space<vmem>>) dst(%dma_wait3A_976 : memref<200x128xf32, #tpu.memory_space<hbm>>)
    %add3A_977 = arith.constant 8200 : i32
    %add3A_978 = arith.addi %mul3A_4, %add3A_977 : i32
    %dma_wait3A_979 = arith.constant 0 : i32
    %dma_wait3A_980 = tpu.memref_slice %arg3[%add3A_978, %dma_wait3A_979] : memref<819200x128xf32, #tpu.memory_space<hbm>> -> memref<200x128xf32, #tpu.memory_space<hbm>>
    %dma_wait3A_981 = arith.constant 0 : i32
    %dma_wait3A_982 = tpu.memref_slice %arg3[%add3A_978, %dma_wait3A_981] : memref<819200x128xf32, #tpu.memory_space<hbm>> -> memref<200x128xf32, #tpu.memory_space<hbm>>
    tpu.wait_dma2 semaphore(%arg5 : memref<!tpu.dma_semaphore, #tpu.memory_space<semaphore_mem>>) src(%arg4 : memref<200x128xf32, #tpu.memory_space<vmem>>) dst(%dma_wait3A_982 : memref<200x128xf32, #tpu.memory_space<hbm>>)
    %add3A_983 = arith.constant 8400 : i32
    %add3A_984 = arith.addi %mul3A_4, %add3A_983 : i32
    %dma_wait3A_985 = arith.constant 0 : i32
    %dma_wait3A_986 = tpu.memref_slice %arg3[%add3A_984, %dma_wait3A_985] : memref<819200x128xf32, #tpu.memory_space<hbm>> -> memref<200x128xf32, #tpu.memory_space<hbm>>
    %dma_wait3A_987 = arith.constant 0 : i32
    %dma_wait3A_988 = tpu.memref_slice %arg3[%add3A_984, %dma_wait3A_987] : memref<819200x128xf32, #tpu.memory_space<hbm>> -> memref<200x128xf32, #tpu.memory_space<hbm>>
    tpu.wait_dma2 semaphore(%arg5 : memref<!tpu.dma_semaphore, #tpu.memory_space<semaphore_mem>>) src(%arg4 : memref<200x128xf32, #tpu.memory_space<vmem>>) dst(%dma_wait3A_988 : memref<200x128xf32, #tpu.memory_space<hbm>>)
    %add3A_989 = arith.constant 8600 : i32
    %add3A_990 = arith.addi %mul3A_4, %add3A_989 : i32
    %dma_wait3A_991 = arith.constant 0 : i32
    %dma_wait3A_992 = tpu.memref_slice %arg3[%add3A_990, %dma_wait3A_991] : memref<819200x128xf32, #tpu.memory_space<hbm>> -> memref<200x128xf32, #tpu.memory_space<hbm>>
    %dma_wait3A_993 = arith.constant 0 : i32
    %dma_wait3A_994 = tpu.memref_slice %arg3[%add3A_990, %dma_wait3A_993] : memref<819200x128xf32, #tpu.memory_space<hbm>> -> memref<200x128xf32, #tpu.memory_space<hbm>>
    tpu.wait_dma2 semaphore(%arg5 : memref<!tpu.dma_semaphore, #tpu.memory_space<semaphore_mem>>) src(%arg4 : memref<200x128xf32, #tpu.memory_space<vmem>>) dst(%dma_wait3A_994 : memref<200x128xf32, #tpu.memory_space<hbm>>)
    %add3A_995 = arith.constant 8800 : i32
    %add3A_996 = arith.addi %mul3A_4, %add3A_995 : i32
    %dma_wait3A_997 = arith.constant 0 : i32
    %dma_wait3A_998 = tpu.memref_slice %arg3[%add3A_996, %dma_wait3A_997] : memref<819200x128xf32, #tpu.memory_space<hbm>> -> memref<200x128xf32, #tpu.memory_space<hbm>>
    %dma_wait3A_999 = arith.constant 0 : i32
    %dma_wait3A_1000 = tpu.memref_slice %arg3[%add3A_996, %dma_wait3A_999] : memref<819200x128xf32, #tpu.memory_space<hbm>> -> memref<200x128xf32, #tpu.memory_space<hbm>>
    tpu.wait_dma2 semaphore(%arg5 : memref<!tpu.dma_semaphore, #tpu.memory_space<semaphore_mem>>) src(%arg4 : memref<200x128xf32, #tpu.memory_space<vmem>>) dst(%dma_wait3A_1000 : memref<200x128xf32, #tpu.memory_space<hbm>>)
    %add3A_1001 = arith.constant 9000 : i32
    %add3A_1002 = arith.addi %mul3A_4, %add3A_1001 : i32
    %dma_wait3A_1003 = arith.constant 0 : i32
    %dma_wait3A_1004 = tpu.memref_slice %arg3[%add3A_1002, %dma_wait3A_1003] : memref<819200x128xf32, #tpu.memory_space<hbm>> -> memref<200x128xf32, #tpu.memory_space<hbm>>
    %dma_wait3A_1005 = arith.constant 0 : i32
    %dma_wait3A_1006 = tpu.memref_slice %arg3[%add3A_1002, %dma_wait3A_1005] : memref<819200x128xf32, #tpu.memory_space<hbm>> -> memref<200x128xf32, #tpu.memory_space<hbm>>
    tpu.wait_dma2 semaphore(%arg5 : memref<!tpu.dma_semaphore, #tpu.memory_space<semaphore_mem>>) src(%arg4 : memref<200x128xf32, #tpu.memory_space<vmem>>) dst(%dma_wait3A_1006 : memref<200x128xf32, #tpu.memory_space<hbm>>)
    %add3A_1007 = arith.constant 9200 : i32
    %add3A_1008 = arith.addi %mul3A_4, %add3A_1007 : i32
    %dma_wait3A_1009 = arith.constant 0 : i32
    %dma_wait3A_1010 = tpu.memref_slice %arg3[%add3A_1008, %dma_wait3A_1009] : memref<819200x128xf32, #tpu.memory_space<hbm>> -> memref<200x128xf32, #tpu.memory_space<hbm>>
    %dma_wait3A_1011 = arith.constant 0 : i32
    %dma_wait3A_1012 = tpu.memref_slice %arg3[%add3A_1008, %dma_wait3A_1011] : memref<819200x128xf32, #tpu.memory_space<hbm>> -> memref<200x128xf32, #tpu.memory_space<hbm>>
    tpu.wait_dma2 semaphore(%arg5 : memref<!tpu.dma_semaphore, #tpu.memory_space<semaphore_mem>>) src(%arg4 : memref<200x128xf32, #tpu.memory_space<vmem>>) dst(%dma_wait3A_1012 : memref<200x128xf32, #tpu.memory_space<hbm>>)
    %add3A_1013 = arith.constant 9400 : i32
    %add3A_1014 = arith.addi %mul3A_4, %add3A_1013 : i32
    %dma_wait3A_1015 = arith.constant 0 : i32
    %dma_wait3A_1016 = tpu.memref_slice %arg3[%add3A_1014, %dma_wait3A_1015] : memref<819200x128xf32, #tpu.memory_space<hbm>> -> memref<200x128xf32, #tpu.memory_space<hbm>>
    %dma_wait3A_1017 = arith.constant 0 : i32
    %dma_wait3A_1018 = tpu.memref_slice %arg3[%add3A_1014, %dma_wait3A_1017] : memref<819200x128xf32, #tpu.memory_space<hbm>> -> memref<200x128xf32, #tpu.memory_space<hbm>>
    tpu.wait_dma2 semaphore(%arg5 : memref<!tpu.dma_semaphore, #tpu.memory_space<semaphore_mem>>) src(%arg4 : memref<200x128xf32, #tpu.memory_space<vmem>>) dst(%dma_wait3A_1018 : memref<200x128xf32, #tpu.memory_space<hbm>>)
    %add3A_1019 = arith.constant 9600 : i32
    %add3A_1020 = arith.addi %mul3A_4, %add3A_1019 : i32
    %dma_wait3A_1021 = arith.constant 0 : i32
    %dma_wait3A_1022 = tpu.memref_slice %arg3[%add3A_1020, %dma_wait3A_1021] : memref<819200x128xf32, #tpu.memory_space<hbm>> -> memref<200x128xf32, #tpu.memory_space<hbm>>
    %dma_wait3A_1023 = arith.constant 0 : i32
    %dma_wait3A_1024 = tpu.memref_slice %arg3[%add3A_1020, %dma_wait3A_1023] : memref<819200x128xf32, #tpu.memory_space<hbm>> -> memref<200x128xf32, #tpu.memory_space<hbm>>
    tpu.wait_dma2 semaphore(%arg5 : memref<!tpu.dma_semaphore, #tpu.memory_space<semaphore_mem>>) src(%arg4 : memref<200x128xf32, #tpu.memory_space<vmem>>) dst(%dma_wait3A_1024 : memref<200x128xf32, #tpu.memory_space<hbm>>)
    %add3A_1025 = arith.constant 9800 : i32
    %add3A_1026 = arith.addi %mul3A_4, %add3A_1025 : i32
    %dma_wait3A_1027 = arith.constant 0 : i32
    %dma_wait3A_1028 = tpu.memref_slice %arg3[%add3A_1026, %dma_wait3A_1027] : memref<819200x128xf32, #tpu.memory_space<hbm>> -> memref<200x128xf32, #tpu.memory_space<hbm>>
    %dma_wait3A_1029 = arith.constant 0 : i32
    %dma_wait3A_1030 = tpu.memref_slice %arg3[%add3A_1026, %dma_wait3A_1029] : memref<819200x128xf32, #tpu.memory_space<hbm>> -> memref<200x128xf32, #tpu.memory_space<hbm>>
    tpu.wait_dma2 semaphore(%arg5 : memref<!tpu.dma_semaphore, #tpu.memory_space<semaphore_mem>>) src(%arg4 : memref<200x128xf32, #tpu.memory_space<vmem>>) dst(%dma_wait3A_1030 : memref<200x128xf32, #tpu.memory_space<hbm>>)
    %add3A_1031 = arith.constant 10000 : i32
    %add3A_1032 = arith.addi %mul3A_4, %add3A_1031 : i32
    %dma_wait3A_1033 = arith.constant 0 : i32
    %dma_wait3A_1034 = tpu.memref_slice %arg3[%add3A_1032, %dma_wait3A_1033] : memref<819200x128xf32, #tpu.memory_space<hbm>> -> memref<200x128xf32, #tpu.memory_space<hbm>>
    %dma_wait3A_1035 = arith.constant 0 : i32
    %dma_wait3A_1036 = tpu.memref_slice %arg3[%add3A_1032, %dma_wait3A_1035] : memref<819200x128xf32, #tpu.memory_space<hbm>> -> memref<200x128xf32, #tpu.memory_space<hbm>>
    tpu.wait_dma2 semaphore(%arg5 : memref<!tpu.dma_semaphore, #tpu.memory_space<semaphore_mem>>) src(%arg4 : memref<200x128xf32, #tpu.memory_space<vmem>>) dst(%dma_wait3A_1036 : memref<200x128xf32, #tpu.memory_space<hbm>>)
    %add3A_1037 = arith.constant 10200 : i32
    %add3A_1038 = arith.addi %mul3A_4, %add3A_1037 : i32
    %dma_wait3A_1039 = arith.constant 0 : i32
    %dma_wait3A_1040 = tpu.memref_slice %arg3[%add3A_1038, %dma_wait3A_1039] : memref<819200x128xf32, #tpu.memory_space<hbm>> -> memref<200x128xf32, #tpu.memory_space<hbm>>
    %dma_wait3A_1041 = arith.constant 0 : i32
    %dma_wait3A_1042 = tpu.memref_slice %arg3[%add3A_1038, %dma_wait3A_1041] : memref<819200x128xf32, #tpu.memory_space<hbm>> -> memref<200x128xf32, #tpu.memory_space<hbm>>
    tpu.wait_dma2 semaphore(%arg5 : memref<!tpu.dma_semaphore, #tpu.memory_space<semaphore_mem>>) src(%arg4 : memref<200x128xf32, #tpu.memory_space<vmem>>) dst(%dma_wait3A_1042 : memref<200x128xf32, #tpu.memory_space<hbm>>)
    %add3A_1043 = arith.constant 10400 : i32
    %add3A_1044 = arith.addi %mul3A_4, %add3A_1043 : i32
    %dma_wait3A_1045 = arith.constant 0 : i32
    %dma_wait3A_1046 = tpu.memref_slice %arg3[%add3A_1044, %dma_wait3A_1045] : memref<819200x128xf32, #tpu.memory_space<hbm>> -> memref<200x128xf32, #tpu.memory_space<hbm>>
    %dma_wait3A_1047 = arith.constant 0 : i32
    %dma_wait3A_1048 = tpu.memref_slice %arg3[%add3A_1044, %dma_wait3A_1047] : memref<819200x128xf32, #tpu.memory_space<hbm>> -> memref<200x128xf32, #tpu.memory_space<hbm>>
    tpu.wait_dma2 semaphore(%arg5 : memref<!tpu.dma_semaphore, #tpu.memory_space<semaphore_mem>>) src(%arg4 : memref<200x128xf32, #tpu.memory_space<vmem>>) dst(%dma_wait3A_1048 : memref<200x128xf32, #tpu.memory_space<hbm>>)
    %add3A_1049 = arith.constant 10600 : i32
    %add3A_1050 = arith.addi %mul3A_4, %add3A_1049 : i32
    %dma_wait3A_1051 = arith.constant 0 : i32
    %dma_wait3A_1052 = tpu.memref_slice %arg3[%add3A_1050, %dma_wait3A_1051] : memref<819200x128xf32, #tpu.memory_space<hbm>> -> memref<200x128xf32, #tpu.memory_space<hbm>>
    %dma_wait3A_1053 = arith.constant 0 : i32
    %dma_wait3A_1054 = tpu.memref_slice %arg3[%add3A_1050, %dma_wait3A_1053] : memref<819200x128xf32, #tpu.memory_space<hbm>> -> memref<200x128xf32, #tpu.memory_space<hbm>>
    tpu.wait_dma2 semaphore(%arg5 : memref<!tpu.dma_semaphore, #tpu.memory_space<semaphore_mem>>) src(%arg4 : memref<200x128xf32, #tpu.memory_space<vmem>>) dst(%dma_wait3A_1054 : memref<200x128xf32, #tpu.memory_space<hbm>>)
    %add3A_1055 = arith.constant 10800 : i32
    %add3A_1056 = arith.addi %mul3A_4, %add3A_1055 : i32
    %dma_wait3A_1057 = arith.constant 0 : i32
    %dma_wait3A_1058 = tpu.memref_slice %arg3[%add3A_1056, %dma_wait3A_1057] : memref<819200x128xf32, #tpu.memory_space<hbm>> -> memref<200x128xf32, #tpu.memory_space<hbm>>
    %dma_wait3A_1059 = arith.constant 0 : i32
    %dma_wait3A_1060 = tpu.memref_slice %arg3[%add3A_1056, %dma_wait3A_1059] : memref<819200x128xf32, #tpu.memory_space<hbm>> -> memref<200x128xf32, #tpu.memory_space<hbm>>
    tpu.wait_dma2 semaphore(%arg5 : memref<!tpu.dma_semaphore, #tpu.memory_space<semaphore_mem>>) src(%arg4 : memref<200x128xf32, #tpu.memory_space<vmem>>) dst(%dma_wait3A_1060 : memref<200x128xf32, #tpu.memory_space<hbm>>)
    %add3A_1061 = arith.constant 11000 : i32
    %add3A_1062 = arith.addi %mul3A_4, %add3A_1061 : i32
    %dma_wait3A_1063 = arith.constant 0 : i32
    %dma_wait3A_1064 = tpu.memref_slice %arg3[%add3A_1062, %dma_wait3A_1063] : memref<819200x128xf32, #tpu.memory_space<hbm>> -> memref<200x128xf32, #tpu.memory_space<hbm>>
    %dma_wait3A_1065 = arith.constant 0 : i32
    %dma_wait3A_1066 = tpu.memref_slice %arg3[%add3A_1062, %dma_wait3A_1065] : memref<819200x128xf32, #tpu.memory_space<hbm>> -> memref<200x128xf32, #tpu.memory_space<hbm>>
    tpu.wait_dma2 semaphore(%arg5 : memref<!tpu.dma_semaphore, #tpu.memory_space<semaphore_mem>>) src(%arg4 : memref<200x128xf32, #tpu.memory_space<vmem>>) dst(%dma_wait3A_1066 : memref<200x128xf32, #tpu.memory_space<hbm>>)
    %add3A_1067 = arith.constant 11200 : i32
    %add3A_1068 = arith.addi %mul3A_4, %add3A_1067 : i32
    %dma_wait3A_1069 = arith.constant 0 : i32
    %dma_wait3A_1070 = tpu.memref_slice %arg3[%add3A_1068, %dma_wait3A_1069] : memref<819200x128xf32, #tpu.memory_space<hbm>> -> memref<200x128xf32, #tpu.memory_space<hbm>>
    %dma_wait3A_1071 = arith.constant 0 : i32
    %dma_wait3A_1072 = tpu.memref_slice %arg3[%add3A_1068, %dma_wait3A_1071] : memref<819200x128xf32, #tpu.memory_space<hbm>> -> memref<200x128xf32, #tpu.memory_space<hbm>>
    tpu.wait_dma2 semaphore(%arg5 : memref<!tpu.dma_semaphore, #tpu.memory_space<semaphore_mem>>) src(%arg4 : memref<200x128xf32, #tpu.memory_space<vmem>>) dst(%dma_wait3A_1072 : memref<200x128xf32, #tpu.memory_space<hbm>>)
    %add3A_1073 = arith.constant 11400 : i32
    %add3A_1074 = arith.addi %mul3A_4, %add3A_1073 : i32
    %dma_wait3A_1075 = arith.constant 0 : i32
    %dma_wait3A_1076 = tpu.memref_slice %arg3[%add3A_1074, %dma_wait3A_1075] : memref<819200x128xf32, #tpu.memory_space<hbm>> -> memref<200x128xf32, #tpu.memory_space<hbm>>
    %dma_wait3A_1077 = arith.constant 0 : i32
    %dma_wait3A_1078 = tpu.memref_slice %arg3[%add3A_1074, %dma_wait3A_1077] : memref<819200x128xf32, #tpu.memory_space<hbm>> -> memref<200x128xf32, #tpu.memory_space<hbm>>
    tpu.wait_dma2 semaphore(%arg5 : memref<!tpu.dma_semaphore, #tpu.memory_space<semaphore_mem>>) src(%arg4 : memref<200x128xf32, #tpu.memory_space<vmem>>) dst(%dma_wait3A_1078 : memref<200x128xf32, #tpu.memory_space<hbm>>)
    %add3A_1079 = arith.constant 11600 : i32
    %add3A_1080 = arith.addi %mul3A_4, %add3A_1079 : i32
    %dma_wait3A_1081 = arith.constant 0 : i32
    %dma_wait3A_1082 = tpu.memref_slice %arg3[%add3A_1080, %dma_wait3A_1081] : memref<819200x128xf32, #tpu.memory_space<hbm>> -> memref<200x128xf32, #tpu.memory_space<hbm>>
    %dma_wait3A_1083 = arith.constant 0 : i32
    %dma_wait3A_1084 = tpu.memref_slice %arg3[%add3A_1080, %dma_wait3A_1083] : memref<819200x128xf32, #tpu.memory_space<hbm>> -> memref<200x128xf32, #tpu.memory_space<hbm>>
    tpu.wait_dma2 semaphore(%arg5 : memref<!tpu.dma_semaphore, #tpu.memory_space<semaphore_mem>>) src(%arg4 : memref<200x128xf32, #tpu.memory_space<vmem>>) dst(%dma_wait3A_1084 : memref<200x128xf32, #tpu.memory_space<hbm>>)
    %add3A_1085 = arith.constant 11800 : i32
    %add3A_1086 = arith.addi %mul3A_4, %add3A_1085 : i32
    %dma_wait3A_1087 = arith.constant 0 : i32
    %dma_wait3A_1088 = tpu.memref_slice %arg3[%add3A_1086, %dma_wait3A_1087] : memref<819200x128xf32, #tpu.memory_space<hbm>> -> memref<200x128xf32, #tpu.memory_space<hbm>>
    %dma_wait3A_1089 = arith.constant 0 : i32
    %dma_wait3A_1090 = tpu.memref_slice %arg3[%add3A_1086, %dma_wait3A_1089] : memref<819200x128xf32, #tpu.memory_space<hbm>> -> memref<200x128xf32, #tpu.memory_space<hbm>>
    tpu.wait_dma2 semaphore(%arg5 : memref<!tpu.dma_semaphore, #tpu.memory_space<semaphore_mem>>) src(%arg4 : memref<200x128xf32, #tpu.memory_space<vmem>>) dst(%dma_wait3A_1090 : memref<200x128xf32, #tpu.memory_space<hbm>>)
    %add3A_1091 = arith.constant 12000 : i32
    %add3A_1092 = arith.addi %mul3A_4, %add3A_1091 : i32
    %dma_wait3A_1093 = arith.constant 0 : i32
    %dma_wait3A_1094 = tpu.memref_slice %arg3[%add3A_1092, %dma_wait3A_1093] : memref<819200x128xf32, #tpu.memory_space<hbm>> -> memref<200x128xf32, #tpu.memory_space<hbm>>
    %dma_wait3A_1095 = arith.constant 0 : i32
    %dma_wait3A_1096 = tpu.memref_slice %arg3[%add3A_1092, %dma_wait3A_1095] : memref<819200x128xf32, #tpu.memory_space<hbm>> -> memref<200x128xf32, #tpu.memory_space<hbm>>
    tpu.wait_dma2 semaphore(%arg5 : memref<!tpu.dma_semaphore, #tpu.memory_space<semaphore_mem>>) src(%arg4 : memref<200x128xf32, #tpu.memory_space<vmem>>) dst(%dma_wait3A_1096 : memref<200x128xf32, #tpu.memory_space<hbm>>)
    %add3A_1097 = arith.constant 12200 : i32
    %add3A_1098 = arith.addi %mul3A_4, %add3A_1097 : i32
    %dma_wait3A_1099 = arith.constant 0 : i32
    %dma_wait3A_1100 = tpu.memref_slice %arg3[%add3A_1098, %dma_wait3A_1099] : memref<819200x128xf32, #tpu.memory_space<hbm>> -> memref<200x128xf32, #tpu.memory_space<hbm>>
    %dma_wait3A_1101 = arith.constant 0 : i32
    %dma_wait3A_1102 = tpu.memref_slice %arg3[%add3A_1098, %dma_wait3A_1101] : memref<819200x128xf32, #tpu.memory_space<hbm>> -> memref<200x128xf32, #tpu.memory_space<hbm>>
    tpu.wait_dma2 semaphore(%arg5 : memref<!tpu.dma_semaphore, #tpu.memory_space<semaphore_mem>>) src(%arg4 : memref<200x128xf32, #tpu.memory_space<vmem>>) dst(%dma_wait3A_1102 : memref<200x128xf32, #tpu.memory_space<hbm>>)
    %add3A_1103 = arith.constant 12400 : i32
    %add3A_1104 = arith.addi %mul3A_4, %add3A_1103 : i32
    %dma_wait3A_1105 = arith.constant 0 : i32
    %dma_wait3A_1106 = tpu.memref_slice %arg3[%add3A_1104, %dma_wait3A_1105] : memref<819200x128xf32, #tpu.memory_space<hbm>> -> memref<200x128xf32, #tpu.memory_space<hbm>>
    %dma_wait3A_1107 = arith.constant 0 : i32
    %dma_wait3A_1108 = tpu.memref_slice %arg3[%add3A_1104, %dma_wait3A_1107] : memref<819200x128xf32, #tpu.memory_space<hbm>> -> memref<200x128xf32, #tpu.memory_space<hbm>>
    tpu.wait_dma2 semaphore(%arg5 : memref<!tpu.dma_semaphore, #tpu.memory_space<semaphore_mem>>) src(%arg4 : memref<200x128xf32, #tpu.memory_space<vmem>>) dst(%dma_wait3A_1108 : memref<200x128xf32, #tpu.memory_space<hbm>>)
    %add3A_1109 = arith.constant 12600 : i32
    %add3A_1110 = arith.addi %mul3A_4, %add3A_1109 : i32
    %dma_wait3A_1111 = arith.constant 0 : i32
    %dma_wait3A_1112 = tpu.memref_slice %arg3[%add3A_1110, %dma_wait3A_1111] : memref<819200x128xf32, #tpu.memory_space<hbm>> -> memref<200x128xf32, #tpu.memory_space<hbm>>
    %dma_wait3A_1113 = arith.constant 0 : i32
    %dma_wait3A_1114 = tpu.memref_slice %arg3[%add3A_1110, %dma_wait3A_1113] : memref<819200x128xf32, #tpu.memory_space<hbm>> -> memref<200x128xf32, #tpu.memory_space<hbm>>
    tpu.wait_dma2 semaphore(%arg5 : memref<!tpu.dma_semaphore, #tpu.memory_space<semaphore_mem>>) src(%arg4 : memref<200x128xf32, #tpu.memory_space<vmem>>) dst(%dma_wait3A_1114 : memref<200x128xf32, #tpu.memory_space<hbm>>)
    %add3A_1115 = arith.constant 12800 : i32
    %add3A_1116 = arith.addi %mul3A_4, %add3A_1115 : i32
    %dma_wait3A_1117 = arith.constant 0 : i32
    %dma_wait3A_1118 = tpu.memref_slice %arg3[%add3A_1116, %dma_wait3A_1117] : memref<819200x128xf32, #tpu.memory_space<hbm>> -> memref<200x128xf32, #tpu.memory_space<hbm>>
    %dma_wait3A_1119 = arith.constant 0 : i32
    %dma_wait3A_1120 = tpu.memref_slice %arg3[%add3A_1116, %dma_wait3A_1119] : memref<819200x128xf32, #tpu.memory_space<hbm>> -> memref<200x128xf32, #tpu.memory_space<hbm>>
    tpu.wait_dma2 semaphore(%arg5 : memref<!tpu.dma_semaphore, #tpu.memory_space<semaphore_mem>>) src(%arg4 : memref<200x128xf32, #tpu.memory_space<vmem>>) dst(%dma_wait3A_1120 : memref<200x128xf32, #tpu.memory_space<hbm>>)
    %add3A_1121 = arith.constant 13000 : i32
    %add3A_1122 = arith.addi %mul3A_4, %add3A_1121 : i32
    %dma_wait3A_1123 = arith.constant 0 : i32
    %dma_wait3A_1124 = tpu.memref_slice %arg3[%add3A_1122, %dma_wait3A_1123] : memref<819200x128xf32, #tpu.memory_space<hbm>> -> memref<200x128xf32, #tpu.memory_space<hbm>>
    %dma_wait3A_1125 = arith.constant 0 : i32
    %dma_wait3A_1126 = tpu.memref_slice %arg3[%add3A_1122, %dma_wait3A_1125] : memref<819200x128xf32, #tpu.memory_space<hbm>> -> memref<200x128xf32, #tpu.memory_space<hbm>>
    tpu.wait_dma2 semaphore(%arg5 : memref<!tpu.dma_semaphore, #tpu.memory_space<semaphore_mem>>) src(%arg4 : memref<200x128xf32, #tpu.memory_space<vmem>>) dst(%dma_wait3A_1126 : memref<200x128xf32, #tpu.memory_space<hbm>>)
    %add3A_1127 = arith.constant 13200 : i32
    %add3A_1128 = arith.addi %mul3A_4, %add3A_1127 : i32
    %dma_wait3A_1129 = arith.constant 0 : i32
    %dma_wait3A_1130 = tpu.memref_slice %arg3[%add3A_1128, %dma_wait3A_1129] : memref<819200x128xf32, #tpu.memory_space<hbm>> -> memref<200x128xf32, #tpu.memory_space<hbm>>
    %dma_wait3A_1131 = arith.constant 0 : i32
    %dma_wait3A_1132 = tpu.memref_slice %arg3[%add3A_1128, %dma_wait3A_1131] : memref<819200x128xf32, #tpu.memory_space<hbm>> -> memref<200x128xf32, #tpu.memory_space<hbm>>
    tpu.wait_dma2 semaphore(%arg5 : memref<!tpu.dma_semaphore, #tpu.memory_space<semaphore_mem>>) src(%arg4 : memref<200x128xf32, #tpu.memory_space<vmem>>) dst(%dma_wait3A_1132 : memref<200x128xf32, #tpu.memory_space<hbm>>)
    %add3A_1133 = arith.constant 13400 : i32
    %add3A_1134 = arith.addi %mul3A_4, %add3A_1133 : i32
    %dma_wait3A_1135 = arith.constant 0 : i32
    %dma_wait3A_1136 = tpu.memref_slice %arg3[%add3A_1134, %dma_wait3A_1135] : memref<819200x128xf32, #tpu.memory_space<hbm>> -> memref<200x128xf32, #tpu.memory_space<hbm>>
    %dma_wait3A_1137 = arith.constant 0 : i32
    %dma_wait3A_1138 = tpu.memref_slice %arg3[%add3A_1134, %dma_wait3A_1137] : memref<819200x128xf32, #tpu.memory_space<hbm>> -> memref<200x128xf32, #tpu.memory_space<hbm>>
    tpu.wait_dma2 semaphore(%arg5 : memref<!tpu.dma_semaphore, #tpu.memory_space<semaphore_mem>>) src(%arg4 : memref<200x128xf32, #tpu.memory_space<vmem>>) dst(%dma_wait3A_1138 : memref<200x128xf32, #tpu.memory_space<hbm>>)
    %add3A_1139 = arith.constant 13600 : i32
    %add3A_1140 = arith.addi %mul3A_4, %add3A_1139 : i32
    %dma_wait3A_1141 = arith.constant 0 : i32
    %dma_wait3A_1142 = tpu.memref_slice %arg3[%add3A_1140, %dma_wait3A_1141] : memref<819200x128xf32, #tpu.memory_space<hbm>> -> memref<200x128xf32, #tpu.memory_space<hbm>>
    %dma_wait3A_1143 = arith.constant 0 : i32
    %dma_wait3A_1144 = tpu.memref_slice %arg3[%add3A_1140, %dma_wait3A_1143] : memref<819200x128xf32, #tpu.memory_space<hbm>> -> memref<200x128xf32, #tpu.memory_space<hbm>>
    tpu.wait_dma2 semaphore(%arg5 : memref<!tpu.dma_semaphore, #tpu.memory_space<semaphore_mem>>) src(%arg4 : memref<200x128xf32, #tpu.memory_space<vmem>>) dst(%dma_wait3A_1144 : memref<200x128xf32, #tpu.memory_space<hbm>>)
    %add3A_1145 = arith.constant 13800 : i32
    %add3A_1146 = arith.addi %mul3A_4, %add3A_1145 : i32
    %dma_wait3A_1147 = arith.constant 0 : i32
    %dma_wait3A_1148 = tpu.memref_slice %arg3[%add3A_1146, %dma_wait3A_1147] : memref<819200x128xf32, #tpu.memory_space<hbm>> -> memref<200x128xf32, #tpu.memory_space<hbm>>
    %dma_wait3A_1149 = arith.constant 0 : i32
    %dma_wait3A_1150 = tpu.memref_slice %arg3[%add3A_1146, %dma_wait3A_1149] : memref<819200x128xf32, #tpu.memory_space<hbm>> -> memref<200x128xf32, #tpu.memory_space<hbm>>
    tpu.wait_dma2 semaphore(%arg5 : memref<!tpu.dma_semaphore, #tpu.memory_space<semaphore_mem>>) src(%arg4 : memref<200x128xf32, #tpu.memory_space<vmem>>) dst(%dma_wait3A_1150 : memref<200x128xf32, #tpu.memory_space<hbm>>)
    %add3A_1151 = arith.constant 14000 : i32
    %add3A_1152 = arith.addi %mul3A_4, %add3A_1151 : i32
    %dma_wait3A_1153 = arith.constant 0 : i32
    %dma_wait3A_1154 = tpu.memref_slice %arg3[%add3A_1152, %dma_wait3A_1153] : memref<819200x128xf32, #tpu.memory_space<hbm>> -> memref<200x128xf32, #tpu.memory_space<hbm>>
    %dma_wait3A_1155 = arith.constant 0 : i32
    %dma_wait3A_1156 = tpu.memref_slice %arg3[%add3A_1152, %dma_wait3A_1155] : memref<819200x128xf32, #tpu.memory_space<hbm>> -> memref<200x128xf32, #tpu.memory_space<hbm>>
    tpu.wait_dma2 semaphore(%arg5 : memref<!tpu.dma_semaphore, #tpu.memory_space<semaphore_mem>>) src(%arg4 : memref<200x128xf32, #tpu.memory_space<vmem>>) dst(%dma_wait3A_1156 : memref<200x128xf32, #tpu.memory_space<hbm>>)
    %add3A_1157 = arith.constant 14200 : i32
    %add3A_1158 = arith.addi %mul3A_4, %add3A_1157 : i32
    %dma_wait3A_1159 = arith.constant 0 : i32
    %dma_wait3A_1160 = tpu.memref_slice %arg3[%add3A_1158, %dma_wait3A_1159] : memref<819200x128xf32, #tpu.memory_space<hbm>> -> memref<200x128xf32, #tpu.memory_space<hbm>>
    %dma_wait3A_1161 = arith.constant 0 : i32
    %dma_wait3A_1162 = tpu.memref_slice %arg3[%add3A_1158, %dma_wait3A_1161] : memref<819200x128xf32, #tpu.memory_space<hbm>> -> memref<200x128xf32, #tpu.memory_space<hbm>>
    tpu.wait_dma2 semaphore(%arg5 : memref<!tpu.dma_semaphore, #tpu.memory_space<semaphore_mem>>) src(%arg4 : memref<200x128xf32, #tpu.memory_space<vmem>>) dst(%dma_wait3A_1162 : memref<200x128xf32, #tpu.memory_space<hbm>>)
    %add3A_1163 = arith.constant 14400 : i32
    %add3A_1164 = arith.addi %mul3A_4, %add3A_1163 : i32
    %dma_wait3A_1165 = arith.constant 0 : i32
    %dma_wait3A_1166 = tpu.memref_slice %arg3[%add3A_1164, %dma_wait3A_1165] : memref<819200x128xf32, #tpu.memory_space<hbm>> -> memref<200x128xf32, #tpu.memory_space<hbm>>
    %dma_wait3A_1167 = arith.constant 0 : i32
    %dma_wait3A_1168 = tpu.memref_slice %arg3[%add3A_1164, %dma_wait3A_1167] : memref<819200x128xf32, #tpu.memory_space<hbm>> -> memref<200x128xf32, #tpu.memory_space<hbm>>
    tpu.wait_dma2 semaphore(%arg5 : memref<!tpu.dma_semaphore, #tpu.memory_space<semaphore_mem>>) src(%arg4 : memref<200x128xf32, #tpu.memory_space<vmem>>) dst(%dma_wait3A_1168 : memref<200x128xf32, #tpu.memory_space<hbm>>)
    %add3A_1169 = arith.constant 14600 : i32
    %add3A_1170 = arith.addi %mul3A_4, %add3A_1169 : i32
    %dma_wait3A_1171 = arith.constant 0 : i32
    %dma_wait3A_1172 = tpu.memref_slice %arg3[%add3A_1170, %dma_wait3A_1171] : memref<819200x128xf32, #tpu.memory_space<hbm>> -> memref<200x128xf32, #tpu.memory_space<hbm>>
    %dma_wait3A_1173 = arith.constant 0 : i32
    %dma_wait3A_1174 = tpu.memref_slice %arg3[%add3A_1170, %dma_wait3A_1173] : memref<819200x128xf32, #tpu.memory_space<hbm>> -> memref<200x128xf32, #tpu.memory_space<hbm>>
    tpu.wait_dma2 semaphore(%arg5 : memref<!tpu.dma_semaphore, #tpu.memory_space<semaphore_mem>>) src(%arg4 : memref<200x128xf32, #tpu.memory_space<vmem>>) dst(%dma_wait3A_1174 : memref<200x128xf32, #tpu.memory_space<hbm>>)
    %add3A_1175 = arith.constant 14800 : i32
    %add3A_1176 = arith.addi %mul3A_4, %add3A_1175 : i32
    %dma_wait3A_1177 = arith.constant 0 : i32
    %dma_wait3A_1178 = tpu.memref_slice %arg3[%add3A_1176, %dma_wait3A_1177] : memref<819200x128xf32, #tpu.memory_space<hbm>> -> memref<200x128xf32, #tpu.memory_space<hbm>>
    %dma_wait3A_1179 = arith.constant 0 : i32
    %dma_wait3A_1180 = tpu.memref_slice %arg3[%add3A_1176, %dma_wait3A_1179] : memref<819200x128xf32, #tpu.memory_space<hbm>> -> memref<200x128xf32, #tpu.memory_space<hbm>>
    tpu.wait_dma2 semaphore(%arg5 : memref<!tpu.dma_semaphore, #tpu.memory_space<semaphore_mem>>) src(%arg4 : memref<200x128xf32, #tpu.memory_space<vmem>>) dst(%dma_wait3A_1180 : memref<200x128xf32, #tpu.memory_space<hbm>>)
    %add3A_1181 = arith.constant 15000 : i32
    %add3A_1182 = arith.addi %mul3A_4, %add3A_1181 : i32
    %dma_wait3A_1183 = arith.constant 0 : i32
    %dma_wait3A_1184 = tpu.memref_slice %arg3[%add3A_1182, %dma_wait3A_1183] : memref<819200x128xf32, #tpu.memory_space<hbm>> -> memref<200x128xf32, #tpu.memory_space<hbm>>
    %dma_wait3A_1185 = arith.constant 0 : i32
    %dma_wait3A_1186 = tpu.memref_slice %arg3[%add3A_1182, %dma_wait3A_1185] : memref<819200x128xf32, #tpu.memory_space<hbm>> -> memref<200x128xf32, #tpu.memory_space<hbm>>
    tpu.wait_dma2 semaphore(%arg5 : memref<!tpu.dma_semaphore, #tpu.memory_space<semaphore_mem>>) src(%arg4 : memref<200x128xf32, #tpu.memory_space<vmem>>) dst(%dma_wait3A_1186 : memref<200x128xf32, #tpu.memory_space<hbm>>)
    %add3A_1187 = arith.constant 15200 : i32
    %add3A_1188 = arith.addi %mul3A_4, %add3A_1187 : i32
    %dma_wait3A_1189 = arith.constant 0 : i32
    %dma_wait3A_1190 = tpu.memref_slice %arg3[%add3A_1188, %dma_wait3A_1189] : memref<819200x128xf32, #tpu.memory_space<hbm>> -> memref<200x128xf32, #tpu.memory_space<hbm>>
    %dma_wait3A_1191 = arith.constant 0 : i32
    %dma_wait3A_1192 = tpu.memref_slice %arg3[%add3A_1188, %dma_wait3A_1191] : memref<819200x128xf32, #tpu.memory_space<hbm>> -> memref<200x128xf32, #tpu.memory_space<hbm>>
    tpu.wait_dma2 semaphore(%arg5 : memref<!tpu.dma_semaphore, #tpu.memory_space<semaphore_mem>>) src(%arg4 : memref<200x128xf32, #tpu.memory_space<vmem>>) dst(%dma_wait3A_1192 : memref<200x128xf32, #tpu.memory_space<hbm>>)
    %add3A_1193 = arith.constant 15400 : i32
    %add3A_1194 = arith.addi %mul3A_4, %add3A_1193 : i32
    %dma_wait3A_1195 = arith.constant 0 : i32
    %dma_wait3A_1196 = tpu.memref_slice %arg3[%add3A_1194, %dma_wait3A_1195] : memref<819200x128xf32, #tpu.memory_space<hbm>> -> memref<200x128xf32, #tpu.memory_space<hbm>>
    %dma_wait3A_1197 = arith.constant 0 : i32
    %dma_wait3A_1198 = tpu.memref_slice %arg3[%add3A_1194, %dma_wait3A_1197] : memref<819200x128xf32, #tpu.memory_space<hbm>> -> memref<200x128xf32, #tpu.memory_space<hbm>>
    tpu.wait_dma2 semaphore(%arg5 : memref<!tpu.dma_semaphore, #tpu.memory_space<semaphore_mem>>) src(%arg4 : memref<200x128xf32, #tpu.memory_space<vmem>>) dst(%dma_wait3A_1198 : memref<200x128xf32, #tpu.memory_space<hbm>>)
    %add3A_1199 = arith.constant 15600 : i32
    %add3A_1200 = arith.addi %mul3A_4, %add3A_1199 : i32
    %dma_wait3A_1201 = arith.constant 0 : i32
    %dma_wait3A_1202 = tpu.memref_slice %arg3[%add3A_1200, %dma_wait3A_1201] : memref<819200x128xf32, #tpu.memory_space<hbm>> -> memref<200x128xf32, #tpu.memory_space<hbm>>
    %dma_wait3A_1203 = arith.constant 0 : i32
    %dma_wait3A_1204 = tpu.memref_slice %arg3[%add3A_1200, %dma_wait3A_1203] : memref<819200x128xf32, #tpu.memory_space<hbm>> -> memref<200x128xf32, #tpu.memory_space<hbm>>
    tpu.wait_dma2 semaphore(%arg5 : memref<!tpu.dma_semaphore, #tpu.memory_space<semaphore_mem>>) src(%arg4 : memref<200x128xf32, #tpu.memory_space<vmem>>) dst(%dma_wait3A_1204 : memref<200x128xf32, #tpu.memory_space<hbm>>)
    %add3A_1205 = arith.constant 15800 : i32
    %add3A_1206 = arith.addi %mul3A_4, %add3A_1205 : i32
    %dma_wait3A_1207 = arith.constant 0 : i32
    %dma_wait3A_1208 = tpu.memref_slice %arg3[%add3A_1206, %dma_wait3A_1207] : memref<819200x128xf32, #tpu.memory_space<hbm>> -> memref<200x128xf32, #tpu.memory_space<hbm>>
    %dma_wait3A_1209 = arith.constant 0 : i32
    %dma_wait3A_1210 = tpu.memref_slice %arg3[%add3A_1206, %dma_wait3A_1209] : memref<819200x128xf32, #tpu.memory_space<hbm>> -> memref<200x128xf32, #tpu.memory_space<hbm>>
    tpu.wait_dma2 semaphore(%arg5 : memref<!tpu.dma_semaphore, #tpu.memory_space<semaphore_mem>>) src(%arg4 : memref<200x128xf32, #tpu.memory_space<vmem>>) dst(%dma_wait3A_1210 : memref<200x128xf32, #tpu.memory_space<hbm>>)
    %add3A_1211 = arith.constant 16000 : i32
    %add3A_1212 = arith.addi %mul3A_4, %add3A_1211 : i32
    %dma_wait3A_1213 = arith.constant 0 : i32
    %dma_wait3A_1214 = tpu.memref_slice %arg3[%add3A_1212, %dma_wait3A_1213] : memref<819200x128xf32, #tpu.memory_space<hbm>> -> memref<200x128xf32, #tpu.memory_space<hbm>>
    %dma_wait3A_1215 = arith.constant 0 : i32
    %dma_wait3A_1216 = tpu.memref_slice %arg3[%add3A_1212, %dma_wait3A_1215] : memref<819200x128xf32, #tpu.memory_space<hbm>> -> memref<200x128xf32, #tpu.memory_space<hbm>>
    tpu.wait_dma2 semaphore(%arg5 : memref<!tpu.dma_semaphore, #tpu.memory_space<semaphore_mem>>) src(%arg4 : memref<200x128xf32, #tpu.memory_space<vmem>>) dst(%dma_wait3A_1216 : memref<200x128xf32, #tpu.memory_space<hbm>>)
    %add3A_1217 = arith.constant 16200 : i32
    %add3A_1218 = arith.addi %mul3A_4, %add3A_1217 : i32
    %dma_wait3A_1219 = arith.constant 0 : i32
    %dma_wait3A_1220 = tpu.memref_slice %arg3[%add3A_1218, %dma_wait3A_1219] : memref<819200x128xf32, #tpu.memory_space<hbm>> -> memref<200x128xf32, #tpu.memory_space<hbm>>
    %dma_wait3A_1221 = arith.constant 0 : i32
    %dma_wait3A_1222 = tpu.memref_slice %arg3[%add3A_1218, %dma_wait3A_1221] : memref<819200x128xf32, #tpu.memory_space<hbm>> -> memref<200x128xf32, #tpu.memory_space<hbm>>
    tpu.wait_dma2 semaphore(%arg5 : memref<!tpu.dma_semaphore, #tpu.memory_space<semaphore_mem>>) src(%arg4 : memref<200x128xf32, #tpu.memory_space<vmem>>) dst(%dma_wait3A_1222 : memref<200x128xf32, #tpu.memory_space<hbm>>)
    %add3A_1223 = arith.constant 16400 : i32
    %add3A_1224 = arith.addi %mul3A_4, %add3A_1223 : i32
    %dma_wait3A_1225 = arith.constant 0 : i32
    %dma_wait3A_1226 = tpu.memref_slice %arg3[%add3A_1224, %dma_wait3A_1225] : memref<819200x128xf32, #tpu.memory_space<hbm>> -> memref<200x128xf32, #tpu.memory_space<hbm>>
    %dma_wait3A_1227 = arith.constant 0 : i32
    %dma_wait3A_1228 = tpu.memref_slice %arg3[%add3A_1224, %dma_wait3A_1227] : memref<819200x128xf32, #tpu.memory_space<hbm>> -> memref<200x128xf32, #tpu.memory_space<hbm>>
    tpu.wait_dma2 semaphore(%arg5 : memref<!tpu.dma_semaphore, #tpu.memory_space<semaphore_mem>>) src(%arg4 : memref<200x128xf32, #tpu.memory_space<vmem>>) dst(%dma_wait3A_1228 : memref<200x128xf32, #tpu.memory_space<hbm>>)
    %add3A_1229 = arith.constant 16600 : i32
    %add3A_1230 = arith.addi %mul3A_4, %add3A_1229 : i32
    %dma_wait3A_1231 = arith.constant 0 : i32
    %dma_wait3A_1232 = tpu.memref_slice %arg3[%add3A_1230, %dma_wait3A_1231] : memref<819200x128xf32, #tpu.memory_space<hbm>> -> memref<200x128xf32, #tpu.memory_space<hbm>>
    %dma_wait3A_1233 = arith.constant 0 : i32
    %dma_wait3A_1234 = tpu.memref_slice %arg3[%add3A_1230, %dma_wait3A_1233] : memref<819200x128xf32, #tpu.memory_space<hbm>> -> memref<200x128xf32, #tpu.memory_space<hbm>>
    tpu.wait_dma2 semaphore(%arg5 : memref<!tpu.dma_semaphore, #tpu.memory_space<semaphore_mem>>) src(%arg4 : memref<200x128xf32, #tpu.memory_space<vmem>>) dst(%dma_wait3A_1234 : memref<200x128xf32, #tpu.memory_space<hbm>>)
    %add3A_1235 = arith.constant 16800 : i32
    %add3A_1236 = arith.addi %mul3A_4, %add3A_1235 : i32
    %dma_wait3A_1237 = arith.constant 0 : i32
    %dma_wait3A_1238 = tpu.memref_slice %arg3[%add3A_1236, %dma_wait3A_1237] : memref<819200x128xf32, #tpu.memory_space<hbm>> -> memref<200x128xf32, #tpu.memory_space<hbm>>
    %dma_wait3A_1239 = arith.constant 0 : i32
    %dma_wait3A_1240 = tpu.memref_slice %arg3[%add3A_1236, %dma_wait3A_1239] : memref<819200x128xf32, #tpu.memory_space<hbm>> -> memref<200x128xf32, #tpu.memory_space<hbm>>
    tpu.wait_dma2 semaphore(%arg5 : memref<!tpu.dma_semaphore, #tpu.memory_space<semaphore_mem>>) src(%arg4 : memref<200x128xf32, #tpu.memory_space<vmem>>) dst(%dma_wait3A_1240 : memref<200x128xf32, #tpu.memory_space<hbm>>)
    %add3A_1241 = arith.constant 17000 : i32
    %add3A_1242 = arith.addi %mul3A_4, %add3A_1241 : i32
    %dma_wait3A_1243 = arith.constant 0 : i32
    %dma_wait3A_1244 = tpu.memref_slice %arg3[%add3A_1242, %dma_wait3A_1243] : memref<819200x128xf32, #tpu.memory_space<hbm>> -> memref<200x128xf32, #tpu.memory_space<hbm>>
    %dma_wait3A_1245 = arith.constant 0 : i32
    %dma_wait3A_1246 = tpu.memref_slice %arg3[%add3A_1242, %dma_wait3A_1245] : memref<819200x128xf32, #tpu.memory_space<hbm>> -> memref<200x128xf32, #tpu.memory_space<hbm>>
    tpu.wait_dma2 semaphore(%arg5 : memref<!tpu.dma_semaphore, #tpu.memory_space<semaphore_mem>>) src(%arg4 : memref<200x128xf32, #tpu.memory_space<vmem>>) dst(%dma_wait3A_1246 : memref<200x128xf32, #tpu.memory_space<hbm>>)
    %add3A_1247 = arith.constant 17200 : i32
    %add3A_1248 = arith.addi %mul3A_4, %add3A_1247 : i32
    %dma_wait3A_1249 = arith.constant 0 : i32
    %dma_wait3A_1250 = tpu.memref_slice %arg3[%add3A_1248, %dma_wait3A_1249] : memref<819200x128xf32, #tpu.memory_space<hbm>> -> memref<200x128xf32, #tpu.memory_space<hbm>>
    %dma_wait3A_1251 = arith.constant 0 : i32
    %dma_wait3A_1252 = tpu.memref_slice %arg3[%add3A_1248, %dma_wait3A_1251] : memref<819200x128xf32, #tpu.memory_space<hbm>> -> memref<200x128xf32, #tpu.memory_space<hbm>>
    tpu.wait_dma2 semaphore(%arg5 : memref<!tpu.dma_semaphore, #tpu.memory_space<semaphore_mem>>) src(%arg4 : memref<200x128xf32, #tpu.memory_space<vmem>>) dst(%dma_wait3A_1252 : memref<200x128xf32, #tpu.memory_space<hbm>>)
    %add3A_1253 = arith.constant 17400 : i32
    %add3A_1254 = arith.addi %mul3A_4, %add3A_1253 : i32
    %dma_wait3A_1255 = arith.constant 0 : i32
    %dma_wait3A_1256 = tpu.memref_slice %arg3[%add3A_1254, %dma_wait3A_1255] : memref<819200x128xf32, #tpu.memory_space<hbm>> -> memref<200x128xf32, #tpu.memory_space<hbm>>
    %dma_wait3A_1257 = arith.constant 0 : i32
    %dma_wait3A_1258 = tpu.memref_slice %arg3[%add3A_1254, %dma_wait3A_1257] : memref<819200x128xf32, #tpu.memory_space<hbm>> -> memref<200x128xf32, #tpu.memory_space<hbm>>
    tpu.wait_dma2 semaphore(%arg5 : memref<!tpu.dma_semaphore, #tpu.memory_space<semaphore_mem>>) src(%arg4 : memref<200x128xf32, #tpu.memory_space<vmem>>) dst(%dma_wait3A_1258 : memref<200x128xf32, #tpu.memory_space<hbm>>)
    %add3A_1259 = arith.constant 17600 : i32
    %add3A_1260 = arith.addi %mul3A_4, %add3A_1259 : i32
    %dma_wait3A_1261 = arith.constant 0 : i32
    %dma_wait3A_1262 = tpu.memref_slice %arg3[%add3A_1260, %dma_wait3A_1261] : memref<819200x128xf32, #tpu.memory_space<hbm>> -> memref<200x128xf32, #tpu.memory_space<hbm>>
    %dma_wait3A_1263 = arith.constant 0 : i32
    %dma_wait3A_1264 = tpu.memref_slice %arg3[%add3A_1260, %dma_wait3A_1263] : memref<819200x128xf32, #tpu.memory_space<hbm>> -> memref<200x128xf32, #tpu.memory_space<hbm>>
    tpu.wait_dma2 semaphore(%arg5 : memref<!tpu.dma_semaphore, #tpu.memory_space<semaphore_mem>>) src(%arg4 : memref<200x128xf32, #tpu.memory_space<vmem>>) dst(%dma_wait3A_1264 : memref<200x128xf32, #tpu.memory_space<hbm>>)
    %add3A_1265 = arith.constant 17800 : i32
    %add3A_1266 = arith.addi %mul3A_4, %add3A_1265 : i32
    %dma_wait3A_1267 = arith.constant 0 : i32
    %dma_wait3A_1268 = tpu.memref_slice %arg3[%add3A_1266, %dma_wait3A_1267] : memref<819200x128xf32, #tpu.memory_space<hbm>> -> memref<200x128xf32, #tpu.memory_space<hbm>>
    %dma_wait3A_1269 = arith.constant 0 : i32
    %dma_wait3A_1270 = tpu.memref_slice %arg3[%add3A_1266, %dma_wait3A_1269] : memref<819200x128xf32, #tpu.memory_space<hbm>> -> memref<200x128xf32, #tpu.memory_space<hbm>>
    tpu.wait_dma2 semaphore(%arg5 : memref<!tpu.dma_semaphore, #tpu.memory_space<semaphore_mem>>) src(%arg4 : memref<200x128xf32, #tpu.memory_space<vmem>>) dst(%dma_wait3A_1270 : memref<200x128xf32, #tpu.memory_space<hbm>>)
    %add3A_1271 = arith.constant 18000 : i32
    %add3A_1272 = arith.addi %mul3A_4, %add3A_1271 : i32
    %dma_wait3A_1273 = arith.constant 0 : i32
    %dma_wait3A_1274 = tpu.memref_slice %arg3[%add3A_1272, %dma_wait3A_1273] : memref<819200x128xf32, #tpu.memory_space<hbm>> -> memref<200x128xf32, #tpu.memory_space<hbm>>
    %dma_wait3A_1275 = arith.constant 0 : i32
    %dma_wait3A_1276 = tpu.memref_slice %arg3[%add3A_1272, %dma_wait3A_1275] : memref<819200x128xf32, #tpu.memory_space<hbm>> -> memref<200x128xf32, #tpu.memory_space<hbm>>
    tpu.wait_dma2 semaphore(%arg5 : memref<!tpu.dma_semaphore, #tpu.memory_space<semaphore_mem>>) src(%arg4 : memref<200x128xf32, #tpu.memory_space<vmem>>) dst(%dma_wait3A_1276 : memref<200x128xf32, #tpu.memory_space<hbm>>)
    %add3A_1277 = arith.constant 18200 : i32
    %add3A_1278 = arith.addi %mul3A_4, %add3A_1277 : i32
    %dma_wait3A_1279 = arith.constant 0 : i32
    %dma_wait3A_1280 = tpu.memref_slice %arg3[%add3A_1278, %dma_wait3A_1279] : memref<819200x128xf32, #tpu.memory_space<hbm>> -> memref<200x128xf32, #tpu.memory_space<hbm>>
    %dma_wait3A_1281 = arith.constant 0 : i32
    %dma_wait3A_1282 = tpu.memref_slice %arg3[%add3A_1278, %dma_wait3A_1281] : memref<819200x128xf32, #tpu.memory_space<hbm>> -> memref<200x128xf32, #tpu.memory_space<hbm>>
    tpu.wait_dma2 semaphore(%arg5 : memref<!tpu.dma_semaphore, #tpu.memory_space<semaphore_mem>>) src(%arg4 : memref<200x128xf32, #tpu.memory_space<vmem>>) dst(%dma_wait3A_1282 : memref<200x128xf32, #tpu.memory_space<hbm>>)
    %add3A_1283 = arith.constant 18400 : i32
    %add3A_1284 = arith.addi %mul3A_4, %add3A_1283 : i32
    %dma_wait3A_1285 = arith.constant 0 : i32
    %dma_wait3A_1286 = tpu.memref_slice %arg3[%add3A_1284, %dma_wait3A_1285] : memref<819200x128xf32, #tpu.memory_space<hbm>> -> memref<200x128xf32, #tpu.memory_space<hbm>>
    %dma_wait3A_1287 = arith.constant 0 : i32
    %dma_wait3A_1288 = tpu.memref_slice %arg3[%add3A_1284, %dma_wait3A_1287] : memref<819200x128xf32, #tpu.memory_space<hbm>> -> memref<200x128xf32, #tpu.memory_space<hbm>>
    tpu.wait_dma2 semaphore(%arg5 : memref<!tpu.dma_semaphore, #tpu.memory_space<semaphore_mem>>) src(%arg4 : memref<200x128xf32, #tpu.memory_space<vmem>>) dst(%dma_wait3A_1288 : memref<200x128xf32, #tpu.memory_space<hbm>>)
    %add3A_1289 = arith.constant 18600 : i32
    %add3A_1290 = arith.addi %mul3A_4, %add3A_1289 : i32
    %dma_wait3A_1291 = arith.constant 0 : i32
    %dma_wait3A_1292 = tpu.memref_slice %arg3[%add3A_1290, %dma_wait3A_1291] : memref<819200x128xf32, #tpu.memory_space<hbm>> -> memref<200x128xf32, #tpu.memory_space<hbm>>
    %dma_wait3A_1293 = arith.constant 0 : i32
    %dma_wait3A_1294 = tpu.memref_slice %arg3[%add3A_1290, %dma_wait3A_1293] : memref<819200x128xf32, #tpu.memory_space<hbm>> -> memref<200x128xf32, #tpu.memory_space<hbm>>
    tpu.wait_dma2 semaphore(%arg5 : memref<!tpu.dma_semaphore, #tpu.memory_space<semaphore_mem>>) src(%arg4 : memref<200x128xf32, #tpu.memory_space<vmem>>) dst(%dma_wait3A_1294 : memref<200x128xf32, #tpu.memory_space<hbm>>)
    %add3A_1295 = arith.constant 18800 : i32
    %add3A_1296 = arith.addi %mul3A_4, %add3A_1295 : i32
    %dma_wait3A_1297 = arith.constant 0 : i32
    %dma_wait3A_1298 = tpu.memref_slice %arg3[%add3A_1296, %dma_wait3A_1297] : memref<819200x128xf32, #tpu.memory_space<hbm>> -> memref<200x128xf32, #tpu.memory_space<hbm>>
    %dma_wait3A_1299 = arith.constant 0 : i32
    %dma_wait3A_1300 = tpu.memref_slice %arg3[%add3A_1296, %dma_wait3A_1299] : memref<819200x128xf32, #tpu.memory_space<hbm>> -> memref<200x128xf32, #tpu.memory_space<hbm>>
    tpu.wait_dma2 semaphore(%arg5 : memref<!tpu.dma_semaphore, #tpu.memory_space<semaphore_mem>>) src(%arg4 : memref<200x128xf32, #tpu.memory_space<vmem>>) dst(%dma_wait3A_1300 : memref<200x128xf32, #tpu.memory_space<hbm>>)
    %add3A_1301 = arith.constant 19000 : i32
    %add3A_1302 = arith.addi %mul3A_4, %add3A_1301 : i32
    %dma_wait3A_1303 = arith.constant 0 : i32
    %dma_wait3A_1304 = tpu.memref_slice %arg3[%add3A_1302, %dma_wait3A_1303] : memref<819200x128xf32, #tpu.memory_space<hbm>> -> memref<200x128xf32, #tpu.memory_space<hbm>>
    %dma_wait3A_1305 = arith.constant 0 : i32
    %dma_wait3A_1306 = tpu.memref_slice %arg3[%add3A_1302, %dma_wait3A_1305] : memref<819200x128xf32, #tpu.memory_space<hbm>> -> memref<200x128xf32, #tpu.memory_space<hbm>>
    tpu.wait_dma2 semaphore(%arg5 : memref<!tpu.dma_semaphore, #tpu.memory_space<semaphore_mem>>) src(%arg4 : memref<200x128xf32, #tpu.memory_space<vmem>>) dst(%dma_wait3A_1306 : memref<200x128xf32, #tpu.memory_space<hbm>>)
    %add3A_1307 = arith.constant 19200 : i32
    %add3A_1308 = arith.addi %mul3A_4, %add3A_1307 : i32
    %dma_wait3A_1309 = arith.constant 0 : i32
    %dma_wait3A_1310 = tpu.memref_slice %arg3[%add3A_1308, %dma_wait3A_1309] : memref<819200x128xf32, #tpu.memory_space<hbm>> -> memref<200x128xf32, #tpu.memory_space<hbm>>
    %dma_wait3A_1311 = arith.constant 0 : i32
    %dma_wait3A_1312 = tpu.memref_slice %arg3[%add3A_1308, %dma_wait3A_1311] : memref<819200x128xf32, #tpu.memory_space<hbm>> -> memref<200x128xf32, #tpu.memory_space<hbm>>
    tpu.wait_dma2 semaphore(%arg5 : memref<!tpu.dma_semaphore, #tpu.memory_space<semaphore_mem>>) src(%arg4 : memref<200x128xf32, #tpu.memory_space<vmem>>) dst(%dma_wait3A_1312 : memref<200x128xf32, #tpu.memory_space<hbm>>)
    %add3A_1313 = arith.constant 19400 : i32
    %add3A_1314 = arith.addi %mul3A_4, %add3A_1313 : i32
    %dma_wait3A_1315 = arith.constant 0 : i32
    %dma_wait3A_1316 = tpu.memref_slice %arg3[%add3A_1314, %dma_wait3A_1315] : memref<819200x128xf32, #tpu.memory_space<hbm>> -> memref<200x128xf32, #tpu.memory_space<hbm>>
    %dma_wait3A_1317 = arith.constant 0 : i32
    %dma_wait3A_1318 = tpu.memref_slice %arg3[%add3A_1314, %dma_wait3A_1317] : memref<819200x128xf32, #tpu.memory_space<hbm>> -> memref<200x128xf32, #tpu.memory_space<hbm>>
    tpu.wait_dma2 semaphore(%arg5 : memref<!tpu.dma_semaphore, #tpu.memory_space<semaphore_mem>>) src(%arg4 : memref<200x128xf32, #tpu.memory_space<vmem>>) dst(%dma_wait3A_1318 : memref<200x128xf32, #tpu.memory_space<hbm>>)
    %add3A_1319 = arith.constant 19600 : i32
    %add3A_1320 = arith.addi %mul3A_4, %add3A_1319 : i32
    %dma_wait3A_1321 = arith.constant 0 : i32
    %dma_wait3A_1322 = tpu.memref_slice %arg3[%add3A_1320, %dma_wait3A_1321] : memref<819200x128xf32, #tpu.memory_space<hbm>> -> memref<200x128xf32, #tpu.memory_space<hbm>>
    %dma_wait3A_1323 = arith.constant 0 : i32
    %dma_wait3A_1324 = tpu.memref_slice %arg3[%add3A_1320, %dma_wait3A_1323] : memref<819200x128xf32, #tpu.memory_space<hbm>> -> memref<200x128xf32, #tpu.memory_space<hbm>>
    tpu.wait_dma2 semaphore(%arg5 : memref<!tpu.dma_semaphore, #tpu.memory_space<semaphore_mem>>) src(%arg4 : memref<200x128xf32, #tpu.memory_space<vmem>>) dst(%dma_wait3A_1324 : memref<200x128xf32, #tpu.memory_space<hbm>>)
    %add3A_1325 = arith.constant 19800 : i32
    %add3A_1326 = arith.addi %mul3A_4, %add3A_1325 : i32
    %dma_wait3A_1327 = arith.constant 0 : i32
    %dma_wait3A_1328 = tpu.memref_slice %arg3[%add3A_1326, %dma_wait3A_1327] : memref<819200x128xf32, #tpu.memory_space<hbm>> -> memref<200x128xf32, #tpu.memory_space<hbm>>
    %dma_wait3A_1329 = arith.constant 0 : i32
    %dma_wait3A_1330 = tpu.memref_slice %arg3[%add3A_1326, %dma_wait3A_1329] : memref<819200x128xf32, #tpu.memory_space<hbm>> -> memref<200x128xf32, #tpu.memory_space<hbm>>
    tpu.wait_dma2 semaphore(%arg5 : memref<!tpu.dma_semaphore, #tpu.memory_space<semaphore_mem>>) src(%arg4 : memref<200x128xf32, #tpu.memory_space<vmem>>) dst(%dma_wait3A_1330 : memref<200x128xf32, #tpu.memory_space<hbm>>)
    %add3A_1331 = arith.constant 20000 : i32
    %add3A_1332 = arith.addi %mul3A_4, %add3A_1331 : i32
    %dma_wait3A_1333 = arith.constant 0 : i32
    %dma_wait3A_1334 = tpu.memref_slice %arg3[%add3A_1332, %dma_wait3A_1333] : memref<819200x128xf32, #tpu.memory_space<hbm>> -> memref<200x128xf32, #tpu.memory_space<hbm>>
    %dma_wait3A_1335 = arith.constant 0 : i32
    %dma_wait3A_1336 = tpu.memref_slice %arg3[%add3A_1332, %dma_wait3A_1335] : memref<819200x128xf32, #tpu.memory_space<hbm>> -> memref<200x128xf32, #tpu.memory_space<hbm>>
    tpu.wait_dma2 semaphore(%arg5 : memref<!tpu.dma_semaphore, #tpu.memory_space<semaphore_mem>>) src(%arg4 : memref<200x128xf32, #tpu.memory_space<vmem>>) dst(%dma_wait3A_1336 : memref<200x128xf32, #tpu.memory_space<hbm>>)
    %add3A_1337 = arith.constant 20200 : i32
    %add3A_1338 = arith.addi %mul3A_4, %add3A_1337 : i32
    %dma_wait3A_1339 = arith.constant 0 : i32
    %dma_wait3A_1340 = tpu.memref_slice %arg3[%add3A_1338, %dma_wait3A_1339] : memref<819200x128xf32, #tpu.memory_space<hbm>> -> memref<200x128xf32, #tpu.memory_space<hbm>>
    %dma_wait3A_1341 = arith.constant 0 : i32
    %dma_wait3A_1342 = tpu.memref_slice %arg3[%add3A_1338, %dma_wait3A_1341] : memref<819200x128xf32, #tpu.memory_space<hbm>> -> memref<200x128xf32, #tpu.memory_space<hbm>>
    tpu.wait_dma2 semaphore(%arg5 : memref<!tpu.dma_semaphore, #tpu.memory_space<semaphore_mem>>) src(%arg4 : memref<200x128xf32, #tpu.memory_space<vmem>>) dst(%dma_wait3A_1342 : memref<200x128xf32, #tpu.memory_space<hbm>>)
    %add3A_1343 = arith.constant 20400 : i32
    %add3A_1344 = arith.addi %mul3A_4, %add3A_1343 : i32
    %dma_wait3A_1345 = arith.constant 0 : i32
    %dma_wait3A_1346 = tpu.memref_slice %arg3[%add3A_1344, %dma_wait3A_1345] : memref<819200x128xf32, #tpu.memory_space<hbm>> -> memref<200x128xf32, #tpu.memory_space<hbm>>
    %dma_wait3A_1347 = arith.constant 0 : i32
    %dma_wait3A_1348 = tpu.memref_slice %arg3[%add3A_1344, %dma_wait3A_1347] : memref<819200x128xf32, #tpu.memory_space<hbm>> -> memref<200x128xf32, #tpu.memory_space<hbm>>
    tpu.wait_dma2 semaphore(%arg5 : memref<!tpu.dma_semaphore, #tpu.memory_space<semaphore_mem>>) src(%arg4 : memref<200x128xf32, #tpu.memory_space<vmem>>) dst(%dma_wait3A_1348 : memref<200x128xf32, #tpu.memory_space<hbm>>)
    %add3A_1349 = arith.constant 20600 : i32
    %add3A_1350 = arith.addi %mul3A_4, %add3A_1349 : i32
    %dma_wait3A_1351 = arith.constant 0 : i32
    %dma_wait3A_1352 = tpu.memref_slice %arg3[%add3A_1350, %dma_wait3A_1351] : memref<819200x128xf32, #tpu.memory_space<hbm>> -> memref<200x128xf32, #tpu.memory_space<hbm>>
    %dma_wait3A_1353 = arith.constant 0 : i32
    %dma_wait3A_1354 = tpu.memref_slice %arg3[%add3A_1350, %dma_wait3A_1353] : memref<819200x128xf32, #tpu.memory_space<hbm>> -> memref<200x128xf32, #tpu.memory_space<hbm>>
    tpu.wait_dma2 semaphore(%arg5 : memref<!tpu.dma_semaphore, #tpu.memory_space<semaphore_mem>>) src(%arg4 : memref<200x128xf32, #tpu.memory_space<vmem>>) dst(%dma_wait3A_1354 : memref<200x128xf32, #tpu.memory_space<hbm>>)
    %add3A_1355 = arith.constant 20800 : i32
    %add3A_1356 = arith.addi %mul3A_4, %add3A_1355 : i32
    %dma_wait3A_1357 = arith.constant 0 : i32
    %dma_wait3A_1358 = tpu.memref_slice %arg3[%add3A_1356, %dma_wait3A_1357] : memref<819200x128xf32, #tpu.memory_space<hbm>> -> memref<200x128xf32, #tpu.memory_space<hbm>>
    %dma_wait3A_1359 = arith.constant 0 : i32
    %dma_wait3A_1360 = tpu.memref_slice %arg3[%add3A_1356, %dma_wait3A_1359] : memref<819200x128xf32, #tpu.memory_space<hbm>> -> memref<200x128xf32, #tpu.memory_space<hbm>>
    tpu.wait_dma2 semaphore(%arg5 : memref<!tpu.dma_semaphore, #tpu.memory_space<semaphore_mem>>) src(%arg4 : memref<200x128xf32, #tpu.memory_space<vmem>>) dst(%dma_wait3A_1360 : memref<200x128xf32, #tpu.memory_space<hbm>>)
    %add3A_1361 = arith.constant 21000 : i32
    %add3A_1362 = arith.addi %mul3A_4, %add3A_1361 : i32
    %dma_wait3A_1363 = arith.constant 0 : i32
    %dma_wait3A_1364 = tpu.memref_slice %arg3[%add3A_1362, %dma_wait3A_1363] : memref<819200x128xf32, #tpu.memory_space<hbm>> -> memref<200x128xf32, #tpu.memory_space<hbm>>
    %dma_wait3A_1365 = arith.constant 0 : i32
    %dma_wait3A_1366 = tpu.memref_slice %arg3[%add3A_1362, %dma_wait3A_1365] : memref<819200x128xf32, #tpu.memory_space<hbm>> -> memref<200x128xf32, #tpu.memory_space<hbm>>
    tpu.wait_dma2 semaphore(%arg5 : memref<!tpu.dma_semaphore, #tpu.memory_space<semaphore_mem>>) src(%arg4 : memref<200x128xf32, #tpu.memory_space<vmem>>) dst(%dma_wait3A_1366 : memref<200x128xf32, #tpu.memory_space<hbm>>)
    %add3A_1367 = arith.constant 21200 : i32
    %add3A_1368 = arith.addi %mul3A_4, %add3A_1367 : i32
    %dma_wait3A_1369 = arith.constant 0 : i32
    %dma_wait3A_1370 = tpu.memref_slice %arg3[%add3A_1368, %dma_wait3A_1369] : memref<819200x128xf32, #tpu.memory_space<hbm>> -> memref<200x128xf32, #tpu.memory_space<hbm>>
    %dma_wait3A_1371 = arith.constant 0 : i32
    %dma_wait3A_1372 = tpu.memref_slice %arg3[%add3A_1368, %dma_wait3A_1371] : memref<819200x128xf32, #tpu.memory_space<hbm>> -> memref<200x128xf32, #tpu.memory_space<hbm>>
    tpu.wait_dma2 semaphore(%arg5 : memref<!tpu.dma_semaphore, #tpu.memory_space<semaphore_mem>>) src(%arg4 : memref<200x128xf32, #tpu.memory_space<vmem>>) dst(%dma_wait3A_1372 : memref<200x128xf32, #tpu.memory_space<hbm>>)
    %add3A_1373 = arith.constant 21400 : i32
    %add3A_1374 = arith.addi %mul3A_4, %add3A_1373 : i32
    %dma_wait3A_1375 = arith.constant 0 : i32
    %dma_wait3A_1376 = tpu.memref_slice %arg3[%add3A_1374, %dma_wait3A_1375] : memref<819200x128xf32, #tpu.memory_space<hbm>> -> memref<200x128xf32, #tpu.memory_space<hbm>>
    %dma_wait3A_1377 = arith.constant 0 : i32
    %dma_wait3A_1378 = tpu.memref_slice %arg3[%add3A_1374, %dma_wait3A_1377] : memref<819200x128xf32, #tpu.memory_space<hbm>> -> memref<200x128xf32, #tpu.memory_space<hbm>>
    tpu.wait_dma2 semaphore(%arg5 : memref<!tpu.dma_semaphore, #tpu.memory_space<semaphore_mem>>) src(%arg4 : memref<200x128xf32, #tpu.memory_space<vmem>>) dst(%dma_wait3A_1378 : memref<200x128xf32, #tpu.memory_space<hbm>>)
    %add3A_1379 = arith.constant 21600 : i32
    %add3A_1380 = arith.addi %mul3A_4, %add3A_1379 : i32
    %dma_wait3A_1381 = arith.constant 0 : i32
    %dma_wait3A_1382 = tpu.memref_slice %arg3[%add3A_1380, %dma_wait3A_1381] : memref<819200x128xf32, #tpu.memory_space<hbm>> -> memref<200x128xf32, #tpu.memory_space<hbm>>
    %dma_wait3A_1383 = arith.constant 0 : i32
    %dma_wait3A_1384 = tpu.memref_slice %arg3[%add3A_1380, %dma_wait3A_1383] : memref<819200x128xf32, #tpu.memory_space<hbm>> -> memref<200x128xf32, #tpu.memory_space<hbm>>
    tpu.wait_dma2 semaphore(%arg5 : memref<!tpu.dma_semaphore, #tpu.memory_space<semaphore_mem>>) src(%arg4 : memref<200x128xf32, #tpu.memory_space<vmem>>) dst(%dma_wait3A_1384 : memref<200x128xf32, #tpu.memory_space<hbm>>)
    %add3A_1385 = arith.constant 21800 : i32
    %add3A_1386 = arith.addi %mul3A_4, %add3A_1385 : i32
    %dma_wait3A_1387 = arith.constant 0 : i32
    %dma_wait3A_1388 = tpu.memref_slice %arg3[%add3A_1386, %dma_wait3A_1387] : memref<819200x128xf32, #tpu.memory_space<hbm>> -> memref<200x128xf32, #tpu.memory_space<hbm>>
    %dma_wait3A_1389 = arith.constant 0 : i32
    %dma_wait3A_1390 = tpu.memref_slice %arg3[%add3A_1386, %dma_wait3A_1389] : memref<819200x128xf32, #tpu.memory_space<hbm>> -> memref<200x128xf32, #tpu.memory_space<hbm>>
    tpu.wait_dma2 semaphore(%arg5 : memref<!tpu.dma_semaphore, #tpu.memory_space<semaphore_mem>>) src(%arg4 : memref<200x128xf32, #tpu.memory_space<vmem>>) dst(%dma_wait3A_1390 : memref<200x128xf32, #tpu.memory_space<hbm>>)
    %add3A_1391 = arith.constant 22000 : i32
    %add3A_1392 = arith.addi %mul3A_4, %add3A_1391 : i32
    %dma_wait3A_1393 = arith.constant 0 : i32
    %dma_wait3A_1394 = tpu.memref_slice %arg3[%add3A_1392, %dma_wait3A_1393] : memref<819200x128xf32, #tpu.memory_space<hbm>> -> memref<200x128xf32, #tpu.memory_space<hbm>>
    %dma_wait3A_1395 = arith.constant 0 : i32
    %dma_wait3A_1396 = tpu.memref_slice %arg3[%add3A_1392, %dma_wait3A_1395] : memref<819200x128xf32, #tpu.memory_space<hbm>> -> memref<200x128xf32, #tpu.memory_space<hbm>>
    tpu.wait_dma2 semaphore(%arg5 : memref<!tpu.dma_semaphore, #tpu.memory_space<semaphore_mem>>) src(%arg4 : memref<200x128xf32, #tpu.memory_space<vmem>>) dst(%dma_wait3A_1396 : memref<200x128xf32, #tpu.memory_space<hbm>>)
    %add3A_1397 = arith.constant 22200 : i32
    %add3A_1398 = arith.addi %mul3A_4, %add3A_1397 : i32
    %dma_wait3A_1399 = arith.constant 0 : i32
    %dma_wait3A_1400 = tpu.memref_slice %arg3[%add3A_1398, %dma_wait3A_1399] : memref<819200x128xf32, #tpu.memory_space<hbm>> -> memref<200x128xf32, #tpu.memory_space<hbm>>
    %dma_wait3A_1401 = arith.constant 0 : i32
    %dma_wait3A_1402 = tpu.memref_slice %arg3[%add3A_1398, %dma_wait3A_1401] : memref<819200x128xf32, #tpu.memory_space<hbm>> -> memref<200x128xf32, #tpu.memory_space<hbm>>
    tpu.wait_dma2 semaphore(%arg5 : memref<!tpu.dma_semaphore, #tpu.memory_space<semaphore_mem>>) src(%arg4 : memref<200x128xf32, #tpu.memory_space<vmem>>) dst(%dma_wait3A_1402 : memref<200x128xf32, #tpu.memory_space<hbm>>)
    %add3A_1403 = arith.constant 22400 : i32
    %add3A_1404 = arith.addi %mul3A_4, %add3A_1403 : i32
    %dma_wait3A_1405 = arith.constant 0 : i32
    %dma_wait3A_1406 = tpu.memref_slice %arg3[%add3A_1404, %dma_wait3A_1405] : memref<819200x128xf32, #tpu.memory_space<hbm>> -> memref<200x128xf32, #tpu.memory_space<hbm>>
    %dma_wait3A_1407 = arith.constant 0 : i32
    %dma_wait3A_1408 = tpu.memref_slice %arg3[%add3A_1404, %dma_wait3A_1407] : memref<819200x128xf32, #tpu.memory_space<hbm>> -> memref<200x128xf32, #tpu.memory_space<hbm>>
    tpu.wait_dma2 semaphore(%arg5 : memref<!tpu.dma_semaphore, #tpu.memory_space<semaphore_mem>>) src(%arg4 : memref<200x128xf32, #tpu.memory_space<vmem>>) dst(%dma_wait3A_1408 : memref<200x128xf32, #tpu.memory_space<hbm>>)
    %add3A_1409 = arith.constant 22600 : i32
    %add3A_1410 = arith.addi %mul3A_4, %add3A_1409 : i32
    %dma_wait3A_1411 = arith.constant 0 : i32
    %dma_wait3A_1412 = tpu.memref_slice %arg3[%add3A_1410, %dma_wait3A_1411] : memref<819200x128xf32, #tpu.memory_space<hbm>> -> memref<200x128xf32, #tpu.memory_space<hbm>>
    %dma_wait3A_1413 = arith.constant 0 : i32
    %dma_wait3A_1414 = tpu.memref_slice %arg3[%add3A_1410, %dma_wait3A_1413] : memref<819200x128xf32, #tpu.memory_space<hbm>> -> memref<200x128xf32, #tpu.memory_space<hbm>>
    tpu.wait_dma2 semaphore(%arg5 : memref<!tpu.dma_semaphore, #tpu.memory_space<semaphore_mem>>) src(%arg4 : memref<200x128xf32, #tpu.memory_space<vmem>>) dst(%dma_wait3A_1414 : memref<200x128xf32, #tpu.memory_space<hbm>>)
    %add3A_1415 = arith.constant 22800 : i32
    %add3A_1416 = arith.addi %mul3A_4, %add3A_1415 : i32
    %dma_wait3A_1417 = arith.constant 0 : i32
    %dma_wait3A_1418 = tpu.memref_slice %arg3[%add3A_1416, %dma_wait3A_1417] : memref<819200x128xf32, #tpu.memory_space<hbm>> -> memref<200x128xf32, #tpu.memory_space<hbm>>
    %dma_wait3A_1419 = arith.constant 0 : i32
    %dma_wait3A_1420 = tpu.memref_slice %arg3[%add3A_1416, %dma_wait3A_1419] : memref<819200x128xf32, #tpu.memory_space<hbm>> -> memref<200x128xf32, #tpu.memory_space<hbm>>
    tpu.wait_dma2 semaphore(%arg5 : memref<!tpu.dma_semaphore, #tpu.memory_space<semaphore_mem>>) src(%arg4 : memref<200x128xf32, #tpu.memory_space<vmem>>) dst(%dma_wait3A_1420 : memref<200x128xf32, #tpu.memory_space<hbm>>)
    %add3A_1421 = arith.constant 23000 : i32
    %add3A_1422 = arith.addi %mul3A_4, %add3A_1421 : i32
    %dma_wait3A_1423 = arith.constant 0 : i32
    %dma_wait3A_1424 = tpu.memref_slice %arg3[%add3A_1422, %dma_wait3A_1423] : memref<819200x128xf32, #tpu.memory_space<hbm>> -> memref<200x128xf32, #tpu.memory_space<hbm>>
    %dma_wait3A_1425 = arith.constant 0 : i32
    %dma_wait3A_1426 = tpu.memref_slice %arg3[%add3A_1422, %dma_wait3A_1425] : memref<819200x128xf32, #tpu.memory_space<hbm>> -> memref<200x128xf32, #tpu.memory_space<hbm>>
    tpu.wait_dma2 semaphore(%arg5 : memref<!tpu.dma_semaphore, #tpu.memory_space<semaphore_mem>>) src(%arg4 : memref<200x128xf32, #tpu.memory_space<vmem>>) dst(%dma_wait3A_1426 : memref<200x128xf32, #tpu.memory_space<hbm>>)
    %add3A_1427 = arith.constant 23200 : i32
    %add3A_1428 = arith.addi %mul3A_4, %add3A_1427 : i32
    %dma_wait3A_1429 = arith.constant 0 : i32
    %dma_wait3A_1430 = tpu.memref_slice %arg3[%add3A_1428, %dma_wait3A_1429] : memref<819200x128xf32, #tpu.memory_space<hbm>> -> memref<200x128xf32, #tpu.memory_space<hbm>>
    %dma_wait3A_1431 = arith.constant 0 : i32
    %dma_wait3A_1432 = tpu.memref_slice %arg3[%add3A_1428, %dma_wait3A_1431] : memref<819200x128xf32, #tpu.memory_space<hbm>> -> memref<200x128xf32, #tpu.memory_space<hbm>>
    tpu.wait_dma2 semaphore(%arg5 : memref<!tpu.dma_semaphore, #tpu.memory_space<semaphore_mem>>) src(%arg4 : memref<200x128xf32, #tpu.memory_space<vmem>>) dst(%dma_wait3A_1432 : memref<200x128xf32, #tpu.memory_space<hbm>>)
    %add3A_1433 = arith.constant 23400 : i32
    %add3A_1434 = arith.addi %mul3A_4, %add3A_1433 : i32
    %dma_wait3A_1435 = arith.constant 0 : i32
    %dma_wait3A_1436 = tpu.memref_slice %arg3[%add3A_1434, %dma_wait3A_1435] : memref<819200x128xf32, #tpu.memory_space<hbm>> -> memref<200x128xf32, #tpu.memory_space<hbm>>
    %dma_wait3A_1437 = arith.constant 0 : i32
    %dma_wait3A_1438 = tpu.memref_slice %arg3[%add3A_1434, %dma_wait3A_1437] : memref<819200x128xf32, #tpu.memory_space<hbm>> -> memref<200x128xf32, #tpu.memory_space<hbm>>
    tpu.wait_dma2 semaphore(%arg5 : memref<!tpu.dma_semaphore, #tpu.memory_space<semaphore_mem>>) src(%arg4 : memref<200x128xf32, #tpu.memory_space<vmem>>) dst(%dma_wait3A_1438 : memref<200x128xf32, #tpu.memory_space<hbm>>)
    %add3A_1439 = arith.constant 23600 : i32
    %add3A_1440 = arith.addi %mul3A_4, %add3A_1439 : i32
    %dma_wait3A_1441 = arith.constant 0 : i32
    %dma_wait3A_1442 = tpu.memref_slice %arg3[%add3A_1440, %dma_wait3A_1441] : memref<819200x128xf32, #tpu.memory_space<hbm>> -> memref<200x128xf32, #tpu.memory_space<hbm>>
    %dma_wait3A_1443 = arith.constant 0 : i32
    %dma_wait3A_1444 = tpu.memref_slice %arg3[%add3A_1440, %dma_wait3A_1443] : memref<819200x128xf32, #tpu.memory_space<hbm>> -> memref<200x128xf32, #tpu.memory_space<hbm>>
    tpu.wait_dma2 semaphore(%arg5 : memref<!tpu.dma_semaphore, #tpu.memory_space<semaphore_mem>>) src(%arg4 : memref<200x128xf32, #tpu.memory_space<vmem>>) dst(%dma_wait3A_1444 : memref<200x128xf32, #tpu.memory_space<hbm>>)
    %add3A_1445 = arith.constant 23800 : i32
    %add3A_1446 = arith.addi %mul3A_4, %add3A_1445 : i32
    %dma_wait3A_1447 = arith.constant 0 : i32
    %dma_wait3A_1448 = tpu.memref_slice %arg3[%add3A_1446, %dma_wait3A_1447] : memref<819200x128xf32, #tpu.memory_space<hbm>> -> memref<200x128xf32, #tpu.memory_space<hbm>>
    %dma_wait3A_1449 = arith.constant 0 : i32
    %dma_wait3A_1450 = tpu.memref_slice %arg3[%add3A_1446, %dma_wait3A_1449] : memref<819200x128xf32, #tpu.memory_space<hbm>> -> memref<200x128xf32, #tpu.memory_space<hbm>>
    tpu.wait_dma2 semaphore(%arg5 : memref<!tpu.dma_semaphore, #tpu.memory_space<semaphore_mem>>) src(%arg4 : memref<200x128xf32, #tpu.memory_space<vmem>>) dst(%dma_wait3A_1450 : memref<200x128xf32, #tpu.memory_space<hbm>>)
    %add3A_1451 = arith.constant 24000 : i32
    %add3A_1452 = arith.addi %mul3A_4, %add3A_1451 : i32
    %dma_wait3A_1453 = arith.constant 0 : i32
    %dma_wait3A_1454 = tpu.memref_slice %arg3[%add3A_1452, %dma_wait3A_1453] : memref<819200x128xf32, #tpu.memory_space<hbm>> -> memref<200x128xf32, #tpu.memory_space<hbm>>
    %dma_wait3A_1455 = arith.constant 0 : i32
    %dma_wait3A_1456 = tpu.memref_slice %arg3[%add3A_1452, %dma_wait3A_1455] : memref<819200x128xf32, #tpu.memory_space<hbm>> -> memref<200x128xf32, #tpu.memory_space<hbm>>
    tpu.wait_dma2 semaphore(%arg5 : memref<!tpu.dma_semaphore, #tpu.memory_space<semaphore_mem>>) src(%arg4 : memref<200x128xf32, #tpu.memory_space<vmem>>) dst(%dma_wait3A_1456 : memref<200x128xf32, #tpu.memory_space<hbm>>)
    %eq3A_1457 = arith.constant 1 : i32
    %eq3A_1458 = arith.cmpi eq, %arg0, %eq3A_1457 : i32
    %convert_element_type3A_1459 = arith.extui %eq3A_1458 : i1 to i32
    %cond3A_1460 = arith.constant 0 : i32
    %cond3A_1461 = arith.cmpi ne, %convert_element_type3A_1459, %cond3A_1460 : i32
    scf.if %cond3A_1461 {
      %add3A_1462 = arith.constant 24200 : i32
      %add3A_1463 = arith.addi %mul3A_4, %add3A_1462 : i32
      %dma_wait3A_1464 = arith.constant 0 : i32
      %dma_wait3A_1465 = tpu.memref_slice %arg3[%add3A_1463, %dma_wait3A_1464] : memref<819200x128xf32, #tpu.memory_space<hbm>> -> memref<200x128xf32, #tpu.memory_space<hbm>>
      %dma_wait3A_1466 = arith.constant 0 : i32
      %dma_wait3A_1467 = tpu.memref_slice %arg3[%add3A_1463, %dma_wait3A_1466] : memref<819200x128xf32, #tpu.memory_space<hbm>> -> memref<200x128xf32, #tpu.memory_space<hbm>>
      tpu.wait_dma2 semaphore(%arg5 : memref<!tpu.dma_semaphore, #tpu.memory_space<semaphore_mem>>) src(%arg4 : memref<200x128xf32, #tpu.memory_space<vmem>>) dst(%dma_wait3A_1467 : memref<200x128xf32, #tpu.memory_space<hbm>>)
      %add3A_1468 = arith.constant 24400 : i32
      %add3A_1469 = arith.addi %mul3A_4, %add3A_1468 : i32
      %dma_wait3A_1470 = arith.constant 0 : i32
      %dma_wait3A_1471 = tpu.memref_slice %arg3[%add3A_1469, %dma_wait3A_1470] : memref<819200x128xf32, #tpu.memory_space<hbm>> -> memref<200x128xf32, #tpu.memory_space<hbm>>
      %dma_wait3A_1472 = arith.constant 0 : i32
      %dma_wait3A_1473 = tpu.memref_slice %arg3[%add3A_1469, %dma_wait3A_1472] : memref<819200x128xf32, #tpu.memory_space<hbm>> -> memref<200x128xf32, #tpu.memory_space<hbm>>
      tpu.wait_dma2 semaphore(%arg5 : memref<!tpu.dma_semaphore, #tpu.memory_space<semaphore_mem>>) src(%arg4 : memref<200x128xf32, #tpu.memory_space<vmem>>) dst(%dma_wait3A_1473 : memref<200x128xf32, #tpu.memory_space<hbm>>)
      %add3A_1474 = arith.constant 24600 : i32
      %add3A_1475 = arith.addi %mul3A_4, %add3A_1474 : i32
      %dma_wait3A_1476 = arith.constant 0 : i32
      %dma_wait3A_1477 = tpu.memref_slice %arg3[%add3A_1475, %dma_wait3A_1476] : memref<819200x128xf32, #tpu.memory_space<hbm>> -> memref<200x128xf32, #tpu.memory_space<hbm>>
      %dma_wait3A_1478 = arith.constant 0 : i32
      %dma_wait3A_1479 = tpu.memref_slice %arg3[%add3A_1475, %dma_wait3A_1478] : memref<819200x128xf32, #tpu.memory_space<hbm>> -> memref<200x128xf32, #tpu.memory_space<hbm>>
      tpu.wait_dma2 semaphore(%arg5 : memref<!tpu.dma_semaphore, #tpu.memory_space<semaphore_mem>>) src(%arg4 : memref<200x128xf32, #tpu.memory_space<vmem>>) dst(%dma_wait3A_1479 : memref<200x128xf32, #tpu.memory_space<hbm>>)
      %add3A_1480 = arith.constant 24800 : i32
      %add3A_1481 = arith.addi %mul3A_4, %add3A_1480 : i32
      %dma_wait3A_1482 = arith.constant 0 : i32
      %dma_wait3A_1483 = tpu.memref_slice %arg3[%add3A_1481, %dma_wait3A_1482] : memref<819200x128xf32, #tpu.memory_space<hbm>> -> memref<200x128xf32, #tpu.memory_space<hbm>>
      %dma_wait3A_1484 = arith.constant 0 : i32
      %dma_wait3A_1485 = tpu.memref_slice %arg3[%add3A_1481, %dma_wait3A_1484] : memref<819200x128xf32, #tpu.memory_space<hbm>> -> memref<200x128xf32, #tpu.memory_space<hbm>>
      tpu.wait_dma2 semaphore(%arg5 : memref<!tpu.dma_semaphore, #tpu.memory_space<semaphore_mem>>) src(%arg4 : memref<200x128xf32, #tpu.memory_space<vmem>>) dst(%dma_wait3A_1485 : memref<200x128xf32, #tpu.memory_space<hbm>>)
      %add3A_1486 = arith.constant 25000 : i32
      %add3A_1487 = arith.addi %mul3A_4, %add3A_1486 : i32
      %dma_wait3A_1488 = arith.constant 0 : i32
      %dma_wait3A_1489 = tpu.memref_slice %arg3[%add3A_1487, %dma_wait3A_1488] : memref<819200x128xf32, #tpu.memory_space<hbm>> -> memref<200x128xf32, #tpu.memory_space<hbm>>
      %dma_wait3A_1490 = arith.constant 0 : i32
      %dma_wait3A_1491 = tpu.memref_slice %arg3[%add3A_1487, %dma_wait3A_1490] : memref<819200x128xf32, #tpu.memory_space<hbm>> -> memref<200x128xf32, #tpu.memory_space<hbm>>
      tpu.wait_dma2 semaphore(%arg5 : memref<!tpu.dma_semaphore, #tpu.memory_space<semaphore_mem>>) src(%arg4 : memref<200x128xf32, #tpu.memory_space<vmem>>) dst(%dma_wait3A_1491 : memref<200x128xf32, #tpu.memory_space<hbm>>)
      %add3A_1492 = arith.constant 25200 : i32
      %add3A_1493 = arith.addi %mul3A_4, %add3A_1492 : i32
      %dma_wait3A_1494 = arith.constant 0 : i32
      %dma_wait3A_1495 = tpu.memref_slice %arg3[%add3A_1493, %dma_wait3A_1494] : memref<819200x128xf32, #tpu.memory_space<hbm>> -> memref<200x128xf32, #tpu.memory_space<hbm>>
      %dma_wait3A_1496 = arith.constant 0 : i32
      %dma_wait3A_1497 = tpu.memref_slice %arg3[%add3A_1493, %dma_wait3A_1496] : memref<819200x128xf32, #tpu.memory_space<hbm>> -> memref<200x128xf32, #tpu.memory_space<hbm>>
      tpu.wait_dma2 semaphore(%arg5 : memref<!tpu.dma_semaphore, #tpu.memory_space<semaphore_mem>>) src(%arg4 : memref<200x128xf32, #tpu.memory_space<vmem>>) dst(%dma_wait3A_1497 : memref<200x128xf32, #tpu.memory_space<hbm>>)
      %add3A_1498 = arith.constant 25400 : i32
      %add3A_1499 = arith.addi %mul3A_4, %add3A_1498 : i32
      %dma_wait3A_1500 = arith.constant 0 : i32
      %dma_wait3A_1501 = tpu.memref_slice %arg3[%add3A_1499, %dma_wait3A_1500] : memref<819200x128xf32, #tpu.memory_space<hbm>> -> memref<200x128xf32, #tpu.memory_space<hbm>>
      %dma_wait3A_1502 = arith.constant 0 : i32
      %dma_wait3A_1503 = tpu.memref_slice %arg3[%add3A_1499, %dma_wait3A_1502] : memref<819200x128xf32, #tpu.memory_space<hbm>> -> memref<200x128xf32, #tpu.memory_space<hbm>>
      tpu.wait_dma2 semaphore(%arg5 : memref<!tpu.dma_semaphore, #tpu.memory_space<semaphore_mem>>) src(%arg4 : memref<200x128xf32, #tpu.memory_space<vmem>>) dst(%dma_wait3A_1503 : memref<200x128xf32, #tpu.memory_space<hbm>>)
      %add3A_1504 = arith.constant 25600 : i32
      %add3A_1505 = arith.addi %mul3A_4, %add3A_1504 : i32
      %dma_wait3A_1506 = arith.constant 0 : i32
      %dma_wait3A_1507 = tpu.memref_slice %arg3[%add3A_1505, %dma_wait3A_1506] : memref<819200x128xf32, #tpu.memory_space<hbm>> -> memref<200x128xf32, #tpu.memory_space<hbm>>
      %dma_wait3A_1508 = arith.constant 0 : i32
      %dma_wait3A_1509 = tpu.memref_slice %arg3[%add3A_1505, %dma_wait3A_1508] : memref<819200x128xf32, #tpu.memory_space<hbm>> -> memref<200x128xf32, #tpu.memory_space<hbm>>
      tpu.wait_dma2 semaphore(%arg5 : memref<!tpu.dma_semaphore, #tpu.memory_space<semaphore_mem>>) src(%arg4 : memref<200x128xf32, #tpu.memory_space<vmem>>) dst(%dma_wait3A_1509 : memref<200x128xf32, #tpu.memory_space<hbm>>)
      %add3A_1510 = arith.constant 25800 : i32
      %add3A_1511 = arith.addi %mul3A_4, %add3A_1510 : i32
      %dma_wait3A_1512 = arith.constant 0 : i32
      %dma_wait3A_1513 = tpu.memref_slice %arg3[%add3A_1511, %dma_wait3A_1512] : memref<819200x128xf32, #tpu.memory_space<hbm>> -> memref<200x128xf32, #tpu.memory_space<hbm>>
      %dma_wait3A_1514 = arith.constant 0 : i32
      %dma_wait3A_1515 = tpu.memref_slice %arg3[%add3A_1511, %dma_wait3A_1514] : memref<819200x128xf32, #tpu.memory_space<hbm>> -> memref<200x128xf32, #tpu.memory_space<hbm>>
      tpu.wait_dma2 semaphore(%arg5 : memref<!tpu.dma_semaphore, #tpu.memory_space<semaphore_mem>>) src(%arg4 : memref<200x128xf32, #tpu.memory_space<vmem>>) dst(%dma_wait3A_1515 : memref<200x128xf32, #tpu.memory_space<hbm>>)
      %add3A_1516 = arith.constant 26000 : i32
      %add3A_1517 = arith.addi %mul3A_4, %add3A_1516 : i32
      %dma_wait3A_1518 = arith.constant 0 : i32
      %dma_wait3A_1519 = tpu.memref_slice %arg3[%add3A_1517, %dma_wait3A_1518] : memref<819200x128xf32, #tpu.memory_space<hbm>> -> memref<200x128xf32, #tpu.memory_space<hbm>>
      %dma_wait3A_1520 = arith.constant 0 : i32
      %dma_wait3A_1521 = tpu.memref_slice %arg3[%add3A_1517, %dma_wait3A_1520] : memref<819200x128xf32, #tpu.memory_space<hbm>> -> memref<200x128xf32, #tpu.memory_space<hbm>>
      tpu.wait_dma2 semaphore(%arg5 : memref<!tpu.dma_semaphore, #tpu.memory_space<semaphore_mem>>) src(%arg4 : memref<200x128xf32, #tpu.memory_space<vmem>>) dst(%dma_wait3A_1521 : memref<200x128xf32, #tpu.memory_space<hbm>>)
      %add3A_1522 = arith.constant 26200 : i32
      %add3A_1523 = arith.addi %mul3A_4, %add3A_1522 : i32
      %dma_wait3A_1524 = arith.constant 0 : i32
      %dma_wait3A_1525 = tpu.memref_slice %arg3[%add3A_1523, %dma_wait3A_1524] : memref<819200x128xf32, #tpu.memory_space<hbm>> -> memref<200x128xf32, #tpu.memory_space<hbm>>
      %dma_wait3A_1526 = arith.constant 0 : i32
      %dma_wait3A_1527 = tpu.memref_slice %arg3[%add3A_1523, %dma_wait3A_1526] : memref<819200x128xf32, #tpu.memory_space<hbm>> -> memref<200x128xf32, #tpu.memory_space<hbm>>
      tpu.wait_dma2 semaphore(%arg5 : memref<!tpu.dma_semaphore, #tpu.memory_space<semaphore_mem>>) src(%arg4 : memref<200x128xf32, #tpu.memory_space<vmem>>) dst(%dma_wait3A_1527 : memref<200x128xf32, #tpu.memory_space<hbm>>)
      %add3A_1528 = arith.constant 26400 : i32
      %add3A_1529 = arith.addi %mul3A_4, %add3A_1528 : i32
      %dma_wait3A_1530 = arith.constant 0 : i32
      %dma_wait3A_1531 = tpu.memref_slice %arg3[%add3A_1529, %dma_wait3A_1530] : memref<819200x128xf32, #tpu.memory_space<hbm>> -> memref<200x128xf32, #tpu.memory_space<hbm>>
      %dma_wait3A_1532 = arith.constant 0 : i32
      %dma_wait3A_1533 = tpu.memref_slice %arg3[%add3A_1529, %dma_wait3A_1532] : memref<819200x128xf32, #tpu.memory_space<hbm>> -> memref<200x128xf32, #tpu.memory_space<hbm>>
      tpu.wait_dma2 semaphore(%arg5 : memref<!tpu.dma_semaphore, #tpu.memory_space<semaphore_mem>>) src(%arg4 : memref<200x128xf32, #tpu.memory_space<vmem>>) dst(%dma_wait3A_1533 : memref<200x128xf32, #tpu.memory_space<hbm>>)
      %add3A_1534 = arith.constant 26600 : i32
      %add3A_1535 = arith.addi %mul3A_4, %add3A_1534 : i32
      %dma_wait3A_1536 = arith.constant 0 : i32
      %dma_wait3A_1537 = tpu.memref_slice %arg3[%add3A_1535, %dma_wait3A_1536] : memref<819200x128xf32, #tpu.memory_space<hbm>> -> memref<200x128xf32, #tpu.memory_space<hbm>>
      %dma_wait3A_1538 = arith.constant 0 : i32
      %dma_wait3A_1539 = tpu.memref_slice %arg3[%add3A_1535, %dma_wait3A_1538] : memref<819200x128xf32, #tpu.memory_space<hbm>> -> memref<200x128xf32, #tpu.memory_space<hbm>>
      tpu.wait_dma2 semaphore(%arg5 : memref<!tpu.dma_semaphore, #tpu.memory_space<semaphore_mem>>) src(%arg4 : memref<200x128xf32, #tpu.memory_space<vmem>>) dst(%dma_wait3A_1539 : memref<200x128xf32, #tpu.memory_space<hbm>>)
      %add3A_1540 = arith.constant 26800 : i32
      %add3A_1541 = arith.addi %mul3A_4, %add3A_1540 : i32
      %dma_wait3A_1542 = arith.constant 0 : i32
      %dma_wait3A_1543 = tpu.memref_slice %arg3[%add3A_1541, %dma_wait3A_1542] : memref<819200x128xf32, #tpu.memory_space<hbm>> -> memref<200x128xf32, #tpu.memory_space<hbm>>
      %dma_wait3A_1544 = arith.constant 0 : i32
      %dma_wait3A_1545 = tpu.memref_slice %arg3[%add3A_1541, %dma_wait3A_1544] : memref<819200x128xf32, #tpu.memory_space<hbm>> -> memref<200x128xf32, #tpu.memory_space<hbm>>
      tpu.wait_dma2 semaphore(%arg5 : memref<!tpu.dma_semaphore, #tpu.memory_space<semaphore_mem>>) src(%arg4 : memref<200x128xf32, #tpu.memory_space<vmem>>) dst(%dma_wait3A_1545 : memref<200x128xf32, #tpu.memory_space<hbm>>)
    } else {
    }
    return
  }
}

</mosaic_0001>

<sc_bundles>
// kernel: kernel.3.cloned.1.call-start
scs
__scs_entry_jumppad:
0x0: {  	(pc) =	sbr.rel $0x88, $3  }
0x1: {  	(tag) =	ssettag $0x0;
	lr =	simm.s32 $0x1  }
0x2: {  	[smem:$0x3FA0] =	sst lr;
	_ =	strace $0xD0000000  }
0x3: {  	_ = 	snop  }
0x4: {  	_ = 	snop  }
0x5: {  	_ = 	snop  }
0x6: {  	_ = 	snop  }
0x7: {  	_ = 	snop  }
__scs_overlays_trampoline_lowered:
0x8: {  	[smem:$0x3FAF] =	sst s0  }
0x9: {  	[smem:$0x3FB0] =	sst s1  }
0xa: {  	[smem:$0x3FB1] =	sst s2  }
0xb: {  	[smem:$0x3FB2] =	sst s3  }
0xc: {  	[smem:$0x3FB3] =	sst s4  }
0xd: {  	[smem:$0x3FB4] =	sst s5  }
0xe: {  	[smem:$0x3FB5] =	sst s6  }
0xf: {  	[smem:$0x3FB6] =	sst s7  }
0x10: {  	[smem:$0x3FB7] =	sst s8  }
0x11: {  	[smem:$0x3FB8] =	sst s9;
	s0 =	simm.s32 @!p0 $0x0  }
0x12: {  	s1 =	sld [smem:$0x3F9E];
	s0 =	simm.s32 @p0 $0x1  }
0x13: {  	[smem:$0x3FB9] =	sst s0;
	s0 =	simm.s32 @!p1 $0x0  }
0x14: {  	s2 =	sld [smem:$0x3F9D];
	s0 =	simm.s32 @p1 $0x1  }
0x15: {  	[smem:$0x3FBA] =	sst s0;
	s0 =	simm.s32 @!p2 $0x0  }
0x16: {  	s3 =	sld [smem:$0x3FDB];
	s0 =	simm.s32 @p2 $0x1  }
0x17: {  	s4 =	simm.s32 $0x1BF5;
	[smem:$0x3FBC] =	sst s0  }
0x18: {  	s0 =	sld [smem:$0x3F9F];
	_ =	swait.ge [sflag:s4], $0x0  }
0x19: {  	s7 =	sld [smem:$0x3FA0]  }
0x1a: {  	s8 =	sadd.s32 $0xFFFFE003, lr  }
0x1b: {  	s9 =	sadd.s32 $0xFFFFFEF7, lr;
	s5 =	simm.s32 $0xFFFFFFFF;
	p2 =	slt.u32 s8, $0xFFFFF086  }
0x1c: {  	p1 =	slt.u32 s9, $0xF7A;
	s5 =	simm.s32 @!p2 $0x0  }
0x1d: {  	s5 =	simm.s32 @p1 $0x1;
	p0 =	seq.s32 s7, s2  }
0x1e: {  	s7 =	smul.u32 @!p0 $0xF7A, s2;
	p2 =	seq.s32 @!p0 s5, $0x0  }
0x1f: {  	s9 =	smul.u32 $0xF7A, s1;
	s8 =	simm.s32 @!p0 $0x1BF5;
	p2 =	por !p2, p0  }
0x20: {  	[sflag:s8] =	ssyncset.s32 @!p0 $0xFFFFF086;
	s6 =	sadd.s32 @!p0 s3, s7;
	s7 =	simm.s32 @!p0 $0x108  }
0x21: {  	s3 =	sadd.s32 s3, s9;
	s6 =	sadd.s32 @!p0 $0x88, s6;
	s7 =	simm.s32 @p2 $0x1082  }
0x22: {  	[simem:s7], [sflag:s8] =	dma.local @!p0 [hbm:s6], $0xF7A  }
0x23: {  	s9 =	sor.u32 $0xD0000000, s2;
	s6 =	simm.s32 $0x108;
	_ =	swait.ge @!p0 [sflag:s8], $0x0  }
0x24: {  	s3 =	sadd.s32 $0x88, s3;
	s6 =	simm.s32 @!p1 $0x1082;
	[sflag:s4] =	ssyncset.s32 $0xFFFFF086  }
0x25: {  	[simem:s6], [sflag:s4] =	dma.local [hbm:s3], $0xF7A  }
0x26: {  	[smem:$0x3FA0] =	sst s1;
	(tag) =	ssettag s2;
	_ =	strace s9  }
0x27: {  	s1 =	sld [smem:$0x3FB0]  }
0x28: {  	s2 =	sld [smem:$0x3FB1]  }
0x29: {  	s4 =	sld [smem:$0x3FB3]  }
0x2a: {  	p0 =	seq.s32 s5, $0x0;
	s5 =	sld [smem:$0x3FB4]  }
0x2b: {  	s6 =	sld [smem:$0x3FB5]  }
0x2c: {  	s7 =	sld [smem:$0x3FB6]  }
0x2d: {  	s3 =	simm.s32 $0x108;
	s8 =	sld [smem:$0x3FB7]  }
0x2e: {  	s3 =	simm.s32 @!p0 $0x1082;
	s9 =	sld [smem:$0x3FB8]  }
0x2f: {  	lr =	sadd.s32 s0, s3;
	s0 =	sld [smem:$0x3FAF]  }
0x30: {  	s3 =	sld [smem:$0x3FB2]  }
0x31: {  	[smem:$0x3FBB] =	sst s10  }
0x32: {  	s10 =	sld [smem:$0x3FB9];
	_ =	sdelay $0x3  }
0x33: {  	p0 =	seq.s32 s10, $0x1;
	s10 =	sld [smem:$0x3FBB];
	_ =	sdelay $0x3  }
0x34: {  	[smem:$0x3FBB] =	sst s10  }
0x35: {  	s10 =	sld [smem:$0x3FBA];
	_ =	sdelay $0x3  }
0x36: {  	p1 =	seq.s32 s10, $0x1;
	s10 =	sld [smem:$0x3FBB];
	_ =	sdelay $0x3  }
0x37: {  	[smem:$0x3FBB] =	sst s10  }
0x38: {  	s10 =	sld [smem:$0x3FBC]  }
0x39: {  	_ = 	snop;
	(pc) =	sbr.ind lr, $3  }
0x3a: {  	_ = 	snop  }
0x3b: {  	_ = 	snop  }
0x3c: {  	p2 =	seq.s32 s10, $0x1;
	s10 =	sld [smem:$0x3FBB]  }
0x3d: {  	_ =	shalt  }
0x3e: {  	_ =	shalt  }
0x3f: {  	_ =	shalt  }
0x40: {  	_ =	shalt  }
0x41: {  	_ =	shalt  }
0x42: {  	_ =	shalt  }
0x43: {  	_ =	shalt  }
0x44: {  	_ =	shalt  }
0x45: {  	_ =	shalt  }
0x46: {  	_ =	shalt  }
0x47: {  	_ =	shalt  }
0x48: {  	_ =	shalt  }
0x49: {  	_ =	shalt  }
0x4a: {  	_ =	shalt  }
0x4b: {  	_ =	shalt  }
0x4c: {  	_ =	shalt  }
0x4d: {  	_ =	shalt  }
0x4e: {  	_ =	shalt  }
0x4f: {  	_ =	shalt  }
0x50: {  	_ =	shalt  }
0x51: {  	_ =	shalt  }
0x52: {  	_ =	shalt  }
0x53: {  	_ =	shalt  }
0x54: {  	_ =	shalt  }
0x55: {  	_ =	shalt  }
0x56: {  	_ =	shalt  }
0x57: {  	_ =	shalt  }
0x58: {  	_ =	shalt  }
0x59: {  	_ =	shalt  }
0x5a: {  	_ =	shalt  }
0x5b: {  	_ =	shalt  }
0x5c: {  	_ =	shalt  }
0x5d: {  	_ =	shalt  }
0x5e: {  	_ =	shalt  }
0x5f: {  	_ =	shalt  }
0x60: {  	_ =	shalt  }
0x61: {  	_ =	shalt  }
0x62: {  	_ =	shalt  }
0x63: {  	_ =	shalt  }
0x64: {  	_ =	shalt  }
0x65: {  	_ =	shalt  }
0x66: {  	_ =	shalt  }
0x67: {  	_ =	shalt  }
0x68: {  	_ =	shalt  }
0x69: {  	_ =	shalt  }
0x6a: {  	_ =	shalt  }
0x6b: {  	_ =	shalt  }
0x6c: {  	_ =	shalt  }
0x6d: {  	_ =	shalt  }
0x6e: {  	_ =	shalt  }
0x6f: {  	_ =	shalt  }
0x70: {  	_ =	shalt  }
0x71: {  	_ =	shalt  }
0x72: {  	_ =	shalt  }
0x73: {  	_ =	shalt  }
0x74: {  	_ =	shalt  }
0x75: {  	_ =	shalt  }
0x76: {  	_ =	shalt  }
0x77: {  	_ =	shalt  }
0x78: {  	_ =	shalt  }
0x79: {  	_ =	shalt  }
0x7a: {  	_ =	shalt  }
0x7b: {  	_ =	shalt  }
0x7c: {  	_ =	shalt  }
0x7d: {  	_ =	shalt  }
0x7e: {  	_ =	shalt  }
0x7f: {  	_ =	shalt  }
0x80: {  	_ =	shalt  }
0x81: {  	_ =	shalt  }
0x82: {  	_ =	shalt  }
0x83: {  	_ =	shalt  }
0x84: {  	_ =	shalt  }
0x85: {  	_ =	shalt  }
0x86: {  	_ =	shalt  }
0x87: {  	_ =	shalt  }
.Lfunc_end0:
.L_simem_size_0:
called_computation_lowered:
.L_overlay_start_0:
0x88: {  	s2 =	sld [smem:$0x3FD9]  }
0x89: {  	s3 =	sld [smem:$0x3FFE];
	_ =	sdelay $0x1  }
0x8a: {  	s1 =	srdreg.scid  }
0x8b: {  	s0 =	sand.u32 $0x1, s1  }
0x8c: {  	s18 =	sshll.u32 s0, $0xA;
	s2 =	sadd.s32 s3, s2  }
0x8d: {  	s2 =	sadd.s32 s2, s18  }
0x8e: {  	[smem:$0x3FC7] =	sst s2  }
0x8f: {  	_ = 	snop  }
0x90: {  	s2 =	sld [smem:$0x3FC9]  }
0x91: {  	s19 =	sld [smem:$0x3FD0];
	(tm) =	ssettm $0x1  }
0x92: {  	s4 =	sld [smem:$0x3FFB];
	_ =	sdelay $0x3  }
0x93: {  	_ =	strace s4  }
0x94: {  	s4 =	sld [smem:$0x3FFC];
	_ =	sdelay $0x3  }
0x95: {  	_ =	strace s4  }
0x96: {  	s4 =	sld [smem:$0x3FFD];
	_ =	sdelay $0x3  }
0x97: {  	_ =	strace s4  }
0x98: {  	_ =	strace $0x8FFFFFFF  }
0x99: {  	s20 =	sld [smem:$0x3FDB];
	_ =	sdelay $0x1  }
0x9a: {  	s5 =	simm.s32 $_scs_section_size  }
0x9b: {  	s6 =	simm.s32 $_size__tile_overlayer_lowered;
	s7 =	simm.s32 $_tile_overlayer_lowered  }
0x9c: {  	s23 =	simm.s32 $0x1BFF;
	s22 =	sshll.u32 s7, $0x1;
	s4 =	sadd.s32 s5, s20  }
0x9d: {  	s8 =	simm.s32 $0x0;
	s21 =	sshll.u32 s6, $0x1;
	s6 =	sadd.s32 s22, s4  }
0x9e: {  	[timem:s8], [sflag:s23] =	dma.local [hbm:s6], s21  }
0x9f: {  	_ =	swait.ge [sflag:s23], s21  }
0xa0: {  	s5 =	ssub.s32 $0x0, s21;
	[sflag:s23] =	ssyncset.done $0x0  }
0xa1: {  	[sflag:s23] =	ssyncadd.s32 s5;
	_ =	sdelay $0x1  }
0xa2: {  	s24 =	simm.s32 $0x1B8B  }
0xa3: {  	_ =	swait.ge [sflag:s24], $0x1  }
0xa4: {  	[sflag:s24] =	ssyncset.done $0x0  }
0xa5: {  	s25 =	simm.s32 $0x1B8E;
	[sflag:s24] =	ssyncadd.s32 $0xFFFFFFFF  }
0xa6: {  	s26 =	simm.s32 $execute0_lowered;
	[smem:$0x3FD2] =	sst s25  }
0xa7: {  	s5 =	sshll.u32 s26, $0x1;
	_ =	strace $0x80000046;
	[dreg:$0x1] =	wrdreg $0xFFFFFFFF  }
0xa8: {  	s28 =	simm.s32 $_size_execute0_lowered;
	s4 =	sadd.s32 s4, s5;
	[dreg:$0x0] =	wrdreg $0x0  }
0xa9: {  	s5 =	sshll.u32 s28, $0x1;
	[dreg:$0x2] =	wrdreg s4  }
0xaa: {  	[dreg:$0x3] =	wrdreg s5  }
0xab: {  	[dreg:$0x4] =	wrdreg $0xC0  }
0xac: {  	_ =	task [dreg:s8], $0x5FFFF  }
0xad: {  	[dreg:$0x1] =	wrdreg $0xFFFFFFFF  }
0xae: {  	[dreg:$0x0] =	wrdreg $0x60  }
0xaf: {  	[dreg:$0x2] =	wrdreg s2  }
0xb0: {  	[dreg:$0x3] =	wrdreg s19  }
0xb1: {  	[dreg:$0x4] =	wrdreg $0x9  }
0xb2: {  	_ =	task.clear_ibuf [dreg:s8], $0x5FFFF;
	_ =	strace $0x90000046  }
0xb3: {  	s29 =	simm.s32 $0x9;
	_ =	strace $0x80000048  }
0xb4: {  	_ =	swait.ge [sflag:s29], $0x1  }
0xb5: {  	[sflag:s29] =	ssyncadd.s32 $0xFFFFFFFF  }
0xb6: {  	_ =	strace $0x90000048  }
0xb7: {  	_ =	sfence  }
0xb8: {  	s30 =	sld [smem:$0x0];
	_ =	sdelay $0x2  }
0xb9: {  	s31 =	sshll.u32 s1, $0xD;
	s1 =	sshrl.u32 s1, $0x2  }
0xba: {  	s3 =	sand.u32 $0x4000, s31;
	s1 =	sadd.s32 s1, s30  }
0xbb: {  	s0 =	sor.u32 s3, s0;
	s1 =	sshll.u32 s1, $0x11  }
0xbc: {  	s0 =	sor.u32 s1, s0  }
0xbd: {  	s0 =	sadd.s32 $0x8F2B, s0  }
0xbe: {  	[sflag:s0] =	ssyncadd.remote.s32 $0x1  }
0xbf: {  	_ =	sfence.sel $0xFFFF  }
0xc0: {  	[dreg:$0x0] =	wrdreg $0xFFFFFFFF;
	(pc) =	sbr.abs _section_cstart, $3  }
0xc1: {  	[dreg:$0x1] =	wrdreg $0xFFFFFFFF  }
0xc2: {  	_ =	task.clear_ibuf [dreg:s8], $0x2FFFF;
	_ =	strace $0x9FFFFFFF  }
0xc3: {  	(tm) =	ssettm $0x7FFFFFFF  }
tec
execute0_lowered:
.L_overlay_start_1:
0x0: {  	(tag) =	ssettag $0x1  }
0x1: {  	s0 =	srdreg.scid  }
0x2: {  	s1 =	sand.u32 $0x1, s0  }
0x3: {  	s30 =	stileid.u32;
	s0 =	smul.u32 $0x79, s1  }
0x4: {  	s3 =	sshll.u32 s30, $0x8  }
0x5: {  	s0 =	sor.u32 s0, s3  }
0x6: {  	s2 =	rddreg [dreg:$0x0];
	s4 =	smul.u32 $0x6400, s0  }
0x7: {  	s10 =	rddreg [dreg:$0x1];
	s0 =	smul.u32 $0xC80, s0  }
0x8: {  	[dreg:$0x3] =	wrdreg s2;
	s3 =	simm.s32 $0x0  }
0x9: {  	[smem:$0x7FF] =	sst s3;
	s4 =	sshrl.u32 s4, $0x3;
	s0 =	sadd.s32 s10, s0  }
0xa: {  	_ =	strace $0x80000047;
	s2 =	sadd.s32 s10, s4;
	[dreg:$0x4] =	wrdreg s0  }
0xb: {  	s0 =	rddreg [dreg:$0x3];
	s11 =	sadd.s32 $0xC80, s2  }
0xc: {  	s12 =	sadd.s32 $0x1900, s2;
	[dreg:$0x5] =	wrdreg s11  }
0xd: {  	s13 =	sadd.s32 $0x2580, s2;
	[dreg:$0x6] =	wrdreg s12  }
0xe: {  	s14 =	sadd.s32 $0x3200, s2;
	[dreg:$0x7] =	wrdreg s13  }
0xf: {  	s15 =	sadd.s32 $0x3E80, s2;
	[dreg:$0x8] =	wrdreg s14  }
0x10: {  	s16 =	sadd.s32 $0x4B00, s2;
	[dreg:$0x9] =	wrdreg s15  }
0x11: {  	s17 =	sadd.s32 $0x5780, s2;
	[dreg:$0xa] =	wrdreg s16  }
0x12: {  	s18 =	sadd.s32 $0x6400, s2;
	[dreg:$0xb] =	wrdreg s17  }
0x13: {  	s19 =	sadd.s32 $0x7080, s2;
	[dreg:$0xc] =	wrdreg s18  }
0x14: {  	s20 =	sadd.s32 $0x7D00, s2;
	[dreg:$0xd] =	wrdreg s19  }
0x15: {  	s21 =	sadd.s32 $0x8980, s2;
	[dreg:$0xe] =	wrdreg s20  }
0x16: {  	s22 =	sadd.s32 $0x9600, s2;
	[dreg:$0xf] =	wrdreg s21  }
0x17: {  	s23 =	sadd.s32 $0xA280, s2;
	[dreg:$0x10] =	wrdreg s22  }
0x18: {  	s24 =	sadd.s32 $0xAF00, s2;
	[dreg:$0x11] =	wrdreg s23  }
0x19: {  	s25 =	sadd.s32 $0xBB80, s2;
	[dreg:$0x12] =	wrdreg s24  }
0x1a: {  	s26 =	sadd.s32 $0xC800, s2;
	[dreg:$0x13] =	wrdreg s25  }
0x1b: {  	s31 =	sadd.s32 $0xD480, s2;
	[dreg:$0x14] =	wrdreg s26  }
0x1c: {  	s4 =	sadd.s32 $0xE100, s2;
	[dreg:$0x15] =	wrdreg s31  }
0x1d: {  	s5 =	sadd.s32 $0xED80, s2;
	[dreg:$0x16] =	wrdreg s4  }
0x1e: {  	s6 =	sadd.s32 $0xFA00, s2;
	[dreg:$0x17] =	wrdreg s5  }
0x1f: {  	s7 =	sadd.s32 $0x10680, s2;
	[dreg:$0x18] =	wrdreg s6  }
0x20: {  	s8 =	sadd.s32 $0x11300, s2;
	[dreg:$0x19] =	wrdreg s7  }
0x21: {  	s9 =	sadd.s32 $0x11F80, s2;
	[dreg:$0x1a] =	wrdreg s8  }
0x22: {  	s10 =	sadd.s32 $0x12C00, s2;
	[dreg:$0x1b] =	wrdreg s9  }
0x23: {  	[dreg:$0x1c] =	wrdreg s10;
	s11 =	sadd.s32 $0x13880, s2  }
0x24: {  	s12 =	sadd.s32 $0x14500, s2;
	[dreg:$0x1d] =	wrdreg s11  }
0x25: {  	s13 =	sadd.s32 $0x15180, s2;
	[dreg:$0x1e] =	wrdreg s12  }
0x26: {  	s14 =	sadd.s32 $0x15E00, s2;
	[dreg:$0x1f] =	wrdreg s13  }
0x27: {  	s15 =	sadd.s32 $0x16A80, s2;
	[smem:$0x7AB] =	sst s14  }
0x28: {  	s16 =	sadd.s32 $0x17700, s2;
	[smem:$0x7AC] =	sst s15  }
0x29: {  	s17 =	sadd.s32 $0x18380, s2;
	[smem:$0x7AD] =	sst s16  }
0x2a: {  	s18 =	sadd.s32 $0x19000, s2;
	[smem:$0x7AE] =	sst s17  }
0x2b: {  	s19 =	sadd.s32 $0x19C80, s2;
	[smem:$0x7AF] =	sst s18  }
0x2c: {  	s20 =	sadd.s32 $0x1A900, s2;
	[smem:$0x7B0] =	sst s19  }
0x2d: {  	s21 =	sadd.s32 $0x1B580, s2;
	[smem:$0x7B1] =	sst s20  }
0x2e: {  	s22 =	sadd.s32 $0x1C200, s2;
	[smem:$0x7B2] =	sst s21  }
0x2f: {  	s23 =	sadd.s32 $0x1CE80, s2;
	[smem:$0x7B3] =	sst s22  }
0x30: {  	s24 =	sadd.s32 $0x1DB00, s2;
	[smem:$0x7B4] =	sst s23  }
0x31: {  	s25 =	sadd.s32 $0x1E780, s2;
	[smem:$0x7B5] =	sst s24  }
0x32: {  	s26 =	sadd.s32 $0x1F400, s2;
	[smem:$0x7B6] =	sst s25  }
0x33: {  	s31 =	sadd.s32 $0x20080, s2;
	[smem:$0x7B7] =	sst s26  }
0x34: {  	s4 =	sadd.s32 $0x20D00, s2;
	[smem:$0x7B8] =	sst s31  }
0x35: {  	s5 =	sadd.s32 $0x21980, s2;
	[smem:$0x7B9] =	sst s4  }
0x36: {  	s6 =	sadd.s32 $0x22600, s2;
	[smem:$0x7BA] =	sst s5  }
0x37: {  	s7 =	sadd.s32 $0x23280, s2;
	[smem:$0x7BB] =	sst s6  }
0x38: {  	s8 =	sadd.s32 $0x23F00, s2;
	[smem:$0x7BC] =	sst s7  }
0x39: {  	s9 =	sadd.s32 $0x24B80, s2;
	[smem:$0x7BD] =	sst s8  }
0x3a: {  	s10 =	sadd.s32 $0x25800, s2;
	[smem:$0x7BE] =	sst s9  }
0x3b: {  	[smem:$0x7BF] =	sst s10;
	s11 =	sadd.s32 $0x26480, s2  }
0x3c: {  	s12 =	sadd.s32 $0x27100, s2;
	[smem:$0x7C0] =	sst s11  }
0x3d: {  	s13 =	sadd.s32 $0x27D80, s2;
	[smem:$0x7C1] =	sst s12  }
0x3e: {  	s14 =	sadd.s32 $0x28A00, s2;
	[smem:$0x7C2] =	sst s13  }
0x3f: {  	s15 =	sadd.s32 $0x29680, s2;
	[smem:$0x7C3] =	sst s14  }
0x40: {  	s16 =	sadd.s32 $0x2A300, s2;
	[smem:$0x7C4] =	sst s15  }
0x41: {  	s17 =	sadd.s32 $0x2AF80, s2;
	[smem:$0x7C5] =	sst s16  }
0x42: {  	s18 =	sadd.s32 $0x2BC00, s2;
	[smem:$0x7C6] =	sst s17  }
0x43: {  	s19 =	sadd.s32 $0x2C880, s2;
	[smem:$0x7C7] =	sst s18  }
0x44: {  	s20 =	sadd.s32 $0x2D500, s2;
	[smem:$0x7C8] =	sst s19  }
0x45: {  	s21 =	sadd.s32 $0x2E180, s2;
	[smem:$0x7C9] =	sst s20  }
0x46: {  	s22 =	sadd.s32 $0x2EE00, s2;
	[smem:$0x7CA] =	sst s21  }
0x47: {  	s23 =	sadd.s32 $0x2FA80, s2;
	[smem:$0x7CB] =	sst s22  }
0x48: {  	s24 =	sadd.s32 $0x30700, s2;
	[smem:$0x7CC] =	sst s23  }
0x49: {  	s25 =	sadd.s32 $0x31380, s2;
	[smem:$0x7CD] =	sst s24  }
0x4a: {  	s26 =	sadd.s32 $0x32000, s2;
	[smem:$0x7CE] =	sst s25  }
0x4b: {  	s31 =	sadd.s32 $0x32C80, s2;
	[smem:$0x7CF] =	sst s26  }
0x4c: {  	s4 =	sadd.s32 $0x33900, s2;
	[smem:$0x7D0] =	sst s31  }
0x4d: {  	s5 =	sadd.s32 $0x34580, s2;
	[smem:$0x7D1] =	sst s4  }
0x4e: {  	s6 =	sadd.s32 $0x35200, s2;
	[smem:$0x7D2] =	sst s5  }
0x4f: {  	s7 =	sadd.s32 $0x35E80, s2;
	[smem:$0x7D3] =	sst s6  }
0x50: {  	s8 =	sadd.s32 $0x36B00, s2;
	[smem:$0x7D4] =	sst s7  }
0x51: {  	s9 =	sadd.s32 $0x37780, s2;
	[smem:$0x7D5] =	sst s8  }
0x52: {  	s10 =	sadd.s32 $0x38400, s2;
	[smem:$0x7D6] =	sst s9  }
0x53: {  	[smem:$0x7D7] =	sst s10;
	s11 =	sadd.s32 $0x39080, s2  }
0x54: {  	s12 =	sadd.s32 $0x39D00, s2;
	[smem:$0x7D8] =	sst s11  }
0x55: {  	s13 =	sadd.s32 $0x3A980, s2;
	[smem:$0x7D9] =	sst s12  }
0x56: {  	s14 =	sadd.s32 $0x3B600, s2;
	[smem:$0x7DA] =	sst s13  }
0x57: {  	s15 =	sadd.s32 $0x3C280, s2;
	[smem:$0x7DB] =	sst s14  }
0x58: {  	s16 =	sadd.s32 $0x3CF00, s2;
	[smem:$0x7DC] =	sst s15  }
0x59: {  	s17 =	sadd.s32 $0x3DB80, s2;
	[smem:$0x7DD] =	sst s16  }
0x5a: {  	s18 =	sadd.s32 $0x3E800, s2;
	[smem:$0x7DE] =	sst s17  }
0x5b: {  	s19 =	sadd.s32 $0x3F480, s2;
	[smem:$0x7DF] =	sst s18  }
0x5c: {  	s20 =	sadd.s32 $0x40100, s2;
	[smem:$0x7E0] =	sst s19  }
0x5d: {  	s21 =	sadd.s32 $0x40D80, s2;
	[smem:$0x7E1] =	sst s20  }
0x5e: {  	s22 =	sadd.s32 $0x41A00, s2;
	[smem:$0x7E2] =	sst s21  }
0x5f: {  	s23 =	sadd.s32 $0x42680, s2;
	[smem:$0x7E3] =	sst s22  }
0x60: {  	s24 =	sadd.s32 $0x43300, s2;
	[smem:$0x7E4] =	sst s23  }
0x61: {  	s25 =	sadd.s32 $0x43F80, s2;
	[smem:$0x7E5] =	sst s24  }
0x62: {  	s26 =	sadd.s32 $0x44C00, s2;
	[smem:$0x7E6] =	sst s25  }
0x63: {  	s31 =	sadd.s32 $0x45880, s2;
	[smem:$0x7E7] =	sst s26  }
0x64: {  	s4 =	sadd.s32 $0x46500, s2;
	[smem:$0x7E8] =	sst s31  }
0x65: {  	s5 =	sadd.s32 $0x47180, s2;
	[smem:$0x7E9] =	sst s4  }
0x66: {  	s6 =	sadd.s32 $0x47E00, s2;
	[smem:$0x7EA] =	sst s5  }
0x67: {  	s7 =	sadd.s32 $0x48A80, s2;
	[smem:$0x7EB] =	sst s6  }
0x68: {  	s8 =	sadd.s32 $0x49700, s2;
	[smem:$0x7EC] =	sst s7  }
0x69: {  	s9 =	sadd.s32 $0x4A380, s2;
	[smem:$0x7ED] =	sst s8  }
0x6a: {  	s10 =	sadd.s32 $0x4B000, s2;
	[smem:$0x7EE] =	sst s9  }
0x6b: {  	[smem:$0x7EF] =	sst s10;
	s11 =	sadd.s32 $0x4BC80, s2  }
0x6c: {  	s12 =	sadd.s32 $0x4C900, s2;
	[smem:$0x7F0] =	sst s11  }
0x6d: {  	p1 =	por $0x0, $0x0;
	s13 =	sadd.s32 $0x4D580, s2;
	[smem:$0x7F1] =	sst s12  }
0x6e: {  	s29 =	simm.s32 $0x2;
	s14 =	sadd.s32 $0x4E200, s2;
	[smem:$0x7F2] =	sst s13  }
0x6f: {  	p0 =	seq.s32 s1, $0x0;
	s15 =	sadd.s32 $0x4EE80, s2;
	[smem:$0x7F3] =	sst s14  }
0x70: {  	s28 =	sadd.s32 $0x68B00, s2;
	s16 =	sadd.s32 $0x4FB00, s2;
	[smem:$0x7F4] =	sst s15  }
0x71: {  	s17 =	sadd.s32 $0x50780, s2;
	s18 =	sadd.s32 $0x51400, s2;
	[smem:$0x7F5] =	sst s16  }
0x72: {  	s19 =	sadd.s32 $0x52080, s2;
	s20 =	sadd.s32 $0x52D00, s2;
	[smem:$0x7F6] =	sst s17  }
0x73: {  	s21 =	sadd.s32 $0x53980, s2;
	s22 =	ssub.s32 $0x2, s1;
	[smem:$0x7F7] =	sst s18  }
0x74: {  	s23 =	sadd.s32 $0x54600, s2;
	s24 =	sadd.s32 $0x55280, s2;
	[smem:$0x7F8] =	sst s19  }
0x75: {  	s26 =	sadd.s32 $0x55F00, s2;
	s4 =	sadd.s32 $0x5E880, s2;
	[smem:$0x7F9] =	sst s20  }
0x76: {  	s6 =	sadd.s32 $0x60180, s2;
	s7 =	sadd.s32 $0x60E00, s2;
	[smem:$0x7FA] =	sst s21  }
0x77: {  	s8 =	sadd.s32 $0x61A80, s2;
	s5 =	sshrl.u32 s22, $0x1;
	[smem:$0x7FB] =	sst s23  }
0x78: {  	s9 =	sadd.s32 $0x62700, s2;
	[smem:$0x7FC] =	sst s24;
	s25 =	ssub.s32 s22, s5  }
0x79: {  	s10 =	sadd.s32 $0x63380, s2;
	[smem:$0x7FD] =	sst s26;
	s31 =	smax.u32 s25, $0x1  }
0x7a: {  	s14 =	sadd.s32 $0x56B80, s2;
	s15 =	sadd.s32 $0x57800, s2;
	s1 =	sadd.s32 $0xFFFFFFFF, s31  }
0x7b: {  	s16 =	sadd.s32 $0x58480, s2;
	s17 =	sadd.s32 $0x59100, s2;
	p2 =	sne.s32 s1, $0x0  }
.Ltmp0:
0x7c: {  	s18 =	sadd.s32 $0x59D80, s2;
	s19 =	sadd.s32 $0x5AA00, s2;
	(pc) =	sbr.rel @!p2 .LBB2_1-.Ltmp0, $4  }
0x7d: {  	s20 =	sadd.s32 $0x5B680, s2;
	s21 =	sadd.s32 $0x5C300, s2;
	s23 =	sadd.s32 $0x5DC00, s2  }
0x7e: {  	s11 =	sadd.s32 $0x64000, s2;
	s12 =	sadd.s32 $0x64C80, s2;
	s13 =	sadd.s32 $0x65900, s2  }
0x7f: {  	s24 =	sadd.s32 $0x66580, s2;
	s26 =	sadd.s32 $0x67E80, s2;
	s22 =	sadd.s32 $0x5CF80, s2  }
0x80: {  	s5 =	sadd.s32 $0x5F500, s2;
	s25 =	sadd.s32 $0x67200, s2;
	s2 =	simm.s32 $0x1  }
0x81: {  	[tilespmem:s3], [sflag:$0x2] =	stream.linear.gather [hbm4b:s0+s3], $0x6400, $0x38;
	[tilespmem:$0x6400] =	vst v63  }
0x82: {  	_ =	swait.ge [sflag:s29], $0x6400  }
0x83: {  	[sflag:s29] =	ssyncset.done $0x0  }
0x84: {  	s0 =	rddreg [dreg:$0x4];
	[sflag:s29] =	ssyncadd.s32 $0xFFFF9C00  }
0x85: {  	[hbm4b:s0+s3] =	stream.linear.scatter [tilespmem:s3], [sflag:$0x1], $0x6400, $0x38;
	[tilespmem:$0x6400] =	vst v63  }
0x86: {  	s30 =	rddreg [dreg:$0x5]  }
0x87: {  	[hbm4b:s30+s3] =	stream.linear.scatter [tilespmem:s3], [sflag:$0x1], $0x6400, $0x38;
	[tilespmem:$0x6400] =	vst v63  }
0x88: {  	s0 =	rddreg [dreg:$0x6]  }
0x89: {  	[hbm4b:s0+s3] =	stream.linear.scatter [tilespmem:s3], [sflag:$0x1], $0x6400, $0x38;
	[tilespmem:$0x6400] =	vst v63  }
0x8a: {  	s30 =	rddreg [dreg:$0x7]  }
0x8b: {  	[hbm4b:s30+s3] =	stream.linear.scatter [tilespmem:s3], [sflag:$0x1], $0x6400, $0x38;
	[tilespmem:$0x6400] =	vst v63  }
0x8c: {  	s0 =	rddreg [dreg:$0x8]  }
0x8d: {  	[hbm4b:s0+s3] =	stream.linear.scatter [tilespmem:s3], [sflag:$0x1], $0x6400, $0x38;
	[tilespmem:$0x6400] =	vst v63  }
0x8e: {  	s30 =	rddreg [dreg:$0x9]  }
0x8f: {  	[hbm4b:s30+s3] =	stream.linear.scatter [tilespmem:s3], [sflag:$0x1], $0x6400, $0x38;
	[tilespmem:$0x6400] =	vst v63  }
0x90: {  	s0 =	rddreg [dreg:$0xa]  }
0x91: {  	[hbm4b:s0+s3] =	stream.linear.scatter [tilespmem:s3], [sflag:$0x1], $0x6400, $0x38;
	[tilespmem:$0x6400] =	vst v63  }
0x92: {  	s30 =	rddreg [dreg:$0xb]  }
0x93: {  	[hbm4b:s30+s3] =	stream.linear.scatter [tilespmem:s3], [sflag:$0x1], $0x6400, $0x38;
	[tilespmem:$0x6400] =	vst v63  }
0x94: {  	s0 =	rddreg [dreg:$0xc]  }
0x95: {  	s30 =	rddreg [dreg:$0xd]  }
0x96: {  	[hbm4b:s0+s3] =	stream.linear.scatter [tilespmem:s3], [sflag:$0x1], $0x6400, $0x38;
	[tilespmem:$0x6400] =	vst v63  }
0x97: {  	s0 =	rddreg [dreg:$0xe]  }
0x98: {  	[hbm4b:s30+s3] =	stream.linear.scatter [tilespmem:s3], [sflag:$0x1], $0x6400, $0x38;
	[tilespmem:$0x6400] =	vst v63  }
0x99: {  	s30 =	rddreg [dreg:$0xf]  }
0x9a: {  	[hbm4b:s0+s3] =	stream.linear.scatter [tilespmem:s3], [sflag:$0x1], $0x6400, $0x38;
	[tilespmem:$0x6400] =	vst v63  }
0x9b: {  	s0 =	rddreg [dreg:$0x10]  }
0x9c: {  	[hbm4b:s30+s3] =	stream.linear.scatter [tilespmem:s3], [sflag:$0x1], $0x6400, $0x38;
	[tilespmem:$0x6400] =	vst v63  }
0x9d: {  	s30 =	rddreg [dreg:$0x11]  }
0x9e: {  	[hbm4b:s0+s3] =	stream.linear.scatter [tilespmem:s3], [sflag:$0x1], $0x6400, $0x38;
	[tilespmem:$0x6400] =	vst v63  }
0x9f: {  	s0 =	rddreg [dreg:$0x12]  }
0xa0: {  	[hbm4b:s30+s3] =	stream.linear.scatter [tilespmem:s3], [sflag:$0x1], $0x6400, $0x38;
	[tilespmem:$0x6400] =	vst v63  }
0xa1: {  	s30 =	rddreg [dreg:$0x13]  }
0xa2: {  	[hbm4b:s0+s3] =	stream.linear.scatter [tilespmem:s3], [sflag:$0x1], $0x6400, $0x38;
	[tilespmem:$0x6400] =	vst v63  }
0xa3: {  	s0 =	rddreg [dreg:$0x14]  }
0xa4: {  	[hbm4b:s30+s3] =	stream.linear.scatter [tilespmem:s3], [sflag:$0x1], $0x6400, $0x38;
	[tilespmem:$0x6400] =	vst v63  }
0xa5: {  	s30 =	rddreg [dreg:$0x15]  }
0xa6: {  	[hbm4b:s0+s3] =	stream.linear.scatter [tilespmem:s3], [sflag:$0x1], $0x6400, $0x38;
	[tilespmem:$0x6400] =	vst v63  }
0xa7: {  	s0 =	rddreg [dreg:$0x16]  }
0xa8: {  	[hbm4b:s30+s3] =	stream.linear.scatter [tilespmem:s3], [sflag:$0x1], $0x6400, $0x38;
	[tilespmem:$0x6400] =	vst v63  }
0xa9: {  	s30 =	rddreg [dreg:$0x17]  }
0xaa: {  	[hbm4b:s0+s3] =	stream.linear.scatter [tilespmem:s3], [sflag:$0x1], $0x6400, $0x38;
	[tilespmem:$0x6400] =	vst v63  }
0xab: {  	s0 =	rddreg [dreg:$0x18]  }
0xac: {  	[hbm4b:s30+s3] =	stream.linear.scatter [tilespmem:s3], [sflag:$0x1], $0x6400, $0x38;
	[tilespmem:$0x6400] =	vst v63  }
0xad: {  	s30 =	rddreg [dreg:$0x19]  }
0xae: {  	[hbm4b:s0+s3] =	stream.linear.scatter [tilespmem:s3], [sflag:$0x1], $0x6400, $0x38;
	[tilespmem:$0x6400] =	vst v63  }
0xaf: {  	s0 =	rddreg [dreg:$0x1a]  }
0xb0: {  	[hbm4b:s30+s3] =	stream.linear.scatter [tilespmem:s3], [sflag:$0x1], $0x6400, $0x38;
	[tilespmem:$0x6400] =	vst v63  }
0xb1: {  	s30 =	rddreg [dreg:$0x1b]  }
0xb2: {  	[hbm4b:s0+s3] =	stream.linear.scatter [tilespmem:s3], [sflag:$0x1], $0x6400, $0x38;
	[tilespmem:$0x6400] =	vst v63  }
0xb3: {  	s0 =	rddreg [dreg:$0x1c]  }
0xb4: {  	[hbm4b:s30+s3] =	stream.linear.scatter [tilespmem:s3], [sflag:$0x1], $0x6400, $0x38;
	[tilespmem:$0x6400] =	vst v63  }
0xb5: {  	s30 =	rddreg [dreg:$0x1d]  }
0xb6: {  	[hbm4b:s0+s3] =	stream.linear.scatter [tilespmem:s3], [sflag:$0x1], $0x6400, $0x38;
	[tilespmem:$0x6400] =	vst v63  }
0xb7: {  	s0 =	rddreg [dreg:$0x1e]  }
0xb8: {  	[hbm4b:s30+s3] =	stream.linear.scatter [tilespmem:s3], [sflag:$0x1], $0x6400, $0x38;
	[tilespmem:$0x6400] =	vst v63  }
0xb9: {  	s30 =	rddreg [dreg:$0x1f]  }
0xba: {  	[hbm4b:s0+s3] =	stream.linear.scatter [tilespmem:s3], [sflag:$0x1], $0x6400, $0x38;
	[tilespmem:$0x6400] =	vst v63  }
0xbb: {  	s0 =	sld [smem:$0x7AB]  }
0xbc: {  	[hbm4b:s30+s3] =	stream.linear.scatter [tilespmem:s3], [sflag:$0x1], $0x6400, $0x38;
	[tilespmem:$0x6400] =	vst v63  }
0xbd: {  	s30 =	sld [smem:$0x7AC]  }
0xbe: {  	[hbm4b:s0+s3] =	stream.linear.scatter [tilespmem:s3], [sflag:$0x1], $0x6400, $0x38;
	[tilespmem:$0x6400] =	vst v63  }
0xbf: {  	s0 =	sld [smem:$0x7AD]  }
0xc0: {  	[hbm4b:s30+s3] =	stream.linear.scatter [tilespmem:s3], [sflag:$0x1], $0x6400, $0x38;
	[tilespmem:$0x6400] =	vst v63  }
0xc1: {  	s30 =	sld [smem:$0x7AE]  }
0xc2: {  	[hbm4b:s0+s3] =	stream.linear.scatter [tilespmem:s3], [sflag:$0x1], $0x6400, $0x38;
	[tilespmem:$0x6400] =	vst v63  }
0xc3: {  	s0 =	sld [smem:$0x7AF]  }
0xc4: {  	[hbm4b:s30+s3] =	stream.linear.scatter [tilespmem:s3], [sflag:$0x1], $0x6400, $0x38;
	[tilespmem:$0x6400] =	vst v63  }
0xc5: {  	s30 =	sld [smem:$0x7B0]  }
0xc6: {  	[hbm4b:s0+s3] =	stream.linear.scatter [tilespmem:s3], [sflag:$0x1], $0x6400, $0x38;
	[tilespmem:$0x6400] =	vst v63  }
0xc7: {  	s0 =	sld [smem:$0x7B1]  }
0xc8: {  	[hbm4b:s30+s3] =	stream.linear.scatter [tilespmem:s3], [sflag:$0x1], $0x6400, $0x38;
	[tilespmem:$0x6400] =	vst v63  }
0xc9: {  	s30 =	sld [smem:$0x7B2]  }
0xca: {  	[hbm4b:s0+s3] =	stream.linear.scatter [tilespmem:s3], [sflag:$0x1], $0x6400, $0x38;
	[tilespmem:$0x6400] =	vst v63  }
0xcb: {  	s0 =	sld [smem:$0x7B3]  }
0xcc: {  	[hbm4b:s30+s3] =	stream.linear.scatter [tilespmem:s3], [sflag:$0x1], $0x6400, $0x38;
	[tilespmem:$0x6400] =	vst v63  }
0xcd: {  	s30 =	sld [smem:$0x7B4]  }
0xce: {  	[hbm4b:s0+s3] =	stream.linear.scatter [tilespmem:s3], [sflag:$0x1], $0x6400, $0x38;
	[tilespmem:$0x6400] =	vst v63  }
0xcf: {  	s0 =	sld [smem:$0x7B5]  }
0xd0: {  	[hbm4b:s30+s3] =	stream.linear.scatter [tilespmem:s3], [sflag:$0x1], $0x6400, $0x38;
	[tilespmem:$0x6400] =	vst v63  }
0xd1: {  	s30 =	sld [smem:$0x7B6]  }
0xd2: {  	[hbm4b:s0+s3] =	stream.linear.scatter [tilespmem:s3], [sflag:$0x1], $0x6400, $0x38;
	[tilespmem:$0x6400] =	vst v63  }
0xd3: {  	s0 =	sld [smem:$0x7B7]  }
0xd4: {  	[hbm4b:s30+s3] =	stream.linear.scatter [tilespmem:s3], [sflag:$0x1], $0x6400, $0x38;
	[tilespmem:$0x6400] =	vst v63  }
0xd5: {  	s30 =	sld [smem:$0x7B8]  }
0xd6: {  	[hbm4b:s0+s3] =	stream.linear.scatter [tilespmem:s3], [sflag:$0x1], $0x6400, $0x38;
	[tilespmem:$0x6400] =	vst v63  }
0xd7: {  	s0 =	sld [smem:$0x7B9]  }
0xd8: {  	[hbm4b:s30+s3] =	stream.linear.scatter [tilespmem:s3], [sflag:$0x1], $0x6400, $0x38;
	[tilespmem:$0x6400] =	vst v63  }
0xd9: {  	s30 =	sld [smem:$0x7BA]  }
0xda: {  	[hbm4b:s0+s3] =	stream.linear.scatter [tilespmem:s3], [sflag:$0x1], $0x6400, $0x38;
	[tilespmem:$0x6400] =	vst v63  }
0xdb: {  	s0 =	sld [smem:$0x7BB]  }
0xdc: {  	[hbm4b:s30+s3] =	stream.linear.scatter [tilespmem:s3], [sflag:$0x1], $0x6400, $0x38;
	[tilespmem:$0x6400] =	vst v63  }
0xdd: {  	s30 =	sld [smem:$0x7BC]  }
0xde: {  	[hbm4b:s0+s3] =	stream.linear.scatter [tilespmem:s3], [sflag:$0x1], $0x6400, $0x38;
	[tilespmem:$0x6400] =	vst v63  }
0xdf: {  	s0 =	sld [smem:$0x7BD]  }
0xe0: {  	[hbm4b:s30+s3] =	stream.linear.scatter [tilespmem:s3], [sflag:$0x1], $0x6400, $0x38;
	[tilespmem:$0x6400] =	vst v63  }
0xe1: {  	s30 =	sld [smem:$0x7BE]  }
0xe2: {  	[hbm4b:s0+s3] =	stream.linear.scatter [tilespmem:s3], [sflag:$0x1], $0x6400, $0x38;
	[tilespmem:$0x6400] =	vst v63  }
0xe3: {  	s0 =	sld [smem:$0x7BF]  }
0xe4: {  	[hbm4b:s30+s3] =	stream.linear.scatter [tilespmem:s3], [sflag:$0x1], $0x6400, $0x38;
	[tilespmem:$0x6400] =	vst v63  }
0xe5: {  	s30 =	sld [smem:$0x7C0]  }
0xe6: {  	[hbm4b:s0+s3] =	stream.linear.scatter [tilespmem:s3], [sflag:$0x1], $0x6400, $0x38;
	[tilespmem:$0x6400] =	vst v63  }
0xe7: {  	s0 =	sld [smem:$0x7C1]  }
0xe8: {  	[hbm4b:s30+s3] =	stream.linear.scatter [tilespmem:s3], [sflag:$0x1], $0x6400, $0x38;
	[tilespmem:$0x6400] =	vst v63  }
0xe9: {  	s30 =	sld [smem:$0x7C2]  }
0xea: {  	[hbm4b:s0+s3] =	stream.linear.scatter [tilespmem:s3], [sflag:$0x1], $0x6400, $0x38;
	[tilespmem:$0x6400] =	vst v63  }
0xeb: {  	s0 =	sld [smem:$0x7C3]  }
0xec: {  	[hbm4b:s30+s3] =	stream.linear.scatter [tilespmem:s3], [sflag:$0x1], $0x6400, $0x38;
	[tilespmem:$0x6400] =	vst v63  }
0xed: {  	s30 =	sld [smem:$0x7C4]  }
0xee: {  	[hbm4b:s0+s3] =	stream.linear.scatter [tilespmem:s3], [sflag:$0x1], $0x6400, $0x38;
	[tilespmem:$0x6400] =	vst v63  }
0xef: {  	s0 =	sld [smem:$0x7C5]  }
0xf0: {  	[hbm4b:s30+s3] =	stream.linear.scatter [tilespmem:s3], [sflag:$0x1], $0x6400, $0x38;
	[tilespmem:$0x6400] =	vst v63  }
0xf1: {  	s30 =	sld [smem:$0x7C6]  }
0xf2: {  	[hbm4b:s0+s3] =	stream.linear.scatter [tilespmem:s3], [sflag:$0x1], $0x6400, $0x38;
	[tilespmem:$0x6400] =	vst v63  }
0xf3: {  	s0 =	sld [smem:$0x7C7]  }
0xf4: {  	[hbm4b:s30+s3] =	stream.linear.scatter [tilespmem:s3], [sflag:$0x1], $0x6400, $0x38;
	[tilespmem:$0x6400] =	vst v63  }
0xf5: {  	s30 =	sld [smem:$0x7C8]  }
0xf6: {  	[hbm4b:s0+s3] =	stream.linear.scatter [tilespmem:s3], [sflag:$0x1], $0x6400, $0x38;
	[tilespmem:$0x6400] =	vst v63  }
0xf7: {  	s0 =	sld [smem:$0x7C9]  }
0xf8: {  	[hbm4b:s30+s3] =	stream.linear.scatter [tilespmem:s3], [sflag:$0x1], $0x6400, $0x38;
	[tilespmem:$0x6400] =	vst v63  }
0xf9: {  	s30 =	sld [smem:$0x7CA]  }
0xfa: {  	[hbm4b:s0+s3] =	stream.linear.scatter [tilespmem:s3], [sflag:$0x1], $0x6400, $0x38;
	[tilespmem:$0x6400] =	vst v63  }
0xfb: {  	s0 =	sld [smem:$0x7CB]  }
0xfc: {  	[hbm4b:s30+s3] =	stream.linear.scatter [tilespmem:s3], [sflag:$0x1], $0x6400, $0x38;
	[tilespmem:$0x6400] =	vst v63  }
0xfd: {  	s30 =	sld [smem:$0x7CC]  }
0xfe: {  	[hbm4b:s0+s3] =	stream.linear.scatter [tilespmem:s3], [sflag:$0x1], $0x6400, $0x38;
	[tilespmem:$0x6400] =	vst v63  }
0xff: {  	s0 =	sld [smem:$0x7CD]  }
0x100: {  	[hbm4b:s30+s3] =	stream.linear.scatter [tilespmem:s3], [sflag:$0x1], $0x6400, $0x38;
	[tilespmem:$0x6400] =	vst v63  }
0x101: {  	s30 =	sld [smem:$0x7CE]  }
0x102: {  	[hbm4b:s0+s3] =	stream.linear.scatter [tilespmem:s3], [sflag:$0x1], $0x6400, $0x38;
	[tilespmem:$0x6400] =	vst v63  }
0x103: {  	s0 =	sld [smem:$0x7CF]  }
0x104: {  	[hbm4b:s30+s3] =	stream.linear.scatter [tilespmem:s3], [sflag:$0x1], $0x6400, $0x38;
	[tilespmem:$0x6400] =	vst v63  }
0x105: {  	s30 =	sld [smem:$0x7D0]  }
0x106: {  	[hbm4b:s0+s3] =	stream.linear.scatter [tilespmem:s3], [sflag:$0x1], $0x6400, $0x38;
	[tilespmem:$0x6400] =	vst v63  }
0x107: {  	s0 =	sld [smem:$0x7D1]  }
0x108: {  	[hbm4b:s30+s3] =	stream.linear.scatter [tilespmem:s3], [sflag:$0x1], $0x6400, $0x38;
	[tilespmem:$0x6400] =	vst v63  }
0x109: {  	s30 =	sld [smem:$0x7D2]  }
0x10a: {  	[hbm4b:s0+s3] =	stream.linear.scatter [tilespmem:s3], [sflag:$0x1], $0x6400, $0x38;
	[tilespmem:$0x6400] =	vst v63  }
0x10b: {  	s0 =	sld [smem:$0x7D3]  }
0x10c: {  	[hbm4b:s30+s3] =	stream.linear.scatter [tilespmem:s3], [sflag:$0x1], $0x6400, $0x38;
	[tilespmem:$0x6400] =	vst v63  }
0x10d: {  	s30 =	sld [smem:$0x7D4]  }
0x10e: {  	[hbm4b:s0+s3] =	stream.linear.scatter [tilespmem:s3], [sflag:$0x1], $0x6400, $0x38;
	[tilespmem:$0x6400] =	vst v63  }
0x10f: {  	s0 =	sld [smem:$0x7D5]  }
0x110: {  	[hbm4b:s30+s3] =	stream.linear.scatter [tilespmem:s3], [sflag:$0x1], $0x6400, $0x38;
	[tilespmem:$0x6400] =	vst v63  }
0x111: {  	s30 =	sld [smem:$0x7D6]  }
0x112: {  	[hbm4b:s0+s3] =	stream.linear.scatter [tilespmem:s3], [sflag:$0x1], $0x6400, $0x38;
	[tilespmem:$0x6400] =	vst v63  }
0x113: {  	s0 =	sld [smem:$0x7D7]  }
0x114: {  	[hbm4b:s30+s3] =	stream.linear.scatter [tilespmem:s3], [sflag:$0x1], $0x6400, $0x38;
	[tilespmem:$0x6400] =	vst v63  }
0x115: {  	s30 =	sld [smem:$0x7D8]  }
0x116: {  	[hbm4b:s0+s3] =	stream.linear.scatter [tilespmem:s3], [sflag:$0x1], $0x6400, $0x38;
	[tilespmem:$0x6400] =	vst v63  }
0x117: {  	s0 =	sld [smem:$0x7D9]  }
0x118: {  	[hbm4b:s30+s3] =	stream.linear.scatter [tilespmem:s3], [sflag:$0x1], $0x6400, $0x38;
	[tilespmem:$0x6400] =	vst v63  }
0x119: {  	s30 =	sld [smem:$0x7DA]  }
0x11a: {  	[hbm4b:s0+s3] =	stream.linear.scatter [tilespmem:s3], [sflag:$0x1], $0x6400, $0x38;
	[tilespmem:$0x6400] =	vst v63  }
0x11b: {  	s0 =	sld [smem:$0x7DB]  }
0x11c: {  	[hbm4b:s30+s3] =	stream.linear.scatter [tilespmem:s3], [sflag:$0x1], $0x6400, $0x38;
	[tilespmem:$0x6400] =	vst v63  }
0x11d: {  	s30 =	sld [smem:$0x7DC]  }
0x11e: {  	[hbm4b:s0+s3] =	stream.linear.scatter [tilespmem:s3], [sflag:$0x1], $0x6400, $0x38;
	[tilespmem:$0x6400] =	vst v63  }
0x11f: {  	s0 =	sld [smem:$0x7DD]  }
0x120: {  	[hbm4b:s30+s3] =	stream.linear.scatter [tilespmem:s3], [sflag:$0x1], $0x6400, $0x38;
	[tilespmem:$0x6400] =	vst v63  }
0x121: {  	s30 =	sld [smem:$0x7DE]  }
0x122: {  	[hbm4b:s0+s3] =	stream.linear.scatter [tilespmem:s3], [sflag:$0x1], $0x6400, $0x38;
	[tilespmem:$0x6400] =	vst v63  }
0x123: {  	s0 =	sld [smem:$0x7DF]  }
0x124: {  	[hbm4b:s30+s3] =	stream.linear.scatter [tilespmem:s3], [sflag:$0x1], $0x6400, $0x38;
	[tilespmem:$0x6400] =	vst v63  }
0x125: {  	s30 =	sld [smem:$0x7E0]  }
0x126: {  	[hbm4b:s0+s3] =	stream.linear.scatter [tilespmem:s3], [sflag:$0x1], $0x6400, $0x38;
	[tilespmem:$0x6400] =	vst v63  }
0x127: {  	s0 =	sld [smem:$0x7E1]  }
0x128: {  	[hbm4b:s30+s3] =	stream.linear.scatter [tilespmem:s3], [sflag:$0x1], $0x6400, $0x38;
	[tilespmem:$0x6400] =	vst v63  }
0x129: {  	s30 =	sld [smem:$0x7E2]  }
0x12a: {  	[hbm4b:s0+s3] =	stream.linear.scatter [tilespmem:s3], [sflag:$0x1], $0x6400, $0x38;
	[tilespmem:$0x6400] =	vst v63  }
0x12b: {  	s0 =	sld [smem:$0x7E3]  }
0x12c: {  	[hbm4b:s30+s3] =	stream.linear.scatter [tilespmem:s3], [sflag:$0x1], $0x6400, $0x38;
	[tilespmem:$0x6400] =	vst v63  }
0x12d: {  	s30 =	sld [smem:$0x7E4]  }
0x12e: {  	[hbm4b:s0+s3] =	stream.linear.scatter [tilespmem:s3], [sflag:$0x1], $0x6400, $0x38;
	[tilespmem:$0x6400] =	vst v63  }
0x12f: {  	s0 =	sld [smem:$0x7E5]  }
0x130: {  	[hbm4b:s30+s3] =	stream.linear.scatter [tilespmem:s3], [sflag:$0x1], $0x6400, $0x38;
	[tilespmem:$0x6400] =	vst v63  }
0x131: {  	s30 =	sld [smem:$0x7E6]  }
0x132: {  	[hbm4b:s0+s3] =	stream.linear.scatter [tilespmem:s3], [sflag:$0x1], $0x6400, $0x38;
	[tilespmem:$0x6400] =	vst v63  }
0x133: {  	s0 =	sld [smem:$0x7E7]  }
0x134: {  	[hbm4b:s30+s3] =	stream.linear.scatter [tilespmem:s3], [sflag:$0x1], $0x6400, $0x38;
	[tilespmem:$0x6400] =	vst v63  }
0x135: {  	s30 =	sld [smem:$0x7E8]  }
0x136: {  	[hbm4b:s0+s3] =	stream.linear.scatter [tilespmem:s3], [sflag:$0x1], $0x6400, $0x38;
	[tilespmem:$0x6400] =	vst v63  }
0x137: {  	s0 =	sld [smem:$0x7E9]  }
0x138: {  	[hbm4b:s30+s3] =	stream.linear.scatter [tilespmem:s3], [sflag:$0x1], $0x6400, $0x38;
	[tilespmem:$0x6400] =	vst v63  }
0x139: {  	s30 =	sld [smem:$0x7EA]  }
0x13a: {  	[hbm4b:s0+s3] =	stream.linear.scatter [tilespmem:s3], [sflag:$0x1], $0x6400, $0x38;
	[tilespmem:$0x6400] =	vst v63  }
0x13b: {  	s0 =	sld [smem:$0x7EB]  }
0x13c: {  	[hbm4b:s30+s3] =	stream.linear.scatter [tilespmem:s3], [sflag:$0x1], $0x6400, $0x38;
	[tilespmem:$0x6400] =	vst v63  }
0x13d: {  	s30 =	sld [smem:$0x7EC]  }
0x13e: {  	[hbm4b:s0+s3] =	stream.linear.scatter [tilespmem:s3], [sflag:$0x1], $0x6400, $0x38;
	[tilespmem:$0x6400] =	vst v63  }
0x13f: {  	s0 =	sld [smem:$0x7ED]  }
0x140: {  	[hbm4b:s30+s3] =	stream.linear.scatter [tilespmem:s3], [sflag:$0x1], $0x6400, $0x38;
	[tilespmem:$0x6400] =	vst v63  }
0x141: {  	s30 =	sld [smem:$0x7EE]  }
0x142: {  	[hbm4b:s0+s3] =	stream.linear.scatter [tilespmem:s3], [sflag:$0x1], $0x6400, $0x38;
	[tilespmem:$0x6400] =	vst v63  }
0x143: {  	s0 =	sld [smem:$0x7EF]  }
0x144: {  	[hbm4b:s30+s3] =	stream.linear.scatter [tilespmem:s3], [sflag:$0x1], $0x6400, $0x38;
	[tilespmem:$0x6400] =	vst v63  }
0x145: {  	s30 =	sld [smem:$0x7F0]  }
0x146: {  	[hbm4b:s0+s3] =	stream.linear.scatter [tilespmem:s3], [sflag:$0x1], $0x6400, $0x38;
	[tilespmem:$0x6400] =	vst v63  }
0x147: {  	s0 =	sld [smem:$0x7F1]  }
0x148: {  	[hbm4b:s30+s3] =	stream.linear.scatter [tilespmem:s3], [sflag:$0x1], $0x6400, $0x38;
	[tilespmem:$0x6400] =	vst v63  }
0x149: {  	s30 =	sld [smem:$0x7F2]  }
0x14a: {  	[hbm4b:s0+s3] =	stream.linear.scatter [tilespmem:s3], [sflag:$0x1], $0x6400, $0x38;
	[tilespmem:$0x6400] =	vst v63  }
0x14b: {  	s0 =	sld [smem:$0x7F3]  }
0x14c: {  	[hbm4b:s30+s3] =	stream.linear.scatter [tilespmem:s3], [sflag:$0x1], $0x6400, $0x38;
	[tilespmem:$0x6400] =	vst v63  }
0x14d: {  	s30 =	sld [smem:$0x7F4]  }
0x14e: {  	[hbm4b:s0+s3] =	stream.linear.scatter [tilespmem:s3], [sflag:$0x1], $0x6400, $0x38;
	[tilespmem:$0x6400] =	vst v63  }
0x14f: {  	s0 =	sld [smem:$0x7F5]  }
0x150: {  	[hbm4b:s30+s3] =	stream.linear.scatter [tilespmem:s3], [sflag:$0x1], $0x6400, $0x38;
	[tilespmem:$0x6400] =	vst v63  }
0x151: {  	s30 =	sld [smem:$0x7F6]  }
0x152: {  	[hbm4b:s0+s3] =	stream.linear.scatter [tilespmem:s3], [sflag:$0x1], $0x6400, $0x38;
	[tilespmem:$0x6400] =	vst v63  }
0x153: {  	s0 =	sld [smem:$0x7F7]  }
0x154: {  	[hbm4b:s30+s3] =	stream.linear.scatter [tilespmem:s3], [sflag:$0x1], $0x6400, $0x38;
	[tilespmem:$0x6400] =	vst v63  }
0x155: {  	s30 =	sld [smem:$0x7F8]  }
0x156: {  	[hbm4b:s0+s3] =	stream.linear.scatter [tilespmem:s3], [sflag:$0x1], $0x6400, $0x38;
	[tilespmem:$0x6400] =	vst v63  }
0x157: {  	s0 =	sld [smem:$0x7F9]  }
0x158: {  	[hbm4b:s30+s3] =	stream.linear.scatter [tilespmem:s3], [sflag:$0x1], $0x6400, $0x38;
	[tilespmem:$0x6400] =	vst v63  }
0x159: {  	s30 =	sld [smem:$0x7FA]  }
0x15a: {  	[hbm4b:s0+s3] =	stream.linear.scatter [tilespmem:s3], [sflag:$0x1], $0x6400, $0x38;
	[tilespmem:$0x6400] =	vst v63  }
0x15b: {  	s0 =	sld [smem:$0x7FB]  }
0x15c: {  	[hbm4b:s30+s3] =	stream.linear.scatter [tilespmem:s3], [sflag:$0x1], $0x6400, $0x38;
	[tilespmem:$0x6400] =	vst v63  }
0x15d: {  	s30 =	sld [smem:$0x7FC]  }
0x15e: {  	[hbm4b:s0+s3] =	stream.linear.scatter [tilespmem:s3], [sflag:$0x1], $0x6400, $0x38;
	[tilespmem:$0x6400] =	vst v63  }
0x15f: {  	s0 =	sld [smem:$0x7FD]  }
0x160: {  	[hbm4b:s30+s3] =	stream.linear.scatter [tilespmem:s3], [sflag:$0x1], $0x6400, $0x38;
	[tilespmem:$0x6400] =	vst v63  }
0x161: {  	_ = 	snop  }
0x162: {  	[hbm4b:s0+s3] =	stream.linear.scatter [tilespmem:s3], [sflag:$0x1], $0x6400, $0x38;
	[tilespmem:$0x6400] =	vst v63  }
0x163: {  	_ = 	snop  }
0x164: {  	[hbm4b:s14+s3] =	stream.linear.scatter [tilespmem:s3], [sflag:$0x1], $0x6400, $0x38;
	[tilespmem:$0x6400] =	vst v63  }
0x165: {  	_ = 	snop  }
0x166: {  	[hbm4b:s15+s3] =	stream.linear.scatter [tilespmem:s3], [sflag:$0x1], $0x6400, $0x38;
	[tilespmem:$0x6400] =	vst v63  }
0x167: {  	_ = 	snop  }
0x168: {  	[hbm4b:s16+s3] =	stream.linear.scatter [tilespmem:s3], [sflag:$0x1], $0x6400, $0x38;
	[tilespmem:$0x6400] =	vst v63  }
0x169: {  	_ = 	snop  }
0x16a: {  	[hbm4b:s17+s3] =	stream.linear.scatter [tilespmem:s3], [sflag:$0x1], $0x6400, $0x38;
	[tilespmem:$0x6400] =	vst v63  }
0x16b: {  	_ = 	snop  }
0x16c: {  	[hbm4b:s18+s3] =	stream.linear.scatter [tilespmem:s3], [sflag:$0x1], $0x6400, $0x38;
	[tilespmem:$0x6400] =	vst v63  }
0x16d: {  	_ = 	snop  }
0x16e: {  	[hbm4b:s19+s3] =	stream.linear.scatter [tilespmem:s3], [sflag:$0x1], $0x6400, $0x38;
	[tilespmem:$0x6400] =	vst v63  }
0x16f: {  	_ = 	snop  }
0x170: {  	[hbm4b:s20+s3] =	stream.linear.scatter [tilespmem:s3], [sflag:$0x1], $0x6400, $0x38;
	[tilespmem:$0x6400] =	vst v63  }
0x171: {  	_ = 	snop  }
0x172: {  	[hbm4b:s21+s3] =	stream.linear.scatter [tilespmem:s3], [sflag:$0x1], $0x6400, $0x38;
	[tilespmem:$0x6400] =	vst v63  }
0x173: {  	_ = 	snop  }
0x174: {  	[hbm4b:s22+s3] =	stream.linear.scatter [tilespmem:s3], [sflag:$0x1], $0x6400, $0x38;
	[tilespmem:$0x6400] =	vst v63  }
0x175: {  	_ = 	snop  }
0x176: {  	[hbm4b:s23+s3] =	stream.linear.scatter [tilespmem:s3], [sflag:$0x1], $0x6400, $0x38;
	[tilespmem:$0x6400] =	vst v63  }
0x177: {  	s30 =	simm.s32 @!p0 $0x0  }
0x178: {  	[hbm4b:s4+s30] =	stream.linear.scatter @!p0 [tilespmem:s30], [sflag:$0x1], $0x6400, $0x38;
	[tilespmem:$0x6400] =	vst v63  }
0x179: {  	_ = 	snop  }
0x17a: {  	[hbm4b:s5+s30] =	stream.linear.scatter @!p0 [tilespmem:s30], [sflag:$0x1], $0x6400, $0x38;
	[tilespmem:$0x6400] =	vst v63  }
0x17b: {  	_ = 	snop  }
0x17c: {  	[hbm4b:s6+s30] =	stream.linear.scatter @!p0 [tilespmem:s30], [sflag:$0x1], $0x6400, $0x38;
	[tilespmem:$0x6400] =	vst v63  }
0x17d: {  	_ = 	snop  }
0x17e: {  	[hbm4b:s7+s30] =	stream.linear.scatter @!p0 [tilespmem:s30], [sflag:$0x1], $0x6400, $0x38;
	[tilespmem:$0x6400] =	vst v63  }
0x17f: {  	_ = 	snop  }
0x180: {  	[hbm4b:s8+s30] =	stream.linear.scatter @!p0 [tilespmem:s30], [sflag:$0x1], $0x6400, $0x38;
	[tilespmem:$0x6400] =	vst v63  }
0x181: {  	_ = 	snop  }
0x182: {  	[hbm4b:s9+s30] =	stream.linear.scatter @!p0 [tilespmem:s30], [sflag:$0x1], $0x6400, $0x38;
	[tilespmem:$0x6400] =	vst v63  }
0x183: {  	_ = 	snop  }
0x184: {  	[hbm4b:s10+s30] =	stream.linear.scatter @!p0 [tilespmem:s30], [sflag:$0x1], $0x6400, $0x38;
	[tilespmem:$0x6400] =	vst v63  }
0x185: {  	_ = 	snop  }
0x186: {  	[hbm4b:s11+s30] =	stream.linear.scatter @!p0 [tilespmem:s30], [sflag:$0x1], $0x6400, $0x38;
	[tilespmem:$0x6400] =	vst v63  }
0x187: {  	_ = 	snop  }
0x188: {  	[hbm4b:s12+s30] =	stream.linear.scatter @!p0 [tilespmem:s30], [sflag:$0x1], $0x6400, $0x38;
	[tilespmem:$0x6400] =	vst v63  }
0x189: {  	_ = 	snop  }
0x18a: {  	[hbm4b:s13+s30] =	stream.linear.scatter @!p0 [tilespmem:s30], [sflag:$0x1], $0x6400, $0x38;
	[tilespmem:$0x6400] =	vst v63  }
0x18b: {  	_ = 	snop  }
0x18c: {  	[hbm4b:s24+s30] =	stream.linear.scatter @!p0 [tilespmem:s30], [sflag:$0x1], $0x6400, $0x38;
	[tilespmem:$0x6400] =	vst v63  }
0x18d: {  	_ = 	snop  }
0x18e: {  	[hbm4b:s25+s30] =	stream.linear.scatter @!p0 [tilespmem:s30], [sflag:$0x1], $0x6400, $0x38;
	[tilespmem:$0x6400] =	vst v63  }
0x18f: {  	_ = 	snop  }
0x190: {  	[hbm4b:s26+s30] =	stream.linear.scatter @!p0 [tilespmem:s30], [sflag:$0x1], $0x6400, $0x38;
	[tilespmem:$0x6400] =	vst v63  }
0x191: {  	_ = 	snop  }
0x192: {  	[hbm4b:s28+s30] =	stream.linear.scatter @!p0 [tilespmem:s30], [sflag:$0x1], $0x6400, $0x38;
	[tilespmem:$0x6400] =	vst v63  }
0x193: {  	_ =	swait.ge [sflag:s2], $0x6400  }
0x194: {  	[sflag:s2] =	ssyncset.done $0x0  }
0x195: {  	[sflag:s2] =	ssyncadd.s32 $0xFFFF9C00  }
0x196: {  	_ =	swait.ge [sflag:s2], $0x6400  }
0x197: {  	[sflag:s2] =	ssyncset.done $0x0  }
0x198: {  	[sflag:s2] =	ssyncadd.s32 $0xFFFF9C00  }
0x199: {  	_ =	swait.ge [sflag:s2], $0x6400  }
0x19a: {  	[sflag:s2] =	ssyncset.done $0x0  }
0x19b: {  	[sflag:s2] =	ssyncadd.s32 $0xFFFF9C00  }
0x19c: {  	_ =	swait.ge [sflag:s2], $0x6400  }
0x19d: {  	[sflag:s2] =	ssyncset.done $0x0  }
0x19e: {  	[sflag:s2] =	ssyncadd.s32 $0xFFFF9C00  }
0x19f: {  	_ =	swait.ge [sflag:s2], $0x6400  }
0x1a0: {  	[sflag:s2] =	ssyncset.done $0x0  }
0x1a1: {  	[sflag:s2] =	ssyncadd.s32 $0xFFFF9C00  }
0x1a2: {  	_ =	swait.ge [sflag:s2], $0x6400  }
0x1a3: {  	[sflag:s2] =	ssyncset.done $0x0  }
0x1a4: {  	[sflag:s2] =	ssyncadd.s32 $0xFFFF9C00  }
0x1a5: {  	_ =	swait.ge [sflag:s2], $0x6400  }
0x1a6: {  	[sflag:s2] =	ssyncset.done $0x0  }
0x1a7: {  	[sflag:s2] =	ssyncadd.s32 $0xFFFF9C00  }
0x1a8: {  	_ =	swait.ge [sflag:s2], $0x6400  }
0x1a9: {  	[sflag:s2] =	ssyncset.done $0x0  }
0x1aa: {  	[sflag:s2] =	ssyncadd.s32 $0xFFFF9C00  }
0x1ab: {  	_ =	swait.ge [sflag:s2], $0x6400  }
0x1ac: {  	[sflag:s2] =	ssyncset.done $0x0  }
0x1ad: {  	[sflag:s2] =	ssyncadd.s32 $0xFFFF9C00  }
0x1ae: {  	_ =	swait.ge [sflag:s2], $0x6400  }
0x1af: {  	[sflag:s2] =	ssyncset.done $0x0  }
0x1b0: {  	[sflag:s2] =	ssyncadd.s32 $0xFFFF9C00  }
0x1b1: {  	_ =	swait.ge [sflag:s2], $0x6400  }
0x1b2: {  	[sflag:s2] =	ssyncset.done $0x0  }
0x1b3: {  	[sflag:s2] =	ssyncadd.s32 $0xFFFF9C00  }
0x1b4: {  	_ =	swait.ge [sflag:s2], $0x6400  }
0x1b5: {  	[sflag:s2] =	ssyncset.done $0x0  }
0x1b6: {  	[sflag:s2] =	ssyncadd.s32 $0xFFFF9C00  }
0x1b7: {  	_ =	swait.ge [sflag:s2], $0x6400  }
0x1b8: {  	[sflag:s2] =	ssyncset.done $0x0  }
0x1b9: {  	[sflag:s2] =	ssyncadd.s32 $0xFFFF9C00  }
0x1ba: {  	_ =	swait.ge [sflag:s2], $0x6400  }
0x1bb: {  	[sflag:s2] =	ssyncset.done $0x0  }
0x1bc: {  	[sflag:s2] =	ssyncadd.s32 $0xFFFF9C00  }
0x1bd: {  	_ =	swait.ge [sflag:s2], $0x6400  }
0x1be: {  	[sflag:s2] =	ssyncset.done $0x0  }
0x1bf: {  	[sflag:s2] =	ssyncadd.s32 $0xFFFF9C00  }
0x1c0: {  	_ =	swait.ge [sflag:s2], $0x6400  }
0x1c1: {  	[sflag:s2] =	ssyncset.done $0x0  }
0x1c2: {  	[sflag:s2] =	ssyncadd.s32 $0xFFFF9C00  }
0x1c3: {  	_ =	swait.ge [sflag:s2], $0x6400  }
0x1c4: {  	[sflag:s2] =	ssyncset.done $0x0  }
0x1c5: {  	[sflag:s2] =	ssyncadd.s32 $0xFFFF9C00  }
0x1c6: {  	_ =	swait.ge [sflag:s2], $0x6400  }
0x1c7: {  	[sflag:s2] =	ssyncset.done $0x0  }
0x1c8: {  	[sflag:s2] =	ssyncadd.s32 $0xFFFF9C00  }
0x1c9: {  	_ =	swait.ge [sflag:s2], $0x6400  }
0x1ca: {  	[sflag:s2] =	ssyncset.done $0x0  }
0x1cb: {  	[sflag:s2] =	ssyncadd.s32 $0xFFFF9C00  }
0x1cc: {  	_ =	swait.ge [sflag:s2], $0x6400  }
0x1cd: {  	[sflag:s2] =	ssyncset.done $0x0  }
0x1ce: {  	[sflag:s2] =	ssyncadd.s32 $0xFFFF9C00  }
0x1cf: {  	_ =	swait.ge [sflag:s2], $0x6400  }
0x1d0: {  	[sflag:s2] =	ssyncset.done $0x0  }
0x1d1: {  	[sflag:s2] =	ssyncadd.s32 $0xFFFF9C00  }
0x1d2: {  	_ =	swait.ge [sflag:s2], $0x6400  }
0x1d3: {  	[sflag:s2] =	ssyncset.done $0x0  }
0x1d4: {  	[sflag:s2] =	ssyncadd.s32 $0xFFFF9C00  }
0x1d5: {  	_ =	swait.ge [sflag:s2], $0x6400  }
0x1d6: {  	[sflag:s2] =	ssyncset.done $0x0  }
0x1d7: {  	[sflag:s2] =	ssyncadd.s32 $0xFFFF9C00  }
0x1d8: {  	_ =	swait.ge [sflag:s2], $0x6400  }
0x1d9: {  	[sflag:s2] =	ssyncset.done $0x0  }
0x1da: {  	[sflag:s2] =	ssyncadd.s32 $0xFFFF9C00  }
0x1db: {  	_ =	swait.ge [sflag:s2], $0x6400  }
0x1dc: {  	[sflag:s2] =	ssyncset.done $0x0  }
0x1dd: {  	[sflag:s2] =	ssyncadd.s32 $0xFFFF9C00  }
0x1de: {  	_ =	swait.ge [sflag:s2], $0x6400  }
0x1df: {  	[sflag:s2] =	ssyncset.done $0x0  }
0x1e0: {  	[sflag:s2] =	ssyncadd.s32 $0xFFFF9C00  }
0x1e1: {  	_ =	swait.ge [sflag:s2], $0x6400  }
0x1e2: {  	[sflag:s2] =	ssyncset.done $0x0  }
0x1e3: {  	[sflag:s2] =	ssyncadd.s32 $0xFFFF9C00  }
0x1e4: {  	_ =	swait.ge [sflag:s2], $0x6400  }
0x1e5: {  	[sflag:s2] =	ssyncset.done $0x0  }
0x1e6: {  	[sflag:s2] =	ssyncadd.s32 $0xFFFF9C00  }
0x1e7: {  	_ =	swait.ge [sflag:s2], $0x6400  }
0x1e8: {  	[sflag:s2] =	ssyncset.done $0x0  }
0x1e9: {  	[sflag:s2] =	ssyncadd.s32 $0xFFFF9C00  }
0x1ea: {  	_ =	swait.ge [sflag:s2], $0x6400  }
0x1eb: {  	[sflag:s2] =	ssyncset.done $0x0  }
0x1ec: {  	[sflag:s2] =	ssyncadd.s32 $0xFFFF9C00  }
0x1ed: {  	_ =	swait.ge [sflag:s2], $0x6400  }
0x1ee: {  	[sflag:s2] =	ssyncset.done $0x0  }
0x1ef: {  	[sflag:s2] =	ssyncadd.s32 $0xFFFF9C00  }
0x1f0: {  	_ =	swait.ge [sflag:s2], $0x6400  }
0x1f1: {  	[sflag:s2] =	ssyncset.done $0x0  }
0x1f2: {  	[sflag:s2] =	ssyncadd.s32 $0xFFFF9C00  }
0x1f3: {  	_ =	swait.ge [sflag:s2], $0x6400  }
0x1f4: {  	[sflag:s2] =	ssyncset.done $0x0  }
0x1f5: {  	[sflag:s2] =	ssyncadd.s32 $0xFFFF9C00  }
0x1f6: {  	_ =	swait.ge [sflag:s2], $0x6400  }
0x1f7: {  	[sflag:s2] =	ssyncset.done $0x0  }
0x1f8: {  	[sflag:s2] =	ssyncadd.s32 $0xFFFF9C00  }
0x1f9: {  	_ =	swait.ge [sflag:s2], $0x6400  }
0x1fa: {  	[sflag:s2] =	ssyncset.done $0x0  }
0x1fb: {  	[sflag:s2] =	ssyncadd.s32 $0xFFFF9C00  }
0x1fc: {  	_ =	swait.ge [sflag:s2], $0x6400  }
0x1fd: {  	[sflag:s2] =	ssyncset.done $0x0  }
0x1fe: {  	[sflag:s2] =	ssyncadd.s32 $0xFFFF9C00  }
0x1ff: {  	_ =	swait.ge [sflag:s2], $0x6400  }
0x200: {  	[sflag:s2] =	ssyncset.done $0x0  }
0x201: {  	[sflag:s2] =	ssyncadd.s32 $0xFFFF9C00  }
0x202: {  	_ =	swait.ge [sflag:s2], $0x6400  }
0x203: {  	[sflag:s2] =	ssyncset.done $0x0  }
0x204: {  	[sflag:s2] =	ssyncadd.s32 $0xFFFF9C00  }
0x205: {  	_ =	swait.ge [sflag:s2], $0x6400  }
0x206: {  	[sflag:s2] =	ssyncset.done $0x0  }
0x207: {  	[sflag:s2] =	ssyncadd.s32 $0xFFFF9C00  }
0x208: {  	_ =	swait.ge [sflag:s2], $0x6400  }
0x209: {  	[sflag:s2] =	ssyncset.done $0x0  }
0x20a: {  	[sflag:s2] =	ssyncadd.s32 $0xFFFF9C00  }
0x20b: {  	_ =	swait.ge [sflag:s2], $0x6400  }
0x20c: {  	[sflag:s2] =	ssyncset.done $0x0  }
0x20d: {  	[sflag:s2] =	ssyncadd.s32 $0xFFFF9C00  }
0x20e: {  	_ =	swait.ge [sflag:s2], $0x6400  }
0x20f: {  	[sflag:s2] =	ssyncset.done $0x0  }
0x210: {  	[sflag:s2] =	ssyncadd.s32 $0xFFFF9C00  }
0x211: {  	_ =	swait.ge [sflag:s2], $0x6400  }
0x212: {  	[sflag:s2] =	ssyncset.done $0x0  }
0x213: {  	[sflag:s2] =	ssyncadd.s32 $0xFFFF9C00  }
0x214: {  	_ =	swait.ge [sflag:s2], $0x6400  }
0x215: {  	[sflag:s2] =	ssyncset.done $0x0  }
0x216: {  	[sflag:s2] =	ssyncadd.s32 $0xFFFF9C00  }
0x217: {  	_ =	swait.ge [sflag:s2], $0x6400  }
0x218: {  	[sflag:s2] =	ssyncset.done $0x0  }
0x219: {  	[sflag:s2] =	ssyncadd.s32 $0xFFFF9C00  }
0x21a: {  	_ =	swait.ge [sflag:s2], $0x6400  }
0x21b: {  	[sflag:s2] =	ssyncset.done $0x0  }
0x21c: {  	[sflag:s2] =	ssyncadd.s32 $0xFFFF9C00  }
0x21d: {  	_ =	swait.ge [sflag:s2], $0x6400  }
0x21e: {  	[sflag:s2] =	ssyncset.done $0x0  }
0x21f: {  	[sflag:s2] =	ssyncadd.s32 $0xFFFF9C00  }
0x220: {  	_ =	swait.ge [sflag:s2], $0x6400  }
0x221: {  	[sflag:s2] =	ssyncset.done $0x0  }
0x222: {  	[sflag:s2] =	ssyncadd.s32 $0xFFFF9C00  }
0x223: {  	_ =	swait.ge [sflag:s2], $0x6400  }
0x224: {  	[sflag:s2] =	ssyncset.done $0x0  }
0x225: {  	[sflag:s2] =	ssyncadd.s32 $0xFFFF9C00  }
0x226: {  	_ =	swait.ge [sflag:s2], $0x6400  }
0x227: {  	[sflag:s2] =	ssyncset.done $0x0  }
0x228: {  	[sflag:s2] =	ssyncadd.s32 $0xFFFF9C00  }
0x229: {  	_ =	swait.ge [sflag:s2], $0x6400  }
0x22a: {  	[sflag:s2] =	ssyncset.done $0x0  }
0x22b: {  	[sflag:s2] =	ssyncadd.s32 $0xFFFF9C00  }
0x22c: {  	_ =	swait.ge [sflag:s2], $0x6400  }
0x22d: {  	[sflag:s2] =	ssyncset.done $0x0  }
0x22e: {  	[sflag:s2] =	ssyncadd.s32 $0xFFFF9C00  }
0x22f: {  	_ =	swait.ge [sflag:s2], $0x6400  }
0x230: {  	[sflag:s2] =	ssyncset.done $0x0  }
0x231: {  	[sflag:s2] =	ssyncadd.s32 $0xFFFF9C00  }
0x232: {  	_ =	swait.ge [sflag:s2], $0x6400  }
0x233: {  	[sflag:s2] =	ssyncset.done $0x0  }
0x234: {  	[sflag:s2] =	ssyncadd.s32 $0xFFFF9C00  }
0x235: {  	_ =	swait.ge [sflag:s2], $0x6400  }
0x236: {  	[sflag:s2] =	ssyncset.done $0x0  }
0x237: {  	[sflag:s2] =	ssyncadd.s32 $0xFFFF9C00  }
0x238: {  	_ =	swait.ge [sflag:s2], $0x6400  }
0x239: {  	[sflag:s2] =	ssyncset.done $0x0  }
0x23a: {  	[sflag:s2] =	ssyncadd.s32 $0xFFFF9C00  }
0x23b: {  	_ =	swait.ge [sflag:s2], $0x6400  }
0x23c: {  	[sflag:s2] =	ssyncset.done $0x0  }
0x23d: {  	[sflag:s2] =	ssyncadd.s32 $0xFFFF9C00  }
0x23e: {  	_ =	swait.ge [sflag:s2], $0x6400  }
0x23f: {  	[sflag:s2] =	ssyncset.done $0x0  }
0x240: {  	[sflag:s2] =	ssyncadd.s32 $0xFFFF9C00  }
0x241: {  	_ =	swait.ge [sflag:s2], $0x6400  }
0x242: {  	[sflag:s2] =	ssyncset.done $0x0  }
0x243: {  	[sflag:s2] =	ssyncadd.s32 $0xFFFF9C00  }
0x244: {  	_ =	swait.ge [sflag:s2], $0x6400  }
0x245: {  	[sflag:s2] =	ssyncset.done $0x0  }
0x246: {  	[sflag:s2] =	ssyncadd.s32 $0xFFFF9C00  }
0x247: {  	_ =	swait.ge [sflag:s2], $0x6400  }
0x248: {  	[sflag:s2] =	ssyncset.done $0x0  }
0x249: {  	[sflag:s2] =	ssyncadd.s32 $0xFFFF9C00  }
0x24a: {  	_ =	swait.ge [sflag:s2], $0x6400  }
0x24b: {  	[sflag:s2] =	ssyncset.done $0x0  }
0x24c: {  	[sflag:s2] =	ssyncadd.s32 $0xFFFF9C00  }
0x24d: {  	_ =	swait.ge [sflag:s2], $0x6400  }
0x24e: {  	[sflag:s2] =	ssyncset.done $0x0  }
0x24f: {  	[sflag:s2] =	ssyncadd.s32 $0xFFFF9C00  }
0x250: {  	_ =	swait.ge [sflag:s2], $0x6400  }
0x251: {  	[sflag:s2] =	ssyncset.done $0x0  }
0x252: {  	[sflag:s2] =	ssyncadd.s32 $0xFFFF9C00  }
0x253: {  	_ =	swait.ge [sflag:s2], $0x6400  }
0x254: {  	[sflag:s2] =	ssyncset.done $0x0  }
0x255: {  	[sflag:s2] =	ssyncadd.s32 $0xFFFF9C00  }
0x256: {  	_ =	swait.ge [sflag:s2], $0x6400  }
0x257: {  	[sflag:s2] =	ssyncset.done $0x0  }
0x258: {  	[sflag:s2] =	ssyncadd.s32 $0xFFFF9C00  }
0x259: {  	_ =	swait.ge [sflag:s2], $0x6400  }
0x25a: {  	[sflag:s2] =	ssyncset.done $0x0  }
0x25b: {  	[sflag:s2] =	ssyncadd.s32 $0xFFFF9C00  }
0x25c: {  	_ =	swait.ge [sflag:s2], $0x6400  }
0x25d: {  	[sflag:s2] =	ssyncset.done $0x0  }
0x25e: {  	[sflag:s2] =	ssyncadd.s32 $0xFFFF9C00  }
0x25f: {  	_ =	swait.ge [sflag:s2], $0x6400  }
0x260: {  	[sflag:s2] =	ssyncset.done $0x0  }
0x261: {  	[sflag:s2] =	ssyncadd.s32 $0xFFFF9C00  }
0x262: {  	_ =	swait.ge [sflag:s2], $0x6400  }
0x263: {  	[sflag:s2] =	ssyncset.done $0x0  }
0x264: {  	[sflag:s2] =	ssyncadd.s32 $0xFFFF9C00  }
0x265: {  	_ =	swait.ge [sflag:s2], $0x6400  }
0x266: {  	[sflag:s2] =	ssyncset.done $0x0  }
0x267: {  	[sflag:s2] =	ssyncadd.s32 $0xFFFF9C00  }
0x268: {  	_ =	swait.ge [sflag:s2], $0x6400  }
0x269: {  	[sflag:s2] =	ssyncset.done $0x0  }
0x26a: {  	[sflag:s2] =	ssyncadd.s32 $0xFFFF9C00  }
0x26b: {  	_ =	swait.ge [sflag:s2], $0x6400  }
0x26c: {  	[sflag:s2] =	ssyncset.done $0x0  }
0x26d: {  	[sflag:s2] =	ssyncadd.s32 $0xFFFF9C00  }
0x26e: {  	_ =	swait.ge [sflag:s2], $0x6400  }
0x26f: {  	[sflag:s2] =	ssyncset.done $0x0  }
0x270: {  	[sflag:s2] =	ssyncadd.s32 $0xFFFF9C00  }
0x271: {  	_ =	swait.ge [sflag:s2], $0x6400  }
0x272: {  	[sflag:s2] =	ssyncset.done $0x0  }
0x273: {  	[sflag:s2] =	ssyncadd.s32 $0xFFFF9C00  }
0x274: {  	_ =	swait.ge [sflag:s2], $0x6400  }
0x275: {  	[sflag:s2] =	ssyncset.done $0x0  }
0x276: {  	[sflag:s2] =	ssyncadd.s32 $0xFFFF9C00  }
0x277: {  	_ =	swait.ge [sflag:s2], $0x6400  }
0x278: {  	[sflag:s2] =	ssyncset.done $0x0  }
0x279: {  	[sflag:s2] =	ssyncadd.s32 $0xFFFF9C00  }
0x27a: {  	_ =	swait.ge [sflag:s2], $0x6400  }
0x27b: {  	[sflag:s2] =	ssyncset.done $0x0  }
0x27c: {  	[sflag:s2] =	ssyncadd.s32 $0xFFFF9C00  }
0x27d: {  	_ =	swait.ge [sflag:s2], $0x6400  }
0x27e: {  	[sflag:s2] =	ssyncset.done $0x0  }
0x27f: {  	[sflag:s2] =	ssyncadd.s32 $0xFFFF9C00  }
0x280: {  	_ =	swait.ge [sflag:s2], $0x6400  }
0x281: {  	[sflag:s2] =	ssyncset.done $0x0  }
0x282: {  	[sflag:s2] =	ssyncadd.s32 $0xFFFF9C00  }
0x283: {  	_ =	swait.ge [sflag:s2], $0x6400  }
0x284: {  	[sflag:s2] =	ssyncset.done $0x0  }
0x285: {  	[sflag:s2] =	ssyncadd.s32 $0xFFFF9C00  }
0x286: {  	_ =	swait.ge [sflag:s2], $0x6400  }
0x287: {  	[sflag:s2] =	ssyncset.done $0x0  }
0x288: {  	[sflag:s2] =	ssyncadd.s32 $0xFFFF9C00  }
0x289: {  	_ =	swait.ge [sflag:s2], $0x6400  }
0x28a: {  	[sflag:s2] =	ssyncset.done $0x0  }
0x28b: {  	[sflag:s2] =	ssyncadd.s32 $0xFFFF9C00  }
0x28c: {  	_ =	swait.ge [sflag:s2], $0x6400  }
0x28d: {  	[sflag:s2] =	ssyncset.done $0x0  }
0x28e: {  	[sflag:s2] =	ssyncadd.s32 $0xFFFF9C00  }
0x28f: {  	_ =	swait.ge [sflag:s2], $0x6400  }
0x290: {  	[sflag:s2] =	ssyncset.done $0x0  }
0x291: {  	[sflag:s2] =	ssyncadd.s32 $0xFFFF9C00  }
0x292: {  	_ =	swait.ge [sflag:s2], $0x6400  }
0x293: {  	[sflag:s2] =	ssyncset.done $0x0  }
0x294: {  	[sflag:s2] =	ssyncadd.s32 $0xFFFF9C00  }
0x295: {  	_ =	swait.ge [sflag:s2], $0x6400  }
0x296: {  	[sflag:s2] =	ssyncset.done $0x0  }
0x297: {  	[sflag:s2] =	ssyncadd.s32 $0xFFFF9C00  }
0x298: {  	_ =	swait.ge [sflag:s2], $0x6400  }
0x299: {  	[sflag:s2] =	ssyncset.done $0x0  }
0x29a: {  	[sflag:s2] =	ssyncadd.s32 $0xFFFF9C00  }
0x29b: {  	_ =	swait.ge [sflag:s2], $0x6400  }
0x29c: {  	[sflag:s2] =	ssyncset.done $0x0  }
0x29d: {  	[sflag:s2] =	ssyncadd.s32 $0xFFFF9C00  }
0x29e: {  	_ =	swait.ge [sflag:s2], $0x6400  }
0x29f: {  	[sflag:s2] =	ssyncset.done $0x0  }
0x2a0: {  	[sflag:s2] =	ssyncadd.s32 $0xFFFF9C00  }
0x2a1: {  	_ =	swait.ge [sflag:s2], $0x6400  }
0x2a2: {  	[sflag:s2] =	ssyncset.done $0x0  }
0x2a3: {  	[sflag:s2] =	ssyncadd.s32 $0xFFFF9C00  }
0x2a4: {  	_ =	swait.ge [sflag:s2], $0x6400  }
0x2a5: {  	[sflag:s2] =	ssyncset.done $0x0  }
0x2a6: {  	[sflag:s2] =	ssyncadd.s32 $0xFFFF9C00  }
0x2a7: {  	_ =	swait.ge [sflag:s2], $0x6400  }
0x2a8: {  	[sflag:s2] =	ssyncset.done $0x0  }
0x2a9: {  	[sflag:s2] =	ssyncadd.s32 $0xFFFF9C00  }
0x2aa: {  	_ =	swait.ge [sflag:s2], $0x6400  }
0x2ab: {  	[sflag:s2] =	ssyncset.done $0x0  }
0x2ac: {  	[sflag:s2] =	ssyncadd.s32 $0xFFFF9C00  }
0x2ad: {  	_ =	swait.ge [sflag:s2], $0x6400  }
0x2ae: {  	[sflag:s2] =	ssyncset.done $0x0  }
0x2af: {  	[sflag:s2] =	ssyncadd.s32 $0xFFFF9C00  }
0x2b0: {  	_ =	swait.ge [sflag:s2], $0x6400  }
0x2b1: {  	[sflag:s2] =	ssyncset.done $0x0  }
0x2b2: {  	[sflag:s2] =	ssyncadd.s32 $0xFFFF9C00  }
0x2b3: {  	_ =	swait.ge [sflag:s2], $0x6400  }
0x2b4: {  	[sflag:s2] =	ssyncset.done $0x0  }
0x2b5: {  	[sflag:s2] =	ssyncadd.s32 $0xFFFF9C00  }
0x2b6: {  	_ =	swait.ge [sflag:s2], $0x6400  }
0x2b7: {  	[sflag:s2] =	ssyncset.done $0x0  }
0x2b8: {  	[sflag:s2] =	ssyncadd.s32 $0xFFFF9C00  }
0x2b9: {  	_ =	swait.ge [sflag:s2], $0x6400  }
0x2ba: {  	[sflag:s2] =	ssyncset.done $0x0  }
0x2bb: {  	[sflag:s2] =	ssyncadd.s32 $0xFFFF9C00  }
0x2bc: {  	_ =	swait.ge [sflag:s2], $0x6400  }
0x2bd: {  	[sflag:s2] =	ssyncset.done $0x0  }
0x2be: {  	[sflag:s2] =	ssyncadd.s32 $0xFFFF9C00  }
0x2bf: {  	_ =	swait.ge [sflag:s2], $0x6400  }
0x2c0: {  	[sflag:s2] =	ssyncset.done $0x0  }
0x2c1: {  	[sflag:s2] =	ssyncadd.s32 $0xFFFF9C00  }
0x2c2: {  	_ =	swait.ge [sflag:s2], $0x6400  }
0x2c3: {  	[sflag:s2] =	ssyncset.done $0x0  }
0x2c4: {  	[sflag:s2] =	ssyncadd.s32 $0xFFFF9C00  }
0x2c5: {  	_ =	swait.ge [sflag:s2], $0x6400  }
0x2c6: {  	[sflag:s2] =	ssyncset.done $0x0  }
0x2c7: {  	[sflag:s2] =	ssyncadd.s32 $0xFFFF9C00  }
0x2c8: {  	_ =	swait.ge [sflag:s2], $0x6400  }
0x2c9: {  	[sflag:s2] =	ssyncset.done $0x0  }
0x2ca: {  	[sflag:s2] =	ssyncadd.s32 $0xFFFF9C00  }
0x2cb: {  	_ =	swait.ge [sflag:s2], $0x6400  }
0x2cc: {  	[sflag:s2] =	ssyncset.done $0x0  }
0x2cd: {  	[sflag:s2] =	ssyncadd.s32 $0xFFFF9C00  }
0x2ce: {  	_ =	swait.ge [sflag:s2], $0x6400  }
0x2cf: {  	[sflag:s2] =	ssyncset.done $0x0  }
0x2d0: {  	[sflag:s2] =	ssyncadd.s32 $0xFFFF9C00  }
0x2d1: {  	_ =	swait.ge [sflag:s2], $0x6400  }
0x2d2: {  	[sflag:s2] =	ssyncset.done $0x0  }
0x2d3: {  	[sflag:s2] =	ssyncadd.s32 $0xFFFF9C00  }
0x2d4: {  	_ =	swait.ge [sflag:s2], $0x6400  }
0x2d5: {  	[sflag:s2] =	ssyncset.done $0x0  }
0x2d6: {  	[sflag:s2] =	ssyncadd.s32 $0xFFFF9C00  }
0x2d7: {  	_ =	swait.ge [sflag:s2], $0x6400  }
0x2d8: {  	[sflag:s2] =	ssyncset.done $0x0  }
0x2d9: {  	[sflag:s2] =	ssyncadd.s32 $0xFFFF9C00  }
0x2da: {  	_ =	swait.ge [sflag:s2], $0x6400  }
0x2db: {  	[sflag:s2] =	ssyncset.done $0x0  }
0x2dc: {  	[sflag:s2] =	ssyncadd.s32 $0xFFFF9C00  }
0x2dd: {  	_ =	swait.ge [sflag:s2], $0x6400  }
0x2de: {  	[sflag:s2] =	ssyncset.done $0x0  }
0x2df: {  	[sflag:s2] =	ssyncadd.s32 $0xFFFF9C00  }
0x2e0: {  	_ =	swait.ge [sflag:s2], $0x6400  }
0x2e1: {  	[sflag:s2] =	ssyncset.done $0x0  }
0x2e2: {  	[sflag:s2] =	ssyncadd.s32 $0xFFFF9C00  }
0x2e3: {  	_ =	swait.ge [sflag:s2], $0x6400  }
0x2e4: {  	[sflag:s2] =	ssyncset.done $0x0  }
0x2e5: {  	[sflag:s2] =	ssyncadd.s32 $0xFFFF9C00  }
0x2e6: {  	_ =	swait.ge [sflag:s2], $0x6400  }
0x2e7: {  	[sflag:s2] =	ssyncset.done $0x0  }
0x2e8: {  	[sflag:s2] =	ssyncadd.s32 $0xFFFF9C00  }
0x2e9: {  	_ =	swait.ge [sflag:s2], $0x6400  }
0x2ea: {  	[sflag:s2] =	ssyncset.done $0x0  }
0x2eb: {  	[sflag:s2] =	ssyncadd.s32 $0xFFFF9C00  }
0x2ec: {  	_ =	swait.ge [sflag:s2], $0x6400  }
0x2ed: {  	[sflag:s2] =	ssyncset.done $0x0  }
0x2ee: {  	[sflag:s2] =	ssyncadd.s32 $0xFFFF9C00  }
0x2ef: {  	_ =	swait.ge [sflag:s2], $0x6400  }
0x2f0: {  	[sflag:s2] =	ssyncset.done $0x0  }
0x2f1: {  	[sflag:s2] =	ssyncadd.s32 $0xFFFF9C00  }
0x2f2: {  	_ =	swait.ge [sflag:s2], $0x6400  }
0x2f3: {  	[sflag:s2] =	ssyncset.done $0x0  }
0x2f4: {  	[sflag:s2] =	ssyncadd.s32 $0xFFFF9C00  }
0x2f5: {  	_ =	swait.ge [sflag:s2], $0x6400  }
0x2f6: {  	[sflag:s2] =	ssyncset.done $0x0  }
0x2f7: {  	[sflag:s2] =	ssyncadd.s32 $0xFFFF9C00  }
0x2f8: {  	_ =	swait.ge [sflag:s2], $0x6400  }
0x2f9: {  	[sflag:s2] =	ssyncset.done $0x0  }
0x2fa: {  	[sflag:s2] =	ssyncadd.s32 $0xFFFF9C00  }
0x2fb: {  	_ =	swait.ge [sflag:s2], $0x6400  }
0x2fc: {  	[sflag:s2] =	ssyncset.done $0x0  }
0x2fd: {  	s31 =	simm.s32 @!p0 $0x1;
	[sflag:s2] =	ssyncadd.s32 $0xFFFF9C00  }
0x2fe: {  	_ =	swait.ge @!p0 [sflag:s31], $0x6400  }
0x2ff: {  	[sflag:s31] =	ssyncset.done @!p0 $0x0  }
0x300: {  	[sflag:s31] =	ssyncadd.s32 @!p0 $0xFFFF9C00  }
0x301: {  	_ =	swait.ge @!p0 [sflag:s31], $0x6400  }
0x302: {  	[sflag:s31] =	ssyncset.done @!p0 $0x0  }
0x303: {  	[sflag:s31] =	ssyncadd.s32 @!p0 $0xFFFF9C00  }
0x304: {  	_ =	swait.ge @!p0 [sflag:s31], $0x6400  }
0x305: {  	[sflag:s31] =	ssyncset.done @!p0 $0x0  }
0x306: {  	[sflag:s31] =	ssyncadd.s32 @!p0 $0xFFFF9C00  }
0x307: {  	_ =	swait.ge @!p0 [sflag:s31], $0x6400  }
0x308: {  	[sflag:s31] =	ssyncset.done @!p0 $0x0  }
0x309: {  	[sflag:s31] =	ssyncadd.s32 @!p0 $0xFFFF9C00  }
0x30a: {  	_ =	swait.ge @!p0 [sflag:s31], $0x6400  }
0x30b: {  	[sflag:s31] =	ssyncset.done @!p0 $0x0  }
0x30c: {  	[sflag:s31] =	ssyncadd.s32 @!p0 $0xFFFF9C00  }
0x30d: {  	_ =	swait.ge @!p0 [sflag:s31], $0x6400  }
0x30e: {  	[sflag:s31] =	ssyncset.done @!p0 $0x0  }
0x30f: {  	[sflag:s31] =	ssyncadd.s32 @!p0 $0xFFFF9C00  }
0x310: {  	_ =	swait.ge @!p0 [sflag:s31], $0x6400  }
0x311: {  	[sflag:s31] =	ssyncset.done @!p0 $0x0  }
0x312: {  	[sflag:s31] =	ssyncadd.s32 @!p0 $0xFFFF9C00  }
0x313: {  	_ =	swait.ge @!p0 [sflag:s31], $0x6400  }
0x314: {  	[sflag:s31] =	ssyncset.done @!p0 $0x0  }
0x315: {  	[sflag:s31] =	ssyncadd.s32 @!p0 $0xFFFF9C00  }
0x316: {  	_ =	swait.ge @!p0 [sflag:s31], $0x6400  }
0x317: {  	[sflag:s31] =	ssyncset.done @!p0 $0x0  }
0x318: {  	[sflag:s31] =	ssyncadd.s32 @!p0 $0xFFFF9C00  }
0x319: {  	_ =	swait.ge @!p0 [sflag:s31], $0x6400  }
0x31a: {  	[sflag:s31] =	ssyncset.done @!p0 $0x0  }
0x31b: {  	[sflag:s31] =	ssyncadd.s32 @!p0 $0xFFFF9C00  }
0x31c: {  	_ =	swait.ge @!p0 [sflag:s31], $0x6400  }
0x31d: {  	[sflag:s31] =	ssyncset.done @!p0 $0x0  }
0x31e: {  	[sflag:s31] =	ssyncadd.s32 @!p0 $0xFFFF9C00  }
0x31f: {  	_ =	swait.ge @!p0 [sflag:s31], $0x6400  }
0x320: {  	s1 =	sadd.s32 $0xFFFFFFFF, s1;
	[sflag:s31] =	ssyncset.done @!p0 $0x0  }
0x321: {  	p2 =	sne.s32 s1, $0x0;
	[sflag:s31] =	ssyncadd.s32 @!p0 $0xFFFF9C00  }
.Ltmp1:
0x322: {  	_ =	swait.ge @!p0 [sflag:s31], $0x6400;
	(pc) =	sbr.rel @!p2 .LBB2_3-.Ltmp1, $4  }
0x323: {  	[sflag:s31] =	ssyncset.done @!p0 $0x0  }
0x324: {  	[sflag:s31] =	ssyncadd.s32 @!p0 $0xFFFF9C00  }
0x325: {  	_ =	swait.ge @!p0 [sflag:s31], $0x6400  }
0x326: {  	p1 =	por $0x1, $0x1;
	s0 =	rddreg [dreg:$0x3];
	[sflag:s31] =	ssyncset.done @!p0 $0x0  }
.LBB2_4:
0x327: {  	[sflag:s31] =	ssyncadd.s32 @!p0 $0xFFFF9C00  }
0x328: {  	[tilespmem:s3], [sflag:$0x2] =	stream.linear.gather [hbm4b:s0+s3], $0x6400, $0x38;
	[tilespmem:$0x6400] =	vst v63  }
0x329: {  	_ =	swait.ge [sflag:s29], $0x6400  }
0x32a: {  	[sflag:s29] =	ssyncset.done $0x0  }
0x32b: {  	s0 =	rddreg [dreg:$0x4];
	[sflag:s29] =	ssyncadd.s32 $0xFFFF9C00;
	s29 =	smov.u32 s28  }
0x32c: {  	s28 =	smov.u32 s26;
	s26 =	smov.u32 s25;
	s25 =	smov.u32 s24  }
0x32d: {  	s24 =	smov.u32 s23;
	s23 =	smov.u32 s22;
	s22 =	smov.u32 s21  }
0x32e: {  	s21 =	smov.u32 s20;
	s20 =	smov.u32 s19;
	s19 =	smov.u32 s18  }
0x32f: {  	s18 =	smov.u32 s17;
	s17 =	smov.u32 s16;
	s16 =	smov.u32 s15  }
0x330: {  	s15 =	smov.u32 s14;
	s14 =	smov.u32 s13;
	s13 =	smov.u32 s12  }
0x331: {  	s12 =	smov.u32 s11;
	s11 =	smov.u32 s10;
	s10 =	smov.u32 s9  }
0x332: {  	s9 =	smov.u32 s8;
	s8 =	smov.u32 s7;
	s7 =	smov.u32 s6  }
0x333: {  	[hbm4b:s0+s3] =	stream.linear.scatter [tilespmem:s3], [sflag:$0x1], $0x6400, $0x38;
	[tilespmem:$0x6400] =	vst v63  }
0x334: {  	s6 =	smov.u32 s5;
	s5 =	smov.u32 s4;
	s4 =	rddreg [dreg:$0x5]  }
0x335: {  	[hbm4b:s4+s3] =	stream.linear.scatter [tilespmem:s3], [sflag:$0x1], $0x6400, $0x38;
	[tilespmem:$0x6400] =	vst v63  }
0x336: {  	s0 =	rddreg [dreg:$0x6]  }
0x337: {  	[hbm4b:s0+s3] =	stream.linear.scatter [tilespmem:s3], [sflag:$0x1], $0x6400, $0x38;
	[tilespmem:$0x6400] =	vst v63  }
0x338: {  	s4 =	rddreg [dreg:$0x7]  }
0x339: {  	[hbm4b:s4+s3] =	stream.linear.scatter [tilespmem:s3], [sflag:$0x1], $0x6400, $0x38;
	[tilespmem:$0x6400] =	vst v63  }
0x33a: {  	s0 =	rddreg [dreg:$0x8]  }
0x33b: {  	[hbm4b:s0+s3] =	stream.linear.scatter [tilespmem:s3], [sflag:$0x1], $0x6400, $0x38;
	[tilespmem:$0x6400] =	vst v63  }
0x33c: {  	s4 =	rddreg [dreg:$0x9]  }
0x33d: {  	[hbm4b:s4+s3] =	stream.linear.scatter [tilespmem:s3], [sflag:$0x1], $0x6400, $0x38;
	[tilespmem:$0x6400] =	vst v63  }
0x33e: {  	s0 =	rddreg [dreg:$0xa]  }
0x33f: {  	[hbm4b:s0+s3] =	stream.linear.scatter [tilespmem:s3], [sflag:$0x1], $0x6400, $0x38;
	[tilespmem:$0x6400] =	vst v63  }
0x340: {  	s4 =	rddreg [dreg:$0xb]  }
0x341: {  	[hbm4b:s4+s3] =	stream.linear.scatter [tilespmem:s3], [sflag:$0x1], $0x6400, $0x38;
	[tilespmem:$0x6400] =	vst v63  }
0x342: {  	s0 =	rddreg [dreg:$0xc]  }
0x343: {  	s4 =	rddreg [dreg:$0xd]  }
0x344: {  	[hbm4b:s0+s3] =	stream.linear.scatter [tilespmem:s3], [sflag:$0x1], $0x6400, $0x38;
	[tilespmem:$0x6400] =	vst v63  }
0x345: {  	s0 =	rddreg [dreg:$0xe]  }
0x346: {  	[hbm4b:s4+s3] =	stream.linear.scatter [tilespmem:s3], [sflag:$0x1], $0x6400, $0x38;
	[tilespmem:$0x6400] =	vst v63  }
0x347: {  	s4 =	rddreg [dreg:$0xf]  }
0x348: {  	[hbm4b:s0+s3] =	stream.linear.scatter [tilespmem:s3], [sflag:$0x1], $0x6400, $0x38;
	[tilespmem:$0x6400] =	vst v63  }
0x349: {  	s0 =	rddreg [dreg:$0x10]  }
0x34a: {  	[hbm4b:s4+s3] =	stream.linear.scatter [tilespmem:s3], [sflag:$0x1], $0x6400, $0x38;
	[tilespmem:$0x6400] =	vst v63  }
0x34b: {  	s4 =	rddreg [dreg:$0x11]  }
0x34c: {  	[hbm4b:s0+s3] =	stream.linear.scatter [tilespmem:s3], [sflag:$0x1], $0x6400, $0x38;
	[tilespmem:$0x6400] =	vst v63  }
0x34d: {  	s0 =	rddreg [dreg:$0x12]  }
0x34e: {  	[hbm4b:s4+s3] =	stream.linear.scatter [tilespmem:s3], [sflag:$0x1], $0x6400, $0x38;
	[tilespmem:$0x6400] =	vst v63  }
0x34f: {  	s4 =	rddreg [dreg:$0x13]  }
0x350: {  	[hbm4b:s0+s3] =	stream.linear.scatter [tilespmem:s3], [sflag:$0x1], $0x6400, $0x38;
	[tilespmem:$0x6400] =	vst v63  }
0x351: {  	s0 =	rddreg [dreg:$0x14]  }
0x352: {  	[hbm4b:s4+s3] =	stream.linear.scatter [tilespmem:s3], [sflag:$0x1], $0x6400, $0x38;
	[tilespmem:$0x6400] =	vst v63  }
0x353: {  	s4 =	rddreg [dreg:$0x15]  }
0x354: {  	[hbm4b:s0+s3] =	stream.linear.scatter [tilespmem:s3], [sflag:$0x1], $0x6400, $0x38;
	[tilespmem:$0x6400] =	vst v63  }
0x355: {  	s0 =	rddreg [dreg:$0x16]  }
0x356: {  	[hbm4b:s4+s3] =	stream.linear.scatter [tilespmem:s3], [sflag:$0x1], $0x6400, $0x38;
	[tilespmem:$0x6400] =	vst v63  }
0x357: {  	s4 =	rddreg [dreg:$0x17]  }
0x358: {  	[hbm4b:s0+s3] =	stream.linear.scatter [tilespmem:s3], [sflag:$0x1], $0x6400, $0x38;
	[tilespmem:$0x6400] =	vst v63  }
0x359: {  	s0 =	rddreg [dreg:$0x18]  }
0x35a: {  	[hbm4b:s4+s3] =	stream.linear.scatter [tilespmem:s3], [sflag:$0x1], $0x6400, $0x38;
	[tilespmem:$0x6400] =	vst v63  }
0x35b: {  	s4 =	rddreg [dreg:$0x19]  }
0x35c: {  	[hbm4b:s0+s3] =	stream.linear.scatter [tilespmem:s3], [sflag:$0x1], $0x6400, $0x38;
	[tilespmem:$0x6400] =	vst v63  }
0x35d: {  	s0 =	rddreg [dreg:$0x1a]  }
0x35e: {  	[hbm4b:s4+s3] =	stream.linear.scatter [tilespmem:s3], [sflag:$0x1], $0x6400, $0x38;
	[tilespmem:$0x6400] =	vst v63  }
0x35f: {  	s4 =	rddreg [dreg:$0x1b]  }
0x360: {  	[hbm4b:s0+s3] =	stream.linear.scatter [tilespmem:s3], [sflag:$0x1], $0x6400, $0x38;
	[tilespmem:$0x6400] =	vst v63  }
0x361: {  	s0 =	rddreg [dreg:$0x1c]  }
0x362: {  	[hbm4b:s4+s3] =	stream.linear.scatter [tilespmem:s3], [sflag:$0x1], $0x6400, $0x38;
	[tilespmem:$0x6400] =	vst v63  }
0x363: {  	s4 =	rddreg [dreg:$0x1d]  }
0x364: {  	[hbm4b:s0+s3] =	stream.linear.scatter [tilespmem:s3], [sflag:$0x1], $0x6400, $0x38;
	[tilespmem:$0x6400] =	vst v63  }
0x365: {  	s0 =	rddreg [dreg:$0x1e]  }
0x366: {  	[hbm4b:s4+s3] =	stream.linear.scatter [tilespmem:s3], [sflag:$0x1], $0x6400, $0x38;
	[tilespmem:$0x6400] =	vst v63  }
0x367: {  	s4 =	rddreg [dreg:$0x1f]  }
0x368: {  	[hbm4b:s0+s3] =	stream.linear.scatter [tilespmem:s3], [sflag:$0x1], $0x6400, $0x38;
	[tilespmem:$0x6400] =	vst v63  }
0x369: {  	s0 =	sld [smem:$0x7AB]  }
0x36a: {  	[hbm4b:s4+s3] =	stream.linear.scatter [tilespmem:s3], [sflag:$0x1], $0x6400, $0x38;
	[tilespmem:$0x6400] =	vst v63  }
0x36b: {  	s4 =	sld [smem:$0x7AC]  }
0x36c: {  	[hbm4b:s0+s3] =	stream.linear.scatter [tilespmem:s3], [sflag:$0x1], $0x6400, $0x38;
	[tilespmem:$0x6400] =	vst v63  }
0x36d: {  	s0 =	sld [smem:$0x7AD]  }
0x36e: {  	[hbm4b:s4+s3] =	stream.linear.scatter [tilespmem:s3], [sflag:$0x1], $0x6400, $0x38;
	[tilespmem:$0x6400] =	vst v63  }
0x36f: {  	s4 =	sld [smem:$0x7AE]  }
0x370: {  	[hbm4b:s0+s3] =	stream.linear.scatter [tilespmem:s3], [sflag:$0x1], $0x6400, $0x38;
	[tilespmem:$0x6400] =	vst v63  }
0x371: {  	s0 =	sld [smem:$0x7AF]  }
0x372: {  	[hbm4b:s4+s3] =	stream.linear.scatter [tilespmem:s3], [sflag:$0x1], $0x6400, $0x38;
	[tilespmem:$0x6400] =	vst v63  }
0x373: {  	s4 =	sld [smem:$0x7B0]  }
0x374: {  	[hbm4b:s0+s3] =	stream.linear.scatter [tilespmem:s3], [sflag:$0x1], $0x6400, $0x38;
	[tilespmem:$0x6400] =	vst v63  }
0x375: {  	s0 =	sld [smem:$0x7B1]  }
0x376: {  	[hbm4b:s4+s3] =	stream.linear.scatter [tilespmem:s3], [sflag:$0x1], $0x6400, $0x38;
	[tilespmem:$0x6400] =	vst v63  }
0x377: {  	s4 =	sld [smem:$0x7B2]  }
0x378: {  	[hbm4b:s0+s3] =	stream.linear.scatter [tilespmem:s3], [sflag:$0x1], $0x6400, $0x38;
	[tilespmem:$0x6400] =	vst v63  }
0x379: {  	s0 =	sld [smem:$0x7B3]  }
0x37a: {  	[hbm4b:s4+s3] =	stream.linear.scatter [tilespmem:s3], [sflag:$0x1], $0x6400, $0x38;
	[tilespmem:$0x6400] =	vst v63  }
0x37b: {  	s4 =	sld [smem:$0x7B4]  }
0x37c: {  	[hbm4b:s0+s3] =	stream.linear.scatter [tilespmem:s3], [sflag:$0x1], $0x6400, $0x38;
	[tilespmem:$0x6400] =	vst v63  }
0x37d: {  	s0 =	sld [smem:$0x7B5]  }
0x37e: {  	[hbm4b:s4+s3] =	stream.linear.scatter [tilespmem:s3], [sflag:$0x1], $0x6400, $0x38;
	[tilespmem:$0x6400] =	vst v63  }
0x37f: {  	s4 =	sld [smem:$0x7B6]  }
0x380: {  	[hbm4b:s0+s3] =	stream.linear.scatter [tilespmem:s3], [sflag:$0x1], $0x6400, $0x38;
	[tilespmem:$0x6400] =	vst v63  }
0x381: {  	s0 =	sld [smem:$0x7B7]  }
0x382: {  	[hbm4b:s4+s3] =	stream.linear.scatter [tilespmem:s3], [sflag:$0x1], $0x6400, $0x38;
	[tilespmem:$0x6400] =	vst v63  }
0x383: {  	s4 =	sld [smem:$0x7B8]  }
0x384: {  	[hbm4b:s0+s3] =	stream.linear.scatter [tilespmem:s3], [sflag:$0x1], $0x6400, $0x38;
	[tilespmem:$0x6400] =	vst v63  }
0x385: {  	s0 =	sld [smem:$0x7B9]  }
0x386: {  	[hbm4b:s4+s3] =	stream.linear.scatter [tilespmem:s3], [sflag:$0x1], $0x6400, $0x38;
	[tilespmem:$0x6400] =	vst v63  }
0x387: {  	s4 =	sld [smem:$0x7BA]  }
0x388: {  	[hbm4b:s0+s3] =	stream.linear.scatter [tilespmem:s3], [sflag:$0x1], $0x6400, $0x38;
	[tilespmem:$0x6400] =	vst v63  }
0x389: {  	s0 =	sld [smem:$0x7BB]  }
0x38a: {  	[hbm4b:s4+s3] =	stream.linear.scatter [tilespmem:s3], [sflag:$0x1], $0x6400, $0x38;
	[tilespmem:$0x6400] =	vst v63  }
0x38b: {  	s4 =	sld [smem:$0x7BC]  }
0x38c: {  	[hbm4b:s0+s3] =	stream.linear.scatter [tilespmem:s3], [sflag:$0x1], $0x6400, $0x38;
	[tilespmem:$0x6400] =	vst v63  }
0x38d: {  	s0 =	sld [smem:$0x7BD]  }
0x38e: {  	[hbm4b:s4+s3] =	stream.linear.scatter [tilespmem:s3], [sflag:$0x1], $0x6400, $0x38;
	[tilespmem:$0x6400] =	vst v63  }
0x38f: {  	s4 =	sld [smem:$0x7BE]  }
0x390: {  	[hbm4b:s0+s3] =	stream.linear.scatter [tilespmem:s3], [sflag:$0x1], $0x6400, $0x38;
	[tilespmem:$0x6400] =	vst v63  }
0x391: {  	s0 =	sld [smem:$0x7BF]  }
0x392: {  	[hbm4b:s4+s3] =	stream.linear.scatter [tilespmem:s3], [sflag:$0x1], $0x6400, $0x38;
	[tilespmem:$0x6400] =	vst v63  }
0x393: {  	s4 =	sld [smem:$0x7C0]  }
0x394: {  	[hbm4b:s0+s3] =	stream.linear.scatter [tilespmem:s3], [sflag:$0x1], $0x6400, $0x38;
	[tilespmem:$0x6400] =	vst v63  }
0x395: {  	s0 =	sld [smem:$0x7C1]  }
0x396: {  	[hbm4b:s4+s3] =	stream.linear.scatter [tilespmem:s3], [sflag:$0x1], $0x6400, $0x38;
	[tilespmem:$0x6400] =	vst v63  }
0x397: {  	s4 =	sld [smem:$0x7C2]  }
0x398: {  	[hbm4b:s0+s3] =	stream.linear.scatter [tilespmem:s3], [sflag:$0x1], $0x6400, $0x38;
	[tilespmem:$0x6400] =	vst v63  }
0x399: {  	s0 =	sld [smem:$0x7C3]  }
0x39a: {  	[hbm4b:s4+s3] =	stream.linear.scatter [tilespmem:s3], [sflag:$0x1], $0x6400, $0x38;
	[tilespmem:$0x6400] =	vst v63  }
0x39b: {  	s4 =	sld [smem:$0x7C4]  }
0x39c: {  	[hbm4b:s0+s3] =	stream.linear.scatter [tilespmem:s3], [sflag:$0x1], $0x6400, $0x38;
	[tilespmem:$0x6400] =	vst v63  }
0x39d: {  	s0 =	sld [smem:$0x7C5]  }
0x39e: {  	[hbm4b:s4+s3] =	stream.linear.scatter [tilespmem:s3], [sflag:$0x1], $0x6400, $0x38;
	[tilespmem:$0x6400] =	vst v63  }
0x39f: {  	s4 =	sld [smem:$0x7C6]  }
0x3a0: {  	[hbm4b:s0+s3] =	stream.linear.scatter [tilespmem:s3], [sflag:$0x1], $0x6400, $0x38;
	[tilespmem:$0x6400] =	vst v63  }
0x3a1: {  	s0 =	sld [smem:$0x7C7]  }
0x3a2: {  	[hbm4b:s4+s3] =	stream.linear.scatter [tilespmem:s3], [sflag:$0x1], $0x6400, $0x38;
	[tilespmem:$0x6400] =	vst v63  }
0x3a3: {  	s4 =	sld [smem:$0x7C8]  }
0x3a4: {  	[hbm4b:s0+s3] =	stream.linear.scatter [tilespmem:s3], [sflag:$0x1], $0x6400, $0x38;
	[tilespmem:$0x6400] =	vst v63  }
0x3a5: {  	s0 =	sld [smem:$0x7C9]  }
0x3a6: {  	[hbm4b:s4+s3] =	stream.linear.scatter [tilespmem:s3], [sflag:$0x1], $0x6400, $0x38;
	[tilespmem:$0x6400] =	vst v63  }
0x3a7: {  	s4 =	sld [smem:$0x7CA]  }
0x3a8: {  	[hbm4b:s0+s3] =	stream.linear.scatter [tilespmem:s3], [sflag:$0x1], $0x6400, $0x38;
	[tilespmem:$0x6400] =	vst v63  }
0x3a9: {  	s0 =	sld [smem:$0x7CB]  }
0x3aa: {  	[hbm4b:s4+s3] =	stream.linear.scatter [tilespmem:s3], [sflag:$0x1], $0x6400, $0x38;
	[tilespmem:$0x6400] =	vst v63  }
0x3ab: {  	s4 =	sld [smem:$0x7CC]  }
0x3ac: {  	[hbm4b:s0+s3] =	stream.linear.scatter [tilespmem:s3], [sflag:$0x1], $0x6400, $0x38;
	[tilespmem:$0x6400] =	vst v63  }
0x3ad: {  	s0 =	sld [smem:$0x7CD]  }
0x3ae: {  	[hbm4b:s4+s3] =	stream.linear.scatter [tilespmem:s3], [sflag:$0x1], $0x6400, $0x38;
	[tilespmem:$0x6400] =	vst v63  }
0x3af: {  	s4 =	sld [smem:$0x7CE]  }
0x3b0: {  	[hbm4b:s0+s3] =	stream.linear.scatter [tilespmem:s3], [sflag:$0x1], $0x6400, $0x38;
	[tilespmem:$0x6400] =	vst v63  }
0x3b1: {  	s0 =	sld [smem:$0x7CF]  }
0x3b2: {  	[hbm4b:s4+s3] =	stream.linear.scatter [tilespmem:s3], [sflag:$0x1], $0x6400, $0x38;
	[tilespmem:$0x6400] =	vst v63  }
0x3b3: {  	s4 =	sld [smem:$0x7D0]  }
0x3b4: {  	[hbm4b:s0+s3] =	stream.linear.scatter [tilespmem:s3], [sflag:$0x1], $0x6400, $0x38;
	[tilespmem:$0x6400] =	vst v63  }
0x3b5: {  	s0 =	sld [smem:$0x7D1]  }
0x3b6: {  	[hbm4b:s4+s3] =	stream.linear.scatter [tilespmem:s3], [sflag:$0x1], $0x6400, $0x38;
	[tilespmem:$0x6400] =	vst v63  }
0x3b7: {  	s4 =	sld [smem:$0x7D2]  }
0x3b8: {  	[hbm4b:s0+s3] =	stream.linear.scatter [tilespmem:s3], [sflag:$0x1], $0x6400, $0x38;
	[tilespmem:$0x6400] =	vst v63  }
0x3b9: {  	s0 =	sld [smem:$0x7D3]  }
0x3ba: {  	[hbm4b:s4+s3] =	stream.linear.scatter [tilespmem:s3], [sflag:$0x1], $0x6400, $0x38;
	[tilespmem:$0x6400] =	vst v63  }
0x3bb: {  	s4 =	sld [smem:$0x7D4]  }
0x3bc: {  	[hbm4b:s0+s3] =	stream.linear.scatter [tilespmem:s3], [sflag:$0x1], $0x6400, $0x38;
	[tilespmem:$0x6400] =	vst v63  }
0x3bd: {  	s0 =	sld [smem:$0x7D5]  }
0x3be: {  	[hbm4b:s4+s3] =	stream.linear.scatter [tilespmem:s3], [sflag:$0x1], $0x6400, $0x38;
	[tilespmem:$0x6400] =	vst v63  }
0x3bf: {  	s4 =	sld [smem:$0x7D6]  }
0x3c0: {  	[hbm4b:s0+s3] =	stream.linear.scatter [tilespmem:s3], [sflag:$0x1], $0x6400, $0x38;
	[tilespmem:$0x6400] =	vst v63  }
0x3c1: {  	s0 =	sld [smem:$0x7D7]  }
0x3c2: {  	[hbm4b:s4+s3] =	stream.linear.scatter [tilespmem:s3], [sflag:$0x1], $0x6400, $0x38;
	[tilespmem:$0x6400] =	vst v63  }
0x3c3: {  	s4 =	sld [smem:$0x7D8]  }
0x3c4: {  	[hbm4b:s0+s3] =	stream.linear.scatter [tilespmem:s3], [sflag:$0x1], $0x6400, $0x38;
	[tilespmem:$0x6400] =	vst v63  }
0x3c5: {  	s0 =	sld [smem:$0x7D9]  }
0x3c6: {  	[hbm4b:s4+s3] =	stream.linear.scatter [tilespmem:s3], [sflag:$0x1], $0x6400, $0x38;
	[tilespmem:$0x6400] =	vst v63  }
0x3c7: {  	s4 =	sld [smem:$0x7DA]  }
0x3c8: {  	[hbm4b:s0+s3] =	stream.linear.scatter [tilespmem:s3], [sflag:$0x1], $0x6400, $0x38;
	[tilespmem:$0x6400] =	vst v63  }
0x3c9: {  	s0 =	sld [smem:$0x7DB]  }
0x3ca: {  	[hbm4b:s4+s3] =	stream.linear.scatter [tilespmem:s3], [sflag:$0x1], $0x6400, $0x38;
	[tilespmem:$0x6400] =	vst v63  }
0x3cb: {  	s4 =	sld [smem:$0x7DC]  }
0x3cc: {  	[hbm4b:s0+s3] =	stream.linear.scatter [tilespmem:s3], [sflag:$0x1], $0x6400, $0x38;
	[tilespmem:$0x6400] =	vst v63  }
0x3cd: {  	s0 =	sld [smem:$0x7DD]  }
0x3ce: {  	[hbm4b:s4+s3] =	stream.linear.scatter [tilespmem:s3], [sflag:$0x1], $0x6400, $0x38;
	[tilespmem:$0x6400] =	vst v63  }
0x3cf: {  	s4 =	sld [smem:$0x7DE]  }
0x3d0: {  	[hbm4b:s0+s3] =	stream.linear.scatter [tilespmem:s3], [sflag:$0x1], $0x6400, $0x38;
	[tilespmem:$0x6400] =	vst v63  }
0x3d1: {  	s0 =	sld [smem:$0x7DF]  }
0x3d2: {  	[hbm4b:s4+s3] =	stream.linear.scatter [tilespmem:s3], [sflag:$0x1], $0x6400, $0x38;
	[tilespmem:$0x6400] =	vst v63  }
0x3d3: {  	s4 =	sld [smem:$0x7E0]  }
0x3d4: {  	[hbm4b:s0+s3] =	stream.linear.scatter [tilespmem:s3], [sflag:$0x1], $0x6400, $0x38;
	[tilespmem:$0x6400] =	vst v63  }
0x3d5: {  	s0 =	sld [smem:$0x7E1]  }
0x3d6: {  	[hbm4b:s4+s3] =	stream.linear.scatter [tilespmem:s3], [sflag:$0x1], $0x6400, $0x38;
	[tilespmem:$0x6400] =	vst v63  }
0x3d7: {  	s4 =	sld [smem:$0x7E2]  }
0x3d8: {  	[hbm4b:s0+s3] =	stream.linear.scatter [tilespmem:s3], [sflag:$0x1], $0x6400, $0x38;
	[tilespmem:$0x6400] =	vst v63  }
0x3d9: {  	s0 =	sld [smem:$0x7E3]  }
0x3da: {  	[hbm4b:s4+s3] =	stream.linear.scatter [tilespmem:s3], [sflag:$0x1], $0x6400, $0x38;
	[tilespmem:$0x6400] =	vst v63  }
0x3db: {  	s4 =	sld [smem:$0x7E4]  }
0x3dc: {  	[hbm4b:s0+s3] =	stream.linear.scatter [tilespmem:s3], [sflag:$0x1], $0x6400, $0x38;
	[tilespmem:$0x6400] =	vst v63  }
0x3dd: {  	s0 =	sld [smem:$0x7E5]  }
0x3de: {  	[hbm4b:s4+s3] =	stream.linear.scatter [tilespmem:s3], [sflag:$0x1], $0x6400, $0x38;
	[tilespmem:$0x6400] =	vst v63  }
0x3df: {  	s4 =	sld [smem:$0x7E6]  }
0x3e0: {  	[hbm4b:s0+s3] =	stream.linear.scatter [tilespmem:s3], [sflag:$0x1], $0x6400, $0x38;
	[tilespmem:$0x6400] =	vst v63  }
0x3e1: {  	s0 =	sld [smem:$0x7E7]  }
0x3e2: {  	[hbm4b:s4+s3] =	stream.linear.scatter [tilespmem:s3], [sflag:$0x1], $0x6400, $0x38;
	[tilespmem:$0x6400] =	vst v63  }
0x3e3: {  	s4 =	sld [smem:$0x7E8]  }
0x3e4: {  	[hbm4b:s0+s3] =	stream.linear.scatter [tilespmem:s3], [sflag:$0x1], $0x6400, $0x38;
	[tilespmem:$0x6400] =	vst v63  }
0x3e5: {  	s0 =	sld [smem:$0x7E9]  }
0x3e6: {  	[hbm4b:s4+s3] =	stream.linear.scatter [tilespmem:s3], [sflag:$0x1], $0x6400, $0x38;
	[tilespmem:$0x6400] =	vst v63  }
0x3e7: {  	s4 =	sld [smem:$0x7EA]  }
0x3e8: {  	[hbm4b:s0+s3] =	stream.linear.scatter [tilespmem:s3], [sflag:$0x1], $0x6400, $0x38;
	[tilespmem:$0x6400] =	vst v63  }
0x3e9: {  	s0 =	sld [smem:$0x7EB]  }
0x3ea: {  	[hbm4b:s4+s3] =	stream.linear.scatter [tilespmem:s3], [sflag:$0x1], $0x6400, $0x38;
	[tilespmem:$0x6400] =	vst v63  }
0x3eb: {  	s4 =	sld [smem:$0x7EC]  }
0x3ec: {  	[hbm4b:s0+s3] =	stream.linear.scatter [tilespmem:s3], [sflag:$0x1], $0x6400, $0x38;
	[tilespmem:$0x6400] =	vst v63  }
0x3ed: {  	s0 =	sld [smem:$0x7ED]  }
0x3ee: {  	[hbm4b:s4+s3] =	stream.linear.scatter [tilespmem:s3], [sflag:$0x1], $0x6400, $0x38;
	[tilespmem:$0x6400] =	vst v63  }
0x3ef: {  	s4 =	sld [smem:$0x7EE]  }
0x3f0: {  	[hbm4b:s0+s3] =	stream.linear.scatter [tilespmem:s3], [sflag:$0x1], $0x6400, $0x38;
	[tilespmem:$0x6400] =	vst v63  }
0x3f1: {  	s0 =	sld [smem:$0x7EF]  }
0x3f2: {  	[hbm4b:s4+s3] =	stream.linear.scatter [tilespmem:s3], [sflag:$0x1], $0x6400, $0x38;
	[tilespmem:$0x6400] =	vst v63  }
0x3f3: {  	s4 =	sld [smem:$0x7F0]  }
0x3f4: {  	[hbm4b:s0+s3] =	stream.linear.scatter [tilespmem:s3], [sflag:$0x1], $0x6400, $0x38;
	[tilespmem:$0x6400] =	vst v63  }
0x3f5: {  	s0 =	sld [smem:$0x7F1]  }
0x3f6: {  	[hbm4b:s4+s3] =	stream.linear.scatter [tilespmem:s3], [sflag:$0x1], $0x6400, $0x38;
	[tilespmem:$0x6400] =	vst v63  }
0x3f7: {  	s4 =	sld [smem:$0x7F2]  }
0x3f8: {  	[hbm4b:s0+s3] =	stream.linear.scatter [tilespmem:s3], [sflag:$0x1], $0x6400, $0x38;
	[tilespmem:$0x6400] =	vst v63  }
0x3f9: {  	s0 =	sld [smem:$0x7F3]  }
0x3fa: {  	[hbm4b:s4+s3] =	stream.linear.scatter [tilespmem:s3], [sflag:$0x1], $0x6400, $0x38;
	[tilespmem:$0x6400] =	vst v63  }
0x3fb: {  	s4 =	sld [smem:$0x7F4]  }
0x3fc: {  	[hbm4b:s0+s3] =	stream.linear.scatter [tilespmem:s3], [sflag:$0x1], $0x6400, $0x38;
	[tilespmem:$0x6400] =	vst v63  }
0x3fd: {  	s0 =	sld [smem:$0x7F5]  }
0x3fe: {  	[hbm4b:s4+s3] =	stream.linear.scatter [tilespmem:s3], [sflag:$0x1], $0x6400, $0x38;
	[tilespmem:$0x6400] =	vst v63  }
0x3ff: {  	s4 =	sld [smem:$0x7F6]  }
0x400: {  	[hbm4b:s0+s3] =	stream.linear.scatter [tilespmem:s3], [sflag:$0x1], $0x6400, $0x38;
	[tilespmem:$0x6400] =	vst v63  }
0x401: {  	s0 =	sld [smem:$0x7F7]  }
0x402: {  	[hbm4b:s4+s3] =	stream.linear.scatter [tilespmem:s3], [sflag:$0x1], $0x6400, $0x38;
	[tilespmem:$0x6400] =	vst v63  }
0x403: {  	s4 =	sld [smem:$0x7F8]  }
0x404: {  	[hbm4b:s0+s3] =	stream.linear.scatter [tilespmem:s3], [sflag:$0x1], $0x6400, $0x38;
	[tilespmem:$0x6400] =	vst v63  }
0x405: {  	s0 =	sld [smem:$0x7F9]  }
0x406: {  	[hbm4b:s4+s3] =	stream.linear.scatter [tilespmem:s3], [sflag:$0x1], $0x6400, $0x38;
	[tilespmem:$0x6400] =	vst v63  }
0x407: {  	s4 =	sld [smem:$0x7FA]  }
0x408: {  	[hbm4b:s0+s3] =	stream.linear.scatter [tilespmem:s3], [sflag:$0x1], $0x6400, $0x38;
	[tilespmem:$0x6400] =	vst v63  }
0x409: {  	s0 =	sld [smem:$0x7FB]  }
0x40a: {  	[hbm4b:s4+s3] =	stream.linear.scatter [tilespmem:s3], [sflag:$0x1], $0x6400, $0x38;
	[tilespmem:$0x6400] =	vst v63  }
0x40b: {  	s4 =	sld [smem:$0x7FC]  }
0x40c: {  	[hbm4b:s0+s3] =	stream.linear.scatter [tilespmem:s3], [sflag:$0x1], $0x6400, $0x38;
	[tilespmem:$0x6400] =	vst v63  }
0x40d: {  	_ = 	snop  }
0x40e: {  	[hbm4b:s4+s3] =	stream.linear.scatter [tilespmem:s3], [sflag:$0x1], $0x6400, $0x38;
	[tilespmem:$0x6400] =	vst v63  }
0x40f: {  	s0 =	sld [smem:$0x7FD];
	s4 =	smov.u32 s5;
	s5 =	smov.u32 s6  }
0x410: {  	s6 =	smov.u32 s7;
	s7 =	smov.u32 s8;
	s8 =	smov.u32 s9  }
0x411: {  	s9 =	smov.u32 s10;
	s10 =	smov.u32 s11;
	s11 =	smov.u32 s12  }
0x412: {  	[hbm4b:s0+s3] =	stream.linear.scatter [tilespmem:s3], [sflag:$0x1], $0x6400, $0x38;
	[tilespmem:$0x6400] =	vst v63  }
0x413: {  	s12 =	smov.u32 s13;
	s13 =	smov.u32 s14;
	s14 =	smov.u32 s15  }
0x414: {  	[hbm4b:s14+s3] =	stream.linear.scatter [tilespmem:s3], [sflag:$0x1], $0x6400, $0x38;
	[tilespmem:$0x6400] =	vst v63  }
0x415: {  	s15 =	smov.u32 s16  }
0x416: {  	[hbm4b:s15+s3] =	stream.linear.scatter [tilespmem:s3], [sflag:$0x1], $0x6400, $0x38;
	[tilespmem:$0x6400] =	vst v63  }
0x417: {  	s16 =	smov.u32 s17  }
0x418: {  	[hbm4b:s16+s3] =	stream.linear.scatter [tilespmem:s3], [sflag:$0x1], $0x6400, $0x38;
	[tilespmem:$0x6400] =	vst v63  }
0x419: {  	s17 =	smov.u32 s18  }
0x41a: {  	[hbm4b:s17+s3] =	stream.linear.scatter [tilespmem:s3], [sflag:$0x1], $0x6400, $0x38;
	[tilespmem:$0x6400] =	vst v63  }
0x41b: {  	s18 =	smov.u32 s19  }
0x41c: {  	[hbm4b:s18+s3] =	stream.linear.scatter [tilespmem:s3], [sflag:$0x1], $0x6400, $0x38;
	[tilespmem:$0x6400] =	vst v63  }
0x41d: {  	s19 =	smov.u32 s20  }
0x41e: {  	[hbm4b:s19+s3] =	stream.linear.scatter [tilespmem:s3], [sflag:$0x1], $0x6400, $0x38;
	[tilespmem:$0x6400] =	vst v63  }
0x41f: {  	s20 =	smov.u32 s21  }
0x420: {  	[hbm4b:s20+s3] =	stream.linear.scatter [tilespmem:s3], [sflag:$0x1], $0x6400, $0x38;
	[tilespmem:$0x6400] =	vst v63  }
0x421: {  	s21 =	smov.u32 s22  }
0x422: {  	[hbm4b:s21+s3] =	stream.linear.scatter [tilespmem:s3], [sflag:$0x1], $0x6400, $0x38;
	[tilespmem:$0x6400] =	vst v63  }
0x423: {  	s22 =	smov.u32 s23  }
0x424: {  	[hbm4b:s22+s3] =	stream.linear.scatter [tilespmem:s3], [sflag:$0x1], $0x6400, $0x38;
	[tilespmem:$0x6400] =	vst v63  }
0x425: {  	s23 =	smov.u32 s24  }
0x426: {  	[hbm4b:s23+s3] =	stream.linear.scatter [tilespmem:s3], [sflag:$0x1], $0x6400, $0x38;
	[tilespmem:$0x6400] =	vst v63  }
0x427: {  	_ = 	snop  }
0x428: {  	[hbm4b:s4+s30] =	stream.linear.scatter @!p0 [tilespmem:s30], [sflag:$0x1], $0x6400, $0x38;
	[tilespmem:$0x6400] =	vst v63  }
0x429: {  	_ = 	snop  }
0x42a: {  	[hbm4b:s5+s30] =	stream.linear.scatter @!p0 [tilespmem:s30], [sflag:$0x1], $0x6400, $0x38;
	[tilespmem:$0x6400] =	vst v63  }
0x42b: {  	_ = 	snop  }
0x42c: {  	[hbm4b:s6+s30] =	stream.linear.scatter @!p0 [tilespmem:s30], [sflag:$0x1], $0x6400, $0x38;
	[tilespmem:$0x6400] =	vst v63  }
0x42d: {  	_ = 	snop  }
0x42e: {  	[hbm4b:s7+s30] =	stream.linear.scatter @!p0 [tilespmem:s30], [sflag:$0x1], $0x6400, $0x38;
	[tilespmem:$0x6400] =	vst v63  }
0x42f: {  	_ = 	snop  }
0x430: {  	[hbm4b:s8+s30] =	stream.linear.scatter @!p0 [tilespmem:s30], [sflag:$0x1], $0x6400, $0x38;
	[tilespmem:$0x6400] =	vst v63  }
0x431: {  	_ = 	snop  }
0x432: {  	[hbm4b:s9+s30] =	stream.linear.scatter @!p0 [tilespmem:s30], [sflag:$0x1], $0x6400, $0x38;
	[tilespmem:$0x6400] =	vst v63  }
0x433: {  	_ = 	snop  }
0x434: {  	[hbm4b:s10+s30] =	stream.linear.scatter @!p0 [tilespmem:s30], [sflag:$0x1], $0x6400, $0x38;
	[tilespmem:$0x6400] =	vst v63  }
0x435: {  	_ = 	snop  }
0x436: {  	[hbm4b:s11+s30] =	stream.linear.scatter @!p0 [tilespmem:s30], [sflag:$0x1], $0x6400, $0x38;
	[tilespmem:$0x6400] =	vst v63  }
0x437: {  	_ = 	snop  }
0x438: {  	[hbm4b:s12+s30] =	stream.linear.scatter @!p0 [tilespmem:s30], [sflag:$0x1], $0x6400, $0x38;
	[tilespmem:$0x6400] =	vst v63  }
0x439: {  	_ = 	snop  }
0x43a: {  	[hbm4b:s13+s30] =	stream.linear.scatter @!p0 [tilespmem:s30], [sflag:$0x1], $0x6400, $0x38;
	[tilespmem:$0x6400] =	vst v63  }
0x43b: {  	s24 =	smov.u32 s25  }
0x43c: {  	[hbm4b:s24+s30] =	stream.linear.scatter @!p0 [tilespmem:s30], [sflag:$0x1], $0x6400, $0x38;
	[tilespmem:$0x6400] =	vst v63  }
0x43d: {  	s25 =	smov.u32 s26  }
0x43e: {  	[hbm4b:s25+s30] =	stream.linear.scatter @!p0 [tilespmem:s30], [sflag:$0x1], $0x6400, $0x38;
	[tilespmem:$0x6400] =	vst v63  }
0x43f: {  	s26 =	smov.u32 s28  }
0x440: {  	[hbm4b:s26+s30] =	stream.linear.scatter @!p0 [tilespmem:s30], [sflag:$0x1], $0x6400, $0x38;
	[tilespmem:$0x6400] =	vst v63  }
0x441: {  	s28 =	smov.u32 s29  }
0x442: {  	[hbm4b:s28+s30] =	stream.linear.scatter @!p0 [tilespmem:s30], [sflag:$0x1], $0x6400, $0x38;
	[tilespmem:$0x6400] =	vst v63  }
0x443: {  	_ =	swait.ge [sflag:s2], $0x6400  }
0x444: {  	[sflag:s2] =	ssyncset.done $0x0  }
0x445: {  	[sflag:s2] =	ssyncadd.s32 $0xFFFF9C00  }
0x446: {  	_ =	swait.ge [sflag:s2], $0x6400  }
0x447: {  	[sflag:s2] =	ssyncset.done $0x0  }
0x448: {  	[sflag:s2] =	ssyncadd.s32 $0xFFFF9C00  }
0x449: {  	_ =	swait.ge [sflag:s2], $0x6400  }
0x44a: {  	[sflag:s2] =	ssyncset.done $0x0  }
0x44b: {  	[sflag:s2] =	ssyncadd.s32 $0xFFFF9C00  }
0x44c: {  	_ =	swait.ge [sflag:s2], $0x6400  }
0x44d: {  	[sflag:s2] =	ssyncset.done $0x0  }
0x44e: {  	[sflag:s2] =	ssyncadd.s32 $0xFFFF9C00  }
0x44f: {  	_ =	swait.ge [sflag:s2], $0x6400  }
0x450: {  	[sflag:s2] =	ssyncset.done $0x0  }
0x451: {  	[sflag:s2] =	ssyncadd.s32 $0xFFFF9C00  }
0x452: {  	_ =	swait.ge [sflag:s2], $0x6400  }
0x453: {  	[sflag:s2] =	ssyncset.done $0x0  }
0x454: {  	[sflag:s2] =	ssyncadd.s32 $0xFFFF9C00  }
0x455: {  	_ =	swait.ge [sflag:s2], $0x6400  }
0x456: {  	[sflag:s2] =	ssyncset.done $0x0  }
0x457: {  	[sflag:s2] =	ssyncadd.s32 $0xFFFF9C00  }
0x458: {  	_ =	swait.ge [sflag:s2], $0x6400  }
0x459: {  	[sflag:s2] =	ssyncset.done $0x0  }
0x45a: {  	[sflag:s2] =	ssyncadd.s32 $0xFFFF9C00  }
0x45b: {  	_ =	swait.ge [sflag:s2], $0x6400  }
0x45c: {  	[sflag:s2] =	ssyncset.done $0x0  }
0x45d: {  	[sflag:s2] =	ssyncadd.s32 $0xFFFF9C00  }
0x45e: {  	_ =	swait.ge [sflag:s2], $0x6400  }
0x45f: {  	[sflag:s2] =	ssyncset.done $0x0  }
0x460: {  	[sflag:s2] =	ssyncadd.s32 $0xFFFF9C00  }
0x461: {  	_ =	swait.ge [sflag:s2], $0x6400  }
0x462: {  	[sflag:s2] =	ssyncset.done $0x0  }
0x463: {  	[sflag:s2] =	ssyncadd.s32 $0xFFFF9C00  }
0x464: {  	_ =	swait.ge [sflag:s2], $0x6400  }
0x465: {  	[sflag:s2] =	ssyncset.done $0x0  }
0x466: {  	[sflag:s2] =	ssyncadd.s32 $0xFFFF9C00  }
0x467: {  	_ =	swait.ge [sflag:s2], $0x6400  }
0x468: {  	[sflag:s2] =	ssyncset.done $0x0  }
0x469: {  	[sflag:s2] =	ssyncadd.s32 $0xFFFF9C00  }
0x46a: {  	_ =	swait.ge [sflag:s2], $0x6400  }
0x46b: {  	[sflag:s2] =	ssyncset.done $0x0  }
0x46c: {  	[sflag:s2] =	ssyncadd.s32 $0xFFFF9C00  }
0x46d: {  	_ =	swait.ge [sflag:s2], $0x6400  }
0x46e: {  	[sflag:s2] =	ssyncset.done $0x0  }
0x46f: {  	[sflag:s2] =	ssyncadd.s32 $0xFFFF9C00  }
0x470: {  	_ =	swait.ge [sflag:s2], $0x6400  }
0x471: {  	[sflag:s2] =	ssyncset.done $0x0  }
0x472: {  	[sflag:s2] =	ssyncadd.s32 $0xFFFF9C00  }
0x473: {  	_ =	swait.ge [sflag:s2], $0x6400  }
0x474: {  	[sflag:s2] =	ssyncset.done $0x0  }
0x475: {  	[sflag:s2] =	ssyncadd.s32 $0xFFFF9C00  }
0x476: {  	_ =	swait.ge [sflag:s2], $0x6400  }
0x477: {  	[sflag:s2] =	ssyncset.done $0x0  }
0x478: {  	[sflag:s2] =	ssyncadd.s32 $0xFFFF9C00  }
0x479: {  	_ =	swait.ge [sflag:s2], $0x6400  }
0x47a: {  	[sflag:s2] =	ssyncset.done $0x0  }
0x47b: {  	[sflag:s2] =	ssyncadd.s32 $0xFFFF9C00  }
0x47c: {  	_ =	swait.ge [sflag:s2], $0x6400  }
0x47d: {  	[sflag:s2] =	ssyncset.done $0x0  }
0x47e: {  	[sflag:s2] =	ssyncadd.s32 $0xFFFF9C00  }
0x47f: {  	_ =	swait.ge [sflag:s2], $0x6400  }
0x480: {  	[sflag:s2] =	ssyncset.done $0x0  }
0x481: {  	[sflag:s2] =	ssyncadd.s32 $0xFFFF9C00  }
0x482: {  	_ =	swait.ge [sflag:s2], $0x6400  }
0x483: {  	[sflag:s2] =	ssyncset.done $0x0  }
0x484: {  	[sflag:s2] =	ssyncadd.s32 $0xFFFF9C00  }
0x485: {  	_ =	swait.ge [sflag:s2], $0x6400  }
0x486: {  	[sflag:s2] =	ssyncset.done $0x0  }
0x487: {  	[sflag:s2] =	ssyncadd.s32 $0xFFFF9C00  }
0x488: {  	_ =	swait.ge [sflag:s2], $0x6400  }
0x489: {  	[sflag:s2] =	ssyncset.done $0x0  }
0x48a: {  	[sflag:s2] =	ssyncadd.s32 $0xFFFF9C00  }
0x48b: {  	_ =	swait.ge [sflag:s2], $0x6400  }
0x48c: {  	[sflag:s2] =	ssyncset.done $0x0  }
0x48d: {  	[sflag:s2] =	ssyncadd.s32 $0xFFFF9C00  }
0x48e: {  	_ =	swait.ge [sflag:s2], $0x6400  }
0x48f: {  	[sflag:s2] =	ssyncset.done $0x0  }
0x490: {  	[sflag:s2] =	ssyncadd.s32 $0xFFFF9C00  }
0x491: {  	_ =	swait.ge [sflag:s2], $0x6400  }
0x492: {  	[sflag:s2] =	ssyncset.done $0x0  }
0x493: {  	[sflag:s2] =	ssyncadd.s32 $0xFFFF9C00  }
0x494: {  	_ =	swait.ge [sflag:s2], $0x6400  }
0x495: {  	[sflag:s2] =	ssyncset.done $0x0  }
0x496: {  	[sflag:s2] =	ssyncadd.s32 $0xFFFF9C00  }
0x497: {  	_ =	swait.ge [sflag:s2], $0x6400  }
0x498: {  	[sflag:s2] =	ssyncset.done $0x0  }
0x499: {  	[sflag:s2] =	ssyncadd.s32 $0xFFFF9C00  }
0x49a: {  	_ =	swait.ge [sflag:s2], $0x6400  }
0x49b: {  	[sflag:s2] =	ssyncset.done $0x0  }
0x49c: {  	[sflag:s2] =	ssyncadd.s32 $0xFFFF9C00  }
0x49d: {  	_ =	swait.ge [sflag:s2], $0x6400  }
0x49e: {  	[sflag:s2] =	ssyncset.done $0x0  }
0x49f: {  	[sflag:s2] =	ssyncadd.s32 $0xFFFF9C00  }
0x4a0: {  	_ =	swait.ge [sflag:s2], $0x6400  }
0x4a1: {  	[sflag:s2] =	ssyncset.done $0x0  }
0x4a2: {  	[sflag:s2] =	ssyncadd.s32 $0xFFFF9C00  }
0x4a3: {  	_ =	swait.ge [sflag:s2], $0x6400  }
0x4a4: {  	[sflag:s2] =	ssyncset.done $0x0  }
0x4a5: {  	[sflag:s2] =	ssyncadd.s32 $0xFFFF9C00  }
0x4a6: {  	_ =	swait.ge [sflag:s2], $0x6400  }
0x4a7: {  	[sflag:s2] =	ssyncset.done $0x0  }
0x4a8: {  	[sflag:s2] =	ssyncadd.s32 $0xFFFF9C00  }
0x4a9: {  	_ =	swait.ge [sflag:s2], $0x6400  }
0x4aa: {  	[sflag:s2] =	ssyncset.done $0x0  }
0x4ab: {  	[sflag:s2] =	ssyncadd.s32 $0xFFFF9C00  }
0x4ac: {  	_ =	swait.ge [sflag:s2], $0x6400  }
0x4ad: {  	[sflag:s2] =	ssyncset.done $0x0  }
0x4ae: {  	[sflag:s2] =	ssyncadd.s32 $0xFFFF9C00  }
0x4af: {  	_ =	swait.ge [sflag:s2], $0x6400  }
0x4b0: {  	[sflag:s2] =	ssyncset.done $0x0  }
0x4b1: {  	[sflag:s2] =	ssyncadd.s32 $0xFFFF9C00  }
0x4b2: {  	_ =	swait.ge [sflag:s2], $0x6400  }
0x4b3: {  	[sflag:s2] =	ssyncset.done $0x0  }
0x4b4: {  	[sflag:s2] =	ssyncadd.s32 $0xFFFF9C00  }
0x4b5: {  	_ =	swait.ge [sflag:s2], $0x6400  }
0x4b6: {  	[sflag:s2] =	ssyncset.done $0x0  }
0x4b7: {  	[sflag:s2] =	ssyncadd.s32 $0xFFFF9C00  }
0x4b8: {  	_ =	swait.ge [sflag:s2], $0x6400  }
0x4b9: {  	[sflag:s2] =	ssyncset.done $0x0  }
0x4ba: {  	[sflag:s2] =	ssyncadd.s32 $0xFFFF9C00  }
0x4bb: {  	_ =	swait.ge [sflag:s2], $0x6400  }
0x4bc: {  	[sflag:s2] =	ssyncset.done $0x0  }
0x4bd: {  	[sflag:s2] =	ssyncadd.s32 $0xFFFF9C00  }
0x4be: {  	_ =	swait.ge [sflag:s2], $0x6400  }
0x4bf: {  	[sflag:s2] =	ssyncset.done $0x0  }
0x4c0: {  	[sflag:s2] =	ssyncadd.s32 $0xFFFF9C00  }
0x4c1: {  	_ =	swait.ge [sflag:s2], $0x6400  }
0x4c2: {  	[sflag:s2] =	ssyncset.done $0x0  }
0x4c3: {  	[sflag:s2] =	ssyncadd.s32 $0xFFFF9C00  }
0x4c4: {  	_ =	swait.ge [sflag:s2], $0x6400  }
0x4c5: {  	[sflag:s2] =	ssyncset.done $0x0  }
0x4c6: {  	[sflag:s2] =	ssyncadd.s32 $0xFFFF9C00  }
0x4c7: {  	_ =	swait.ge [sflag:s2], $0x6400  }
0x4c8: {  	[sflag:s2] =	ssyncset.done $0x0  }
0x4c9: {  	[sflag:s2] =	ssyncadd.s32 $0xFFFF9C00  }
0x4ca: {  	_ =	swait.ge [sflag:s2], $0x6400  }
0x4cb: {  	[sflag:s2] =	ssyncset.done $0x0  }
0x4cc: {  	[sflag:s2] =	ssyncadd.s32 $0xFFFF9C00  }
0x4cd: {  	_ =	swait.ge [sflag:s2], $0x6400  }
0x4ce: {  	[sflag:s2] =	ssyncset.done $0x0  }
0x4cf: {  	[sflag:s2] =	ssyncadd.s32 $0xFFFF9C00  }
0x4d0: {  	_ =	swait.ge [sflag:s2], $0x6400  }
0x4d1: {  	[sflag:s2] =	ssyncset.done $0x0  }
0x4d2: {  	[sflag:s2] =	ssyncadd.s32 $0xFFFF9C00  }
0x4d3: {  	_ =	swait.ge [sflag:s2], $0x6400  }
0x4d4: {  	[sflag:s2] =	ssyncset.done $0x0  }
0x4d5: {  	[sflag:s2] =	ssyncadd.s32 $0xFFFF9C00  }
0x4d6: {  	_ =	swait.ge [sflag:s2], $0x6400  }
0x4d7: {  	[sflag:s2] =	ssyncset.done $0x0  }
0x4d8: {  	[sflag:s2] =	ssyncadd.s32 $0xFFFF9C00  }
0x4d9: {  	_ =	swait.ge [sflag:s2], $0x6400  }
0x4da: {  	[sflag:s2] =	ssyncset.done $0x0  }
0x4db: {  	[sflag:s2] =	ssyncadd.s32 $0xFFFF9C00  }
0x4dc: {  	_ =	swait.ge [sflag:s2], $0x6400  }
0x4dd: {  	[sflag:s2] =	ssyncset.done $0x0  }
0x4de: {  	[sflag:s2] =	ssyncadd.s32 $0xFFFF9C00  }
0x4df: {  	_ =	swait.ge [sflag:s2], $0x6400  }
0x4e0: {  	[sflag:s2] =	ssyncset.done $0x0  }
0x4e1: {  	[sflag:s2] =	ssyncadd.s32 $0xFFFF9C00  }
0x4e2: {  	_ =	swait.ge [sflag:s2], $0x6400  }
0x4e3: {  	[sflag:s2] =	ssyncset.done $0x0  }
0x4e4: {  	[sflag:s2] =	ssyncadd.s32 $0xFFFF9C00  }
0x4e5: {  	_ =	swait.ge [sflag:s2], $0x6400  }
0x4e6: {  	[sflag:s2] =	ssyncset.done $0x0  }
0x4e7: {  	[sflag:s2] =	ssyncadd.s32 $0xFFFF9C00  }
0x4e8: {  	_ =	swait.ge [sflag:s2], $0x6400  }
0x4e9: {  	[sflag:s2] =	ssyncset.done $0x0  }
0x4ea: {  	[sflag:s2] =	ssyncadd.s32 $0xFFFF9C00  }
0x4eb: {  	_ =	swait.ge [sflag:s2], $0x6400  }
0x4ec: {  	[sflag:s2] =	ssyncset.done $0x0  }
0x4ed: {  	[sflag:s2] =	ssyncadd.s32 $0xFFFF9C00  }
0x4ee: {  	_ =	swait.ge [sflag:s2], $0x6400  }
0x4ef: {  	[sflag:s2] =	ssyncset.done $0x0  }
0x4f0: {  	[sflag:s2] =	ssyncadd.s32 $0xFFFF9C00  }
0x4f1: {  	_ =	swait.ge [sflag:s2], $0x6400  }
0x4f2: {  	[sflag:s2] =	ssyncset.done $0x0  }
0x4f3: {  	[sflag:s2] =	ssyncadd.s32 $0xFFFF9C00  }
0x4f4: {  	_ =	swait.ge [sflag:s2], $0x6400  }
0x4f5: {  	[sflag:s2] =	ssyncset.done $0x0  }
0x4f6: {  	[sflag:s2] =	ssyncadd.s32 $0xFFFF9C00  }
0x4f7: {  	_ =	swait.ge [sflag:s2], $0x6400  }
0x4f8: {  	[sflag:s2] =	ssyncset.done $0x0  }
0x4f9: {  	[sflag:s2] =	ssyncadd.s32 $0xFFFF9C00  }
0x4fa: {  	_ =	swait.ge [sflag:s2], $0x6400  }
0x4fb: {  	[sflag:s2] =	ssyncset.done $0x0  }
0x4fc: {  	[sflag:s2] =	ssyncadd.s32 $0xFFFF9C00  }
0x4fd: {  	_ =	swait.ge [sflag:s2], $0x6400  }
0x4fe: {  	[sflag:s2] =	ssyncset.done $0x0  }
0x4ff: {  	[sflag:s2] =	ssyncadd.s32 $0xFFFF9C00  }
0x500: {  	_ =	swait.ge [sflag:s2], $0x6400  }
0x501: {  	[sflag:s2] =	ssyncset.done $0x0  }
0x502: {  	[sflag:s2] =	ssyncadd.s32 $0xFFFF9C00  }
0x503: {  	_ =	swait.ge [sflag:s2], $0x6400  }
0x504: {  	[sflag:s2] =	ssyncset.done $0x0  }
0x505: {  	[sflag:s2] =	ssyncadd.s32 $0xFFFF9C00  }
0x506: {  	_ =	swait.ge [sflag:s2], $0x6400  }
0x507: {  	[sflag:s2] =	ssyncset.done $0x0  }
0x508: {  	[sflag:s2] =	ssyncadd.s32 $0xFFFF9C00  }
0x509: {  	_ =	swait.ge [sflag:s2], $0x6400  }
0x50a: {  	[sflag:s2] =	ssyncset.done $0x0  }
0x50b: {  	[sflag:s2] =	ssyncadd.s32 $0xFFFF9C00  }
0x50c: {  	_ =	swait.ge [sflag:s2], $0x6400  }
0x50d: {  	[sflag:s2] =	ssyncset.done $0x0  }
0x50e: {  	[sflag:s2] =	ssyncadd.s32 $0xFFFF9C00  }
0x50f: {  	_ =	swait.ge [sflag:s2], $0x6400  }
0x510: {  	[sflag:s2] =	ssyncset.done $0x0  }
0x511: {  	[sflag:s2] =	ssyncadd.s32 $0xFFFF9C00  }
0x512: {  	_ =	swait.ge [sflag:s2], $0x6400  }
0x513: {  	[sflag:s2] =	ssyncset.done $0x0  }
0x514: {  	[sflag:s2] =	ssyncadd.s32 $0xFFFF9C00  }
0x515: {  	_ =	swait.ge [sflag:s2], $0x6400  }
0x516: {  	[sflag:s2] =	ssyncset.done $0x0  }
0x517: {  	[sflag:s2] =	ssyncadd.s32 $0xFFFF9C00  }
0x518: {  	_ =	swait.ge [sflag:s2], $0x6400  }
0x519: {  	[sflag:s2] =	ssyncset.done $0x0  }
0x51a: {  	[sflag:s2] =	ssyncadd.s32 $0xFFFF9C00  }
0x51b: {  	_ =	swait.ge [sflag:s2], $0x6400  }
0x51c: {  	[sflag:s2] =	ssyncset.done $0x0  }
0x51d: {  	[sflag:s2] =	ssyncadd.s32 $0xFFFF9C00  }
0x51e: {  	_ =	swait.ge [sflag:s2], $0x6400  }
0x51f: {  	[sflag:s2] =	ssyncset.done $0x0  }
0x520: {  	[sflag:s2] =	ssyncadd.s32 $0xFFFF9C00  }
0x521: {  	_ =	swait.ge [sflag:s2], $0x6400  }
0x522: {  	[sflag:s2] =	ssyncset.done $0x0  }
0x523: {  	[sflag:s2] =	ssyncadd.s32 $0xFFFF9C00  }
0x524: {  	_ =	swait.ge [sflag:s2], $0x6400  }
0x525: {  	[sflag:s2] =	ssyncset.done $0x0  }
0x526: {  	[sflag:s2] =	ssyncadd.s32 $0xFFFF9C00  }
0x527: {  	_ =	swait.ge [sflag:s2], $0x6400  }
0x528: {  	[sflag:s2] =	ssyncset.done $0x0  }
0x529: {  	[sflag:s2] =	ssyncadd.s32 $0xFFFF9C00  }
0x52a: {  	_ =	swait.ge [sflag:s2], $0x6400  }
0x52b: {  	[sflag:s2] =	ssyncset.done $0x0  }
0x52c: {  	[sflag:s2] =	ssyncadd.s32 $0xFFFF9C00  }
0x52d: {  	_ =	swait.ge [sflag:s2], $0x6400  }
0x52e: {  	[sflag:s2] =	ssyncset.done $0x0  }
0x52f: {  	[sflag:s2] =	ssyncadd.s32 $0xFFFF9C00  }
0x530: {  	_ =	swait.ge [sflag:s2], $0x6400  }
0x531: {  	[sflag:s2] =	ssyncset.done $0x0  }
0x532: {  	[sflag:s2] =	ssyncadd.s32 $0xFFFF9C00  }
0x533: {  	_ =	swait.ge [sflag:s2], $0x6400  }
0x534: {  	[sflag:s2] =	ssyncset.done $0x0  }
0x535: {  	[sflag:s2] =	ssyncadd.s32 $0xFFFF9C00  }
0x536: {  	_ =	swait.ge [sflag:s2], $0x6400  }
0x537: {  	[sflag:s2] =	ssyncset.done $0x0  }
0x538: {  	[sflag:s2] =	ssyncadd.s32 $0xFFFF9C00  }
0x539: {  	_ =	swait.ge [sflag:s2], $0x6400  }
0x53a: {  	[sflag:s2] =	ssyncset.done $0x0  }
0x53b: {  	[sflag:s2] =	ssyncadd.s32 $0xFFFF9C00  }
0x53c: {  	_ =	swait.ge [sflag:s2], $0x6400  }
0x53d: {  	[sflag:s2] =	ssyncset.done $0x0  }
0x53e: {  	[sflag:s2] =	ssyncadd.s32 $0xFFFF9C00  }
0x53f: {  	_ =	swait.ge [sflag:s2], $0x6400  }
0x540: {  	[sflag:s2] =	ssyncset.done $0x0  }
0x541: {  	[sflag:s2] =	ssyncadd.s32 $0xFFFF9C00  }
0x542: {  	_ =	swait.ge [sflag:s2], $0x6400  }
0x543: {  	[sflag:s2] =	ssyncset.done $0x0  }
0x544: {  	[sflag:s2] =	ssyncadd.s32 $0xFFFF9C00  }
0x545: {  	_ =	swait.ge [sflag:s2], $0x6400  }
0x546: {  	[sflag:s2] =	ssyncset.done $0x0  }
0x547: {  	[sflag:s2] =	ssyncadd.s32 $0xFFFF9C00  }
0x548: {  	_ =	swait.ge [sflag:s2], $0x6400  }
0x549: {  	[sflag:s2] =	ssyncset.done $0x0  }
0x54a: {  	[sflag:s2] =	ssyncadd.s32 $0xFFFF9C00  }
0x54b: {  	_ =	swait.ge [sflag:s2], $0x6400  }
0x54c: {  	[sflag:s2] =	ssyncset.done $0x0  }
0x54d: {  	[sflag:s2] =	ssyncadd.s32 $0xFFFF9C00  }
0x54e: {  	_ =	swait.ge [sflag:s2], $0x6400  }
0x54f: {  	[sflag:s2] =	ssyncset.done $0x0  }
0x550: {  	[sflag:s2] =	ssyncadd.s32 $0xFFFF9C00  }
0x551: {  	_ =	swait.ge [sflag:s2], $0x6400  }
0x552: {  	[sflag:s2] =	ssyncset.done $0x0  }
0x553: {  	[sflag:s2] =	ssyncadd.s32 $0xFFFF9C00  }
0x554: {  	_ =	swait.ge [sflag:s2], $0x6400  }
0x555: {  	[sflag:s2] =	ssyncset.done $0x0  }
0x556: {  	[sflag:s2] =	ssyncadd.s32 $0xFFFF9C00  }
0x557: {  	_ =	swait.ge [sflag:s2], $0x6400  }
0x558: {  	[sflag:s2] =	ssyncset.done $0x0  }
0x559: {  	[sflag:s2] =	ssyncadd.s32 $0xFFFF9C00  }
0x55a: {  	_ =	swait.ge [sflag:s2], $0x6400  }
0x55b: {  	[sflag:s2] =	ssyncset.done $0x0  }
0x55c: {  	[sflag:s2] =	ssyncadd.s32 $0xFFFF9C00  }
0x55d: {  	_ =	swait.ge [sflag:s2], $0x6400  }
0x55e: {  	[sflag:s2] =	ssyncset.done $0x0  }
0x55f: {  	[sflag:s2] =	ssyncadd.s32 $0xFFFF9C00  }
0x560: {  	_ =	swait.ge [sflag:s2], $0x6400  }
0x561: {  	[sflag:s2] =	ssyncset.done $0x0  }
0x562: {  	[sflag:s2] =	ssyncadd.s32 $0xFFFF9C00  }
0x563: {  	_ =	swait.ge [sflag:s2], $0x6400  }
0x564: {  	[sflag:s2] =	ssyncset.done $0x0  }
0x565: {  	[sflag:s2] =	ssyncadd.s32 $0xFFFF9C00  }
0x566: {  	_ =	swait.ge [sflag:s2], $0x6400  }
0x567: {  	[sflag:s2] =	ssyncset.done $0x0  }
0x568: {  	[sflag:s2] =	ssyncadd.s32 $0xFFFF9C00  }
0x569: {  	_ =	swait.ge [sflag:s2], $0x6400  }
0x56a: {  	[sflag:s2] =	ssyncset.done $0x0  }
0x56b: {  	[sflag:s2] =	ssyncadd.s32 $0xFFFF9C00  }
0x56c: {  	_ =	swait.ge [sflag:s2], $0x6400  }
0x56d: {  	[sflag:s2] =	ssyncset.done $0x0  }
0x56e: {  	[sflag:s2] =	ssyncadd.s32 $0xFFFF9C00  }
0x56f: {  	_ =	swait.ge [sflag:s2], $0x6400  }
0x570: {  	[sflag:s2] =	ssyncset.done $0x0  }
0x571: {  	[sflag:s2] =	ssyncadd.s32 $0xFFFF9C00  }
0x572: {  	_ =	swait.ge [sflag:s2], $0x6400  }
0x573: {  	[sflag:s2] =	ssyncset.done $0x0  }
0x574: {  	[sflag:s2] =	ssyncadd.s32 $0xFFFF9C00  }
0x575: {  	_ =	swait.ge [sflag:s2], $0x6400  }
0x576: {  	[sflag:s2] =	ssyncset.done $0x0  }
0x577: {  	[sflag:s2] =	ssyncadd.s32 $0xFFFF9C00  }
0x578: {  	_ =	swait.ge [sflag:s2], $0x6400  }
0x579: {  	[sflag:s2] =	ssyncset.done $0x0  }
0x57a: {  	[sflag:s2] =	ssyncadd.s32 $0xFFFF9C00  }
0x57b: {  	_ =	swait.ge [sflag:s2], $0x6400  }
0x57c: {  	[sflag:s2] =	ssyncset.done $0x0  }
0x57d: {  	[sflag:s2] =	ssyncadd.s32 $0xFFFF9C00  }
0x57e: {  	_ =	swait.ge [sflag:s2], $0x6400  }
0x57f: {  	[sflag:s2] =	ssyncset.done $0x0  }
0x580: {  	[sflag:s2] =	ssyncadd.s32 $0xFFFF9C00  }
0x581: {  	_ =	swait.ge [sflag:s2], $0x6400  }
0x582: {  	[sflag:s2] =	ssyncset.done $0x0  }
0x583: {  	[sflag:s2] =	ssyncadd.s32 $0xFFFF9C00  }
0x584: {  	_ =	swait.ge [sflag:s2], $0x6400  }
0x585: {  	[sflag:s2] =	ssyncset.done $0x0  }
0x586: {  	[sflag:s2] =	ssyncadd.s32 $0xFFFF9C00  }
0x587: {  	_ =	swait.ge [sflag:s2], $0x6400  }
0x588: {  	[sflag:s2] =	ssyncset.done $0x0  }
0x589: {  	[sflag:s2] =	ssyncadd.s32 $0xFFFF9C00  }
0x58a: {  	_ =	swait.ge [sflag:s2], $0x6400  }
0x58b: {  	[sflag:s2] =	ssyncset.done $0x0  }
0x58c: {  	[sflag:s2] =	ssyncadd.s32 $0xFFFF9C00  }
0x58d: {  	_ =	swait.ge [sflag:s2], $0x6400  }
0x58e: {  	[sflag:s2] =	ssyncset.done $0x0  }
0x58f: {  	[sflag:s2] =	ssyncadd.s32 $0xFFFF9C00  }
0x590: {  	_ =	swait.ge [sflag:s2], $0x6400  }
0x591: {  	[sflag:s2] =	ssyncset.done $0x0  }
0x592: {  	[sflag:s2] =	ssyncadd.s32 $0xFFFF9C00  }
0x593: {  	_ =	swait.ge [sflag:s2], $0x6400  }
0x594: {  	[sflag:s2] =	ssyncset.done $0x0  }
0x595: {  	[sflag:s2] =	ssyncadd.s32 $0xFFFF9C00  }
0x596: {  	_ =	swait.ge [sflag:s2], $0x6400  }
0x597: {  	[sflag:s2] =	ssyncset.done $0x0  }
0x598: {  	[sflag:s2] =	ssyncadd.s32 $0xFFFF9C00  }
0x599: {  	_ =	swait.ge [sflag:s2], $0x6400  }
0x59a: {  	[sflag:s2] =	ssyncset.done $0x0  }
0x59b: {  	[sflag:s2] =	ssyncadd.s32 $0xFFFF9C00  }
0x59c: {  	_ =	swait.ge [sflag:s2], $0x6400  }
0x59d: {  	[sflag:s2] =	ssyncset.done $0x0  }
0x59e: {  	[sflag:s2] =	ssyncadd.s32 $0xFFFF9C00  }
0x59f: {  	_ =	swait.ge [sflag:s2], $0x6400  }
0x5a0: {  	[sflag:s2] =	ssyncset.done $0x0  }
0x5a1: {  	[sflag:s2] =	ssyncadd.s32 $0xFFFF9C00  }
0x5a2: {  	_ =	swait.ge [sflag:s2], $0x6400  }
0x5a3: {  	[sflag:s2] =	ssyncset.done $0x0  }
0x5a4: {  	[sflag:s2] =	ssyncadd.s32 $0xFFFF9C00  }
0x5a5: {  	_ =	swait.ge [sflag:s2], $0x6400  }
0x5a6: {  	[sflag:s2] =	ssyncset.done $0x0  }
0x5a7: {  	[sflag:s2] =	ssyncadd.s32 $0xFFFF9C00  }
0x5a8: {  	_ =	swait.ge [sflag:s2], $0x6400  }
0x5a9: {  	[sflag:s2] =	ssyncset.done $0x0  }
0x5aa: {  	[sflag:s2] =	ssyncadd.s32 $0xFFFF9C00  }
0x5ab: {  	_ =	swait.ge [sflag:s2], $0x6400  }
0x5ac: {  	[sflag:s2] =	ssyncset.done $0x0  }
0x5ad: {  	[sflag:s2] =	ssyncadd.s32 $0xFFFF9C00  }
0x5ae: {  	_ =	swait.ge @!p0 [sflag:s31], $0x6400  }
0x5af: {  	[sflag:s31] =	ssyncset.done @!p0 $0x0  }
0x5b0: {  	[sflag:s31] =	ssyncadd.s32 @!p0 $0xFFFF9C00  }
0x5b1: {  	_ =	swait.ge @!p0 [sflag:s31], $0x6400  }
0x5b2: {  	[sflag:s31] =	ssyncset.done @!p0 $0x0  }
0x5b3: {  	[sflag:s31] =	ssyncadd.s32 @!p0 $0xFFFF9C00  }
0x5b4: {  	_ =	swait.ge @!p0 [sflag:s31], $0x6400  }
0x5b5: {  	[sflag:s31] =	ssyncset.done @!p0 $0x0  }
0x5b6: {  	[sflag:s31] =	ssyncadd.s32 @!p0 $0xFFFF9C00  }
0x5b7: {  	_ =	swait.ge @!p0 [sflag:s31], $0x6400  }
0x5b8: {  	[sflag:s31] =	ssyncset.done @!p0 $0x0  }
0x5b9: {  	[sflag:s31] =	ssyncadd.s32 @!p0 $0xFFFF9C00  }
0x5ba: {  	_ =	swait.ge @!p0 [sflag:s31], $0x6400  }
0x5bb: {  	[sflag:s31] =	ssyncset.done @!p0 $0x0  }
0x5bc: {  	[sflag:s31] =	ssyncadd.s32 @!p0 $0xFFFF9C00  }
0x5bd: {  	_ =	swait.ge @!p0 [sflag:s31], $0x6400  }
0x5be: {  	[sflag:s31] =	ssyncset.done @!p0 $0x0  }
0x5bf: {  	[sflag:s31] =	ssyncadd.s32 @!p0 $0xFFFF9C00  }
0x5c0: {  	_ =	swait.ge @!p0 [sflag:s31], $0x6400  }
0x5c1: {  	[sflag:s31] =	ssyncset.done @!p0 $0x0  }
0x5c2: {  	[sflag:s31] =	ssyncadd.s32 @!p0 $0xFFFF9C00  }
0x5c3: {  	_ =	swait.ge @!p0 [sflag:s31], $0x6400  }
0x5c4: {  	[sflag:s31] =	ssyncset.done @!p0 $0x0  }
0x5c5: {  	[sflag:s31] =	ssyncadd.s32 @!p0 $0xFFFF9C00  }
0x5c6: {  	_ =	swait.ge @!p0 [sflag:s31], $0x6400  }
0x5c7: {  	[sflag:s31] =	ssyncset.done @!p0 $0x0  }
0x5c8: {  	[sflag:s31] =	ssyncadd.s32 @!p0 $0xFFFF9C00  }
0x5c9: {  	_ =	swait.ge @!p0 [sflag:s31], $0x6400  }
0x5ca: {  	[sflag:s31] =	ssyncset.done @!p0 $0x0  }
0x5cb: {  	[sflag:s31] =	ssyncadd.s32 @!p0 $0xFFFF9C00  }
0x5cc: {  	_ =	swait.ge @!p0 [sflag:s31], $0x6400  }
0x5cd: {  	[sflag:s31] =	ssyncset.done @!p0 $0x0  }
0x5ce: {  	[sflag:s31] =	ssyncadd.s32 @!p0 $0xFFFF9C00  }
0x5cf: {  	_ =	swait.ge @!p0 [sflag:s31], $0x6400  }
0x5d0: {  	s1 =	sadd.s32 $0xFFFFFFFF, s1;
	[sflag:s31] =	ssyncset.done @!p0 $0x0  }
0x5d1: {  	p2 =	sne.s32 s1, $0x0;
	[sflag:s31] =	ssyncadd.s32 @!p0 $0xFFFF9C00  }
.Ltmp2:
0x5d2: {  	_ =	swait.ge @!p0 [sflag:s31], $0x6400;
	(pc) =	sbr.rel @p2 .LBB2_4-.Ltmp2, $4  }
0x5d3: {  	[sflag:s31] =	ssyncset.done @!p0 $0x0  }
0x5d4: {  	[sflag:s31] =	ssyncadd.s32 @!p0 $0xFFFF9C00  }
0x5d5: {  	_ =	swait.ge @!p0 [sflag:s31], $0x6400  }
0x5d6: {  	s29 =	simm.s32 $0x2;
	s0 =	rddreg [dreg:$0x3];
	[sflag:s31] =	ssyncset.done @!p0 $0x0  }
0x5d7: {  	s30 =	stileid.u32  }
.LBB2_6:
0x5d8: {  	p1 =	por p0, !p1  }
0x5d9: {  	[sflag:s31] =	ssyncadd.s32 @!p1 $0xFFFF9C00  }
0x5da: {  	[tilespmem:s3], [sflag:$0x2] =	stream.linear.gather [hbm4b:s0+s3], $0x6400, $0x38;
	[tilespmem:$0x6400] =	vst v63  }
0x5db: {  	_ =	swait.ge [sflag:s29], $0x6400  }
0x5dc: {  	s31 =	rddreg [dreg:$0x4];
	[sflag:s29] =	ssyncset.done $0x0  }
0x5dd: {  	s1 =	rddreg [dreg:$0x5];
	[sflag:s29] =	ssyncadd.s32 $0xFFFF9C00  }
0x5de: {  	[hbm4b:s31+s3] =	stream.linear.scatter [tilespmem:s3], [sflag:$0x1], $0x6400, $0x38;
	[tilespmem:$0x6400] =	vst v63  }
0x5df: {  	s29 =	rddreg [dreg:$0x6]  }
0x5e0: {  	[hbm4b:s1+s3] =	stream.linear.scatter [tilespmem:s3], [sflag:$0x1], $0x6400, $0x38;
	[tilespmem:$0x6400] =	vst v63  }
0x5e1: {  	s31 =	rddreg [dreg:$0x7]  }
0x5e2: {  	[hbm4b:s29+s3] =	stream.linear.scatter [tilespmem:s3], [sflag:$0x1], $0x6400, $0x38;
	[tilespmem:$0x6400] =	vst v63  }
0x5e3: {  	s29 =	rddreg [dreg:$0x8]  }
0x5e4: {  	[hbm4b:s31+s3] =	stream.linear.scatter [tilespmem:s3], [sflag:$0x1], $0x6400, $0x38;
	[tilespmem:$0x6400] =	vst v63  }
0x5e5: {  	s31 =	rddreg [dreg:$0x9]  }
0x5e6: {  	[hbm4b:s29+s3] =	stream.linear.scatter [tilespmem:s3], [sflag:$0x1], $0x6400, $0x38;
	[tilespmem:$0x6400] =	vst v63  }
0x5e7: {  	s29 =	rddreg [dreg:$0xa]  }
0x5e8: {  	[hbm4b:s31+s3] =	stream.linear.scatter [tilespmem:s3], [sflag:$0x1], $0x6400, $0x38;
	[tilespmem:$0x6400] =	vst v63  }
0x5e9: {  	s31 =	rddreg [dreg:$0xb]  }
0x5ea: {  	[hbm4b:s29+s3] =	stream.linear.scatter [tilespmem:s3], [sflag:$0x1], $0x6400, $0x38;
	[tilespmem:$0x6400] =	vst v63  }
0x5eb: {  	s29 =	rddreg [dreg:$0xc]  }
0x5ec: {  	[hbm4b:s31+s3] =	stream.linear.scatter [tilespmem:s3], [sflag:$0x1], $0x6400, $0x38;
	[tilespmem:$0x6400] =	vst v63  }
0x5ed: {  	s31 =	rddreg [dreg:$0xd]  }
0x5ee: {  	[hbm4b:s29+s3] =	stream.linear.scatter [tilespmem:s3], [sflag:$0x1], $0x6400, $0x38;
	[tilespmem:$0x6400] =	vst v63  }
0x5ef: {  	s0 =	rddreg [dreg:$0xe]  }
0x5f0: {  	[hbm4b:s31+s3] =	stream.linear.scatter [tilespmem:s3], [sflag:$0x1], $0x6400, $0x38;
	[tilespmem:$0x6400] =	vst v63  }
0x5f1: {  	s29 =	rddreg [dreg:$0xf]  }
0x5f2: {  	[hbm4b:s0+s3] =	stream.linear.scatter [tilespmem:s3], [sflag:$0x1], $0x6400, $0x38;
	[tilespmem:$0x6400] =	vst v63  }
0x5f3: {  	s31 =	rddreg [dreg:$0x10]  }
0x5f4: {  	[hbm4b:s29+s3] =	stream.linear.scatter [tilespmem:s3], [sflag:$0x1], $0x6400, $0x38;
	[tilespmem:$0x6400] =	vst v63  }
0x5f5: {  	s29 =	rddreg [dreg:$0x11]  }
0x5f6: {  	[hbm4b:s31+s3] =	stream.linear.scatter [tilespmem:s3], [sflag:$0x1], $0x6400, $0x38;
	[tilespmem:$0x6400] =	vst v63  }
0x5f7: {  	s31 =	rddreg [dreg:$0x12]  }
0x5f8: {  	[hbm4b:s29+s3] =	stream.linear.scatter [tilespmem:s3], [sflag:$0x1], $0x6400, $0x38;
	[tilespmem:$0x6400] =	vst v63  }
0x5f9: {  	s29 =	rddreg [dreg:$0x13]  }
0x5fa: {  	[hbm4b:s31+s3] =	stream.linear.scatter [tilespmem:s3], [sflag:$0x1], $0x6400, $0x38;
	[tilespmem:$0x6400] =	vst v63  }
0x5fb: {  	s31 =	rddreg [dreg:$0x14]  }
0x5fc: {  	[hbm4b:s29+s3] =	stream.linear.scatter [tilespmem:s3], [sflag:$0x1], $0x6400, $0x38;
	[tilespmem:$0x6400] =	vst v63  }
0x5fd: {  	s29 =	rddreg [dreg:$0x15]  }
0x5fe: {  	[hbm4b:s31+s3] =	stream.linear.scatter [tilespmem:s3], [sflag:$0x1], $0x6400, $0x38;
	[tilespmem:$0x6400] =	vst v63  }
0x5ff: {  	s31 =	rddreg [dreg:$0x16]  }
0x600: {  	[hbm4b:s29+s3] =	stream.linear.scatter [tilespmem:s3], [sflag:$0x1], $0x6400, $0x38;
	[tilespmem:$0x6400] =	vst v63  }
0x601: {  	s29 =	rddreg [dreg:$0x17]  }
0x602: {  	[hbm4b:s31+s3] =	stream.linear.scatter [tilespmem:s3], [sflag:$0x1], $0x6400, $0x38;
	[tilespmem:$0x6400] =	vst v63  }
0x603: {  	s31 =	rddreg [dreg:$0x18]  }
0x604: {  	[hbm4b:s29+s3] =	stream.linear.scatter [tilespmem:s3], [sflag:$0x1], $0x6400, $0x38;
	[tilespmem:$0x6400] =	vst v63  }
0x605: {  	s29 =	rddreg [dreg:$0x19]  }
0x606: {  	[hbm4b:s31+s3] =	stream.linear.scatter [tilespmem:s3], [sflag:$0x1], $0x6400, $0x38;
	[tilespmem:$0x6400] =	vst v63  }
0x607: {  	s31 =	rddreg [dreg:$0x1a]  }
0x608: {  	[hbm4b:s29+s3] =	stream.linear.scatter [tilespmem:s3], [sflag:$0x1], $0x6400, $0x38;
	[tilespmem:$0x6400] =	vst v63  }
0x609: {  	s29 =	rddreg [dreg:$0x1b]  }
0x60a: {  	[hbm4b:s31+s3] =	stream.linear.scatter [tilespmem:s3], [sflag:$0x1], $0x6400, $0x38;
	[tilespmem:$0x6400] =	vst v63  }
0x60b: {  	s31 =	rddreg [dreg:$0x1c]  }
0x60c: {  	[hbm4b:s29+s3] =	stream.linear.scatter [tilespmem:s3], [sflag:$0x1], $0x6400, $0x38;
	[tilespmem:$0x6400] =	vst v63  }
0x60d: {  	s29 =	rddreg [dreg:$0x1d]  }
0x60e: {  	[hbm4b:s31+s3] =	stream.linear.scatter [tilespmem:s3], [sflag:$0x1], $0x6400, $0x38;
	[tilespmem:$0x6400] =	vst v63  }
0x60f: {  	s31 =	rddreg [dreg:$0x1e]  }
0x610: {  	[hbm4b:s29+s3] =	stream.linear.scatter [tilespmem:s3], [sflag:$0x1], $0x6400, $0x38;
	[tilespmem:$0x6400] =	vst v63  }
0x611: {  	s29 =	rddreg [dreg:$0x1f]  }
0x612: {  	[hbm4b:s31+s3] =	stream.linear.scatter [tilespmem:s3], [sflag:$0x1], $0x6400, $0x38;
	[tilespmem:$0x6400] =	vst v63  }
0x613: {  	s31 =	sld [smem:$0x7AB]  }
0x614: {  	[hbm4b:s29+s3] =	stream.linear.scatter [tilespmem:s3], [sflag:$0x1], $0x6400, $0x38;
	[tilespmem:$0x6400] =	vst v63  }
0x615: {  	s29 =	sld [smem:$0x7AC]  }
0x616: {  	[hbm4b:s31+s3] =	stream.linear.scatter [tilespmem:s3], [sflag:$0x1], $0x6400, $0x38;
	[tilespmem:$0x6400] =	vst v63  }
0x617: {  	s31 =	sld [smem:$0x7AD]  }
0x618: {  	[hbm4b:s29+s3] =	stream.linear.scatter [tilespmem:s3], [sflag:$0x1], $0x6400, $0x38;
	[tilespmem:$0x6400] =	vst v63  }
0x619: {  	s29 =	sld [smem:$0x7AE]  }
0x61a: {  	[hbm4b:s31+s3] =	stream.linear.scatter [tilespmem:s3], [sflag:$0x1], $0x6400, $0x38;
	[tilespmem:$0x6400] =	vst v63  }
0x61b: {  	s31 =	sld [smem:$0x7AF]  }
0x61c: {  	[hbm4b:s29+s3] =	stream.linear.scatter [tilespmem:s3], [sflag:$0x1], $0x6400, $0x38;
	[tilespmem:$0x6400] =	vst v63  }
0x61d: {  	s29 =	sld [smem:$0x7B0]  }
0x61e: {  	[hbm4b:s31+s3] =	stream.linear.scatter [tilespmem:s3], [sflag:$0x1], $0x6400, $0x38;
	[tilespmem:$0x6400] =	vst v63  }
0x61f: {  	s31 =	sld [smem:$0x7B1]  }
0x620: {  	[hbm4b:s29+s3] =	stream.linear.scatter [tilespmem:s3], [sflag:$0x1], $0x6400, $0x38;
	[tilespmem:$0x6400] =	vst v63  }
0x621: {  	s29 =	sld [smem:$0x7B2]  }
0x622: {  	[hbm4b:s31+s3] =	stream.linear.scatter [tilespmem:s3], [sflag:$0x1], $0x6400, $0x38;
	[tilespmem:$0x6400] =	vst v63  }
0x623: {  	s31 =	sld [smem:$0x7B3]  }
0x624: {  	[hbm4b:s29+s3] =	stream.linear.scatter [tilespmem:s3], [sflag:$0x1], $0x6400, $0x38;
	[tilespmem:$0x6400] =	vst v63  }
0x625: {  	s29 =	sld [smem:$0x7B4]  }
0x626: {  	[hbm4b:s31+s3] =	stream.linear.scatter [tilespmem:s3], [sflag:$0x1], $0x6400, $0x38;
	[tilespmem:$0x6400] =	vst v63  }
0x627: {  	s31 =	sld [smem:$0x7B5]  }
0x628: {  	[hbm4b:s29+s3] =	stream.linear.scatter [tilespmem:s3], [sflag:$0x1], $0x6400, $0x38;
	[tilespmem:$0x6400] =	vst v63  }
0x629: {  	s29 =	sld [smem:$0x7B6]  }
0x62a: {  	[hbm4b:s31+s3] =	stream.linear.scatter [tilespmem:s3], [sflag:$0x1], $0x6400, $0x38;
	[tilespmem:$0x6400] =	vst v63  }
0x62b: {  	s31 =	sld [smem:$0x7B7]  }
0x62c: {  	[hbm4b:s29+s3] =	stream.linear.scatter [tilespmem:s3], [sflag:$0x1], $0x6400, $0x38;
	[tilespmem:$0x6400] =	vst v63  }
0x62d: {  	s29 =	sld [smem:$0x7B8]  }
0x62e: {  	[hbm4b:s31+s3] =	stream.linear.scatter [tilespmem:s3], [sflag:$0x1], $0x6400, $0x38;
	[tilespmem:$0x6400] =	vst v63  }
0x62f: {  	s31 =	sld [smem:$0x7B9]  }
0x630: {  	[hbm4b:s29+s3] =	stream.linear.scatter [tilespmem:s3], [sflag:$0x1], $0x6400, $0x38;
	[tilespmem:$0x6400] =	vst v63  }
0x631: {  	s29 =	sld [smem:$0x7BA]  }
0x632: {  	[hbm4b:s31+s3] =	stream.linear.scatter [tilespmem:s3], [sflag:$0x1], $0x6400, $0x38;
	[tilespmem:$0x6400] =	vst v63  }
0x633: {  	s31 =	sld [smem:$0x7BB]  }
0x634: {  	[hbm4b:s29+s3] =	stream.linear.scatter [tilespmem:s3], [sflag:$0x1], $0x6400, $0x38;
	[tilespmem:$0x6400] =	vst v63  }
0x635: {  	s29 =	sld [smem:$0x7BC]  }
0x636: {  	[hbm4b:s31+s3] =	stream.linear.scatter [tilespmem:s3], [sflag:$0x1], $0x6400, $0x38;
	[tilespmem:$0x6400] =	vst v63  }
0x637: {  	s31 =	sld [smem:$0x7BD]  }
0x638: {  	[hbm4b:s29+s3] =	stream.linear.scatter [tilespmem:s3], [sflag:$0x1], $0x6400, $0x38;
	[tilespmem:$0x6400] =	vst v63  }
0x639: {  	s29 =	sld [smem:$0x7BE]  }
0x63a: {  	[hbm4b:s31+s3] =	stream.linear.scatter [tilespmem:s3], [sflag:$0x1], $0x6400, $0x38;
	[tilespmem:$0x6400] =	vst v63  }
0x63b: {  	s31 =	sld [smem:$0x7BF]  }
0x63c: {  	[hbm4b:s29+s3] =	stream.linear.scatter [tilespmem:s3], [sflag:$0x1], $0x6400, $0x38;
	[tilespmem:$0x6400] =	vst v63  }
0x63d: {  	s29 =	sld [smem:$0x7C0]  }
0x63e: {  	[hbm4b:s31+s3] =	stream.linear.scatter [tilespmem:s3], [sflag:$0x1], $0x6400, $0x38;
	[tilespmem:$0x6400] =	vst v63  }
0x63f: {  	s31 =	sld [smem:$0x7C1]  }
0x640: {  	[hbm4b:s29+s3] =	stream.linear.scatter [tilespmem:s3], [sflag:$0x1], $0x6400, $0x38;
	[tilespmem:$0x6400] =	vst v63  }
0x641: {  	s29 =	sld [smem:$0x7C2]  }
0x642: {  	[hbm4b:s31+s3] =	stream.linear.scatter [tilespmem:s3], [sflag:$0x1], $0x6400, $0x38;
	[tilespmem:$0x6400] =	vst v63  }
0x643: {  	s31 =	sld [smem:$0x7C3]  }
0x644: {  	[hbm4b:s29+s3] =	stream.linear.scatter [tilespmem:s3], [sflag:$0x1], $0x6400, $0x38;
	[tilespmem:$0x6400] =	vst v63  }
0x645: {  	s29 =	sld [smem:$0x7C4]  }
0x646: {  	[hbm4b:s31+s3] =	stream.linear.scatter [tilespmem:s3], [sflag:$0x1], $0x6400, $0x38;
	[tilespmem:$0x6400] =	vst v63  }
0x647: {  	s31 =	sld [smem:$0x7C5]  }
0x648: {  	[hbm4b:s29+s3] =	stream.linear.scatter [tilespmem:s3], [sflag:$0x1], $0x6400, $0x38;
	[tilespmem:$0x6400] =	vst v63  }
0x649: {  	s29 =	sld [smem:$0x7C6]  }
0x64a: {  	[hbm4b:s31+s3] =	stream.linear.scatter [tilespmem:s3], [sflag:$0x1], $0x6400, $0x38;
	[tilespmem:$0x6400] =	vst v63  }
0x64b: {  	s31 =	sld [smem:$0x7C7]  }
0x64c: {  	[hbm4b:s29+s3] =	stream.linear.scatter [tilespmem:s3], [sflag:$0x1], $0x6400, $0x38;
	[tilespmem:$0x6400] =	vst v63  }
0x64d: {  	s29 =	sld [smem:$0x7C8]  }
0x64e: {  	[hbm4b:s31+s3] =	stream.linear.scatter [tilespmem:s3], [sflag:$0x1], $0x6400, $0x38;
	[tilespmem:$0x6400] =	vst v63  }
0x64f: {  	s31 =	sld [smem:$0x7C9]  }
0x650: {  	[hbm4b:s29+s3] =	stream.linear.scatter [tilespmem:s3], [sflag:$0x1], $0x6400, $0x38;
	[tilespmem:$0x6400] =	vst v63  }
0x651: {  	s29 =	sld [smem:$0x7CA]  }
0x652: {  	[hbm4b:s31+s3] =	stream.linear.scatter [tilespmem:s3], [sflag:$0x1], $0x6400, $0x38;
	[tilespmem:$0x6400] =	vst v63  }
0x653: {  	s31 =	sld [smem:$0x7CB]  }
0x654: {  	[hbm4b:s29+s3] =	stream.linear.scatter [tilespmem:s3], [sflag:$0x1], $0x6400, $0x38;
	[tilespmem:$0x6400] =	vst v63  }
0x655: {  	s29 =	sld [smem:$0x7CC]  }
0x656: {  	[hbm4b:s31+s3] =	stream.linear.scatter [tilespmem:s3], [sflag:$0x1], $0x6400, $0x38;
	[tilespmem:$0x6400] =	vst v63  }
0x657: {  	s31 =	sld [smem:$0x7CD]  }
0x658: {  	[hbm4b:s29+s3] =	stream.linear.scatter [tilespmem:s3], [sflag:$0x1], $0x6400, $0x38;
	[tilespmem:$0x6400] =	vst v63  }
0x659: {  	s29 =	sld [smem:$0x7CE]  }
0x65a: {  	[hbm4b:s31+s3] =	stream.linear.scatter [tilespmem:s3], [sflag:$0x1], $0x6400, $0x38;
	[tilespmem:$0x6400] =	vst v63  }
0x65b: {  	s31 =	sld [smem:$0x7CF]  }
0x65c: {  	[hbm4b:s29+s3] =	stream.linear.scatter [tilespmem:s3], [sflag:$0x1], $0x6400, $0x38;
	[tilespmem:$0x6400] =	vst v63  }
0x65d: {  	s29 =	sld [smem:$0x7D0]  }
0x65e: {  	[hbm4b:s31+s3] =	stream.linear.scatter [tilespmem:s3], [sflag:$0x1], $0x6400, $0x38;
	[tilespmem:$0x6400] =	vst v63  }
0x65f: {  	s31 =	sld [smem:$0x7D1]  }
0x660: {  	[hbm4b:s29+s3] =	stream.linear.scatter [tilespmem:s3], [sflag:$0x1], $0x6400, $0x38;
	[tilespmem:$0x6400] =	vst v63  }
0x661: {  	s29 =	sld [smem:$0x7D2]  }
0x662: {  	[hbm4b:s31+s3] =	stream.linear.scatter [tilespmem:s3], [sflag:$0x1], $0x6400, $0x38;
	[tilespmem:$0x6400] =	vst v63  }
0x663: {  	s31 =	sld [smem:$0x7D3]  }
0x664: {  	[hbm4b:s29+s3] =	stream.linear.scatter [tilespmem:s3], [sflag:$0x1], $0x6400, $0x38;
	[tilespmem:$0x6400] =	vst v63  }
0x665: {  	s29 =	sld [smem:$0x7D4]  }
0x666: {  	[hbm4b:s31+s3] =	stream.linear.scatter [tilespmem:s3], [sflag:$0x1], $0x6400, $0x38;
	[tilespmem:$0x6400] =	vst v63  }
0x667: {  	s31 =	sld [smem:$0x7D5]  }
0x668: {  	[hbm4b:s29+s3] =	stream.linear.scatter [tilespmem:s3], [sflag:$0x1], $0x6400, $0x38;
	[tilespmem:$0x6400] =	vst v63  }
0x669: {  	s29 =	sld [smem:$0x7D6]  }
0x66a: {  	[hbm4b:s31+s3] =	stream.linear.scatter [tilespmem:s3], [sflag:$0x1], $0x6400, $0x38;
	[tilespmem:$0x6400] =	vst v63  }
0x66b: {  	s31 =	sld [smem:$0x7D7]  }
0x66c: {  	[hbm4b:s29+s3] =	stream.linear.scatter [tilespmem:s3], [sflag:$0x1], $0x6400, $0x38;
	[tilespmem:$0x6400] =	vst v63  }
0x66d: {  	s29 =	sld [smem:$0x7D8]  }
0x66e: {  	[hbm4b:s31+s3] =	stream.linear.scatter [tilespmem:s3], [sflag:$0x1], $0x6400, $0x38;
	[tilespmem:$0x6400] =	vst v63  }
0x66f: {  	s31 =	sld [smem:$0x7D9]  }
0x670: {  	[hbm4b:s29+s3] =	stream.linear.scatter [tilespmem:s3], [sflag:$0x1], $0x6400, $0x38;
	[tilespmem:$0x6400] =	vst v63  }
0x671: {  	s29 =	sld [smem:$0x7DA]  }
0x672: {  	[hbm4b:s31+s3] =	stream.linear.scatter [tilespmem:s3], [sflag:$0x1], $0x6400, $0x38;
	[tilespmem:$0x6400] =	vst v63  }
0x673: {  	s31 =	sld [smem:$0x7DB]  }
0x674: {  	[hbm4b:s29+s3] =	stream.linear.scatter [tilespmem:s3], [sflag:$0x1], $0x6400, $0x38;
	[tilespmem:$0x6400] =	vst v63  }
0x675: {  	s29 =	sld [smem:$0x7DC]  }
0x676: {  	[hbm4b:s31+s3] =	stream.linear.scatter [tilespmem:s3], [sflag:$0x1], $0x6400, $0x38;
	[tilespmem:$0x6400] =	vst v63  }
0x677: {  	s31 =	sld [smem:$0x7DD]  }
0x678: {  	[hbm4b:s29+s3] =	stream.linear.scatter [tilespmem:s3], [sflag:$0x1], $0x6400, $0x38;
	[tilespmem:$0x6400] =	vst v63  }
0x679: {  	s29 =	sld [smem:$0x7DE]  }
0x67a: {  	[hbm4b:s31+s3] =	stream.linear.scatter [tilespmem:s3], [sflag:$0x1], $0x6400, $0x38;
	[tilespmem:$0x6400] =	vst v63  }
0x67b: {  	s31 =	sld [smem:$0x7DF]  }
0x67c: {  	[hbm4b:s29+s3] =	stream.linear.scatter [tilespmem:s3], [sflag:$0x1], $0x6400, $0x38;
	[tilespmem:$0x6400] =	vst v63  }
0x67d: {  	s29 =	sld [smem:$0x7E0]  }
0x67e: {  	[hbm4b:s31+s3] =	stream.linear.scatter [tilespmem:s3], [sflag:$0x1], $0x6400, $0x38;
	[tilespmem:$0x6400] =	vst v63  }
0x67f: {  	s31 =	sld [smem:$0x7E1]  }
0x680: {  	[hbm4b:s29+s3] =	stream.linear.scatter [tilespmem:s3], [sflag:$0x1], $0x6400, $0x38;
	[tilespmem:$0x6400] =	vst v63  }
0x681: {  	s29 =	sld [smem:$0x7E2]  }
0x682: {  	[hbm4b:s31+s3] =	stream.linear.scatter [tilespmem:s3], [sflag:$0x1], $0x6400, $0x38;
	[tilespmem:$0x6400] =	vst v63  }
0x683: {  	s31 =	sld [smem:$0x7E3]  }
0x684: {  	[hbm4b:s29+s3] =	stream.linear.scatter [tilespmem:s3], [sflag:$0x1], $0x6400, $0x38;
	[tilespmem:$0x6400] =	vst v63  }
0x685: {  	s29 =	sld [smem:$0x7E4]  }
0x686: {  	[hbm4b:s31+s3] =	stream.linear.scatter [tilespmem:s3], [sflag:$0x1], $0x6400, $0x38;
	[tilespmem:$0x6400] =	vst v63  }
0x687: {  	s31 =	sld [smem:$0x7E5]  }
0x688: {  	[hbm4b:s29+s3] =	stream.linear.scatter [tilespmem:s3], [sflag:$0x1], $0x6400, $0x38;
	[tilespmem:$0x6400] =	vst v63  }
0x689: {  	s29 =	sld [smem:$0x7E6]  }
0x68a: {  	[hbm4b:s31+s3] =	stream.linear.scatter [tilespmem:s3], [sflag:$0x1], $0x6400, $0x38;
	[tilespmem:$0x6400] =	vst v63  }
0x68b: {  	s31 =	sld [smem:$0x7E7]  }
0x68c: {  	[hbm4b:s29+s3] =	stream.linear.scatter [tilespmem:s3], [sflag:$0x1], $0x6400, $0x38;
	[tilespmem:$0x6400] =	vst v63  }
0x68d: {  	s29 =	sld [smem:$0x7E8]  }
0x68e: {  	[hbm4b:s31+s3] =	stream.linear.scatter [tilespmem:s3], [sflag:$0x1], $0x6400, $0x38;
	[tilespmem:$0x6400] =	vst v63  }
0x68f: {  	s31 =	sld [smem:$0x7E9]  }
0x690: {  	[hbm4b:s29+s3] =	stream.linear.scatter [tilespmem:s3], [sflag:$0x1], $0x6400, $0x38;
	[tilespmem:$0x6400] =	vst v63  }
0x691: {  	s29 =	sld [smem:$0x7EA]  }
0x692: {  	[hbm4b:s31+s3] =	stream.linear.scatter [tilespmem:s3], [sflag:$0x1], $0x6400, $0x38;
	[tilespmem:$0x6400] =	vst v63  }
0x693: {  	s31 =	sld [smem:$0x7EB]  }
0x694: {  	[hbm4b:s29+s3] =	stream.linear.scatter [tilespmem:s3], [sflag:$0x1], $0x6400, $0x38;
	[tilespmem:$0x6400] =	vst v63  }
0x695: {  	s29 =	sld [smem:$0x7EC]  }
0x696: {  	[hbm4b:s31+s3] =	stream.linear.scatter [tilespmem:s3], [sflag:$0x1], $0x6400, $0x38;
	[tilespmem:$0x6400] =	vst v63  }
0x697: {  	s31 =	sld [smem:$0x7ED]  }
0x698: {  	[hbm4b:s29+s3] =	stream.linear.scatter [tilespmem:s3], [sflag:$0x1], $0x6400, $0x38;
	[tilespmem:$0x6400] =	vst v63  }
0x699: {  	s29 =	sld [smem:$0x7EE]  }
0x69a: {  	[hbm4b:s31+s3] =	stream.linear.scatter [tilespmem:s3], [sflag:$0x1], $0x6400, $0x38;
	[tilespmem:$0x6400] =	vst v63  }
0x69b: {  	s31 =	sld [smem:$0x7EF]  }
0x69c: {  	[hbm4b:s29+s3] =	stream.linear.scatter [tilespmem:s3], [sflag:$0x1], $0x6400, $0x38;
	[tilespmem:$0x6400] =	vst v63  }
0x69d: {  	s29 =	sld [smem:$0x7F0]  }
0x69e: {  	[hbm4b:s31+s3] =	stream.linear.scatter [tilespmem:s3], [sflag:$0x1], $0x6400, $0x38;
	[tilespmem:$0x6400] =	vst v63  }
0x69f: {  	s31 =	sld [smem:$0x7F1]  }
0x6a0: {  	[hbm4b:s29+s3] =	stream.linear.scatter [tilespmem:s3], [sflag:$0x1], $0x6400, $0x38;
	[tilespmem:$0x6400] =	vst v63  }
0x6a1: {  	s29 =	sld [smem:$0x7F2]  }
0x6a2: {  	[hbm4b:s31+s3] =	stream.linear.scatter [tilespmem:s3], [sflag:$0x1], $0x6400, $0x38;
	[tilespmem:$0x6400] =	vst v63  }
0x6a3: {  	s31 =	sld [smem:$0x7F3]  }
0x6a4: {  	[hbm4b:s29+s3] =	stream.linear.scatter [tilespmem:s3], [sflag:$0x1], $0x6400, $0x38;
	[tilespmem:$0x6400] =	vst v63  }
0x6a5: {  	s29 =	sld [smem:$0x7F4]  }
0x6a6: {  	[hbm4b:s31+s3] =	stream.linear.scatter [tilespmem:s3], [sflag:$0x1], $0x6400, $0x38;
	[tilespmem:$0x6400] =	vst v63  }
0x6a7: {  	s31 =	sld [smem:$0x7F5]  }
0x6a8: {  	[hbm4b:s29+s3] =	stream.linear.scatter [tilespmem:s3], [sflag:$0x1], $0x6400, $0x38;
	[tilespmem:$0x6400] =	vst v63  }
0x6a9: {  	s29 =	sld [smem:$0x7F6]  }
0x6aa: {  	[hbm4b:s31+s3] =	stream.linear.scatter [tilespmem:s3], [sflag:$0x1], $0x6400, $0x38;
	[tilespmem:$0x6400] =	vst v63  }
0x6ab: {  	s31 =	sld [smem:$0x7F7]  }
0x6ac: {  	[hbm4b:s29+s3] =	stream.linear.scatter [tilespmem:s3], [sflag:$0x1], $0x6400, $0x38;
	[tilespmem:$0x6400] =	vst v63  }
0x6ad: {  	s29 =	sld [smem:$0x7F8]  }
0x6ae: {  	[hbm4b:s31+s3] =	stream.linear.scatter [tilespmem:s3], [sflag:$0x1], $0x6400, $0x38;
	[tilespmem:$0x6400] =	vst v63  }
0x6af: {  	s31 =	sld [smem:$0x7F9]  }
0x6b0: {  	[hbm4b:s29+s3] =	stream.linear.scatter [tilespmem:s3], [sflag:$0x1], $0x6400, $0x38;
	[tilespmem:$0x6400] =	vst v63  }
0x6b1: {  	s29 =	sld [smem:$0x7FA]  }
0x6b2: {  	[hbm4b:s31+s3] =	stream.linear.scatter [tilespmem:s3], [sflag:$0x1], $0x6400, $0x38;
	[tilespmem:$0x6400] =	vst v63  }
0x6b3: {  	s31 =	sld [smem:$0x7FB]  }
0x6b4: {  	[hbm4b:s29+s3] =	stream.linear.scatter [tilespmem:s3], [sflag:$0x1], $0x6400, $0x38;
	[tilespmem:$0x6400] =	vst v63  }
0x6b5: {  	s29 =	sld [smem:$0x7FC]  }
0x6b6: {  	[hbm4b:s31+s3] =	stream.linear.scatter [tilespmem:s3], [sflag:$0x1], $0x6400, $0x38;
	[tilespmem:$0x6400] =	vst v63  }
0x6b7: {  	s31 =	sld [smem:$0x7FD]  }
0x6b8: {  	[hbm4b:s29+s3] =	stream.linear.scatter [tilespmem:s3], [sflag:$0x1], $0x6400, $0x38;
	[tilespmem:$0x6400] =	vst v63  }
0x6b9: {  	_ = 	snop  }
0x6ba: {  	[hbm4b:s31+s3] =	stream.linear.scatter [tilespmem:s3], [sflag:$0x1], $0x6400, $0x38;
	[tilespmem:$0x6400] =	vst v63  }
0x6bb: {  	_ = 	snop  }
0x6bc: {  	[hbm4b:s14+s3] =	stream.linear.scatter [tilespmem:s3], [sflag:$0x1], $0x6400, $0x38;
	[tilespmem:$0x6400] =	vst v63  }
0x6bd: {  	_ = 	snop  }
0x6be: {  	[hbm4b:s15+s3] =	stream.linear.scatter [tilespmem:s3], [sflag:$0x1], $0x6400, $0x38;
	[tilespmem:$0x6400] =	vst v63  }
0x6bf: {  	_ = 	snop  }
0x6c0: {  	[hbm4b:s16+s3] =	stream.linear.scatter [tilespmem:s3], [sflag:$0x1], $0x6400, $0x38;
	[tilespmem:$0x6400] =	vst v63  }
0x6c1: {  	_ = 	snop  }
0x6c2: {  	[hbm4b:s17+s3] =	stream.linear.scatter [tilespmem:s3], [sflag:$0x1], $0x6400, $0x38;
	[tilespmem:$0x6400] =	vst v63  }
0x6c3: {  	_ = 	snop  }
0x6c4: {  	[hbm4b:s18+s3] =	stream.linear.scatter [tilespmem:s3], [sflag:$0x1], $0x6400, $0x38;
	[tilespmem:$0x6400] =	vst v63  }
0x6c5: {  	_ = 	snop  }
0x6c6: {  	[hbm4b:s19+s3] =	stream.linear.scatter [tilespmem:s3], [sflag:$0x1], $0x6400, $0x38;
	[tilespmem:$0x6400] =	vst v63  }
0x6c7: {  	_ = 	snop  }
0x6c8: {  	[hbm4b:s20+s3] =	stream.linear.scatter [tilespmem:s3], [sflag:$0x1], $0x6400, $0x38;
	[tilespmem:$0x6400] =	vst v63  }
0x6c9: {  	_ = 	snop  }
0x6ca: {  	[hbm4b:s21+s3] =	stream.linear.scatter [tilespmem:s3], [sflag:$0x1], $0x6400, $0x38;
	[tilespmem:$0x6400] =	vst v63  }
0x6cb: {  	_ = 	snop  }
0x6cc: {  	[hbm4b:s22+s3] =	stream.linear.scatter [tilespmem:s3], [sflag:$0x1], $0x6400, $0x38;
	[tilespmem:$0x6400] =	vst v63  }
0x6cd: {  	_ = 	snop  }
0x6ce: {  	[hbm4b:s23+s3] =	stream.linear.scatter [tilespmem:s3], [sflag:$0x1], $0x6400, $0x38;
	[tilespmem:$0x6400] =	vst v63  }
0x6cf: {  	s0 =	simm.s32 @!p0 $0x0  }
0x6d0: {  	[hbm4b:s4+s0] =	stream.linear.scatter @!p0 [tilespmem:s0], [sflag:$0x1], $0x6400, $0x38;
	[tilespmem:$0x6400] =	vst v63  }
0x6d1: {  	_ = 	snop  }
0x6d2: {  	[hbm4b:s5+s0] =	stream.linear.scatter @!p0 [tilespmem:s0], [sflag:$0x1], $0x6400, $0x38;
	[tilespmem:$0x6400] =	vst v63  }
0x6d3: {  	_ = 	snop  }
0x6d4: {  	[hbm4b:s6+s0] =	stream.linear.scatter @!p0 [tilespmem:s0], [sflag:$0x1], $0x6400, $0x38;
	[tilespmem:$0x6400] =	vst v63  }
0x6d5: {  	_ = 	snop  }
0x6d6: {  	[hbm4b:s7+s0] =	stream.linear.scatter @!p0 [tilespmem:s0], [sflag:$0x1], $0x6400, $0x38;
	[tilespmem:$0x6400] =	vst v63  }
0x6d7: {  	_ = 	snop  }
0x6d8: {  	[hbm4b:s8+s0] =	stream.linear.scatter @!p0 [tilespmem:s0], [sflag:$0x1], $0x6400, $0x38;
	[tilespmem:$0x6400] =	vst v63  }
0x6d9: {  	_ = 	snop  }
0x6da: {  	[hbm4b:s9+s0] =	stream.linear.scatter @!p0 [tilespmem:s0], [sflag:$0x1], $0x6400, $0x38;
	[tilespmem:$0x6400] =	vst v63  }
0x6db: {  	_ = 	snop  }
0x6dc: {  	[hbm4b:s10+s0] =	stream.linear.scatter @!p0 [tilespmem:s0], [sflag:$0x1], $0x6400, $0x38;
	[tilespmem:$0x6400] =	vst v63  }
0x6dd: {  	_ = 	snop  }
0x6de: {  	[hbm4b:s11+s0] =	stream.linear.scatter @!p0 [tilespmem:s0], [sflag:$0x1], $0x6400, $0x38;
	[tilespmem:$0x6400] =	vst v63  }
0x6df: {  	_ = 	snop  }
0x6e0: {  	[hbm4b:s12+s0] =	stream.linear.scatter @!p0 [tilespmem:s0], [sflag:$0x1], $0x6400, $0x38;
	[tilespmem:$0x6400] =	vst v63  }
0x6e1: {  	_ = 	snop  }
0x6e2: {  	[hbm4b:s13+s0] =	stream.linear.scatter @!p0 [tilespmem:s0], [sflag:$0x1], $0x6400, $0x38;
	[tilespmem:$0x6400] =	vst v63  }
0x6e3: {  	_ = 	snop  }
0x6e4: {  	[hbm4b:s24+s0] =	stream.linear.scatter @!p0 [tilespmem:s0], [sflag:$0x1], $0x6400, $0x38;
	[tilespmem:$0x6400] =	vst v63  }
0x6e5: {  	_ = 	snop  }
0x6e6: {  	[hbm4b:s25+s0] =	stream.linear.scatter @!p0 [tilespmem:s0], [sflag:$0x1], $0x6400, $0x38;
	[tilespmem:$0x6400] =	vst v63  }
0x6e7: {  	_ = 	snop  }
0x6e8: {  	[hbm4b:s26+s0] =	stream.linear.scatter @!p0 [tilespmem:s0], [sflag:$0x1], $0x6400, $0x38;
	[tilespmem:$0x6400] =	vst v63  }
0x6e9: {  	_ = 	snop  }
0x6ea: {  	[hbm4b:s28+s0] =	stream.linear.scatter @!p0 [tilespmem:s0], [sflag:$0x1], $0x6400, $0x38;
	[tilespmem:$0x6400] =	vst v63  }
0x6eb: {  	_ =	swait.ge [sflag:s2], $0x6400  }
0x6ec: {  	[sflag:s2] =	ssyncset.done $0x0  }
0x6ed: {  	[sflag:s2] =	ssyncadd.s32 $0xFFFF9C00  }
0x6ee: {  	_ =	swait.ge [sflag:s2], $0x6400  }
0x6ef: {  	[sflag:s2] =	ssyncset.done $0x0  }
0x6f0: {  	[sflag:s2] =	ssyncadd.s32 $0xFFFF9C00  }
0x6f1: {  	_ =	swait.ge [sflag:s2], $0x6400  }
0x6f2: {  	[sflag:s2] =	ssyncset.done $0x0  }
0x6f3: {  	[sflag:s2] =	ssyncadd.s32 $0xFFFF9C00  }
0x6f4: {  	_ =	swait.ge [sflag:s2], $0x6400  }
0x6f5: {  	[sflag:s2] =	ssyncset.done $0x0  }
0x6f6: {  	[sflag:s2] =	ssyncadd.s32 $0xFFFF9C00  }
0x6f7: {  	_ =	swait.ge [sflag:s2], $0x6400  }
0x6f8: {  	[sflag:s2] =	ssyncset.done $0x0  }
0x6f9: {  	[sflag:s2] =	ssyncadd.s32 $0xFFFF9C00  }
0x6fa: {  	_ =	swait.ge [sflag:s2], $0x6400  }
0x6fb: {  	[sflag:s2] =	ssyncset.done $0x0  }
0x6fc: {  	[sflag:s2] =	ssyncadd.s32 $0xFFFF9C00  }
0x6fd: {  	_ =	swait.ge [sflag:s2], $0x6400  }
0x6fe: {  	[sflag:s2] =	ssyncset.done $0x0  }
0x6ff: {  	[sflag:s2] =	ssyncadd.s32 $0xFFFF9C00  }
0x700: {  	_ =	swait.ge [sflag:s2], $0x6400  }
0x701: {  	[sflag:s2] =	ssyncset.done $0x0  }
0x702: {  	[sflag:s2] =	ssyncadd.s32 $0xFFFF9C00  }
0x703: {  	_ =	swait.ge [sflag:s2], $0x6400  }
0x704: {  	[sflag:s2] =	ssyncset.done $0x0  }
0x705: {  	[sflag:s2] =	ssyncadd.s32 $0xFFFF9C00  }
0x706: {  	_ =	swait.ge [sflag:s2], $0x6400  }
0x707: {  	[sflag:s2] =	ssyncset.done $0x0  }
0x708: {  	[sflag:s2] =	ssyncadd.s32 $0xFFFF9C00  }
0x709: {  	_ =	swait.ge [sflag:s2], $0x6400  }
0x70a: {  	[sflag:s2] =	ssyncset.done $0x0  }
0x70b: {  	[sflag:s2] =	ssyncadd.s32 $0xFFFF9C00  }
0x70c: {  	_ =	swait.ge [sflag:s2], $0x6400  }
0x70d: {  	[sflag:s2] =	ssyncset.done $0x0  }
0x70e: {  	[sflag:s2] =	ssyncadd.s32 $0xFFFF9C00  }
0x70f: {  	_ =	swait.ge [sflag:s2], $0x6400  }
0x710: {  	[sflag:s2] =	ssyncset.done $0x0  }
0x711: {  	[sflag:s2] =	ssyncadd.s32 $0xFFFF9C00  }
0x712: {  	_ =	swait.ge [sflag:s2], $0x6400  }
0x713: {  	[sflag:s2] =	ssyncset.done $0x0  }
0x714: {  	[sflag:s2] =	ssyncadd.s32 $0xFFFF9C00  }
0x715: {  	_ =	swait.ge [sflag:s2], $0x6400  }
0x716: {  	[sflag:s2] =	ssyncset.done $0x0  }
0x717: {  	[sflag:s2] =	ssyncadd.s32 $0xFFFF9C00  }
0x718: {  	_ =	swait.ge [sflag:s2], $0x6400  }
0x719: {  	[sflag:s2] =	ssyncset.done $0x0  }
0x71a: {  	[sflag:s2] =	ssyncadd.s32 $0xFFFF9C00  }
0x71b: {  	_ =	swait.ge [sflag:s2], $0x6400  }
0x71c: {  	[sflag:s2] =	ssyncset.done $0x0  }
0x71d: {  	[sflag:s2] =	ssyncadd.s32 $0xFFFF9C00  }
0x71e: {  	_ =	swait.ge [sflag:s2], $0x6400  }
0x71f: {  	[sflag:s2] =	ssyncset.done $0x0  }
0x720: {  	[sflag:s2] =	ssyncadd.s32 $0xFFFF9C00  }
0x721: {  	_ =	swait.ge [sflag:s2], $0x6400  }
0x722: {  	[sflag:s2] =	ssyncset.done $0x0  }
0x723: {  	[sflag:s2] =	ssyncadd.s32 $0xFFFF9C00  }
0x724: {  	_ =	swait.ge [sflag:s2], $0x6400  }
0x725: {  	[sflag:s2] =	ssyncset.done $0x0  }
0x726: {  	[sflag:s2] =	ssyncadd.s32 $0xFFFF9C00  }
0x727: {  	_ =	swait.ge [sflag:s2], $0x6400  }
0x728: {  	[sflag:s2] =	ssyncset.done $0x0  }
0x729: {  	[sflag:s2] =	ssyncadd.s32 $0xFFFF9C00  }
0x72a: {  	_ =	swait.ge [sflag:s2], $0x6400  }
0x72b: {  	[sflag:s2] =	ssyncset.done $0x0  }
0x72c: {  	[sflag:s2] =	ssyncadd.s32 $0xFFFF9C00  }
0x72d: {  	_ =	swait.ge [sflag:s2], $0x6400  }
0x72e: {  	[sflag:s2] =	ssyncset.done $0x0  }
0x72f: {  	[sflag:s2] =	ssyncadd.s32 $0xFFFF9C00  }
0x730: {  	_ =	swait.ge [sflag:s2], $0x6400  }
0x731: {  	[sflag:s2] =	ssyncset.done $0x0  }
0x732: {  	[sflag:s2] =	ssyncadd.s32 $0xFFFF9C00  }
0x733: {  	_ =	swait.ge [sflag:s2], $0x6400  }
0x734: {  	[sflag:s2] =	ssyncset.done $0x0  }
0x735: {  	[sflag:s2] =	ssyncadd.s32 $0xFFFF9C00  }
0x736: {  	_ =	swait.ge [sflag:s2], $0x6400  }
0x737: {  	[sflag:s2] =	ssyncset.done $0x0  }
0x738: {  	[sflag:s2] =	ssyncadd.s32 $0xFFFF9C00  }
0x739: {  	_ =	swait.ge [sflag:s2], $0x6400  }
0x73a: {  	[sflag:s2] =	ssyncset.done $0x0  }
0x73b: {  	[sflag:s2] =	ssyncadd.s32 $0xFFFF9C00  }
0x73c: {  	_ =	swait.ge [sflag:s2], $0x6400  }
0x73d: {  	[sflag:s2] =	ssyncset.done $0x0  }
0x73e: {  	[sflag:s2] =	ssyncadd.s32 $0xFFFF9C00  }
0x73f: {  	_ =	swait.ge [sflag:s2], $0x6400  }
0x740: {  	[sflag:s2] =	ssyncset.done $0x0  }
0x741: {  	[sflag:s2] =	ssyncadd.s32 $0xFFFF9C00  }
0x742: {  	_ =	swait.ge [sflag:s2], $0x6400  }
0x743: {  	[sflag:s2] =	ssyncset.done $0x0  }
0x744: {  	[sflag:s2] =	ssyncadd.s32 $0xFFFF9C00  }
0x745: {  	_ =	swait.ge [sflag:s2], $0x6400  }
0x746: {  	[sflag:s2] =	ssyncset.done $0x0  }
0x747: {  	[sflag:s2] =	ssyncadd.s32 $0xFFFF9C00  }
0x748: {  	_ =	swait.ge [sflag:s2], $0x6400  }
0x749: {  	[sflag:s2] =	ssyncset.done $0x0  }
0x74a: {  	[sflag:s2] =	ssyncadd.s32 $0xFFFF9C00  }
0x74b: {  	_ =	swait.ge [sflag:s2], $0x6400  }
0x74c: {  	[sflag:s2] =	ssyncset.done $0x0  }
0x74d: {  	[sflag:s2] =	ssyncadd.s32 $0xFFFF9C00  }
0x74e: {  	_ =	swait.ge [sflag:s2], $0x6400  }
0x74f: {  	[sflag:s2] =	ssyncset.done $0x0  }
0x750: {  	[sflag:s2] =	ssyncadd.s32 $0xFFFF9C00  }
0x751: {  	_ =	swait.ge [sflag:s2], $0x6400  }
0x752: {  	[sflag:s2] =	ssyncset.done $0x0  }
0x753: {  	[sflag:s2] =	ssyncadd.s32 $0xFFFF9C00  }
0x754: {  	_ =	swait.ge [sflag:s2], $0x6400  }
0x755: {  	[sflag:s2] =	ssyncset.done $0x0  }
0x756: {  	[sflag:s2] =	ssyncadd.s32 $0xFFFF9C00  }
0x757: {  	_ =	swait.ge [sflag:s2], $0x6400  }
0x758: {  	[sflag:s2] =	ssyncset.done $0x0  }
0x759: {  	[sflag:s2] =	ssyncadd.s32 $0xFFFF9C00  }
0x75a: {  	_ =	swait.ge [sflag:s2], $0x6400  }
0x75b: {  	[sflag:s2] =	ssyncset.done $0x0  }
0x75c: {  	[sflag:s2] =	ssyncadd.s32 $0xFFFF9C00  }
0x75d: {  	_ =	swait.ge [sflag:s2], $0x6400  }
0x75e: {  	[sflag:s2] =	ssyncset.done $0x0  }
0x75f: {  	[sflag:s2] =	ssyncadd.s32 $0xFFFF9C00  }
0x760: {  	_ =	swait.ge [sflag:s2], $0x6400  }
0x761: {  	[sflag:s2] =	ssyncset.done $0x0  }
0x762: {  	[sflag:s2] =	ssyncadd.s32 $0xFFFF9C00  }
0x763: {  	_ =	swait.ge [sflag:s2], $0x6400  }
0x764: {  	[sflag:s2] =	ssyncset.done $0x0  }
0x765: {  	[sflag:s2] =	ssyncadd.s32 $0xFFFF9C00  }
0x766: {  	_ =	swait.ge [sflag:s2], $0x6400  }
0x767: {  	[sflag:s2] =	ssyncset.done $0x0  }
0x768: {  	[sflag:s2] =	ssyncadd.s32 $0xFFFF9C00  }
0x769: {  	_ =	swait.ge [sflag:s2], $0x6400  }
0x76a: {  	[sflag:s2] =	ssyncset.done $0x0  }
0x76b: {  	[sflag:s2] =	ssyncadd.s32 $0xFFFF9C00  }
0x76c: {  	_ =	swait.ge [sflag:s2], $0x6400  }
0x76d: {  	[sflag:s2] =	ssyncset.done $0x0  }
0x76e: {  	[sflag:s2] =	ssyncadd.s32 $0xFFFF9C00  }
0x76f: {  	_ =	swait.ge [sflag:s2], $0x6400  }
0x770: {  	[sflag:s2] =	ssyncset.done $0x0  }
0x771: {  	[sflag:s2] =	ssyncadd.s32 $0xFFFF9C00  }
0x772: {  	_ =	swait.ge [sflag:s2], $0x6400  }
0x773: {  	[sflag:s2] =	ssyncset.done $0x0  }
0x774: {  	[sflag:s2] =	ssyncadd.s32 $0xFFFF9C00  }
0x775: {  	_ =	swait.ge [sflag:s2], $0x6400  }
0x776: {  	[sflag:s2] =	ssyncset.done $0x0  }
0x777: {  	[sflag:s2] =	ssyncadd.s32 $0xFFFF9C00  }
0x778: {  	_ =	swait.ge [sflag:s2], $0x6400  }
0x779: {  	[sflag:s2] =	ssyncset.done $0x0  }
0x77a: {  	[sflag:s2] =	ssyncadd.s32 $0xFFFF9C00  }
0x77b: {  	_ =	swait.ge [sflag:s2], $0x6400  }
0x77c: {  	[sflag:s2] =	ssyncset.done $0x0  }
0x77d: {  	[sflag:s2] =	ssyncadd.s32 $0xFFFF9C00  }
0x77e: {  	_ =	swait.ge [sflag:s2], $0x6400  }
0x77f: {  	[sflag:s2] =	ssyncset.done $0x0  }
0x780: {  	[sflag:s2] =	ssyncadd.s32 $0xFFFF9C00  }
0x781: {  	_ =	swait.ge [sflag:s2], $0x6400  }
0x782: {  	[sflag:s2] =	ssyncset.done $0x0  }
0x783: {  	[sflag:s2] =	ssyncadd.s32 $0xFFFF9C00  }
0x784: {  	_ =	swait.ge [sflag:s2], $0x6400  }
0x785: {  	[sflag:s2] =	ssyncset.done $0x0  }
0x786: {  	[sflag:s2] =	ssyncadd.s32 $0xFFFF9C00  }
0x787: {  	_ =	swait.ge [sflag:s2], $0x6400  }
0x788: {  	[sflag:s2] =	ssyncset.done $0x0  }
0x789: {  	[sflag:s2] =	ssyncadd.s32 $0xFFFF9C00  }
0x78a: {  	_ =	swait.ge [sflag:s2], $0x6400  }
0x78b: {  	[sflag:s2] =	ssyncset.done $0x0  }
0x78c: {  	[sflag:s2] =	ssyncadd.s32 $0xFFFF9C00  }
0x78d: {  	_ =	swait.ge [sflag:s2], $0x6400  }
0x78e: {  	[sflag:s2] =	ssyncset.done $0x0  }
0x78f: {  	[sflag:s2] =	ssyncadd.s32 $0xFFFF9C00  }
0x790: {  	_ =	swait.ge [sflag:s2], $0x6400  }
0x791: {  	[sflag:s2] =	ssyncset.done $0x0  }
0x792: {  	[sflag:s2] =	ssyncadd.s32 $0xFFFF9C00  }
0x793: {  	_ =	swait.ge [sflag:s2], $0x6400  }
0x794: {  	[sflag:s2] =	ssyncset.done $0x0  }
0x795: {  	[sflag:s2] =	ssyncadd.s32 $0xFFFF9C00  }
0x796: {  	_ =	swait.ge [sflag:s2], $0x6400  }
0x797: {  	[sflag:s2] =	ssyncset.done $0x0  }
0x798: {  	[sflag:s2] =	ssyncadd.s32 $0xFFFF9C00  }
0x799: {  	_ =	swait.ge [sflag:s2], $0x6400  }
0x79a: {  	[sflag:s2] =	ssyncset.done $0x0  }
0x79b: {  	[sflag:s2] =	ssyncadd.s32 $0xFFFF9C00  }
0x79c: {  	_ =	swait.ge [sflag:s2], $0x6400  }
0x79d: {  	[sflag:s2] =	ssyncset.done $0x0  }
0x79e: {  	[sflag:s2] =	ssyncadd.s32 $0xFFFF9C00  }
0x79f: {  	_ =	swait.ge [sflag:s2], $0x6400  }
0x7a0: {  	[sflag:s2] =	ssyncset.done $0x0  }
0x7a1: {  	[sflag:s2] =	ssyncadd.s32 $0xFFFF9C00  }
0x7a2: {  	_ =	swait.ge [sflag:s2], $0x6400  }
0x7a3: {  	[sflag:s2] =	ssyncset.done $0x0  }
0x7a4: {  	[sflag:s2] =	ssyncadd.s32 $0xFFFF9C00  }
0x7a5: {  	_ =	swait.ge [sflag:s2], $0x6400  }
0x7a6: {  	[sflag:s2] =	ssyncset.done $0x0  }
0x7a7: {  	[sflag:s2] =	ssyncadd.s32 $0xFFFF9C00  }
0x7a8: {  	_ =	swait.ge [sflag:s2], $0x6400  }
0x7a9: {  	[sflag:s2] =	ssyncset.done $0x0  }
0x7aa: {  	[sflag:s2] =	ssyncadd.s32 $0xFFFF9C00  }
0x7ab: {  	_ =	swait.ge [sflag:s2], $0x6400  }
0x7ac: {  	[sflag:s2] =	ssyncset.done $0x0  }
0x7ad: {  	[sflag:s2] =	ssyncadd.s32 $0xFFFF9C00  }
0x7ae: {  	_ =	swait.ge [sflag:s2], $0x6400  }
0x7af: {  	[sflag:s2] =	ssyncset.done $0x0  }
0x7b0: {  	[sflag:s2] =	ssyncadd.s32 $0xFFFF9C00  }
0x7b1: {  	_ =	swait.ge [sflag:s2], $0x6400  }
0x7b2: {  	[sflag:s2] =	ssyncset.done $0x0  }
0x7b3: {  	[sflag:s2] =	ssyncadd.s32 $0xFFFF9C00  }
0x7b4: {  	_ =	swait.ge [sflag:s2], $0x6400  }
0x7b5: {  	[sflag:s2] =	ssyncset.done $0x0  }
0x7b6: {  	[sflag:s2] =	ssyncadd.s32 $0xFFFF9C00  }
0x7b7: {  	_ =	swait.ge [sflag:s2], $0x6400  }
0x7b8: {  	[sflag:s2] =	ssyncset.done $0x0  }
0x7b9: {  	[sflag:s2] =	ssyncadd.s32 $0xFFFF9C00  }
0x7ba: {  	_ =	swait.ge [sflag:s2], $0x6400  }
0x7bb: {  	[sflag:s2] =	ssyncset.done $0x0  }
0x7bc: {  	[sflag:s2] =	ssyncadd.s32 $0xFFFF9C00  }
0x7bd: {  	_ =	swait.ge [sflag:s2], $0x6400  }
0x7be: {  	[sflag:s2] =	ssyncset.done $0x0  }
0x7bf: {  	[sflag:s2] =	ssyncadd.s32 $0xFFFF9C00  }
0x7c0: {  	_ =	swait.ge [sflag:s2], $0x6400  }
0x7c1: {  	[sflag:s2] =	ssyncset.done $0x0  }
0x7c2: {  	[sflag:s2] =	ssyncadd.s32 $0xFFFF9C00  }
0x7c3: {  	_ =	swait.ge [sflag:s2], $0x6400  }
0x7c4: {  	[sflag:s2] =	ssyncset.done $0x0  }
0x7c5: {  	[sflag:s2] =	ssyncadd.s32 $0xFFFF9C00  }
0x7c6: {  	_ =	swait.ge [sflag:s2], $0x6400  }
0x7c7: {  	[sflag:s2] =	ssyncset.done $0x0  }
0x7c8: {  	[sflag:s2] =	ssyncadd.s32 $0xFFFF9C00  }
0x7c9: {  	_ =	swait.ge [sflag:s2], $0x6400  }
0x7ca: {  	[sflag:s2] =	ssyncset.done $0x0  }
0x7cb: {  	[sflag:s2] =	ssyncadd.s32 $0xFFFF9C00  }
0x7cc: {  	_ =	swait.ge [sflag:s2], $0x6400  }
0x7cd: {  	[sflag:s2] =	ssyncset.done $0x0  }
0x7ce: {  	[sflag:s2] =	ssyncadd.s32 $0xFFFF9C00  }
0x7cf: {  	_ =	swait.ge [sflag:s2], $0x6400  }
0x7d0: {  	[sflag:s2] =	ssyncset.done $0x0  }
0x7d1: {  	[sflag:s2] =	ssyncadd.s32 $0xFFFF9C00  }
0x7d2: {  	_ =	swait.ge [sflag:s2], $0x6400  }
0x7d3: {  	[sflag:s2] =	ssyncset.done $0x0  }
0x7d4: {  	[sflag:s2] =	ssyncadd.s32 $0xFFFF9C00  }
0x7d5: {  	_ =	swait.ge [sflag:s2], $0x6400  }
0x7d6: {  	[sflag:s2] =	ssyncset.done $0x0  }
0x7d7: {  	[sflag:s2] =	ssyncadd.s32 $0xFFFF9C00  }
0x7d8: {  	_ =	swait.ge [sflag:s2], $0x6400  }
0x7d9: {  	[sflag:s2] =	ssyncset.done $0x0  }
0x7da: {  	[sflag:s2] =	ssyncadd.s32 $0xFFFF9C00  }
0x7db: {  	_ =	swait.ge [sflag:s2], $0x6400  }
0x7dc: {  	[sflag:s2] =	ssyncset.done $0x0  }
0x7dd: {  	[sflag:s2] =	ssyncadd.s32 $0xFFFF9C00  }
0x7de: {  	_ =	swait.ge [sflag:s2], $0x6400  }
0x7df: {  	[sflag:s2] =	ssyncset.done $0x0  }
0x7e0: {  	[sflag:s2] =	ssyncadd.s32 $0xFFFF9C00  }
0x7e1: {  	_ =	swait.ge [sflag:s2], $0x6400  }
0x7e2: {  	[sflag:s2] =	ssyncset.done $0x0  }
0x7e3: {  	[sflag:s2] =	ssyncadd.s32 $0xFFFF9C00  }
0x7e4: {  	_ =	swait.ge [sflag:s2], $0x6400  }
0x7e5: {  	[sflag:s2] =	ssyncset.done $0x0  }
0x7e6: {  	[sflag:s2] =	ssyncadd.s32 $0xFFFF9C00  }
0x7e7: {  	_ =	swait.ge [sflag:s2], $0x6400  }
0x7e8: {  	[sflag:s2] =	ssyncset.done $0x0  }
0x7e9: {  	[sflag:s2] =	ssyncadd.s32 $0xFFFF9C00  }
0x7ea: {  	_ =	swait.ge [sflag:s2], $0x6400  }
0x7eb: {  	[sflag:s2] =	ssyncset.done $0x0  }
0x7ec: {  	[sflag:s2] =	ssyncadd.s32 $0xFFFF9C00  }
0x7ed: {  	_ =	swait.ge [sflag:s2], $0x6400  }
0x7ee: {  	[sflag:s2] =	ssyncset.done $0x0  }
0x7ef: {  	[sflag:s2] =	ssyncadd.s32 $0xFFFF9C00  }
0x7f0: {  	_ =	swait.ge [sflag:s2], $0x6400  }
0x7f1: {  	[sflag:s2] =	ssyncset.done $0x0  }
0x7f2: {  	[sflag:s2] =	ssyncadd.s32 $0xFFFF9C00  }
0x7f3: {  	_ =	swait.ge [sflag:s2], $0x6400  }
0x7f4: {  	[sflag:s2] =	ssyncset.done $0x0  }
0x7f5: {  	[sflag:s2] =	ssyncadd.s32 $0xFFFF9C00  }
0x7f6: {  	_ =	swait.ge [sflag:s2], $0x6400  }
0x7f7: {  	[sflag:s2] =	ssyncset.done $0x0  }
0x7f8: {  	[sflag:s2] =	ssyncadd.s32 $0xFFFF9C00  }
0x7f9: {  	_ =	swait.ge [sflag:s2], $0x6400  }
0x7fa: {  	[sflag:s2] =	ssyncset.done $0x0  }
0x7fb: {  	[sflag:s2] =	ssyncadd.s32 $0xFFFF9C00  }
0x7fc: {  	_ =	swait.ge [sflag:s2], $0x6400  }
0x7fd: {  	[sflag:s2] =	ssyncset.done $0x0  }
0x7fe: {  	[sflag:s2] =	ssyncadd.s32 $0xFFFF9C00  }
0x7ff: {  	_ =	swait.ge [sflag:s2], $0x6400  }
0x800: {  	[sflag:s2] =	ssyncset.done $0x0  }
0x801: {  	[sflag:s2] =	ssyncadd.s32 $0xFFFF9C00  }
0x802: {  	_ =	swait.ge [sflag:s2], $0x6400  }
0x803: {  	[sflag:s2] =	ssyncset.done $0x0  }
0x804: {  	[sflag:s2] =	ssyncadd.s32 $0xFFFF9C00  }
0x805: {  	_ =	swait.ge [sflag:s2], $0x6400  }
0x806: {  	[sflag:s2] =	ssyncset.done $0x0  }
0x807: {  	[sflag:s2] =	ssyncadd.s32 $0xFFFF9C00  }
0x808: {  	_ =	swait.ge [sflag:s2], $0x6400  }
0x809: {  	[sflag:s2] =	ssyncset.done $0x0  }
0x80a: {  	[sflag:s2] =	ssyncadd.s32 $0xFFFF9C00  }
0x80b: {  	_ =	swait.ge [sflag:s2], $0x6400  }
0x80c: {  	[sflag:s2] =	ssyncset.done $0x0  }
0x80d: {  	[sflag:s2] =	ssyncadd.s32 $0xFFFF9C00  }
0x80e: {  	_ =	swait.ge [sflag:s2], $0x6400  }
0x80f: {  	[sflag:s2] =	ssyncset.done $0x0  }
0x810: {  	[sflag:s2] =	ssyncadd.s32 $0xFFFF9C00  }
0x811: {  	_ =	swait.ge [sflag:s2], $0x6400  }
0x812: {  	[sflag:s2] =	ssyncset.done $0x0  }
0x813: {  	[sflag:s2] =	ssyncadd.s32 $0xFFFF9C00  }
0x814: {  	_ =	swait.ge [sflag:s2], $0x6400  }
0x815: {  	[sflag:s2] =	ssyncset.done $0x0  }
0x816: {  	[sflag:s2] =	ssyncadd.s32 $0xFFFF9C00  }
0x817: {  	_ =	swait.ge [sflag:s2], $0x6400  }
0x818: {  	[sflag:s2] =	ssyncset.done $0x0  }
0x819: {  	[sflag:s2] =	ssyncadd.s32 $0xFFFF9C00  }
0x81a: {  	_ =	swait.ge [sflag:s2], $0x6400  }
0x81b: {  	[sflag:s2] =	ssyncset.done $0x0  }
0x81c: {  	[sflag:s2] =	ssyncadd.s32 $0xFFFF9C00  }
0x81d: {  	_ =	swait.ge [sflag:s2], $0x6400  }
0x81e: {  	[sflag:s2] =	ssyncset.done $0x0  }
0x81f: {  	[sflag:s2] =	ssyncadd.s32 $0xFFFF9C00  }
0x820: {  	_ =	swait.ge [sflag:s2], $0x6400  }
0x821: {  	[sflag:s2] =	ssyncset.done $0x0  }
0x822: {  	[sflag:s2] =	ssyncadd.s32 $0xFFFF9C00  }
0x823: {  	_ =	swait.ge [sflag:s2], $0x6400  }
0x824: {  	[sflag:s2] =	ssyncset.done $0x0  }
0x825: {  	[sflag:s2] =	ssyncadd.s32 $0xFFFF9C00  }
0x826: {  	_ =	swait.ge [sflag:s2], $0x6400  }
0x827: {  	[sflag:s2] =	ssyncset.done $0x0  }
0x828: {  	[sflag:s2] =	ssyncadd.s32 $0xFFFF9C00  }
0x829: {  	_ =	swait.ge [sflag:s2], $0x6400  }
0x82a: {  	[sflag:s2] =	ssyncset.done $0x0  }
0x82b: {  	[sflag:s2] =	ssyncadd.s32 $0xFFFF9C00  }
0x82c: {  	_ =	swait.ge [sflag:s2], $0x6400  }
0x82d: {  	[sflag:s2] =	ssyncset.done $0x0  }
0x82e: {  	[sflag:s2] =	ssyncadd.s32 $0xFFFF9C00  }
0x82f: {  	_ =	swait.ge [sflag:s2], $0x6400  }
0x830: {  	[sflag:s2] =	ssyncset.done $0x0  }
0x831: {  	[sflag:s2] =	ssyncadd.s32 $0xFFFF9C00  }
0x832: {  	_ =	swait.ge [sflag:s2], $0x6400  }
0x833: {  	[sflag:s2] =	ssyncset.done $0x0  }
0x834: {  	[sflag:s2] =	ssyncadd.s32 $0xFFFF9C00  }
0x835: {  	_ =	swait.ge [sflag:s2], $0x6400  }
0x836: {  	[sflag:s2] =	ssyncset.done $0x0  }
0x837: {  	[sflag:s2] =	ssyncadd.s32 $0xFFFF9C00  }
0x838: {  	_ =	swait.ge [sflag:s2], $0x6400  }
0x839: {  	[sflag:s2] =	ssyncset.done $0x0  }
0x83a: {  	[sflag:s2] =	ssyncadd.s32 $0xFFFF9C00  }
0x83b: {  	_ =	swait.ge [sflag:s2], $0x6400  }
0x83c: {  	[sflag:s2] =	ssyncset.done $0x0  }
0x83d: {  	[sflag:s2] =	ssyncadd.s32 $0xFFFF9C00  }
0x83e: {  	_ =	swait.ge [sflag:s2], $0x6400  }
0x83f: {  	[sflag:s2] =	ssyncset.done $0x0  }
0x840: {  	[sflag:s2] =	ssyncadd.s32 $0xFFFF9C00  }
0x841: {  	_ =	swait.ge [sflag:s2], $0x6400  }
0x842: {  	[sflag:s2] =	ssyncset.done $0x0  }
0x843: {  	[sflag:s2] =	ssyncadd.s32 $0xFFFF9C00  }
0x844: {  	_ =	swait.ge [sflag:s2], $0x6400  }
0x845: {  	[sflag:s2] =	ssyncset.done $0x0  }
0x846: {  	[sflag:s2] =	ssyncadd.s32 $0xFFFF9C00  }
0x847: {  	_ =	swait.ge [sflag:s2], $0x6400  }
0x848: {  	[sflag:s2] =	ssyncset.done $0x0  }
0x849: {  	[sflag:s2] =	ssyncadd.s32 $0xFFFF9C00  }
0x84a: {  	_ =	swait.ge [sflag:s2], $0x6400  }
0x84b: {  	[sflag:s2] =	ssyncset.done $0x0  }
0x84c: {  	[sflag:s2] =	ssyncadd.s32 $0xFFFF9C00  }
0x84d: {  	_ =	swait.ge [sflag:s2], $0x6400  }
0x84e: {  	[sflag:s2] =	ssyncset.done $0x0  }
0x84f: {  	[sflag:s2] =	ssyncadd.s32 $0xFFFF9C00  }
0x850: {  	_ =	swait.ge [sflag:s2], $0x6400  }
0x851: {  	[sflag:s2] =	ssyncset.done $0x0  }
0x852: {  	[sflag:s2] =	ssyncadd.s32 $0xFFFF9C00  }
0x853: {  	_ =	swait.ge [sflag:s2], $0x6400  }
0x854: {  	[sflag:s2] =	ssyncset.done $0x0  }
0x855: {  	s0 =	simm.s32 @!p0 $0x1;
	[sflag:s2] =	ssyncadd.s32 $0xFFFF9C00  }
0x856: {  	_ =	swait.ge @!p0 [sflag:s0], $0x6400  }
0x857: {  	[sflag:s0] =	ssyncset.done @!p0 $0x0  }
0x858: {  	[sflag:s0] =	ssyncadd.s32 @!p0 $0xFFFF9C00  }
0x859: {  	_ =	swait.ge @!p0 [sflag:s0], $0x6400  }
0x85a: {  	[sflag:s0] =	ssyncset.done @!p0 $0x0  }
0x85b: {  	[sflag:s0] =	ssyncadd.s32 @!p0 $0xFFFF9C00  }
0x85c: {  	_ =	swait.ge @!p0 [sflag:s0], $0x6400  }
0x85d: {  	[sflag:s0] =	ssyncset.done @!p0 $0x0  }
0x85e: {  	[sflag:s0] =	ssyncadd.s32 @!p0 $0xFFFF9C00  }
0x85f: {  	_ =	swait.ge @!p0 [sflag:s0], $0x6400  }
0x860: {  	[sflag:s0] =	ssyncset.done @!p0 $0x0  }
0x861: {  	[sflag:s0] =	ssyncadd.s32 @!p0 $0xFFFF9C00  }
0x862: {  	_ =	swait.ge @!p0 [sflag:s0], $0x6400  }
0x863: {  	[sflag:s0] =	ssyncset.done @!p0 $0x0  }
0x864: {  	[sflag:s0] =	ssyncadd.s32 @!p0 $0xFFFF9C00  }
0x865: {  	_ =	swait.ge @!p0 [sflag:s0], $0x6400  }
0x866: {  	[sflag:s0] =	ssyncset.done @!p0 $0x0  }
0x867: {  	[sflag:s0] =	ssyncadd.s32 @!p0 $0xFFFF9C00  }
0x868: {  	_ =	swait.ge @!p0 [sflag:s0], $0x6400  }
0x869: {  	[sflag:s0] =	ssyncset.done @!p0 $0x0  }
0x86a: {  	[sflag:s0] =	ssyncadd.s32 @!p0 $0xFFFF9C00  }
0x86b: {  	_ =	swait.ge @!p0 [sflag:s0], $0x6400  }
0x86c: {  	[sflag:s0] =	ssyncset.done @!p0 $0x0  }
0x86d: {  	[sflag:s0] =	ssyncadd.s32 @!p0 $0xFFFF9C00  }
0x86e: {  	_ =	swait.ge @!p0 [sflag:s0], $0x6400  }
0x86f: {  	[sflag:s0] =	ssyncset.done @!p0 $0x0  }
0x870: {  	[sflag:s0] =	ssyncadd.s32 @!p0 $0xFFFF9C00  }
0x871: {  	_ =	swait.ge @!p0 [sflag:s0], $0x6400  }
0x872: {  	[sflag:s0] =	ssyncset.done @!p0 $0x0  }
0x873: {  	[sflag:s0] =	ssyncadd.s32 @!p0 $0xFFFF9C00  }
0x874: {  	_ =	swait.ge @!p0 [sflag:s0], $0x6400  }
0x875: {  	[sflag:s0] =	ssyncset.done @!p0 $0x0  }
0x876: {  	[sflag:s0] =	ssyncadd.s32 @!p0 $0xFFFF9C00  }
0x877: {  	_ =	swait.ge @!p0 [sflag:s0], $0x6400  }
0x878: {  	[sflag:s0] =	ssyncset.done @!p0 $0x0  }
0x879: {  	[sflag:s0] =	ssyncadd.s32 @!p0 $0xFFFF9C00  }
0x87a: {  	_ =	swait.ge @!p0 [sflag:s0], $0x6400  }
0x87b: {  	[sflag:s0] =	ssyncset.done @!p0 $0x0  }
0x87c: {  	[sflag:s0] =	ssyncadd.s32 @!p0 $0xFFFF9C00  }
0x87d: {  	_ =	swait.ge @!p0 [sflag:s0], $0x6400  }
0x87e: {  	[sflag:s0] =	ssyncset.done @!p0 $0x0  }
0x87f: {  	[sflag:s0] =	ssyncadd.s32 @!p0 $0xFFFF9C00  }
0x880: {  	_ =	sfence.sel $0x180000  }
0x881: {  	[bflag:$0x0] =	sbarrier.arrive $0xFFFF  }
0x882: {  	_ =	strace $0x90000047  }
0x883: {  	[bflag:$0x2] =	sbarrier.arrive $0xFFFF  }
0x884: {  	p0 =	sne.s32 s30, $0x0;
	s0 =	rddreg [dreg:$0x2]  }
0x885: {  	s0 =	sadd.s32 @!p0 $0x100000, s0  }
0x886: {  	[sflag:s0] =	ssyncadd.tile.s32 @!p0 $0x1;
	_ =	shalt  }
.LBB2_1:
.Ltmp3:
0x887: {  	(pc) =	sbr.rel .LBB2_6-.Ltmp3, $2  }
0x888: {  	_ =	sdelay $0x2  }
0x889: {  	_ = 	snop  }
.LBB2_3:
.Ltmp4:
0x88a: {  	(pc) =	sbr.rel .LBB2_6-.Ltmp4, $2  }
0x88b: {  	_ =	sdelay $0x2  }
0x88c: {  	s30 =	stileid.u32  }
.Lfunc_end2:
_tile_overlayer_lowered:
.L_overlay_start_2:
0x88d: {  	(tag) =	ssettag $0x2  }
0x88e: {  	s0 =	rddreg [dreg:$0x0];
	s2 =	stileid.u32  }
0x88f: {  	s1 =	rddreg [dreg:$0x1];
	p0 =	sne.s32 s2, $0x0  }
0x890: {  	s3 =	rddreg [dreg:$0x2];
	[bflag:$0x3] =	sbarrier.arrive $0xFFFF;
	s2 =	simm.s32 @!p0 $0x1C02  }
0x891: {  	[timem:s3], [sflag:s2] =	dma.local @!p0 [hbm:s0], s1  }
0x892: {  	s0 =	simm.s32 @!p0 $0x2  }
0x893: {  	_ =	swait.ge @!p0 [sflag:s0], s1  }
0x894: {  	s1 =	ssub.s32 @!p0 $0x0, s1;
	[sflag:s0] =	ssyncset.done @!p0 $0x0  }
0x895: {  	[sflag:s0] =	ssyncadd.s32 @!p0 s1  }
0x896: {  	[bflag:$0x3] =	sbarrier.arrive $0xFFFF  }
0x897: {  	_ =	shalt  }

</sc_bundles>
